<compile_context>
chip_gen: v7x
topology: tpu7x:2x2x1
jax: 0.10.2.dev20260603
libtpu: 0.0.44.dev20260713+nightly
codegen_flags: <defaults>
</compile_context>

<pallas_src>
import functools

import jax
import jax.numpy as jnp
from jax import lax
from jax.experimental import pallas as pl
from jax.experimental.pallas import tpu as pltpu
from jax.experimental.pallas import tpu_sc as plsc

_NC = 2
_NS = 16
_NW = _NC * _NS
_CROWS = 8
_NBUF = 4


def _sc_body(row0, rows, cols, fp_hbm, x_hbm, out_hbm, fpv, buf, *sems):
    wid = lax.axis_index("c") * _NS + lax.axis_index("s")
    per_w = rows // _NW
    steps = per_w // _CROWS
    base = wid * per_w

    pltpu.sync_copy(fp_hbm, fpv)
    a0 = fpv[0, :]
    a1 = fpv[1, :]
    a2 = fpv[2, :]
    a3 = fpv[3, :]
    b0, b1 = jnp.minimum(a0, a1), jnp.maximum(a0, a1)
    b2, b3 = jnp.minimum(a2, a3), jnp.maximum(a2, a3)
    c0, c2 = jnp.minimum(b0, b2), jnp.maximum(b0, b2)
    c1, c3 = jnp.minimum(b1, b3), jnp.maximum(b1, b3)
    v0, v3 = c0, c3
    v1, v2 = jnp.minimum(c1, c2), jnp.maximum(c1, c2)
    m1 = (v0 + v1) * 0.5
    m2 = (v1 + v2) * 0.5
    m3 = (v2 + v3) * 0.5

    sems_in = sems[:_NBUF]
    sems_out = sems[_NBUF:]

    def in_copy(g, slot):
        return pltpu.make_async_copy(
            x_hbm.at[pl.ds(row0 + base + g * _CROWS, _CROWS)],
            buf.at[slot], sems_in[slot])

    def out_copy(g, slot):
        return pltpu.make_async_copy(
            buf.at[slot], out_hbm.at[pl.ds(base + g * _CROWS, _CROWS)],
            sems_out[slot])

    for s in range(_NBUF):
        in_copy(s, s).start()

    def step(g, slot):
        @pl.when(g >= 2)
        def _():
            out_copy(g - 2, (slot + 2) % _NBUF).wait()

            @pl.when(g + 2 < steps)
            def _():
                in_copy(g + 2, (slot + 2) % _NBUF).start()

        in_copy(g, slot).wait()
        dat = buf.at[slot]

        for r in range(_CROWS):
            @plsc.parallel_loop(0, cols, step=16, unroll=8)
            def body(i):
                xv = dat[r, pl.ds(i, 16)]
                q = jnp.where(xv > m2,
                              jnp.where(xv > m3, v3, v2),
                              jnp.where(xv > m1, v1, v0))
                dat[r, pl.ds(i, 16)] = q

        out_copy(g, slot).start()

    def rnd(p, _):
        g = p * _NBUF
        for s in range(_NBUF):
            step(g + s, s)
        return 0

    lax.fori_loop(0, steps // _NBUF, rnd, 0)
    out_copy(steps - 2, (steps - 2) % _NBUF).wait()
    out_copy(steps - 1, (steps - 1) % _NBUF).wait()


def _sc_quant(fp_bcast, x2, row0, rows):
    cols = x2.shape[1]
    mesh = plsc.VectorSubcoreMesh(core_axis_name="c", subcore_axis_name="s")
    return pl.kernel(
        functools.partial(_sc_body, row0, rows, cols),
        out_type=jax.ShapeDtypeStruct((rows, cols), jnp.float32),
        mesh=mesh,
        scratch_types=(
            [pltpu.VMEM((4, 16), jnp.float32),
             pltpu.VMEM((_NBUF, _CROWS, 2048), jnp.float32)]
            + [pltpu.SemaphoreType.DMA] * (2 * _NBUF)
        ),
    )(fp_bcast, x2)


def kernel(x, fp_values):
    fp_bcast = jnp.asarray(
        jnp.broadcast_to(fp_values.reshape(4, 1), (4, 16)), jnp.float32)
    x2 = x.reshape(-1, x.shape[-1])
    rows = x2.shape[0]
    out = _sc_quant(fp_bcast, x2, 0, rows)
    return out.reshape(x.shape)

# --- scband reference (transcript-rebuilt; emitter-appended) ---
"""Pipeline reference for scband-learnable-fpactivation-19267223289883 (READ-ONLY COPY).

The authoritative reference and input builder live on the scoring server;
editing this copy changes nothing except your own understanding.
"""

import jax, jax.numpy as jnp
import numpy as np


def setup_inputs(seed: int = 0) -> dict:
    key = jax.random.key(seed)
    x = jax.random.normal(key, (4, 4096, 2048), dtype=jnp.float32) * 2.0
    # precision_bits=2 -> init_vals [-1.0, 0.0, 1.0, 4.0], sorted unique
    fp_values = jnp.array(sorted(set([-1.0, 0.0, 1.0, 4.0])), dtype=jnp.float32)
    return {"x": x, "fp_values": fp_values}


def reference(x, fp_values):
    # forward: sort learnable values, then nearest-neighbor quantize via searchsorted
    sorted_vals = jnp.sort(fp_values)
    n = sorted_vals.shape[0]
    idx = jnp.searchsorted(sorted_vals, x, side='left')
    idx = jnp.clip(idx, 1, n - 1)
    high = sorted_vals[idx]
    low = sorted_vals[idx - 1]
    dist_high = jnp.abs(x - high)
    dist_low = jnp.abs(x - low)
    return jnp.where(dist_low <= dist_high, low, high)

if __name__ == "__main__":
    import jax
    _d = setup_inputs()
    print(jax.jit(kernel)(*tuple(_d.values())))

</pallas_src>

<mosaic_0001>
#map = affine_map<(d0, d1) -> (0, 0)>
module attributes {stable_mosaic.version = 14 : i64} {
  func.func @_sc_body(%arg0: i32, %arg1: i32, %arg2: memref<4x16xf32, #tpu.memory_space<hbm>>, %arg3: memref<16384x2048xf32, #tpu.memory_space<hbm>>, %arg4: memref<16384x2048xf32, #tpu.memory_space<hbm>>, %arg5: memref<4x16xf32, #tpu.memory_space<vmem>>, %arg6: memref<4x8x2048xf32, #tpu.memory_space<vmem>>, %arg7: memref<!tpu.dma_semaphore, #tpu.memory_space<semaphore_mem>>, %arg8: memref<!tpu.dma_semaphore, #tpu.memory_space<semaphore_mem>>, %arg9: memref<!tpu.dma_semaphore, #tpu.memory_space<semaphore_mem>>, %arg10: memref<!tpu.dma_semaphore, #tpu.memory_space<semaphore_mem>>, %arg11: memref<!tpu.dma_semaphore, #tpu.memory_space<semaphore_mem>>, %arg12: memref<!tpu.dma_semaphore, #tpu.memory_space<semaphore_mem>>, %arg13: memref<!tpu.dma_semaphore, #tpu.memory_space<semaphore_mem>>, %arg14: memref<!tpu.dma_semaphore, #tpu.memory_space<semaphore_mem>>) attributes {dimension_semantics = [#tpu.dimension_semantics<core_parallel>, #tpu.dimension_semantics<subcore_parallel>], iteration_bounds = array<i64: 2, 16>, scalar_prefetch = 0 : i64, scratch_operands = 10 : i64, tpu.core_type = #tpu.core_type<sc_vector_subcore>, window_params = [{transform_indices = #map}, {transform_indices = #map}, {transform_indices = #map}]} {
    %mul3A = arith.constant 16 : i32
    %mul3A_0 = arith.muli %arg0, %mul3A : i32
    %add3A = arith.addi %mul3A_0, %arg1 : i32
    %mul3A_1 = arith.constant 512 : i32
    %mul3A_2 = arith.muli %add3A, %mul3A_1 : i32
    "tpu.region"() ({
      %run_scoped3A = tpu.sem_alloc : memref<!tpu.dma_semaphore, #tpu.memory_space<semaphore_mem>>
      tpu.enqueue_dma source(%arg2 : memref<4x16xf32, #tpu.memory_space<hbm>>) target(%arg5 : memref<4x16xf32, #tpu.memory_space<vmem>>) target_semaphore(%run_scoped3A : memref<!tpu.dma_semaphore, #tpu.memory_space<semaphore_mem>>)
      tpu.wait_dma2 semaphore(%run_scoped3A : memref<!tpu.dma_semaphore, #tpu.memory_space<semaphore_mem>>) src(%arg2 : memref<4x16xf32, #tpu.memory_space<hbm>>) dst(%arg5 : memref<4x16xf32, #tpu.memory_space<vmem>>)
      tpu.yield
    }) : () -> ()
    %get3A = arith.constant 0 : i32
    %get3A_3 = arith.index_cast %get3A : i32 to index
    %get3A_4 = arith.constant 0 : index
    %get3A_5 = tpu.vector_load %arg5[%get3A_3, %get3A_4] {strides = array<i32>} : memref<4x16xf32, #tpu.memory_space<vmem>>, vector<1x16xf32>,
    %get3A_6 = vector.shape_cast %get3A_5 : vector<1x16xf32> to vector<16xf32>
    %get3A_7 = arith.constant 1 : i32
    %get3A_8 = arith.index_cast %get3A_7 : i32 to index
    %get3A_9 = arith.constant 0 : index
    %get3A_10 = tpu.vector_load %arg5[%get3A_8, %get3A_9] {strides = array<i32>} : memref<4x16xf32, #tpu.memory_space<vmem>>, vector<1x16xf32>,
    %get3A_11 = vector.shape_cast %get3A_10 : vector<1x16xf32> to vector<16xf32>
    %get3A_12 = arith.constant 2 : i32
    %get3A_13 = arith.index_cast %get3A_12 : i32 to index
    %get3A_14 = arith.constant 0 : index
    %get3A_15 = tpu.vector_load %arg5[%get3A_13, %get3A_14] {strides = array<i32>} : memref<4x16xf32, #tpu.memory_space<vmem>>, vector<1x16xf32>,
    %get3A_16 = vector.shape_cast %get3A_15 : vector<1x16xf32> to vector<16xf32>
    %get3A_17 = arith.constant 3 : i32
    %get3A_18 = arith.index_cast %get3A_17 : i32 to index
    %get3A_19 = arith.constant 0 : index
    %get3A_20 = tpu.vector_load %arg5[%get3A_18, %get3A_19] {strides = array<i32>} : memref<4x16xf32, #tpu.memory_space<vmem>>, vector<1x16xf32>,
    %get3A_21 = vector.shape_cast %get3A_20 : vector<1x16xf32> to vector<16xf32>
    %min3A = arith.minimumf %get3A_6, %get3A_11 : vector<16xf32>
    %max3A = arith.maximumf %get3A_6, %get3A_11 : vector<16xf32>
    %min3A_22 = arith.minimumf %get3A_16, %get3A_21 : vector<16xf32>
    %max3A_23 = arith.maximumf %get3A_16, %get3A_21 : vector<16xf32>
    %min3A_24 = arith.minimumf %min3A, %min3A_22 : vector<16xf32>
    %max3A_25 = arith.maximumf %min3A, %min3A_22 : vector<16xf32>
    %min3A_26 = arith.minimumf %max3A, %max3A_23 : vector<16xf32>
    %max3A_27 = arith.maximumf %max3A, %max3A_23 : vector<16xf32>
    %min3A_28 = arith.minimumf %min3A_26, %max3A_25 : vector<16xf32>
    %max3A_29 = arith.maximumf %min3A_26, %max3A_25 : vector<16xf32>
    %add3A_30 = arith.addf %min3A_24, %min3A_28 : vector<16xf32>
    %mul3A_31 = arith.constant 5.000000e-01 : f32
    %mul3A_32 = vector.broadcast %mul3A_31 : f32 to vector<16xf32>
    %mul3A_33 = arith.mulf %add3A_30, %mul3A_32 : vector<16xf32>
    %add3A_34 = arith.addf %min3A_28, %max3A_29 : vector<16xf32>
    %mul3A_35 = arith.constant 5.000000e-01 : f32
    %mul3A_36 = vector.broadcast %mul3A_35 : f32 to vector<16xf32>
    %mul3A_37 = arith.mulf %add3A_34, %mul3A_36 : vector<16xf32>
    %add3A_38 = arith.addf %max3A_29, %max3A_27 : vector<16xf32>
    %mul3A_39 = arith.constant 5.000000e-01 : f32
    %mul3A_40 = vector.broadcast %mul3A_39 : f32 to vector<16xf32>
    %mul3A_41 = arith.mulf %add3A_38, %mul3A_40 : vector<16xf32>
    %add3A_42 = arith.constant 0 : i32
    %add3A_43 = arith.addi %add3A_42, %mul3A_2 : i32
    %add3A_44 = arith.constant 0 : i32
    %add3A_45 = arith.addi %add3A_43, %add3A_44 : i32
    %dma_start3A = arith.constant 0 : i32
    %dma_start3A_46 = arith.constant 0 : i32
    %dma_start3A_47 = arith.constant 0 : i32
    %dma_start3A_48 = tpu.memref_slice %arg6[%dma_start3A, %dma_start3A_46, %dma_start3A_47] : memref<4x8x2048xf32, #tpu.memory_space<vmem>> -> memref<1x8x2048xf32, #tpu.memory_space<vmem>>
    %dma_start3A_49 = tpu.memref_squeeze %dma_start3A_48 : memref<1x8x2048xf32, #tpu.memory_space<vmem>> -> memref<8x2048xf32, #tpu.memory_space<vmem>>
    %dma_start3A_50 = arith.constant 0 : i32
    %dma_start3A_51 = tpu.memref_slice %arg3[%add3A_45, %dma_start3A_50] : memref<16384x2048xf32, #tpu.memory_space<hbm>> -> memref<8x2048xf32, #tpu.memory_space<hbm>>
    %dma_start3A_52 = arith.constant 0 : i32
    %dma_start3A_53 = arith.constant 0 : i32
    %dma_start3A_54 = tpu.memref_slice %arg6[%dma_start3A, %dma_start3A_52, %dma_start3A_53] : memref<4x8x2048xf32, #tpu.memory_space<vmem>> -> memref<1x8x2048xf32, #tpu.memory_space<vmem>>
    %dma_start3A_55 = tpu.memref_squeeze %dma_start3A_54 : memref<1x8x2048xf32, #tpu.memory_space<vmem>> -> memref<8x2048xf32, #tpu.memory_space<vmem>>
    %dma_start3A_56 = arith.constant 0 : i32
    %dma_start3A_57 = tpu.memref_slice %arg3[%add3A_45, %dma_start3A_56] : memref<16384x2048xf32, #tpu.memory_space<hbm>> -> memref<8x2048xf32, #tpu.memory_space<hbm>>
    tpu.enqueue_dma source(%dma_start3A_57 : memref<8x2048xf32, #tpu.memory_space<hbm>>) target(%dma_start3A_55 : memref<8x2048xf32, #tpu.memory_space<vmem>>) target_semaphore(%arg7 : memref<!tpu.dma_semaphore, #tpu.memory_space<semaphore_mem>>)
    %add3A_58 = arith.constant 0 : i32
    %add3A_59 = arith.addi %add3A_58, %mul3A_2 : i32
    %add3A_60 = arith.constant 8 : i32
    %add3A_61 = arith.addi %add3A_59, %add3A_60 : i32
    %dma_start3A_62 = arith.constant 1 : i32
    %dma_start3A_63 = arith.constant 0 : i32
    %dma_start3A_64 = arith.constant 0 : i32
    %dma_start3A_65 = tpu.memref_slice %arg6[%dma_start3A_62, %dma_start3A_63, %dma_start3A_64] : memref<4x8x2048xf32, #tpu.memory_space<vmem>> -> memref<1x8x2048xf32, #tpu.memory_space<vmem>>
    %dma_start3A_66 = tpu.memref_squeeze %dma_start3A_65 : memref<1x8x2048xf32, #tpu.memory_space<vmem>> -> memref<8x2048xf32, #tpu.memory_space<vmem>>
    %dma_start3A_67 = arith.constant 0 : i32
    %dma_start3A_68 = tpu.memref_slice %arg3[%add3A_61, %dma_start3A_67] : memref<16384x2048xf32, #tpu.memory_space<hbm>> -> memref<8x2048xf32, #tpu.memory_space<hbm>>
    %dma_start3A_69 = arith.constant 0 : i32
    %dma_start3A_70 = arith.constant 0 : i32
    %dma_start3A_71 = tpu.memref_slice %arg6[%dma_start3A_62, %dma_start3A_69, %dma_start3A_70] : memref<4x8x2048xf32, #tpu.memory_space<vmem>> -> memref<1x8x2048xf32, #tpu.memory_space<vmem>>
    %dma_start3A_72 = tpu.memref_squeeze %dma_start3A_71 : memref<1x8x2048xf32, #tpu.memory_space<vmem>> -> memref<8x2048xf32, #tpu.memory_space<vmem>>
    %dma_start3A_73 = arith.constant 0 : i32
    %dma_start3A_74 = tpu.memref_slice %arg3[%add3A_61, %dma_start3A_73] : memref<16384x2048xf32, #tpu.memory_space<hbm>> -> memref<8x2048xf32, #tpu.memory_space<hbm>>
    tpu.enqueue_dma source(%dma_start3A_74 : memref<8x2048xf32, #tpu.memory_space<hbm>>) target(%dma_start3A_72 : memref<8x2048xf32, #tpu.memory_space<vmem>>) target_semaphore(%arg8 : memref<!tpu.dma_semaphore, #tpu.memory_space<semaphore_mem>>)
    %add3A_75 = arith.constant 0 : i32
    %add3A_76 = arith.addi %add3A_75, %mul3A_2 : i32
    %add3A_77 = arith.constant 16 : i32
    %add3A_78 = arith.addi %add3A_76, %add3A_77 : i32
    %dma_start3A_79 = arith.constant 2 : i32
    %dma_start3A_80 = arith.constant 0 : i32
    %dma_start3A_81 = arith.constant 0 : i32
    %dma_start3A_82 = tpu.memref_slice %arg6[%dma_start3A_79, %dma_start3A_80, %dma_start3A_81] : memref<4x8x2048xf32, #tpu.memory_space<vmem>> -> memref<1x8x2048xf32, #tpu.memory_space<vmem>>
    %dma_start3A_83 = tpu.memref_squeeze %dma_start3A_82 : memref<1x8x2048xf32, #tpu.memory_space<vmem>> -> memref<8x2048xf32, #tpu.memory_space<vmem>>
    %dma_start3A_84 = arith.constant 0 : i32
    %dma_start3A_85 = tpu.memref_slice %arg3[%add3A_78, %dma_start3A_84] : memref<16384x2048xf32, #tpu.memory_space<hbm>> -> memref<8x2048xf32, #tpu.memory_space<hbm>>
    %dma_start3A_86 = arith.constant 0 : i32
    %dma_start3A_87 = arith.constant 0 : i32
    %dma_start3A_88 = tpu.memref_slice %arg6[%dma_start3A_79, %dma_start3A_86, %dma_start3A_87] : memref<4x8x2048xf32, #tpu.memory_space<vmem>> -> memref<1x8x2048xf32, #tpu.memory_space<vmem>>
    %dma_start3A_89 = tpu.memref_squeeze %dma_start3A_88 : memref<1x8x2048xf32, #tpu.memory_space<vmem>> -> memref<8x2048xf32, #tpu.memory_space<vmem>>
    %dma_start3A_90 = arith.constant 0 : i32
    %dma_start3A_91 = tpu.memref_slice %arg3[%add3A_78, %dma_start3A_90] : memref<16384x2048xf32, #tpu.memory_space<hbm>> -> memref<8x2048xf32, #tpu.memory_space<hbm>>
    tpu.enqueue_dma source(%dma_start3A_91 : memref<8x2048xf32, #tpu.memory_space<hbm>>) target(%dma_start3A_89 : memref<8x2048xf32, #tpu.memory_space<vmem>>) target_semaphore(%arg9 : memref<!tpu.dma_semaphore, #tpu.memory_space<semaphore_mem>>)
    %add3A_92 = arith.constant 0 : i32
    %add3A_93 = arith.addi %add3A_92, %mul3A_2 : i32
    %add3A_94 = arith.constant 24 : i32
    %add3A_95 = arith.addi %add3A_93, %add3A_94 : i32
    %dma_start3A_96 = arith.constant 3 : i32
    %dma_start3A_97 = arith.constant 0 : i32
    %dma_start3A_98 = arith.constant 0 : i32
    %dma_start3A_99 = tpu.memref_slice %arg6[%dma_start3A_96, %dma_start3A_97, %dma_start3A_98] : memref<4x8x2048xf32, #tpu.memory_space<vmem>> -> memref<1x8x2048xf32, #tpu.memory_space<vmem>>
    %dma_start3A_100 = tpu.memref_squeeze %dma_start3A_99 : memref<1x8x2048xf32, #tpu.memory_space<vmem>> -> memref<8x2048xf32, #tpu.memory_space<vmem>>
    %dma_start3A_101 = arith.constant 0 : i32
    %dma_start3A_102 = tpu.memref_slice %arg3[%add3A_95, %dma_start3A_101] : memref<16384x2048xf32, #tpu.memory_space<hbm>> -> memref<8x2048xf32, #tpu.memory_space<hbm>>
    %dma_start3A_103 = arith.constant 0 : i32
    %dma_start3A_104 = arith.constant 0 : i32
    %dma_start3A_105 = tpu.memref_slice %arg6[%dma_start3A_96, %dma_start3A_103, %dma_start3A_104] : memref<4x8x2048xf32, #tpu.memory_space<vmem>> -> memref<1x8x2048xf32, #tpu.memory_space<vmem>>
    %dma_start3A_106 = tpu.memref_squeeze %dma_start3A_105 : memref<1x8x2048xf32, #tpu.memory_space<vmem>> -> memref<8x2048xf32, #tpu.memory_space<vmem>>
    %dma_start3A_107 = arith.constant 0 : i32
    %dma_start3A_108 = tpu.memref_slice %arg3[%add3A_95, %dma_start3A_107] : memref<16384x2048xf32, #tpu.memory_space<hbm>> -> memref<8x2048xf32, #tpu.memory_space<hbm>>
    tpu.enqueue_dma source(%dma_start3A_108 : memref<8x2048xf32, #tpu.memory_space<hbm>>) target(%dma_start3A_106 : memref<8x2048xf32, #tpu.memory_space<vmem>>) target_semaphore(%arg10 : memref<!tpu.dma_semaphore, #tpu.memory_space<semaphore_mem>>)
    %scan3A = arith.constant 0 : i32
    %scan3A_109 = arith.constant 0 : i32
    %scan3A_110 = arith.constant 16 : i32
    %scan3A_111 = arith.addi %scan3A_109, %scan3A_110 : i32
    %scan3A_112 = arith.constant 1 : i32
    %scan3A_113 = scf.for %scan3A_144 = %scan3A_109 to %scan3A_111 step %scan3A_112 iter_args(%scan3A_145 = %scan3A) -> (i32)  : i32 {
      %mul3A_146 = arith.constant 4 : i32
      %mul3A_147 = arith.muli %scan3A_144, %mul3A_146 : i32
      %add3A_148 = arith.constant 0 : i32
      %add3A_149 = arith.addi %mul3A_147, %add3A_148 : i32
      %ge3A = arith.constant 2 : i32
      %ge3A_150 = arith.cmpi sge, %add3A_149, %ge3A : i32
      %convert_element_type3A = arith.extui %ge3A_150 : i1 to i32
      %cond3A = arith.constant 0 : i32
      %cond3A_151 = arith.cmpi ne, %convert_element_type3A, %cond3A : i32
      scf.if %cond3A_151 {
        %sub3A = arith.constant 2 : i32
        %sub3A_437 = arith.subi %add3A_149, %sub3A : i32
        %mul3A_438 = arith.constant 8 : i32
        %mul3A_439 = arith.muli %sub3A_437, %mul3A_438 : i32
        %add3A_440 = arith.addi %mul3A_2, %mul3A_439 : i32
        %dma_wait3A_441 = arith.constant 2 : i32
        %dma_wait3A_442 = arith.constant 0 : i32
        %dma_wait3A_443 = arith.constant 0 : i32
        %dma_wait3A_444 = tpu.memref_slice %arg6[%dma_wait3A_441, %dma_wait3A_442, %dma_wait3A_443] : memref<4x8x2048xf32, #tpu.memory_space<vmem>> -> memref<1x8x2048xf32, #tpu.memory_space<vmem>>
        %dma_wait3A_445 = tpu.memref_squeeze %dma_wait3A_444 : memref<1x8x2048xf32, #tpu.memory_space<vmem>> -> memref<8x2048xf32, #tpu.memory_space<vmem>>
        %dma_wait3A_446 = arith.constant 0 : i32
        %dma_wait3A_447 = tpu.memref_slice %arg4[%add3A_440, %dma_wait3A_446] : memref<16384x2048xf32, #tpu.memory_space<hbm>> -> memref<8x2048xf32, #tpu.memory_space<hbm>>
        %dma_wait3A_448 = arith.constant 0 : i32
        %dma_wait3A_449 = tpu.memref_slice %arg4[%add3A_440, %dma_wait3A_448] : memref<16384x2048xf32, #tpu.memory_space<hbm>> -> memref<8x2048xf32, #tpu.memory_space<hbm>>
        %dma_wait3A_450 = arith.constant 0 : i32
        %dma_wait3A_451 = arith.constant 0 : i32
        %dma_wait3A_452 = tpu.memref_slice %arg6[%dma_wait3A_441, %dma_wait3A_450, %dma_wait3A_451] : memref<4x8x2048xf32, #tpu.memory_space<vmem>> -> memref<1x8x2048xf32, #tpu.memory_space<vmem>>
        %dma_wait3A_453 = tpu.memref_squeeze %dma_wait3A_452 : memref<1x8x2048xf32, #tpu.memory_space<vmem>> -> memref<8x2048xf32, #tpu.memory_space<vmem>>
        tpu.wait_dma2 semaphore(%arg13 : memref<!tpu.dma_semaphore, #tpu.memory_space<semaphore_mem>>) src(%dma_wait3A_453 : memref<8x2048xf32, #tpu.memory_space<vmem>>) dst(%dma_wait3A_449 : memref<8x2048xf32, #tpu.memory_space<hbm>>)
        %add3A_454 = arith.constant 2 : i32
        %add3A_455 = arith.addi %add3A_149, %add3A_454 : i32
        %lt3A = arith.constant 64 : i32
        %lt3A_456 = arith.cmpi slt, %add3A_455, %lt3A : i32
        %convert_element_type3A_457 = arith.extui %lt3A_456 : i1 to i32
        %cond3A_458 = arith.constant 0 : i32
        %cond3A_459 = arith.cmpi ne, %convert_element_type3A_457, %cond3A_458 : i32
        scf.if %cond3A_459 {
          %add3A_460 = arith.constant 2 : i32
          %add3A_461 = arith.addi %add3A_149, %add3A_460 : i32
          %add3A_462 = arith.constant 0 : i32
          %add3A_463 = arith.addi %add3A_462, %mul3A_2 : i32
          %mul3A_464 = arith.constant 8 : i32
          %mul3A_465 = arith.muli %add3A_461, %mul3A_464 : i32
          %add3A_466 = arith.addi %add3A_463, %mul3A_465 : i32
          %dma_start3A_467 = arith.constant 2 : i32
          %dma_start3A_468 = arith.constant 0 : i32
          %dma_start3A_469 = arith.constant 0 : i32
          %dma_start3A_470 = tpu.memref_slice %arg6[%dma_start3A_467, %dma_start3A_468, %dma_start3A_469] : memref<4x8x2048xf32, #tpu.memory_space<vmem>> -> memref<1x8x2048xf32, #tpu.memory_space<vmem>>
          %dma_start3A_471 = tpu.memref_squeeze %dma_start3A_470 : memref<1x8x2048xf32, #tpu.memory_space<vmem>> -> memref<8x2048xf32, #tpu.memory_space<vmem>>
          %dma_start3A_472 = arith.constant 0 : i32
          %dma_start3A_473 = tpu.memref_slice %arg3[%add3A_466, %dma_start3A_472] : memref<16384x2048xf32, #tpu.memory_space<hbm>> -> memref<8x2048xf32, #tpu.memory_space<hbm>>
          %dma_start3A_474 = arith.constant 0 : i32
          %dma_start3A_475 = arith.constant 0 : i32
          %dma_start3A_476 = tpu.memref_slice %arg6[%dma_start3A_467, %dma_start3A_474, %dma_start3A_475] : memref<4x8x2048xf32, #tpu.memory_space<vmem>> -> memref<1x8x2048xf32, #tpu.memory_space<vmem>>
          %dma_start3A_477 = tpu.memref_squeeze %dma_start3A_476 : memref<1x8x2048xf32, #tpu.memory_space<vmem>> -> memref<8x2048xf32, #tpu.memory_space<vmem>>
          %dma_start3A_478 = arith.constant 0 : i32
          %dma_start3A_479 = tpu.memref_slice %arg3[%add3A_466, %dma_start3A_478] : memref<16384x2048xf32, #tpu.memory_space<hbm>> -> memref<8x2048xf32, #tpu.memory_space<hbm>>
          tpu.enqueue_dma source(%dma_start3A_479 : memref<8x2048xf32, #tpu.memory_space<hbm>>) target(%dma_start3A_477 : memref<8x2048xf32, #tpu.memory_space<vmem>>) target_semaphore(%arg9 : memref<!tpu.dma_semaphore, #tpu.memory_space<semaphore_mem>>)
        } else {
        }
      } else {
      }
      %add3A_152 = arith.constant 0 : i32
      %add3A_153 = arith.addi %add3A_152, %mul3A_2 : i32
      %mul3A_154 = arith.constant 8 : i32
      %mul3A_155 = arith.muli %add3A_149, %mul3A_154 : i32
      %add3A_156 = arith.addi %add3A_153, %mul3A_155 : i32
      %dma_wait3A_157 = arith.constant 0 : i32
      %dma_wait3A_158 = arith.constant 0 : i32
      %dma_wait3A_159 = arith.constant 0 : i32
      %dma_wait3A_160 = tpu.memref_slice %arg6[%dma_wait3A_157, %dma_wait3A_158, %dma_wait3A_159] : memref<4x8x2048xf32, #tpu.memory_space<vmem>> -> memref<1x8x2048xf32, #tpu.memory_space<vmem>>
      %dma_wait3A_161 = tpu.memref_squeeze %dma_wait3A_160 : memref<1x8x2048xf32, #tpu.memory_space<vmem>> -> memref<8x2048xf32, #tpu.memory_space<vmem>>
      %dma_wait3A_162 = arith.constant 0 : i32
      %dma_wait3A_163 = tpu.memref_slice %arg3[%add3A_156, %dma_wait3A_162] : memref<16384x2048xf32, #tpu.memory_space<hbm>> -> memref<8x2048xf32, #tpu.memory_space<hbm>>
      %dma_wait3A_164 = arith.constant 0 : i32
      %dma_wait3A_165 = arith.constant 0 : i32
      %dma_wait3A_166 = tpu.memref_slice %arg6[%dma_wait3A_157, %dma_wait3A_164, %dma_wait3A_165] : memref<4x8x2048xf32, #tpu.memory_space<vmem>> -> memref<1x8x2048xf32, #tpu.memory_space<vmem>>
      %dma_wait3A_167 = tpu.memref_squeeze %dma_wait3A_166 : memref<1x8x2048xf32, #tpu.memory_space<vmem>> -> memref<8x2048xf32, #tpu.memory_space<vmem>>
      %dma_wait3A_168 = arith.constant 0 : i32
      %dma_wait3A_169 = tpu.memref_slice %arg3[%add3A_156, %dma_wait3A_168] : memref<16384x2048xf32, #tpu.memory_space<hbm>> -> memref<8x2048xf32, #tpu.memory_space<hbm>>
      tpu.wait_dma2 semaphore(%arg7 : memref<!tpu.dma_semaphore, #tpu.memory_space<semaphore_mem>>) src(%dma_wait3A_169 : memref<8x2048xf32, #tpu.memory_space<hbm>>) dst(%dma_wait3A_167 : memref<8x2048xf32, #tpu.memory_space<vmem>>)
      %parallel_loop3A = arith.constant 0 : i32
      %parallel_loop3A_170 = arith.constant 2048 : i32
      %parallel_loop3A_171 = arith.constant 16 : i32
      %parallel_loop3A_172 = arith.constant 0 : i32
      scf.for %parallel_loop3A_437 = %parallel_loop3A to %parallel_loop3A_170 step %parallel_loop3A_171  : i32 {
        %parallel_loop3A_438 = arith.constant 0 : i32
        %parallel_loop3A_439 = arith.constant 0 : i32
        %parallel_loop3A_440 = arith.constant 0 : i32
        %parallel_loop3A_441 = tpu.memref_slice %arg6[%parallel_loop3A_172, %parallel_loop3A_439, %parallel_loop3A_440] : memref<4x8x2048xf32, #tpu.memory_space<vmem>> -> memref<1x8x2048xf32, #tpu.memory_space<vmem>>
        %parallel_loop3A_442 = tpu.memref_squeeze %parallel_loop3A_441 : memref<1x8x2048xf32, #tpu.memory_space<vmem>> -> memref<8x2048xf32, #tpu.memory_space<vmem>>
        %parallel_loop3A_443 = arith.index_cast %parallel_loop3A_438 : i32 to index
        %parallel_loop3A_444 = arith.index_cast %parallel_loop3A_437 : i32 to index
        %parallel_loop3A_445 = tpu.vector_load %parallel_loop3A_442[%parallel_loop3A_443, %parallel_loop3A_444] {strides = array<i32>} : memref<8x2048xf32, #tpu.memory_space<vmem>>, vector<1x16xf32>,
        %parallel_loop3A_446 = vector.shape_cast %parallel_loop3A_445 : vector<1x16xf32> to vector<16xf32>
        %parallel_loop3A_447 = arith.cmpf ogt, %parallel_loop3A_446, %mul3A_37 : vector<16xf32>
        %parallel_loop3A_448 = arith.cmpf ogt, %parallel_loop3A_446, %mul3A_41 : vector<16xf32>
        %parallel_loop3A_449 = arith.select %parallel_loop3A_448, %max3A_27, %max3A_29 : vector<16xi1>, vector<16xf32>
        %parallel_loop3A_450 = arith.cmpf ogt, %parallel_loop3A_446, %mul3A_33 : vector<16xf32>
        %parallel_loop3A_451 = arith.select %parallel_loop3A_450, %min3A_28, %min3A_24 : vector<16xi1>, vector<16xf32>
        %parallel_loop3A_452 = arith.select %parallel_loop3A_447, %parallel_loop3A_449, %parallel_loop3A_451 : vector<16xi1>, vector<16xf32>
        %parallel_loop3A_453 = arith.constant 0 : i32
        %parallel_loop3A_454 = arith.constant 0 : i32
        %parallel_loop3A_455 = arith.constant 0 : i32
        %parallel_loop3A_456 = tpu.memref_slice %arg6[%parallel_loop3A_172, %parallel_loop3A_454, %parallel_loop3A_455] : memref<4x8x2048xf32, #tpu.memory_space<vmem>> -> memref<1x8x2048xf32, #tpu.memory_space<vmem>>
        %parallel_loop3A_457 = tpu.memref_squeeze %parallel_loop3A_456 : memref<1x8x2048xf32, #tpu.memory_space<vmem>> -> memref<8x2048xf32, #tpu.memory_space<vmem>>
        %parallel_loop3A_458 = arith.index_cast %parallel_loop3A_453 : i32 to index
        %parallel_loop3A_459 = arith.index_cast %parallel_loop3A_437 : i32 to index
        %parallel_loop3A_460 = tpu.vector_load %parallel_loop3A_457[%parallel_loop3A_458, %parallel_loop3A_459] {strides = array<i32>} : memref<8x2048xf32, #tpu.memory_space<vmem>>, vector<1x16xf32>,
        %parallel_loop3A_461 = vector.shape_cast %parallel_loop3A_460 : vector<1x16xf32> to vector<16xf32>
        %parallel_loop3A_462 = vector.shape_cast %parallel_loop3A_452 : vector<16xf32> to vector<1x16xf32>
        tpu.vector_store %parallel_loop3A_457[%parallel_loop3A_458, %parallel_loop3A_459], %parallel_loop3A_462 {strides = array<i32>} : memref<8x2048xf32, #tpu.memory_space<vmem>>, vector<1x16xf32>,
      } {sc.loop_unroll_factor = 8 : i64, sc.parallel_access}
      %parallel_loop3A_173 = arith.constant 0 : i32
      %parallel_loop3A_174 = arith.constant 2048 : i32
      %parallel_loop3A_175 = arith.constant 16 : i32
      %parallel_loop3A_176 = arith.constant 0 : i32
      scf.for %parallel_loop3A_437 = %parallel_loop3A_173 to %parallel_loop3A_174 step %parallel_loop3A_175  : i32 {
        %parallel_loop3A_438 = arith.constant 1 : i32
        %parallel_loop3A_439 = arith.constant 0 : i32
        %parallel_loop3A_440 = arith.constant 0 : i32
        %parallel_loop3A_441 = tpu.memref_slice %arg6[%parallel_loop3A_176, %parallel_loop3A_439, %parallel_loop3A_440] : memref<4x8x2048xf32, #tpu.memory_space<vmem>> -> memref<1x8x2048xf32, #tpu.memory_space<vmem>>
        %parallel_loop3A_442 = tpu.memref_squeeze %parallel_loop3A_441 : memref<1x8x2048xf32, #tpu.memory_space<vmem>> -> memref<8x2048xf32, #tpu.memory_space<vmem>>
        %parallel_loop3A_443 = arith.index_cast %parallel_loop3A_438 : i32 to index
        %parallel_loop3A_444 = arith.index_cast %parallel_loop3A_437 : i32 to index
        %parallel_loop3A_445 = tpu.vector_load %parallel_loop3A_442[%parallel_loop3A_443, %parallel_loop3A_444] {strides = array<i32>} : memref<8x2048xf32, #tpu.memory_space<vmem>>, vector<1x16xf32>,
        %parallel_loop3A_446 = vector.shape_cast %parallel_loop3A_445 : vector<1x16xf32> to vector<16xf32>
        %parallel_loop3A_447 = arith.cmpf ogt, %parallel_loop3A_446, %mul3A_37 : vector<16xf32>
        %parallel_loop3A_448 = arith.cmpf ogt, %parallel_loop3A_446, %mul3A_41 : vector<16xf32>
        %parallel_loop3A_449 = arith.select %parallel_loop3A_448, %max3A_27, %max3A_29 : vector<16xi1>, vector<16xf32>
        %parallel_loop3A_450 = arith.cmpf ogt, %parallel_loop3A_446, %mul3A_33 : vector<16xf32>
        %parallel_loop3A_451 = arith.select %parallel_loop3A_450, %min3A_28, %min3A_24 : vector<16xi1>, vector<16xf32>
        %parallel_loop3A_452 = arith.select %parallel_loop3A_447, %parallel_loop3A_449, %parallel_loop3A_451 : vector<16xi1>, vector<16xf32>
        %parallel_loop3A_453 = arith.constant 1 : i32
        %parallel_loop3A_454 = arith.constant 0 : i32
        %parallel_loop3A_455 = arith.constant 0 : i32
        %parallel_loop3A_456 = tpu.memref_slice %arg6[%parallel_loop3A_176, %parallel_loop3A_454, %parallel_loop3A_455] : memref<4x8x2048xf32, #tpu.memory_space<vmem>> -> memref<1x8x2048xf32, #tpu.memory_space<vmem>>
        %parallel_loop3A_457 = tpu.memref_squeeze %parallel_loop3A_456 : memref<1x8x2048xf32, #tpu.memory_space<vmem>> -> memref<8x2048xf32, #tpu.memory_space<vmem>>
        %parallel_loop3A_458 = arith.index_cast %parallel_loop3A_453 : i32 to index
        %parallel_loop3A_459 = arith.index_cast %parallel_loop3A_437 : i32 to index
        %parallel_loop3A_460 = tpu.vector_load %parallel_loop3A_457[%parallel_loop3A_458, %parallel_loop3A_459] {strides = array<i32>} : memref<8x2048xf32, #tpu.memory_space<vmem>>, vector<1x16xf32>,
        %parallel_loop3A_461 = vector.shape_cast %parallel_loop3A_460 : vector<1x16xf32> to vector<16xf32>
        %parallel_loop3A_462 = vector.shape_cast %parallel_loop3A_452 : vector<16xf32> to vector<1x16xf32>
        tpu.vector_store %parallel_loop3A_457[%parallel_loop3A_458, %parallel_loop3A_459], %parallel_loop3A_462 {strides = array<i32>} : memref<8x2048xf32, #tpu.memory_space<vmem>>, vector<1x16xf32>,
      } {sc.loop_unroll_factor = 8 : i64, sc.parallel_access}
      %parallel_loop3A_177 = arith.constant 0 : i32
      %parallel_loop3A_178 = arith.constant 2048 : i32
      %parallel_loop3A_179 = arith.constant 16 : i32
      %parallel_loop3A_180 = arith.constant 0 : i32
      scf.for %parallel_loop3A_437 = %parallel_loop3A_177 to %parallel_loop3A_178 step %parallel_loop3A_179  : i32 {
        %parallel_loop3A_438 = arith.constant 2 : i32
        %parallel_loop3A_439 = arith.constant 0 : i32
        %parallel_loop3A_440 = arith.constant 0 : i32
        %parallel_loop3A_441 = tpu.memref_slice %arg6[%parallel_loop3A_180, %parallel_loop3A_439, %parallel_loop3A_440] : memref<4x8x2048xf32, #tpu.memory_space<vmem>> -> memref<1x8x2048xf32, #tpu.memory_space<vmem>>
        %parallel_loop3A_442 = tpu.memref_squeeze %parallel_loop3A_441 : memref<1x8x2048xf32, #tpu.memory_space<vmem>> -> memref<8x2048xf32, #tpu.memory_space<vmem>>
        %parallel_loop3A_443 = arith.index_cast %parallel_loop3A_438 : i32 to index
        %parallel_loop3A_444 = arith.index_cast %parallel_loop3A_437 : i32 to index
        %parallel_loop3A_445 = tpu.vector_load %parallel_loop3A_442[%parallel_loop3A_443, %parallel_loop3A_444] {strides = array<i32>} : memref<8x2048xf32, #tpu.memory_space<vmem>>, vector<1x16xf32>,
        %parallel_loop3A_446 = vector.shape_cast %parallel_loop3A_445 : vector<1x16xf32> to vector<16xf32>
        %parallel_loop3A_447 = arith.cmpf ogt, %parallel_loop3A_446, %mul3A_37 : vector<16xf32>
        %parallel_loop3A_448 = arith.cmpf ogt, %parallel_loop3A_446, %mul3A_41 : vector<16xf32>
        %parallel_loop3A_449 = arith.select %parallel_loop3A_448, %max3A_27, %max3A_29 : vector<16xi1>, vector<16xf32>
        %parallel_loop3A_450 = arith.cmpf ogt, %parallel_loop3A_446, %mul3A_33 : vector<16xf32>
        %parallel_loop3A_451 = arith.select %parallel_loop3A_450, %min3A_28, %min3A_24 : vector<16xi1>, vector<16xf32>
        %parallel_loop3A_452 = arith.select %parallel_loop3A_447, %parallel_loop3A_449, %parallel_loop3A_451 : vector<16xi1>, vector<16xf32>
        %parallel_loop3A_453 = arith.constant 2 : i32
        %parallel_loop3A_454 = arith.constant 0 : i32
        %parallel_loop3A_455 = arith.constant 0 : i32
        %parallel_loop3A_456 = tpu.memref_slice %arg6[%parallel_loop3A_180, %parallel_loop3A_454, %parallel_loop3A_455] : memref<4x8x2048xf32, #tpu.memory_space<vmem>> -> memref<1x8x2048xf32, #tpu.memory_space<vmem>>
        %parallel_loop3A_457 = tpu.memref_squeeze %parallel_loop3A_456 : memref<1x8x2048xf32, #tpu.memory_space<vmem>> -> memref<8x2048xf32, #tpu.memory_space<vmem>>
        %parallel_loop3A_458 = arith.index_cast %parallel_loop3A_453 : i32 to index
        %parallel_loop3A_459 = arith.index_cast %parallel_loop3A_437 : i32 to index
        %parallel_loop3A_460 = tpu.vector_load %parallel_loop3A_457[%parallel_loop3A_458, %parallel_loop3A_459] {strides = array<i32>} : memref<8x2048xf32, #tpu.memory_space<vmem>>, vector<1x16xf32>,
        %parallel_loop3A_461 = vector.shape_cast %parallel_loop3A_460 : vector<1x16xf32> to vector<16xf32>
        %parallel_loop3A_462 = vector.shape_cast %parallel_loop3A_452 : vector<16xf32> to vector<1x16xf32>
        tpu.vector_store %parallel_loop3A_457[%parallel_loop3A_458, %parallel_loop3A_459], %parallel_loop3A_462 {strides = array<i32>} : memref<8x2048xf32, #tpu.memory_space<vmem>>, vector<1x16xf32>,
      } {sc.loop_unroll_factor = 8 : i64, sc.parallel_access}
      %parallel_loop3A_181 = arith.constant 0 : i32
      %parallel_loop3A_182 = arith.constant 2048 : i32
      %parallel_loop3A_183 = arith.constant 16 : i32
      %parallel_loop3A_184 = arith.constant 0 : i32
      scf.for %parallel_loop3A_437 = %parallel_loop3A_181 to %parallel_loop3A_182 step %parallel_loop3A_183  : i32 {
        %parallel_loop3A_438 = arith.constant 3 : i32
        %parallel_loop3A_439 = arith.constant 0 : i32
        %parallel_loop3A_440 = arith.constant 0 : i32
        %parallel_loop3A_441 = tpu.memref_slice %arg6[%parallel_loop3A_184, %parallel_loop3A_439, %parallel_loop3A_440] : memref<4x8x2048xf32, #tpu.memory_space<vmem>> -> memref<1x8x2048xf32, #tpu.memory_space<vmem>>
        %parallel_loop3A_442 = tpu.memref_squeeze %parallel_loop3A_441 : memref<1x8x2048xf32, #tpu.memory_space<vmem>> -> memref<8x2048xf32, #tpu.memory_space<vmem>>
        %parallel_loop3A_443 = arith.index_cast %parallel_loop3A_438 : i32 to index
        %parallel_loop3A_444 = arith.index_cast %parallel_loop3A_437 : i32 to index
        %parallel_loop3A_445 = tpu.vector_load %parallel_loop3A_442[%parallel_loop3A_443, %parallel_loop3A_444] {strides = array<i32>} : memref<8x2048xf32, #tpu.memory_space<vmem>>, vector<1x16xf32>,
        %parallel_loop3A_446 = vector.shape_cast %parallel_loop3A_445 : vector<1x16xf32> to vector<16xf32>
        %parallel_loop3A_447 = arith.cmpf ogt, %parallel_loop3A_446, %mul3A_37 : vector<16xf32>
        %parallel_loop3A_448 = arith.cmpf ogt, %parallel_loop3A_446, %mul3A_41 : vector<16xf32>
        %parallel_loop3A_449 = arith.select %parallel_loop3A_448, %max3A_27, %max3A_29 : vector<16xi1>, vector<16xf32>
        %parallel_loop3A_450 = arith.cmpf ogt, %parallel_loop3A_446, %mul3A_33 : vector<16xf32>
        %parallel_loop3A_451 = arith.select %parallel_loop3A_450, %min3A_28, %min3A_24 : vector<16xi1>, vector<16xf32>
        %parallel_loop3A_452 = arith.select %parallel_loop3A_447, %parallel_loop3A_449, %parallel_loop3A_451 : vector<16xi1>, vector<16xf32>
        %parallel_loop3A_453 = arith.constant 3 : i32
        %parallel_loop3A_454 = arith.constant 0 : i32
        %parallel_loop3A_455 = arith.constant 0 : i32
        %parallel_loop3A_456 = tpu.memref_slice %arg6[%parallel_loop3A_184, %parallel_loop3A_454, %parallel_loop3A_455] : memref<4x8x2048xf32, #tpu.memory_space<vmem>> -> memref<1x8x2048xf32, #tpu.memory_space<vmem>>
        %parallel_loop3A_457 = tpu.memref_squeeze %parallel_loop3A_456 : memref<1x8x2048xf32, #tpu.memory_space<vmem>> -> memref<8x2048xf32, #tpu.memory_space<vmem>>
        %parallel_loop3A_458 = arith.index_cast %parallel_loop3A_453 : i32 to index
        %parallel_loop3A_459 = arith.index_cast %parallel_loop3A_437 : i32 to index
        %parallel_loop3A_460 = tpu.vector_load %parallel_loop3A_457[%parallel_loop3A_458, %parallel_loop3A_459] {strides = array<i32>} : memref<8x2048xf32, #tpu.memory_space<vmem>>, vector<1x16xf32>,
        %parallel_loop3A_461 = vector.shape_cast %parallel_loop3A_460 : vector<1x16xf32> to vector<16xf32>
        %parallel_loop3A_462 = vector.shape_cast %parallel_loop3A_452 : vector<16xf32> to vector<1x16xf32>
        tpu.vector_store %parallel_loop3A_457[%parallel_loop3A_458, %parallel_loop3A_459], %parallel_loop3A_462 {strides = array<i32>} : memref<8x2048xf32, #tpu.memory_space<vmem>>, vector<1x16xf32>,
      } {sc.loop_unroll_factor = 8 : i64, sc.parallel_access}
      %parallel_loop3A_185 = arith.constant 0 : i32
      %parallel_loop3A_186 = arith.constant 2048 : i32
      %parallel_loop3A_187 = arith.constant 16 : i32
      %parallel_loop3A_188 = arith.constant 0 : i32
      scf.for %parallel_loop3A_437 = %parallel_loop3A_185 to %parallel_loop3A_186 step %parallel_loop3A_187  : i32 {
        %parallel_loop3A_438 = arith.constant 4 : i32
        %parallel_loop3A_439 = arith.constant 0 : i32
        %parallel_loop3A_440 = arith.constant 0 : i32
        %parallel_loop3A_441 = tpu.memref_slice %arg6[%parallel_loop3A_188, %parallel_loop3A_439, %parallel_loop3A_440] : memref<4x8x2048xf32, #tpu.memory_space<vmem>> -> memref<1x8x2048xf32, #tpu.memory_space<vmem>>
        %parallel_loop3A_442 = tpu.memref_squeeze %parallel_loop3A_441 : memref<1x8x2048xf32, #tpu.memory_space<vmem>> -> memref<8x2048xf32, #tpu.memory_space<vmem>>
        %parallel_loop3A_443 = arith.index_cast %parallel_loop3A_438 : i32 to index
        %parallel_loop3A_444 = arith.index_cast %parallel_loop3A_437 : i32 to index
        %parallel_loop3A_445 = tpu.vector_load %parallel_loop3A_442[%parallel_loop3A_443, %parallel_loop3A_444] {strides = array<i32>} : memref<8x2048xf32, #tpu.memory_space<vmem>>, vector<1x16xf32>,
        %parallel_loop3A_446 = vector.shape_cast %parallel_loop3A_445 : vector<1x16xf32> to vector<16xf32>
        %parallel_loop3A_447 = arith.cmpf ogt, %parallel_loop3A_446, %mul3A_37 : vector<16xf32>
        %parallel_loop3A_448 = arith.cmpf ogt, %parallel_loop3A_446, %mul3A_41 : vector<16xf32>
        %parallel_loop3A_449 = arith.select %parallel_loop3A_448, %max3A_27, %max3A_29 : vector<16xi1>, vector<16xf32>
        %parallel_loop3A_450 = arith.cmpf ogt, %parallel_loop3A_446, %mul3A_33 : vector<16xf32>
        %parallel_loop3A_451 = arith.select %parallel_loop3A_450, %min3A_28, %min3A_24 : vector<16xi1>, vector<16xf32>
        %parallel_loop3A_452 = arith.select %parallel_loop3A_447, %parallel_loop3A_449, %parallel_loop3A_451 : vector<16xi1>, vector<16xf32>
        %parallel_loop3A_453 = arith.constant 4 : i32
        %parallel_loop3A_454 = arith.constant 0 : i32
        %parallel_loop3A_455 = arith.constant 0 : i32
        %parallel_loop3A_456 = tpu.memref_slice %arg6[%parallel_loop3A_188, %parallel_loop3A_454, %parallel_loop3A_455] : memref<4x8x2048xf32, #tpu.memory_space<vmem>> -> memref<1x8x2048xf32, #tpu.memory_space<vmem>>
        %parallel_loop3A_457 = tpu.memref_squeeze %parallel_loop3A_456 : memref<1x8x2048xf32, #tpu.memory_space<vmem>> -> memref<8x2048xf32, #tpu.memory_space<vmem>>
        %parallel_loop3A_458 = arith.index_cast %parallel_loop3A_453 : i32 to index
        %parallel_loop3A_459 = arith.index_cast %parallel_loop3A_437 : i32 to index
        %parallel_loop3A_460 = tpu.vector_load %parallel_loop3A_457[%parallel_loop3A_458, %parallel_loop3A_459] {strides = array<i32>} : memref<8x2048xf32, #tpu.memory_space<vmem>>, vector<1x16xf32>,
        %parallel_loop3A_461 = vector.shape_cast %parallel_loop3A_460 : vector<1x16xf32> to vector<16xf32>
        %parallel_loop3A_462 = vector.shape_cast %parallel_loop3A_452 : vector<16xf32> to vector<1x16xf32>
        tpu.vector_store %parallel_loop3A_457[%parallel_loop3A_458, %parallel_loop3A_459], %parallel_loop3A_462 {strides = array<i32>} : memref<8x2048xf32, #tpu.memory_space<vmem>>, vector<1x16xf32>,
      } {sc.loop_unroll_factor = 8 : i64, sc.parallel_access}
      %parallel_loop3A_189 = arith.constant 0 : i32
      %parallel_loop3A_190 = arith.constant 2048 : i32
      %parallel_loop3A_191 = arith.constant 16 : i32
      %parallel_loop3A_192 = arith.constant 0 : i32
      scf.for %parallel_loop3A_437 = %parallel_loop3A_189 to %parallel_loop3A_190 step %parallel_loop3A_191  : i32 {
        %parallel_loop3A_438 = arith.constant 5 : i32
        %parallel_loop3A_439 = arith.constant 0 : i32
        %parallel_loop3A_440 = arith.constant 0 : i32
        %parallel_loop3A_441 = tpu.memref_slice %arg6[%parallel_loop3A_192, %parallel_loop3A_439, %parallel_loop3A_440] : memref<4x8x2048xf32, #tpu.memory_space<vmem>> -> memref<1x8x2048xf32, #tpu.memory_space<vmem>>
        %parallel_loop3A_442 = tpu.memref_squeeze %parallel_loop3A_441 : memref<1x8x2048xf32, #tpu.memory_space<vmem>> -> memref<8x2048xf32, #tpu.memory_space<vmem>>
        %parallel_loop3A_443 = arith.index_cast %parallel_loop3A_438 : i32 to index
        %parallel_loop3A_444 = arith.index_cast %parallel_loop3A_437 : i32 to index
        %parallel_loop3A_445 = tpu.vector_load %parallel_loop3A_442[%parallel_loop3A_443, %parallel_loop3A_444] {strides = array<i32>} : memref<8x2048xf32, #tpu.memory_space<vmem>>, vector<1x16xf32>,
        %parallel_loop3A_446 = vector.shape_cast %parallel_loop3A_445 : vector<1x16xf32> to vector<16xf32>
        %parallel_loop3A_447 = arith.cmpf ogt, %parallel_loop3A_446, %mul3A_37 : vector<16xf32>
        %parallel_loop3A_448 = arith.cmpf ogt, %parallel_loop3A_446, %mul3A_41 : vector<16xf32>
        %parallel_loop3A_449 = arith.select %parallel_loop3A_448, %max3A_27, %max3A_29 : vector<16xi1>, vector<16xf32>
        %parallel_loop3A_450 = arith.cmpf ogt, %parallel_loop3A_446, %mul3A_33 : vector<16xf32>
        %parallel_loop3A_451 = arith.select %parallel_loop3A_450, %min3A_28, %min3A_24 : vector<16xi1>, vector<16xf32>
        %parallel_loop3A_452 = arith.select %parallel_loop3A_447, %parallel_loop3A_449, %parallel_loop3A_451 : vector<16xi1>, vector<16xf32>
        %parallel_loop3A_453 = arith.constant 5 : i32
        %parallel_loop3A_454 = arith.constant 0 : i32
        %parallel_loop3A_455 = arith.constant 0 : i32
        %parallel_loop3A_456 = tpu.memref_slice %arg6[%parallel_loop3A_192, %parallel_loop3A_454, %parallel_loop3A_455] : memref<4x8x2048xf32, #tpu.memory_space<vmem>> -> memref<1x8x2048xf32, #tpu.memory_space<vmem>>
        %parallel_loop3A_457 = tpu.memref_squeeze %parallel_loop3A_456 : memref<1x8x2048xf32, #tpu.memory_space<vmem>> -> memref<8x2048xf32, #tpu.memory_space<vmem>>
        %parallel_loop3A_458 = arith.index_cast %parallel_loop3A_453 : i32 to index
        %parallel_loop3A_459 = arith.index_cast %parallel_loop3A_437 : i32 to index
        %parallel_loop3A_460 = tpu.vector_load %parallel_loop3A_457[%parallel_loop3A_458, %parallel_loop3A_459] {strides = array<i32>} : memref<8x2048xf32, #tpu.memory_space<vmem>>, vector<1x16xf32>,
        %parallel_loop3A_461 = vector.shape_cast %parallel_loop3A_460 : vector<1x16xf32> to vector<16xf32>
        %parallel_loop3A_462 = vector.shape_cast %parallel_loop3A_452 : vector<16xf32> to vector<1x16xf32>
        tpu.vector_store %parallel_loop3A_457[%parallel_loop3A_458, %parallel_loop3A_459], %parallel_loop3A_462 {strides = array<i32>} : memref<8x2048xf32, #tpu.memory_space<vmem>>, vector<1x16xf32>,
      } {sc.loop_unroll_factor = 8 : i64, sc.parallel_access}
      %parallel_loop3A_193 = arith.constant 0 : i32
      %parallel_loop3A_194 = arith.constant 2048 : i32
      %parallel_loop3A_195 = arith.constant 16 : i32
      %parallel_loop3A_196 = arith.constant 0 : i32
      scf.for %parallel_loop3A_437 = %parallel_loop3A_193 to %parallel_loop3A_194 step %parallel_loop3A_195  : i32 {
        %parallel_loop3A_438 = arith.constant 6 : i32
        %parallel_loop3A_439 = arith.constant 0 : i32
        %parallel_loop3A_440 = arith.constant 0 : i32
        %parallel_loop3A_441 = tpu.memref_slice %arg6[%parallel_loop3A_196, %parallel_loop3A_439, %parallel_loop3A_440] : memref<4x8x2048xf32, #tpu.memory_space<vmem>> -> memref<1x8x2048xf32, #tpu.memory_space<vmem>>
        %parallel_loop3A_442 = tpu.memref_squeeze %parallel_loop3A_441 : memref<1x8x2048xf32, #tpu.memory_space<vmem>> -> memref<8x2048xf32, #tpu.memory_space<vmem>>
        %parallel_loop3A_443 = arith.index_cast %parallel_loop3A_438 : i32 to index
        %parallel_loop3A_444 = arith.index_cast %parallel_loop3A_437 : i32 to index
        %parallel_loop3A_445 = tpu.vector_load %parallel_loop3A_442[%parallel_loop3A_443, %parallel_loop3A_444] {strides = array<i32>} : memref<8x2048xf32, #tpu.memory_space<vmem>>, vector<1x16xf32>,
        %parallel_loop3A_446 = vector.shape_cast %parallel_loop3A_445 : vector<1x16xf32> to vector<16xf32>
        %parallel_loop3A_447 = arith.cmpf ogt, %parallel_loop3A_446, %mul3A_37 : vector<16xf32>
        %parallel_loop3A_448 = arith.cmpf ogt, %parallel_loop3A_446, %mul3A_41 : vector<16xf32>
        %parallel_loop3A_449 = arith.select %parallel_loop3A_448, %max3A_27, %max3A_29 : vector<16xi1>, vector<16xf32>
        %parallel_loop3A_450 = arith.cmpf ogt, %parallel_loop3A_446, %mul3A_33 : vector<16xf32>
        %parallel_loop3A_451 = arith.select %parallel_loop3A_450, %min3A_28, %min3A_24 : vector<16xi1>, vector<16xf32>
        %parallel_loop3A_452 = arith.select %parallel_loop3A_447, %parallel_loop3A_449, %parallel_loop3A_451 : vector<16xi1>, vector<16xf32>
        %parallel_loop3A_453 = arith.constant 6 : i32
        %parallel_loop3A_454 = arith.constant 0 : i32
        %parallel_loop3A_455 = arith.constant 0 : i32
        %parallel_loop3A_456 = tpu.memref_slice %arg6[%parallel_loop3A_196, %parallel_loop3A_454, %parallel_loop3A_455] : memref<4x8x2048xf32, #tpu.memory_space<vmem>> -> memref<1x8x2048xf32, #tpu.memory_space<vmem>>
        %parallel_loop3A_457 = tpu.memref_squeeze %parallel_loop3A_456 : memref<1x8x2048xf32, #tpu.memory_space<vmem>> -> memref<8x2048xf32, #tpu.memory_space<vmem>>
        %parallel_loop3A_458 = arith.index_cast %parallel_loop3A_453 : i32 to index
        %parallel_loop3A_459 = arith.index_cast %parallel_loop3A_437 : i32 to index
        %parallel_loop3A_460 = tpu.vector_load %parallel_loop3A_457[%parallel_loop3A_458, %parallel_loop3A_459] {strides = array<i32>} : memref<8x2048xf32, #tpu.memory_space<vmem>>, vector<1x16xf32>,
        %parallel_loop3A_461 = vector.shape_cast %parallel_loop3A_460 : vector<1x16xf32> to vector<16xf32>
        %parallel_loop3A_462 = vector.shape_cast %parallel_loop3A_452 : vector<16xf32> to vector<1x16xf32>
        tpu.vector_store %parallel_loop3A_457[%parallel_loop3A_458, %parallel_loop3A_459], %parallel_loop3A_462 {strides = array<i32>} : memref<8x2048xf32, #tpu.memory_space<vmem>>, vector<1x16xf32>,
      } {sc.loop_unroll_factor = 8 : i64, sc.parallel_access}
      %parallel_loop3A_197 = arith.constant 0 : i32
      %parallel_loop3A_198 = arith.constant 2048 : i32
      %parallel_loop3A_199 = arith.constant 16 : i32
      %parallel_loop3A_200 = arith.constant 0 : i32
      scf.for %parallel_loop3A_437 = %parallel_loop3A_197 to %parallel_loop3A_198 step %parallel_loop3A_199  : i32 {
        %parallel_loop3A_438 = arith.constant 7 : i32
        %parallel_loop3A_439 = arith.constant 0 : i32
        %parallel_loop3A_440 = arith.constant 0 : i32
        %parallel_loop3A_441 = tpu.memref_slice %arg6[%parallel_loop3A_200, %parallel_loop3A_439, %parallel_loop3A_440] : memref<4x8x2048xf32, #tpu.memory_space<vmem>> -> memref<1x8x2048xf32, #tpu.memory_space<vmem>>
        %parallel_loop3A_442 = tpu.memref_squeeze %parallel_loop3A_441 : memref<1x8x2048xf32, #tpu.memory_space<vmem>> -> memref<8x2048xf32, #tpu.memory_space<vmem>>
        %parallel_loop3A_443 = arith.index_cast %parallel_loop3A_438 : i32 to index
        %parallel_loop3A_444 = arith.index_cast %parallel_loop3A_437 : i32 to index
        %parallel_loop3A_445 = tpu.vector_load %parallel_loop3A_442[%parallel_loop3A_443, %parallel_loop3A_444] {strides = array<i32>} : memref<8x2048xf32, #tpu.memory_space<vmem>>, vector<1x16xf32>,
        %parallel_loop3A_446 = vector.shape_cast %parallel_loop3A_445 : vector<1x16xf32> to vector<16xf32>
        %parallel_loop3A_447 = arith.cmpf ogt, %parallel_loop3A_446, %mul3A_37 : vector<16xf32>
        %parallel_loop3A_448 = arith.cmpf ogt, %parallel_loop3A_446, %mul3A_41 : vector<16xf32>
        %parallel_loop3A_449 = arith.select %parallel_loop3A_448, %max3A_27, %max3A_29 : vector<16xi1>, vector<16xf32>
        %parallel_loop3A_450 = arith.cmpf ogt, %parallel_loop3A_446, %mul3A_33 : vector<16xf32>
        %parallel_loop3A_451 = arith.select %parallel_loop3A_450, %min3A_28, %min3A_24 : vector<16xi1>, vector<16xf32>
        %parallel_loop3A_452 = arith.select %parallel_loop3A_447, %parallel_loop3A_449, %parallel_loop3A_451 : vector<16xi1>, vector<16xf32>
        %parallel_loop3A_453 = arith.constant 7 : i32
        %parallel_loop3A_454 = arith.constant 0 : i32
        %parallel_loop3A_455 = arith.constant 0 : i32
        %parallel_loop3A_456 = tpu.memref_slice %arg6[%parallel_loop3A_200, %parallel_loop3A_454, %parallel_loop3A_455] : memref<4x8x2048xf32, #tpu.memory_space<vmem>> -> memref<1x8x2048xf32, #tpu.memory_space<vmem>>
        %parallel_loop3A_457 = tpu.memref_squeeze %parallel_loop3A_456 : memref<1x8x2048xf32, #tpu.memory_space<vmem>> -> memref<8x2048xf32, #tpu.memory_space<vmem>>
        %parallel_loop3A_458 = arith.index_cast %parallel_loop3A_453 : i32 to index
        %parallel_loop3A_459 = arith.index_cast %parallel_loop3A_437 : i32 to index
        %parallel_loop3A_460 = tpu.vector_load %parallel_loop3A_457[%parallel_loop3A_458, %parallel_loop3A_459] {strides = array<i32>} : memref<8x2048xf32, #tpu.memory_space<vmem>>, vector<1x16xf32>,
        %parallel_loop3A_461 = vector.shape_cast %parallel_loop3A_460 : vector<1x16xf32> to vector<16xf32>
        %parallel_loop3A_462 = vector.shape_cast %parallel_loop3A_452 : vector<16xf32> to vector<1x16xf32>
        tpu.vector_store %parallel_loop3A_457[%parallel_loop3A_458, %parallel_loop3A_459], %parallel_loop3A_462 {strides = array<i32>} : memref<8x2048xf32, #tpu.memory_space<vmem>>, vector<1x16xf32>,
      } {sc.loop_unroll_factor = 8 : i64, sc.parallel_access}
      %mul3A_201 = arith.constant 8 : i32
      %mul3A_202 = arith.muli %add3A_149, %mul3A_201 : i32
      %add3A_203 = arith.addi %mul3A_2, %mul3A_202 : i32
      %dma_start3A_204 = arith.constant 0 : i32
      %dma_start3A_205 = arith.constant 0 : i32
      %dma_start3A_206 = arith.constant 0 : i32
      %dma_start3A_207 = tpu.memref_slice %arg6[%dma_start3A_204, %dma_start3A_205, %dma_start3A_206] : memref<4x8x2048xf32, #tpu.memory_space<vmem>> -> memref<1x8x2048xf32, #tpu.memory_space<vmem>>
      %dma_start3A_208 = tpu.memref_squeeze %dma_start3A_207 : memref<1x8x2048xf32, #tpu.memory_space<vmem>> -> memref<8x2048xf32, #tpu.memory_space<vmem>>
      %dma_start3A_209 = arith.constant 0 : i32
      %dma_start3A_210 = tpu.memref_slice %arg4[%add3A_203, %dma_start3A_209] : memref<16384x2048xf32, #tpu.memory_space<hbm>> -> memref<8x2048xf32, #tpu.memory_space<hbm>>
      %dma_start3A_211 = arith.constant 0 : i32
      %dma_start3A_212 = tpu.memref_slice %arg4[%add3A_203, %dma_start3A_211] : memref<16384x2048xf32, #tpu.memory_space<hbm>> -> memref<8x2048xf32, #tpu.memory_space<hbm>>
      %dma_start3A_213 = arith.constant 0 : i32
      %dma_start3A_214 = arith.constant 0 : i32
      %dma_start3A_215 = tpu.memref_slice %arg6[%dma_start3A_204, %dma_start3A_213, %dma_start3A_214] : memref<4x8x2048xf32, #tpu.memory_space<vmem>> -> memref<1x8x2048xf32, #tpu.memory_space<vmem>>
      %dma_start3A_216 = tpu.memref_squeeze %dma_start3A_215 : memref<1x8x2048xf32, #tpu.memory_space<vmem>> -> memref<8x2048xf32, #tpu.memory_space<vmem>>
      tpu.enqueue_dma source(%dma_start3A_216 : memref<8x2048xf32, #tpu.memory_space<vmem>>) target(%dma_start3A_212 : memref<8x2048xf32, #tpu.memory_space<hbm>>) target_semaphore(%arg11 : memref<!tpu.dma_semaphore, #tpu.memory_space<semaphore_mem>>)
      %add3A_217 = arith.constant 1 : i32
      %add3A_218 = arith.addi %mul3A_147, %add3A_217 : i32
      %ge3A_219 = arith.constant 2 : i32
      %ge3A_220 = arith.cmpi sge, %add3A_218, %ge3A_219 : i32
      %convert_element_type3A_221 = arith.extui %ge3A_220 : i1 to i32
      %cond3A_222 = arith.constant 0 : i32
      %cond3A_223 = arith.cmpi ne, %convert_element_type3A_221, %cond3A_222 : i32
      scf.if %cond3A_223 {
        %sub3A = arith.constant 2 : i32
        %sub3A_437 = arith.subi %add3A_218, %sub3A : i32
        %mul3A_438 = arith.constant 8 : i32
        %mul3A_439 = arith.muli %sub3A_437, %mul3A_438 : i32
        %add3A_440 = arith.addi %mul3A_2, %mul3A_439 : i32
        %dma_wait3A_441 = arith.constant 3 : i32
        %dma_wait3A_442 = arith.constant 0 : i32
        %dma_wait3A_443 = arith.constant 0 : i32
        %dma_wait3A_444 = tpu.memref_slice %arg6[%dma_wait3A_441, %dma_wait3A_442, %dma_wait3A_443] : memref<4x8x2048xf32, #tpu.memory_space<vmem>> -> memref<1x8x2048xf32, #tpu.memory_space<vmem>>
        %dma_wait3A_445 = tpu.memref_squeeze %dma_wait3A_444 : memref<1x8x2048xf32, #tpu.memory_space<vmem>> -> memref<8x2048xf32, #tpu.memory_space<vmem>>
        %dma_wait3A_446 = arith.constant 0 : i32
        %dma_wait3A_447 = tpu.memref_slice %arg4[%add3A_440, %dma_wait3A_446] : memref<16384x2048xf32, #tpu.memory_space<hbm>> -> memref<8x2048xf32, #tpu.memory_space<hbm>>
        %dma_wait3A_448 = arith.constant 0 : i32
        %dma_wait3A_449 = tpu.memref_slice %arg4[%add3A_440, %dma_wait3A_448] : memref<16384x2048xf32, #tpu.memory_space<hbm>> -> memref<8x2048xf32, #tpu.memory_space<hbm>>
        %dma_wait3A_450 = arith.constant 0 : i32
        %dma_wait3A_451 = arith.constant 0 : i32
        %dma_wait3A_452 = tpu.memref_slice %arg6[%dma_wait3A_441, %dma_wait3A_450, %dma_wait3A_451] : memref<4x8x2048xf32, #tpu.memory_space<vmem>> -> memref<1x8x2048xf32, #tpu.memory_space<vmem>>
        %dma_wait3A_453 = tpu.memref_squeeze %dma_wait3A_452 : memref<1x8x2048xf32, #tpu.memory_space<vmem>> -> memref<8x2048xf32, #tpu.memory_space<vmem>>
        tpu.wait_dma2 semaphore(%arg14 : memref<!tpu.dma_semaphore, #tpu.memory_space<semaphore_mem>>) src(%dma_wait3A_453 : memref<8x2048xf32, #tpu.memory_space<vmem>>) dst(%dma_wait3A_449 : memref<8x2048xf32, #tpu.memory_space<hbm>>)
        %add3A_454 = arith.constant 2 : i32
        %add3A_455 = arith.addi %add3A_218, %add3A_454 : i32
        %lt3A = arith.constant 64 : i32
        %lt3A_456 = arith.cmpi slt, %add3A_455, %lt3A : i32
        %convert_element_type3A_457 = arith.extui %lt3A_456 : i1 to i32
        %cond3A_458 = arith.constant 0 : i32
        %cond3A_459 = arith.cmpi ne, %convert_element_type3A_457, %cond3A_458 : i32
        scf.if %cond3A_459 {
          %add3A_460 = arith.constant 2 : i32
          %add3A_461 = arith.addi %add3A_218, %add3A_460 : i32
          %add3A_462 = arith.constant 0 : i32
          %add3A_463 = arith.addi %add3A_462, %mul3A_2 : i32
          %mul3A_464 = arith.constant 8 : i32
          %mul3A_465 = arith.muli %add3A_461, %mul3A_464 : i32
          %add3A_466 = arith.addi %add3A_463, %mul3A_465 : i32
          %dma_start3A_467 = arith.constant 3 : i32
          %dma_start3A_468 = arith.constant 0 : i32
          %dma_start3A_469 = arith.constant 0 : i32
          %dma_start3A_470 = tpu.memref_slice %arg6[%dma_start3A_467, %dma_start3A_468, %dma_start3A_469] : memref<4x8x2048xf32, #tpu.memory_space<vmem>> -> memref<1x8x2048xf32, #tpu.memory_space<vmem>>
          %dma_start3A_471 = tpu.memref_squeeze %dma_start3A_470 : memref<1x8x2048xf32, #tpu.memory_space<vmem>> -> memref<8x2048xf32, #tpu.memory_space<vmem>>
          %dma_start3A_472 = arith.constant 0 : i32
          %dma_start3A_473 = tpu.memref_slice %arg3[%add3A_466, %dma_start3A_472] : memref<16384x2048xf32, #tpu.memory_space<hbm>> -> memref<8x2048xf32, #tpu.memory_space<hbm>>
          %dma_start3A_474 = arith.constant 0 : i32
          %dma_start3A_475 = arith.constant 0 : i32
          %dma_start3A_476 = tpu.memref_slice %arg6[%dma_start3A_467, %dma_start3A_474, %dma_start3A_475] : memref<4x8x2048xf32, #tpu.memory_space<vmem>> -> memref<1x8x2048xf32, #tpu.memory_space<vmem>>
          %dma_start3A_477 = tpu.memref_squeeze %dma_start3A_476 : memref<1x8x2048xf32, #tpu.memory_space<vmem>> -> memref<8x2048xf32, #tpu.memory_space<vmem>>
          %dma_start3A_478 = arith.constant 0 : i32
          %dma_start3A_479 = tpu.memref_slice %arg3[%add3A_466, %dma_start3A_478] : memref<16384x2048xf32, #tpu.memory_space<hbm>> -> memref<8x2048xf32, #tpu.memory_space<hbm>>
          tpu.enqueue_dma source(%dma_start3A_479 : memref<8x2048xf32, #tpu.memory_space<hbm>>) target(%dma_start3A_477 : memref<8x2048xf32, #tpu.memory_space<vmem>>) target_semaphore(%arg10 : memref<!tpu.dma_semaphore, #tpu.memory_space<semaphore_mem>>)
        } else {
        }
      } else {
      }
      %add3A_224 = arith.constant 0 : i32
      %add3A_225 = arith.addi %add3A_224, %mul3A_2 : i32
      %mul3A_226 = arith.constant 8 : i32
      %mul3A_227 = arith.muli %add3A_218, %mul3A_226 : i32
      %add3A_228 = arith.addi %add3A_225, %mul3A_227 : i32
      %dma_wait3A_229 = arith.constant 1 : i32
      %dma_wait3A_230 = arith.constant 0 : i32
      %dma_wait3A_231 = arith.constant 0 : i32
      %dma_wait3A_232 = tpu.memref_slice %arg6[%dma_wait3A_229, %dma_wait3A_230, %dma_wait3A_231] : memref<4x8x2048xf32, #tpu.memory_space<vmem>> -> memref<1x8x2048xf32, #tpu.memory_space<vmem>>
      %dma_wait3A_233 = tpu.memref_squeeze %dma_wait3A_232 : memref<1x8x2048xf32, #tpu.memory_space<vmem>> -> memref<8x2048xf32, #tpu.memory_space<vmem>>
      %dma_wait3A_234 = arith.constant 0 : i32
      %dma_wait3A_235 = tpu.memref_slice %arg3[%add3A_228, %dma_wait3A_234] : memref<16384x2048xf32, #tpu.memory_space<hbm>> -> memref<8x2048xf32, #tpu.memory_space<hbm>>
      %dma_wait3A_236 = arith.constant 0 : i32
      %dma_wait3A_237 = arith.constant 0 : i32
      %dma_wait3A_238 = tpu.memref_slice %arg6[%dma_wait3A_229, %dma_wait3A_236, %dma_wait3A_237] : memref<4x8x2048xf32, #tpu.memory_space<vmem>> -> memref<1x8x2048xf32, #tpu.memory_space<vmem>>
      %dma_wait3A_239 = tpu.memref_squeeze %dma_wait3A_238 : memref<1x8x2048xf32, #tpu.memory_space<vmem>> -> memref<8x2048xf32, #tpu.memory_space<vmem>>
      %dma_wait3A_240 = arith.constant 0 : i32
      %dma_wait3A_241 = tpu.memref_slice %arg3[%add3A_228, %dma_wait3A_240] : memref<16384x2048xf32, #tpu.memory_space<hbm>> -> memref<8x2048xf32, #tpu.memory_space<hbm>>
      tpu.wait_dma2 semaphore(%arg8 : memref<!tpu.dma_semaphore, #tpu.memory_space<semaphore_mem>>) src(%dma_wait3A_241 : memref<8x2048xf32, #tpu.memory_space<hbm>>) dst(%dma_wait3A_239 : memref<8x2048xf32, #tpu.memory_space<vmem>>)
      %parallel_loop3A_242 = arith.constant 0 : i32
      %parallel_loop3A_243 = arith.constant 2048 : i32
      %parallel_loop3A_244 = arith.constant 16 : i32
      %parallel_loop3A_245 = arith.constant 1 : i32
      scf.for %parallel_loop3A_437 = %parallel_loop3A_242 to %parallel_loop3A_243 step %parallel_loop3A_244  : i32 {
        %parallel_loop3A_438 = arith.constant 0 : i32
        %parallel_loop3A_439 = arith.constant 0 : i32
        %parallel_loop3A_440 = arith.constant 0 : i32
        %parallel_loop3A_441 = tpu.memref_slice %arg6[%parallel_loop3A_245, %parallel_loop3A_439, %parallel_loop3A_440] : memref<4x8x2048xf32, #tpu.memory_space<vmem>> -> memref<1x8x2048xf32, #tpu.memory_space<vmem>>
        %parallel_loop3A_442 = tpu.memref_squeeze %parallel_loop3A_441 : memref<1x8x2048xf32, #tpu.memory_space<vmem>> -> memref<8x2048xf32, #tpu.memory_space<vmem>>
        %parallel_loop3A_443 = arith.index_cast %parallel_loop3A_438 : i32 to index
        %parallel_loop3A_444 = arith.index_cast %parallel_loop3A_437 : i32 to index
        %parallel_loop3A_445 = tpu.vector_load %parallel_loop3A_442[%parallel_loop3A_443, %parallel_loop3A_444] {strides = array<i32>} : memref<8x2048xf32, #tpu.memory_space<vmem>>, vector<1x16xf32>,
        %parallel_loop3A_446 = vector.shape_cast %parallel_loop3A_445 : vector<1x16xf32> to vector<16xf32>
        %parallel_loop3A_447 = arith.cmpf ogt, %parallel_loop3A_446, %mul3A_37 : vector<16xf32>
        %parallel_loop3A_448 = arith.cmpf ogt, %parallel_loop3A_446, %mul3A_41 : vector<16xf32>
        %parallel_loop3A_449 = arith.select %parallel_loop3A_448, %max3A_27, %max3A_29 : vector<16xi1>, vector<16xf32>
        %parallel_loop3A_450 = arith.cmpf ogt, %parallel_loop3A_446, %mul3A_33 : vector<16xf32>
        %parallel_loop3A_451 = arith.select %parallel_loop3A_450, %min3A_28, %min3A_24 : vector<16xi1>, vector<16xf32>
        %parallel_loop3A_452 = arith.select %parallel_loop3A_447, %parallel_loop3A_449, %parallel_loop3A_451 : vector<16xi1>, vector<16xf32>
        %parallel_loop3A_453 = arith.constant 0 : i32
        %parallel_loop3A_454 = arith.constant 0 : i32
        %parallel_loop3A_455 = arith.constant 0 : i32
        %parallel_loop3A_456 = tpu.memref_slice %arg6[%parallel_loop3A_245, %parallel_loop3A_454, %parallel_loop3A_455] : memref<4x8x2048xf32, #tpu.memory_space<vmem>> -> memref<1x8x2048xf32, #tpu.memory_space<vmem>>
        %parallel_loop3A_457 = tpu.memref_squeeze %parallel_loop3A_456 : memref<1x8x2048xf32, #tpu.memory_space<vmem>> -> memref<8x2048xf32, #tpu.memory_space<vmem>>
        %parallel_loop3A_458 = arith.index_cast %parallel_loop3A_453 : i32 to index
        %parallel_loop3A_459 = arith.index_cast %parallel_loop3A_437 : i32 to index
        %parallel_loop3A_460 = tpu.vector_load %parallel_loop3A_457[%parallel_loop3A_458, %parallel_loop3A_459] {strides = array<i32>} : memref<8x2048xf32, #tpu.memory_space<vmem>>, vector<1x16xf32>,
        %parallel_loop3A_461 = vector.shape_cast %parallel_loop3A_460 : vector<1x16xf32> to vector<16xf32>
        %parallel_loop3A_462 = vector.shape_cast %parallel_loop3A_452 : vector<16xf32> to vector<1x16xf32>
        tpu.vector_store %parallel_loop3A_457[%parallel_loop3A_458, %parallel_loop3A_459], %parallel_loop3A_462 {strides = array<i32>} : memref<8x2048xf32, #tpu.memory_space<vmem>>, vector<1x16xf32>,
      } {sc.loop_unroll_factor = 8 : i64, sc.parallel_access}
      %parallel_loop3A_246 = arith.constant 0 : i32
      %parallel_loop3A_247 = arith.constant 2048 : i32
      %parallel_loop3A_248 = arith.constant 16 : i32
      %parallel_loop3A_249 = arith.constant 1 : i32
      scf.for %parallel_loop3A_437 = %parallel_loop3A_246 to %parallel_loop3A_247 step %parallel_loop3A_248  : i32 {
        %parallel_loop3A_438 = arith.constant 1 : i32
        %parallel_loop3A_439 = arith.constant 0 : i32
        %parallel_loop3A_440 = arith.constant 0 : i32
        %parallel_loop3A_441 = tpu.memref_slice %arg6[%parallel_loop3A_249, %parallel_loop3A_439, %parallel_loop3A_440] : memref<4x8x2048xf32, #tpu.memory_space<vmem>> -> memref<1x8x2048xf32, #tpu.memory_space<vmem>>
        %parallel_loop3A_442 = tpu.memref_squeeze %parallel_loop3A_441 : memref<1x8x2048xf32, #tpu.memory_space<vmem>> -> memref<8x2048xf32, #tpu.memory_space<vmem>>
        %parallel_loop3A_443 = arith.index_cast %parallel_loop3A_438 : i32 to index
        %parallel_loop3A_444 = arith.index_cast %parallel_loop3A_437 : i32 to index
        %parallel_loop3A_445 = tpu.vector_load %parallel_loop3A_442[%parallel_loop3A_443, %parallel_loop3A_444] {strides = array<i32>} : memref<8x2048xf32, #tpu.memory_space<vmem>>, vector<1x16xf32>,
        %parallel_loop3A_446 = vector.shape_cast %parallel_loop3A_445 : vector<1x16xf32> to vector<16xf32>
        %parallel_loop3A_447 = arith.cmpf ogt, %parallel_loop3A_446, %mul3A_37 : vector<16xf32>
        %parallel_loop3A_448 = arith.cmpf ogt, %parallel_loop3A_446, %mul3A_41 : vector<16xf32>
        %parallel_loop3A_449 = arith.select %parallel_loop3A_448, %max3A_27, %max3A_29 : vector<16xi1>, vector<16xf32>
        %parallel_loop3A_450 = arith.cmpf ogt, %parallel_loop3A_446, %mul3A_33 : vector<16xf32>
        %parallel_loop3A_451 = arith.select %parallel_loop3A_450, %min3A_28, %min3A_24 : vector<16xi1>, vector<16xf32>
        %parallel_loop3A_452 = arith.select %parallel_loop3A_447, %parallel_loop3A_449, %parallel_loop3A_451 : vector<16xi1>, vector<16xf32>
        %parallel_loop3A_453 = arith.constant 1 : i32
        %parallel_loop3A_454 = arith.constant 0 : i32
        %parallel_loop3A_455 = arith.constant 0 : i32
        %parallel_loop3A_456 = tpu.memref_slice %arg6[%parallel_loop3A_249, %parallel_loop3A_454, %parallel_loop3A_455] : memref<4x8x2048xf32, #tpu.memory_space<vmem>> -> memref<1x8x2048xf32, #tpu.memory_space<vmem>>
        %parallel_loop3A_457 = tpu.memref_squeeze %parallel_loop3A_456 : memref<1x8x2048xf32, #tpu.memory_space<vmem>> -> memref<8x2048xf32, #tpu.memory_space<vmem>>
        %parallel_loop3A_458 = arith.index_cast %parallel_loop3A_453 : i32 to index
        %parallel_loop3A_459 = arith.index_cast %parallel_loop3A_437 : i32 to index
        %parallel_loop3A_460 = tpu.vector_load %parallel_loop3A_457[%parallel_loop3A_458, %parallel_loop3A_459] {strides = array<i32>} : memref<8x2048xf32, #tpu.memory_space<vmem>>, vector<1x16xf32>,
        %parallel_loop3A_461 = vector.shape_cast %parallel_loop3A_460 : vector<1x16xf32> to vector<16xf32>
        %parallel_loop3A_462 = vector.shape_cast %parallel_loop3A_452 : vector<16xf32> to vector<1x16xf32>
        tpu.vector_store %parallel_loop3A_457[%parallel_loop3A_458, %parallel_loop3A_459], %parallel_loop3A_462 {strides = array<i32>} : memref<8x2048xf32, #tpu.memory_space<vmem>>, vector<1x16xf32>,
      } {sc.loop_unroll_factor = 8 : i64, sc.parallel_access}
      %parallel_loop3A_250 = arith.constant 0 : i32
      %parallel_loop3A_251 = arith.constant 2048 : i32
      %parallel_loop3A_252 = arith.constant 16 : i32
      %parallel_loop3A_253 = arith.constant 1 : i32
      scf.for %parallel_loop3A_437 = %parallel_loop3A_250 to %parallel_loop3A_251 step %parallel_loop3A_252  : i32 {
        %parallel_loop3A_438 = arith.constant 2 : i32
        %parallel_loop3A_439 = arith.constant 0 : i32
        %parallel_loop3A_440 = arith.constant 0 : i32
        %parallel_loop3A_441 = tpu.memref_slice %arg6[%parallel_loop3A_253, %parallel_loop3A_439, %parallel_loop3A_440] : memref<4x8x2048xf32, #tpu.memory_space<vmem>> -> memref<1x8x2048xf32, #tpu.memory_space<vmem>>
        %parallel_loop3A_442 = tpu.memref_squeeze %parallel_loop3A_441 : memref<1x8x2048xf32, #tpu.memory_space<vmem>> -> memref<8x2048xf32, #tpu.memory_space<vmem>>
        %parallel_loop3A_443 = arith.index_cast %parallel_loop3A_438 : i32 to index
        %parallel_loop3A_444 = arith.index_cast %parallel_loop3A_437 : i32 to index
        %parallel_loop3A_445 = tpu.vector_load %parallel_loop3A_442[%parallel_loop3A_443, %parallel_loop3A_444] {strides = array<i32>} : memref<8x2048xf32, #tpu.memory_space<vmem>>, vector<1x16xf32>,
        %parallel_loop3A_446 = vector.shape_cast %parallel_loop3A_445 : vector<1x16xf32> to vector<16xf32>
        %parallel_loop3A_447 = arith.cmpf ogt, %parallel_loop3A_446, %mul3A_37 : vector<16xf32>
        %parallel_loop3A_448 = arith.cmpf ogt, %parallel_loop3A_446, %mul3A_41 : vector<16xf32>
        %parallel_loop3A_449 = arith.select %parallel_loop3A_448, %max3A_27, %max3A_29 : vector<16xi1>, vector<16xf32>
        %parallel_loop3A_450 = arith.cmpf ogt, %parallel_loop3A_446, %mul3A_33 : vector<16xf32>
        %parallel_loop3A_451 = arith.select %parallel_loop3A_450, %min3A_28, %min3A_24 : vector<16xi1>, vector<16xf32>
        %parallel_loop3A_452 = arith.select %parallel_loop3A_447, %parallel_loop3A_449, %parallel_loop3A_451 : vector<16xi1>, vector<16xf32>
        %parallel_loop3A_453 = arith.constant 2 : i32
        %parallel_loop3A_454 = arith.constant 0 : i32
        %parallel_loop3A_455 = arith.constant 0 : i32
        %parallel_loop3A_456 = tpu.memref_slice %arg6[%parallel_loop3A_253, %parallel_loop3A_454, %parallel_loop3A_455] : memref<4x8x2048xf32, #tpu.memory_space<vmem>> -> memref<1x8x2048xf32, #tpu.memory_space<vmem>>
        %parallel_loop3A_457 = tpu.memref_squeeze %parallel_loop3A_456 : memref<1x8x2048xf32, #tpu.memory_space<vmem>> -> memref<8x2048xf32, #tpu.memory_space<vmem>>
        %parallel_loop3A_458 = arith.index_cast %parallel_loop3A_453 : i32 to index
        %parallel_loop3A_459 = arith.index_cast %parallel_loop3A_437 : i32 to index
        %parallel_loop3A_460 = tpu.vector_load %parallel_loop3A_457[%parallel_loop3A_458, %parallel_loop3A_459] {strides = array<i32>} : memref<8x2048xf32, #tpu.memory_space<vmem>>, vector<1x16xf32>,
        %parallel_loop3A_461 = vector.shape_cast %parallel_loop3A_460 : vector<1x16xf32> to vector<16xf32>
        %parallel_loop3A_462 = vector.shape_cast %parallel_loop3A_452 : vector<16xf32> to vector<1x16xf32>
        tpu.vector_store %parallel_loop3A_457[%parallel_loop3A_458, %parallel_loop3A_459], %parallel_loop3A_462 {strides = array<i32>} : memref<8x2048xf32, #tpu.memory_space<vmem>>, vector<1x16xf32>,
      } {sc.loop_unroll_factor = 8 : i64, sc.parallel_access}
      %parallel_loop3A_254 = arith.constant 0 : i32
      %parallel_loop3A_255 = arith.constant 2048 : i32
      %parallel_loop3A_256 = arith.constant 16 : i32
      %parallel_loop3A_257 = arith.constant 1 : i32
      scf.for %parallel_loop3A_437 = %parallel_loop3A_254 to %parallel_loop3A_255 step %parallel_loop3A_256  : i32 {
        %parallel_loop3A_438 = arith.constant 3 : i32
        %parallel_loop3A_439 = arith.constant 0 : i32
        %parallel_loop3A_440 = arith.constant 0 : i32
        %parallel_loop3A_441 = tpu.memref_slice %arg6[%parallel_loop3A_257, %parallel_loop3A_439, %parallel_loop3A_440] : memref<4x8x2048xf32, #tpu.memory_space<vmem>> -> memref<1x8x2048xf32, #tpu.memory_space<vmem>>
        %parallel_loop3A_442 = tpu.memref_squeeze %parallel_loop3A_441 : memref<1x8x2048xf32, #tpu.memory_space<vmem>> -> memref<8x2048xf32, #tpu.memory_space<vmem>>
        %parallel_loop3A_443 = arith.index_cast %parallel_loop3A_438 : i32 to index
        %parallel_loop3A_444 = arith.index_cast %parallel_loop3A_437 : i32 to index
        %parallel_loop3A_445 = tpu.vector_load %parallel_loop3A_442[%parallel_loop3A_443, %parallel_loop3A_444] {strides = array<i32>} : memref<8x2048xf32, #tpu.memory_space<vmem>>, vector<1x16xf32>,
        %parallel_loop3A_446 = vector.shape_cast %parallel_loop3A_445 : vector<1x16xf32> to vector<16xf32>
        %parallel_loop3A_447 = arith.cmpf ogt, %parallel_loop3A_446, %mul3A_37 : vector<16xf32>
        %parallel_loop3A_448 = arith.cmpf ogt, %parallel_loop3A_446, %mul3A_41 : vector<16xf32>
        %parallel_loop3A_449 = arith.select %parallel_loop3A_448, %max3A_27, %max3A_29 : vector<16xi1>, vector<16xf32>
        %parallel_loop3A_450 = arith.cmpf ogt, %parallel_loop3A_446, %mul3A_33 : vector<16xf32>
        %parallel_loop3A_451 = arith.select %parallel_loop3A_450, %min3A_28, %min3A_24 : vector<16xi1>, vector<16xf32>
        %parallel_loop3A_452 = arith.select %parallel_loop3A_447, %parallel_loop3A_449, %parallel_loop3A_451 : vector<16xi1>, vector<16xf32>
        %parallel_loop3A_453 = arith.constant 3 : i32
        %parallel_loop3A_454 = arith.constant 0 : i32
        %parallel_loop3A_455 = arith.constant 0 : i32
        %parallel_loop3A_456 = tpu.memref_slice %arg6[%parallel_loop3A_257, %parallel_loop3A_454, %parallel_loop3A_455] : memref<4x8x2048xf32, #tpu.memory_space<vmem>> -> memref<1x8x2048xf32, #tpu.memory_space<vmem>>
        %parallel_loop3A_457 = tpu.memref_squeeze %parallel_loop3A_456 : memref<1x8x2048xf32, #tpu.memory_space<vmem>> -> memref<8x2048xf32, #tpu.memory_space<vmem>>
        %parallel_loop3A_458 = arith.index_cast %parallel_loop3A_453 : i32 to index
        %parallel_loop3A_459 = arith.index_cast %parallel_loop3A_437 : i32 to index
        %parallel_loop3A_460 = tpu.vector_load %parallel_loop3A_457[%parallel_loop3A_458, %parallel_loop3A_459] {strides = array<i32>} : memref<8x2048xf32, #tpu.memory_space<vmem>>, vector<1x16xf32>,
        %parallel_loop3A_461 = vector.shape_cast %parallel_loop3A_460 : vector<1x16xf32> to vector<16xf32>
        %parallel_loop3A_462 = vector.shape_cast %parallel_loop3A_452 : vector<16xf32> to vector<1x16xf32>
        tpu.vector_store %parallel_loop3A_457[%parallel_loop3A_458, %parallel_loop3A_459], %parallel_loop3A_462 {strides = array<i32>} : memref<8x2048xf32, #tpu.memory_space<vmem>>, vector<1x16xf32>,
      } {sc.loop_unroll_factor = 8 : i64, sc.parallel_access}
      %parallel_loop3A_258 = arith.constant 0 : i32
      %parallel_loop3A_259 = arith.constant 2048 : i32
      %parallel_loop3A_260 = arith.constant 16 : i32
      %parallel_loop3A_261 = arith.constant 1 : i32
      scf.for %parallel_loop3A_437 = %parallel_loop3A_258 to %parallel_loop3A_259 step %parallel_loop3A_260  : i32 {
        %parallel_loop3A_438 = arith.constant 4 : i32
        %parallel_loop3A_439 = arith.constant 0 : i32
        %parallel_loop3A_440 = arith.constant 0 : i32
        %parallel_loop3A_441 = tpu.memref_slice %arg6[%parallel_loop3A_261, %parallel_loop3A_439, %parallel_loop3A_440] : memref<4x8x2048xf32, #tpu.memory_space<vmem>> -> memref<1x8x2048xf32, #tpu.memory_space<vmem>>
        %parallel_loop3A_442 = tpu.memref_squeeze %parallel_loop3A_441 : memref<1x8x2048xf32, #tpu.memory_space<vmem>> -> memref<8x2048xf32, #tpu.memory_space<vmem>>
        %parallel_loop3A_443 = arith.index_cast %parallel_loop3A_438 : i32 to index
        %parallel_loop3A_444 = arith.index_cast %parallel_loop3A_437 : i32 to index
        %parallel_loop3A_445 = tpu.vector_load %parallel_loop3A_442[%parallel_loop3A_443, %parallel_loop3A_444] {strides = array<i32>} : memref<8x2048xf32, #tpu.memory_space<vmem>>, vector<1x16xf32>,
        %parallel_loop3A_446 = vector.shape_cast %parallel_loop3A_445 : vector<1x16xf32> to vector<16xf32>
        %parallel_loop3A_447 = arith.cmpf ogt, %parallel_loop3A_446, %mul3A_37 : vector<16xf32>
        %parallel_loop3A_448 = arith.cmpf ogt, %parallel_loop3A_446, %mul3A_41 : vector<16xf32>
        %parallel_loop3A_449 = arith.select %parallel_loop3A_448, %max3A_27, %max3A_29 : vector<16xi1>, vector<16xf32>
        %parallel_loop3A_450 = arith.cmpf ogt, %parallel_loop3A_446, %mul3A_33 : vector<16xf32>
        %parallel_loop3A_451 = arith.select %parallel_loop3A_450, %min3A_28, %min3A_24 : vector<16xi1>, vector<16xf32>
        %parallel_loop3A_452 = arith.select %parallel_loop3A_447, %parallel_loop3A_449, %parallel_loop3A_451 : vector<16xi1>, vector<16xf32>
        %parallel_loop3A_453 = arith.constant 4 : i32
        %parallel_loop3A_454 = arith.constant 0 : i32
        %parallel_loop3A_455 = arith.constant 0 : i32
        %parallel_loop3A_456 = tpu.memref_slice %arg6[%parallel_loop3A_261, %parallel_loop3A_454, %parallel_loop3A_455] : memref<4x8x2048xf32, #tpu.memory_space<vmem>> -> memref<1x8x2048xf32, #tpu.memory_space<vmem>>
        %parallel_loop3A_457 = tpu.memref_squeeze %parallel_loop3A_456 : memref<1x8x2048xf32, #tpu.memory_space<vmem>> -> memref<8x2048xf32, #tpu.memory_space<vmem>>
        %parallel_loop3A_458 = arith.index_cast %parallel_loop3A_453 : i32 to index
        %parallel_loop3A_459 = arith.index_cast %parallel_loop3A_437 : i32 to index
        %parallel_loop3A_460 = tpu.vector_load %parallel_loop3A_457[%parallel_loop3A_458, %parallel_loop3A_459] {strides = array<i32>} : memref<8x2048xf32, #tpu.memory_space<vmem>>, vector<1x16xf32>,
        %parallel_loop3A_461 = vector.shape_cast %parallel_loop3A_460 : vector<1x16xf32> to vector<16xf32>
        %parallel_loop3A_462 = vector.shape_cast %parallel_loop3A_452 : vector<16xf32> to vector<1x16xf32>
        tpu.vector_store %parallel_loop3A_457[%parallel_loop3A_458, %parallel_loop3A_459], %parallel_loop3A_462 {strides = array<i32>} : memref<8x2048xf32, #tpu.memory_space<vmem>>, vector<1x16xf32>,
      } {sc.loop_unroll_factor = 8 : i64, sc.parallel_access}
      %parallel_loop3A_262 = arith.constant 0 : i32
      %parallel_loop3A_263 = arith.constant 2048 : i32
      %parallel_loop3A_264 = arith.constant 16 : i32
      %parallel_loop3A_265 = arith.constant 1 : i32
      scf.for %parallel_loop3A_437 = %parallel_loop3A_262 to %parallel_loop3A_263 step %parallel_loop3A_264  : i32 {
        %parallel_loop3A_438 = arith.constant 5 : i32
        %parallel_loop3A_439 = arith.constant 0 : i32
        %parallel_loop3A_440 = arith.constant 0 : i32
        %parallel_loop3A_441 = tpu.memref_slice %arg6[%parallel_loop3A_265, %parallel_loop3A_439, %parallel_loop3A_440] : memref<4x8x2048xf32, #tpu.memory_space<vmem>> -> memref<1x8x2048xf32, #tpu.memory_space<vmem>>
        %parallel_loop3A_442 = tpu.memref_squeeze %parallel_loop3A_441 : memref<1x8x2048xf32, #tpu.memory_space<vmem>> -> memref<8x2048xf32, #tpu.memory_space<vmem>>
        %parallel_loop3A_443 = arith.index_cast %parallel_loop3A_438 : i32 to index
        %parallel_loop3A_444 = arith.index_cast %parallel_loop3A_437 : i32 to index
        %parallel_loop3A_445 = tpu.vector_load %parallel_loop3A_442[%parallel_loop3A_443, %parallel_loop3A_444] {strides = array<i32>} : memref<8x2048xf32, #tpu.memory_space<vmem>>, vector<1x16xf32>,
        %parallel_loop3A_446 = vector.shape_cast %parallel_loop3A_445 : vector<1x16xf32> to vector<16xf32>
        %parallel_loop3A_447 = arith.cmpf ogt, %parallel_loop3A_446, %mul3A_37 : vector<16xf32>
        %parallel_loop3A_448 = arith.cmpf ogt, %parallel_loop3A_446, %mul3A_41 : vector<16xf32>
        %parallel_loop3A_449 = arith.select %parallel_loop3A_448, %max3A_27, %max3A_29 : vector<16xi1>, vector<16xf32>
        %parallel_loop3A_450 = arith.cmpf ogt, %parallel_loop3A_446, %mul3A_33 : vector<16xf32>
        %parallel_loop3A_451 = arith.select %parallel_loop3A_450, %min3A_28, %min3A_24 : vector<16xi1>, vector<16xf32>
        %parallel_loop3A_452 = arith.select %parallel_loop3A_447, %parallel_loop3A_449, %parallel_loop3A_451 : vector<16xi1>, vector<16xf32>
        %parallel_loop3A_453 = arith.constant 5 : i32
        %parallel_loop3A_454 = arith.constant 0 : i32
        %parallel_loop3A_455 = arith.constant 0 : i32
        %parallel_loop3A_456 = tpu.memref_slice %arg6[%parallel_loop3A_265, %parallel_loop3A_454, %parallel_loop3A_455] : memref<4x8x2048xf32, #tpu.memory_space<vmem>> -> memref<1x8x2048xf32, #tpu.memory_space<vmem>>
        %parallel_loop3A_457 = tpu.memref_squeeze %parallel_loop3A_456 : memref<1x8x2048xf32, #tpu.memory_space<vmem>> -> memref<8x2048xf32, #tpu.memory_space<vmem>>
        %parallel_loop3A_458 = arith.index_cast %parallel_loop3A_453 : i32 to index
        %parallel_loop3A_459 = arith.index_cast %parallel_loop3A_437 : i32 to index
        %parallel_loop3A_460 = tpu.vector_load %parallel_loop3A_457[%parallel_loop3A_458, %parallel_loop3A_459] {strides = array<i32>} : memref<8x2048xf32, #tpu.memory_space<vmem>>, vector<1x16xf32>,
        %parallel_loop3A_461 = vector.shape_cast %parallel_loop3A_460 : vector<1x16xf32> to vector<16xf32>
        %parallel_loop3A_462 = vector.shape_cast %parallel_loop3A_452 : vector<16xf32> to vector<1x16xf32>
        tpu.vector_store %parallel_loop3A_457[%parallel_loop3A_458, %parallel_loop3A_459], %parallel_loop3A_462 {strides = array<i32>} : memref<8x2048xf32, #tpu.memory_space<vmem>>, vector<1x16xf32>,
      } {sc.loop_unroll_factor = 8 : i64, sc.parallel_access}
      %parallel_loop3A_266 = arith.constant 0 : i32
      %parallel_loop3A_267 = arith.constant 2048 : i32
      %parallel_loop3A_268 = arith.constant 16 : i32
      %parallel_loop3A_269 = arith.constant 1 : i32
      scf.for %parallel_loop3A_437 = %parallel_loop3A_266 to %parallel_loop3A_267 step %parallel_loop3A_268  : i32 {
        %parallel_loop3A_438 = arith.constant 6 : i32
        %parallel_loop3A_439 = arith.constant 0 : i32
        %parallel_loop3A_440 = arith.constant 0 : i32
        %parallel_loop3A_441 = tpu.memref_slice %arg6[%parallel_loop3A_269, %parallel_loop3A_439, %parallel_loop3A_440] : memref<4x8x2048xf32, #tpu.memory_space<vmem>> -> memref<1x8x2048xf32, #tpu.memory_space<vmem>>
        %parallel_loop3A_442 = tpu.memref_squeeze %parallel_loop3A_441 : memref<1x8x2048xf32, #tpu.memory_space<vmem>> -> memref<8x2048xf32, #tpu.memory_space<vmem>>
        %parallel_loop3A_443 = arith.index_cast %parallel_loop3A_438 : i32 to index
        %parallel_loop3A_444 = arith.index_cast %parallel_loop3A_437 : i32 to index
        %parallel_loop3A_445 = tpu.vector_load %parallel_loop3A_442[%parallel_loop3A_443, %parallel_loop3A_444] {strides = array<i32>} : memref<8x2048xf32, #tpu.memory_space<vmem>>, vector<1x16xf32>,
        %parallel_loop3A_446 = vector.shape_cast %parallel_loop3A_445 : vector<1x16xf32> to vector<16xf32>
        %parallel_loop3A_447 = arith.cmpf ogt, %parallel_loop3A_446, %mul3A_37 : vector<16xf32>
        %parallel_loop3A_448 = arith.cmpf ogt, %parallel_loop3A_446, %mul3A_41 : vector<16xf32>
        %parallel_loop3A_449 = arith.select %parallel_loop3A_448, %max3A_27, %max3A_29 : vector<16xi1>, vector<16xf32>
        %parallel_loop3A_450 = arith.cmpf ogt, %parallel_loop3A_446, %mul3A_33 : vector<16xf32>
        %parallel_loop3A_451 = arith.select %parallel_loop3A_450, %min3A_28, %min3A_24 : vector<16xi1>, vector<16xf32>
        %parallel_loop3A_452 = arith.select %parallel_loop3A_447, %parallel_loop3A_449, %parallel_loop3A_451 : vector<16xi1>, vector<16xf32>
        %parallel_loop3A_453 = arith.constant 6 : i32
        %parallel_loop3A_454 = arith.constant 0 : i32
        %parallel_loop3A_455 = arith.constant 0 : i32
        %parallel_loop3A_456 = tpu.memref_slice %arg6[%parallel_loop3A_269, %parallel_loop3A_454, %parallel_loop3A_455] : memref<4x8x2048xf32, #tpu.memory_space<vmem>> -> memref<1x8x2048xf32, #tpu.memory_space<vmem>>
        %parallel_loop3A_457 = tpu.memref_squeeze %parallel_loop3A_456 : memref<1x8x2048xf32, #tpu.memory_space<vmem>> -> memref<8x2048xf32, #tpu.memory_space<vmem>>
        %parallel_loop3A_458 = arith.index_cast %parallel_loop3A_453 : i32 to index
        %parallel_loop3A_459 = arith.index_cast %parallel_loop3A_437 : i32 to index
        %parallel_loop3A_460 = tpu.vector_load %parallel_loop3A_457[%parallel_loop3A_458, %parallel_loop3A_459] {strides = array<i32>} : memref<8x2048xf32, #tpu.memory_space<vmem>>, vector<1x16xf32>,
        %parallel_loop3A_461 = vector.shape_cast %parallel_loop3A_460 : vector<1x16xf32> to vector<16xf32>
        %parallel_loop3A_462 = vector.shape_cast %parallel_loop3A_452 : vector<16xf32> to vector<1x16xf32>
        tpu.vector_store %parallel_loop3A_457[%parallel_loop3A_458, %parallel_loop3A_459], %parallel_loop3A_462 {strides = array<i32>} : memref<8x2048xf32, #tpu.memory_space<vmem>>, vector<1x16xf32>,
      } {sc.loop_unroll_factor = 8 : i64, sc.parallel_access}
      %parallel_loop3A_270 = arith.constant 0 : i32
      %parallel_loop3A_271 = arith.constant 2048 : i32
      %parallel_loop3A_272 = arith.constant 16 : i32
      %parallel_loop3A_273 = arith.constant 1 : i32
      scf.for %parallel_loop3A_437 = %parallel_loop3A_270 to %parallel_loop3A_271 step %parallel_loop3A_272  : i32 {
        %parallel_loop3A_438 = arith.constant 7 : i32
        %parallel_loop3A_439 = arith.constant 0 : i32
        %parallel_loop3A_440 = arith.constant 0 : i32
        %parallel_loop3A_441 = tpu.memref_slice %arg6[%parallel_loop3A_273, %parallel_loop3A_439, %parallel_loop3A_440] : memref<4x8x2048xf32, #tpu.memory_space<vmem>> -> memref<1x8x2048xf32, #tpu.memory_space<vmem>>
        %parallel_loop3A_442 = tpu.memref_squeeze %parallel_loop3A_441 : memref<1x8x2048xf32, #tpu.memory_space<vmem>> -> memref<8x2048xf32, #tpu.memory_space<vmem>>
        %parallel_loop3A_443 = arith.index_cast %parallel_loop3A_438 : i32 to index
        %parallel_loop3A_444 = arith.index_cast %parallel_loop3A_437 : i32 to index
        %parallel_loop3A_445 = tpu.vector_load %parallel_loop3A_442[%parallel_loop3A_443, %parallel_loop3A_444] {strides = array<i32>} : memref<8x2048xf32, #tpu.memory_space<vmem>>, vector<1x16xf32>,
        %parallel_loop3A_446 = vector.shape_cast %parallel_loop3A_445 : vector<1x16xf32> to vector<16xf32>
        %parallel_loop3A_447 = arith.cmpf ogt, %parallel_loop3A_446, %mul3A_37 : vector<16xf32>
        %parallel_loop3A_448 = arith.cmpf ogt, %parallel_loop3A_446, %mul3A_41 : vector<16xf32>
        %parallel_loop3A_449 = arith.select %parallel_loop3A_448, %max3A_27, %max3A_29 : vector<16xi1>, vector<16xf32>
        %parallel_loop3A_450 = arith.cmpf ogt, %parallel_loop3A_446, %mul3A_33 : vector<16xf32>
        %parallel_loop3A_451 = arith.select %parallel_loop3A_450, %min3A_28, %min3A_24 : vector<16xi1>, vector<16xf32>
        %parallel_loop3A_452 = arith.select %parallel_loop3A_447, %parallel_loop3A_449, %parallel_loop3A_451 : vector<16xi1>, vector<16xf32>
        %parallel_loop3A_453 = arith.constant 7 : i32
        %parallel_loop3A_454 = arith.constant 0 : i32
        %parallel_loop3A_455 = arith.constant 0 : i32
        %parallel_loop3A_456 = tpu.memref_slice %arg6[%parallel_loop3A_273, %parallel_loop3A_454, %parallel_loop3A_455] : memref<4x8x2048xf32, #tpu.memory_space<vmem>> -> memref<1x8x2048xf32, #tpu.memory_space<vmem>>
        %parallel_loop3A_457 = tpu.memref_squeeze %parallel_loop3A_456 : memref<1x8x2048xf32, #tpu.memory_space<vmem>> -> memref<8x2048xf32, #tpu.memory_space<vmem>>
        %parallel_loop3A_458 = arith.index_cast %parallel_loop3A_453 : i32 to index
        %parallel_loop3A_459 = arith.index_cast %parallel_loop3A_437 : i32 to index
        %parallel_loop3A_460 = tpu.vector_load %parallel_loop3A_457[%parallel_loop3A_458, %parallel_loop3A_459] {strides = array<i32>} : memref<8x2048xf32, #tpu.memory_space<vmem>>, vector<1x16xf32>,
        %parallel_loop3A_461 = vector.shape_cast %parallel_loop3A_460 : vector<1x16xf32> to vector<16xf32>
        %parallel_loop3A_462 = vector.shape_cast %parallel_loop3A_452 : vector<16xf32> to vector<1x16xf32>
        tpu.vector_store %parallel_loop3A_457[%parallel_loop3A_458, %parallel_loop3A_459], %parallel_loop3A_462 {strides = array<i32>} : memref<8x2048xf32, #tpu.memory_space<vmem>>, vector<1x16xf32>,
      } {sc.loop_unroll_factor = 8 : i64, sc.parallel_access}
      %mul3A_274 = arith.constant 8 : i32
      %mul3A_275 = arith.muli %add3A_218, %mul3A_274 : i32
      %add3A_276 = arith.addi %mul3A_2, %mul3A_275 : i32
      %dma_start3A_277 = arith.constant 1 : i32
      %dma_start3A_278 = arith.constant 0 : i32
      %dma_start3A_279 = arith.constant 0 : i32
      %dma_start3A_280 = tpu.memref_slice %arg6[%dma_start3A_277, %dma_start3A_278, %dma_start3A_279] : memref<4x8x2048xf32, #tpu.memory_space<vmem>> -> memref<1x8x2048xf32, #tpu.memory_space<vmem>>
      %dma_start3A_281 = tpu.memref_squeeze %dma_start3A_280 : memref<1x8x2048xf32, #tpu.memory_space<vmem>> -> memref<8x2048xf32, #tpu.memory_space<vmem>>
      %dma_start3A_282 = arith.constant 0 : i32
      %dma_start3A_283 = tpu.memref_slice %arg4[%add3A_276, %dma_start3A_282] : memref<16384x2048xf32, #tpu.memory_space<hbm>> -> memref<8x2048xf32, #tpu.memory_space<hbm>>
      %dma_start3A_284 = arith.constant 0 : i32
      %dma_start3A_285 = tpu.memref_slice %arg4[%add3A_276, %dma_start3A_284] : memref<16384x2048xf32, #tpu.memory_space<hbm>> -> memref<8x2048xf32, #tpu.memory_space<hbm>>
      %dma_start3A_286 = arith.constant 0 : i32
      %dma_start3A_287 = arith.constant 0 : i32
      %dma_start3A_288 = tpu.memref_slice %arg6[%dma_start3A_277, %dma_start3A_286, %dma_start3A_287] : memref<4x8x2048xf32, #tpu.memory_space<vmem>> -> memref<1x8x2048xf32, #tpu.memory_space<vmem>>
      %dma_start3A_289 = tpu.memref_squeeze %dma_start3A_288 : memref<1x8x2048xf32, #tpu.memory_space<vmem>> -> memref<8x2048xf32, #tpu.memory_space<vmem>>
      tpu.enqueue_dma source(%dma_start3A_289 : memref<8x2048xf32, #tpu.memory_space<vmem>>) target(%dma_start3A_285 : memref<8x2048xf32, #tpu.memory_space<hbm>>) target_semaphore(%arg12 : memref<!tpu.dma_semaphore, #tpu.memory_space<semaphore_mem>>)
      %add3A_290 = arith.constant 2 : i32
      %add3A_291 = arith.addi %mul3A_147, %add3A_290 : i32
      %ge3A_292 = arith.constant 2 : i32
      %ge3A_293 = arith.cmpi sge, %add3A_291, %ge3A_292 : i32
      %convert_element_type3A_294 = arith.extui %ge3A_293 : i1 to i32
      %cond3A_295 = arith.constant 0 : i32
      %cond3A_296 = arith.cmpi ne, %convert_element_type3A_294, %cond3A_295 : i32
      scf.if %cond3A_296 {
        %sub3A = arith.constant 2 : i32
        %sub3A_437 = arith.subi %add3A_291, %sub3A : i32
        %mul3A_438 = arith.constant 8 : i32
        %mul3A_439 = arith.muli %sub3A_437, %mul3A_438 : i32
        %add3A_440 = arith.addi %mul3A_2, %mul3A_439 : i32
        %dma_wait3A_441 = arith.constant 0 : i32
        %dma_wait3A_442 = arith.constant 0 : i32
        %dma_wait3A_443 = arith.constant 0 : i32
        %dma_wait3A_444 = tpu.memref_slice %arg6[%dma_wait3A_441, %dma_wait3A_442, %dma_wait3A_443] : memref<4x8x2048xf32, #tpu.memory_space<vmem>> -> memref<1x8x2048xf32, #tpu.memory_space<vmem>>
        %dma_wait3A_445 = tpu.memref_squeeze %dma_wait3A_444 : memref<1x8x2048xf32, #tpu.memory_space<vmem>> -> memref<8x2048xf32, #tpu.memory_space<vmem>>
        %dma_wait3A_446 = arith.constant 0 : i32
        %dma_wait3A_447 = tpu.memref_slice %arg4[%add3A_440, %dma_wait3A_446] : memref<16384x2048xf32, #tpu.memory_space<hbm>> -> memref<8x2048xf32, #tpu.memory_space<hbm>>
        %dma_wait3A_448 = arith.constant 0 : i32
        %dma_wait3A_449 = tpu.memref_slice %arg4[%add3A_440, %dma_wait3A_448] : memref<16384x2048xf32, #tpu.memory_space<hbm>> -> memref<8x2048xf32, #tpu.memory_space<hbm>>
        %dma_wait3A_450 = arith.constant 0 : i32
        %dma_wait3A_451 = arith.constant 0 : i32
        %dma_wait3A_452 = tpu.memref_slice %arg6[%dma_wait3A_441, %dma_wait3A_450, %dma_wait3A_451] : memref<4x8x2048xf32, #tpu.memory_space<vmem>> -> memref<1x8x2048xf32, #tpu.memory_space<vmem>>
        %dma_wait3A_453 = tpu.memref_squeeze %dma_wait3A_452 : memref<1x8x2048xf32, #tpu.memory_space<vmem>> -> memref<8x2048xf32, #tpu.memory_space<vmem>>
        tpu.wait_dma2 semaphore(%arg11 : memref<!tpu.dma_semaphore, #tpu.memory_space<semaphore_mem>>) src(%dma_wait3A_453 : memref<8x2048xf32, #tpu.memory_space<vmem>>) dst(%dma_wait3A_449 : memref<8x2048xf32, #tpu.memory_space<hbm>>)
        %add3A_454 = arith.constant 2 : i32
        %add3A_455 = arith.addi %add3A_291, %add3A_454 : i32
        %lt3A = arith.constant 64 : i32
        %lt3A_456 = arith.cmpi slt, %add3A_455, %lt3A : i32
        %convert_element_type3A_457 = arith.extui %lt3A_456 : i1 to i32
        %cond3A_458 = arith.constant 0 : i32
        %cond3A_459 = arith.cmpi ne, %convert_element_type3A_457, %cond3A_458 : i32
        scf.if %cond3A_459 {
          %add3A_460 = arith.constant 2 : i32
          %add3A_461 = arith.addi %add3A_291, %add3A_460 : i32
          %add3A_462 = arith.constant 0 : i32
          %add3A_463 = arith.addi %add3A_462, %mul3A_2 : i32
          %mul3A_464 = arith.constant 8 : i32
          %mul3A_465 = arith.muli %add3A_461, %mul3A_464 : i32
          %add3A_466 = arith.addi %add3A_463, %mul3A_465 : i32
          %dma_start3A_467 = arith.constant 0 : i32
          %dma_start3A_468 = arith.constant 0 : i32
          %dma_start3A_469 = arith.constant 0 : i32
          %dma_start3A_470 = tpu.memref_slice %arg6[%dma_start3A_467, %dma_start3A_468, %dma_start3A_469] : memref<4x8x2048xf32, #tpu.memory_space<vmem>> -> memref<1x8x2048xf32, #tpu.memory_space<vmem>>
          %dma_start3A_471 = tpu.memref_squeeze %dma_start3A_470 : memref<1x8x2048xf32, #tpu.memory_space<vmem>> -> memref<8x2048xf32, #tpu.memory_space<vmem>>
          %dma_start3A_472 = arith.constant 0 : i32
          %dma_start3A_473 = tpu.memref_slice %arg3[%add3A_466, %dma_start3A_472] : memref<16384x2048xf32, #tpu.memory_space<hbm>> -> memref<8x2048xf32, #tpu.memory_space<hbm>>
          %dma_start3A_474 = arith.constant 0 : i32
          %dma_start3A_475 = arith.constant 0 : i32
          %dma_start3A_476 = tpu.memref_slice %arg6[%dma_start3A_467, %dma_start3A_474, %dma_start3A_475] : memref<4x8x2048xf32, #tpu.memory_space<vmem>> -> memref<1x8x2048xf32, #tpu.memory_space<vmem>>
          %dma_start3A_477 = tpu.memref_squeeze %dma_start3A_476 : memref<1x8x2048xf32, #tpu.memory_space<vmem>> -> memref<8x2048xf32, #tpu.memory_space<vmem>>
          %dma_start3A_478 = arith.constant 0 : i32
          %dma_start3A_479 = tpu.memref_slice %arg3[%add3A_466, %dma_start3A_478] : memref<16384x2048xf32, #tpu.memory_space<hbm>> -> memref<8x2048xf32, #tpu.memory_space<hbm>>
          tpu.enqueue_dma source(%dma_start3A_479 : memref<8x2048xf32, #tpu.memory_space<hbm>>) target(%dma_start3A_477 : memref<8x2048xf32, #tpu.memory_space<vmem>>) target_semaphore(%arg7 : memref<!tpu.dma_semaphore, #tpu.memory_space<semaphore_mem>>)
        } else {
        }
      } else {
      }
      %add3A_297 = arith.constant 0 : i32
      %add3A_298 = arith.addi %add3A_297, %mul3A_2 : i32
      %mul3A_299 = arith.constant 8 : i32
      %mul3A_300 = arith.muli %add3A_291, %mul3A_299 : i32
      %add3A_301 = arith.addi %add3A_298, %mul3A_300 : i32
      %dma_wait3A_302 = arith.constant 2 : i32
      %dma_wait3A_303 = arith.constant 0 : i32
      %dma_wait3A_304 = arith.constant 0 : i32
      %dma_wait3A_305 = tpu.memref_slice %arg6[%dma_wait3A_302, %dma_wait3A_303, %dma_wait3A_304] : memref<4x8x2048xf32, #tpu.memory_space<vmem>> -> memref<1x8x2048xf32, #tpu.memory_space<vmem>>
      %dma_wait3A_306 = tpu.memref_squeeze %dma_wait3A_305 : memref<1x8x2048xf32, #tpu.memory_space<vmem>> -> memref<8x2048xf32, #tpu.memory_space<vmem>>
      %dma_wait3A_307 = arith.constant 0 : i32
      %dma_wait3A_308 = tpu.memref_slice %arg3[%add3A_301, %dma_wait3A_307] : memref<16384x2048xf32, #tpu.memory_space<hbm>> -> memref<8x2048xf32, #tpu.memory_space<hbm>>
      %dma_wait3A_309 = arith.constant 0 : i32
      %dma_wait3A_310 = arith.constant 0 : i32
      %dma_wait3A_311 = tpu.memref_slice %arg6[%dma_wait3A_302, %dma_wait3A_309, %dma_wait3A_310] : memref<4x8x2048xf32, #tpu.memory_space<vmem>> -> memref<1x8x2048xf32, #tpu.memory_space<vmem>>
      %dma_wait3A_312 = tpu.memref_squeeze %dma_wait3A_311 : memref<1x8x2048xf32, #tpu.memory_space<vmem>> -> memref<8x2048xf32, #tpu.memory_space<vmem>>
      %dma_wait3A_313 = arith.constant 0 : i32
      %dma_wait3A_314 = tpu.memref_slice %arg3[%add3A_301, %dma_wait3A_313] : memref<16384x2048xf32, #tpu.memory_space<hbm>> -> memref<8x2048xf32, #tpu.memory_space<hbm>>
      tpu.wait_dma2 semaphore(%arg9 : memref<!tpu.dma_semaphore, #tpu.memory_space<semaphore_mem>>) src(%dma_wait3A_314 : memref<8x2048xf32, #tpu.memory_space<hbm>>) dst(%dma_wait3A_312 : memref<8x2048xf32, #tpu.memory_space<vmem>>)
      %parallel_loop3A_315 = arith.constant 0 : i32
      %parallel_loop3A_316 = arith.constant 2048 : i32
      %parallel_loop3A_317 = arith.constant 16 : i32
      %parallel_loop3A_318 = arith.constant 2 : i32
      scf.for %parallel_loop3A_437 = %parallel_loop3A_315 to %parallel_loop3A_316 step %parallel_loop3A_317  : i32 {
        %parallel_loop3A_438 = arith.constant 0 : i32
        %parallel_loop3A_439 = arith.constant 0 : i32
        %parallel_loop3A_440 = arith.constant 0 : i32
        %parallel_loop3A_441 = tpu.memref_slice %arg6[%parallel_loop3A_318, %parallel_loop3A_439, %parallel_loop3A_440] : memref<4x8x2048xf32, #tpu.memory_space<vmem>> -> memref<1x8x2048xf32, #tpu.memory_space<vmem>>
        %parallel_loop3A_442 = tpu.memref_squeeze %parallel_loop3A_441 : memref<1x8x2048xf32, #tpu.memory_space<vmem>> -> memref<8x2048xf32, #tpu.memory_space<vmem>>
        %parallel_loop3A_443 = arith.index_cast %parallel_loop3A_438 : i32 to index
        %parallel_loop3A_444 = arith.index_cast %parallel_loop3A_437 : i32 to index
        %parallel_loop3A_445 = tpu.vector_load %parallel_loop3A_442[%parallel_loop3A_443, %parallel_loop3A_444] {strides = array<i32>} : memref<8x2048xf32, #tpu.memory_space<vmem>>, vector<1x16xf32>,
        %parallel_loop3A_446 = vector.shape_cast %parallel_loop3A_445 : vector<1x16xf32> to vector<16xf32>
        %parallel_loop3A_447 = arith.cmpf ogt, %parallel_loop3A_446, %mul3A_37 : vector<16xf32>
        %parallel_loop3A_448 = arith.cmpf ogt, %parallel_loop3A_446, %mul3A_41 : vector<16xf32>
        %parallel_loop3A_449 = arith.select %parallel_loop3A_448, %max3A_27, %max3A_29 : vector<16xi1>, vector<16xf32>
        %parallel_loop3A_450 = arith.cmpf ogt, %parallel_loop3A_446, %mul3A_33 : vector<16xf32>
        %parallel_loop3A_451 = arith.select %parallel_loop3A_450, %min3A_28, %min3A_24 : vector<16xi1>, vector<16xf32>
        %parallel_loop3A_452 = arith.select %parallel_loop3A_447, %parallel_loop3A_449, %parallel_loop3A_451 : vector<16xi1>, vector<16xf32>
        %parallel_loop3A_453 = arith.constant 0 : i32
        %parallel_loop3A_454 = arith.constant 0 : i32
        %parallel_loop3A_455 = arith.constant 0 : i32
        %parallel_loop3A_456 = tpu.memref_slice %arg6[%parallel_loop3A_318, %parallel_loop3A_454, %parallel_loop3A_455] : memref<4x8x2048xf32, #tpu.memory_space<vmem>> -> memref<1x8x2048xf32, #tpu.memory_space<vmem>>
        %parallel_loop3A_457 = tpu.memref_squeeze %parallel_loop3A_456 : memref<1x8x2048xf32, #tpu.memory_space<vmem>> -> memref<8x2048xf32, #tpu.memory_space<vmem>>
        %parallel_loop3A_458 = arith.index_cast %parallel_loop3A_453 : i32 to index
        %parallel_loop3A_459 = arith.index_cast %parallel_loop3A_437 : i32 to index
        %parallel_loop3A_460 = tpu.vector_load %parallel_loop3A_457[%parallel_loop3A_458, %parallel_loop3A_459] {strides = array<i32>} : memref<8x2048xf32, #tpu.memory_space<vmem>>, vector<1x16xf32>,
        %parallel_loop3A_461 = vector.shape_cast %parallel_loop3A_460 : vector<1x16xf32> to vector<16xf32>
        %parallel_loop3A_462 = vector.shape_cast %parallel_loop3A_452 : vector<16xf32> to vector<1x16xf32>
        tpu.vector_store %parallel_loop3A_457[%parallel_loop3A_458, %parallel_loop3A_459], %parallel_loop3A_462 {strides = array<i32>} : memref<8x2048xf32, #tpu.memory_space<vmem>>, vector<1x16xf32>,
      } {sc.loop_unroll_factor = 8 : i64, sc.parallel_access}
      %parallel_loop3A_319 = arith.constant 0 : i32
      %parallel_loop3A_320 = arith.constant 2048 : i32
      %parallel_loop3A_321 = arith.constant 16 : i32
      %parallel_loop3A_322 = arith.constant 2 : i32
      scf.for %parallel_loop3A_437 = %parallel_loop3A_319 to %parallel_loop3A_320 step %parallel_loop3A_321  : i32 {
        %parallel_loop3A_438 = arith.constant 1 : i32
        %parallel_loop3A_439 = arith.constant 0 : i32
        %parallel_loop3A_440 = arith.constant 0 : i32
        %parallel_loop3A_441 = tpu.memref_slice %arg6[%parallel_loop3A_322, %parallel_loop3A_439, %parallel_loop3A_440] : memref<4x8x2048xf32, #tpu.memory_space<vmem>> -> memref<1x8x2048xf32, #tpu.memory_space<vmem>>
        %parallel_loop3A_442 = tpu.memref_squeeze %parallel_loop3A_441 : memref<1x8x2048xf32, #tpu.memory_space<vmem>> -> memref<8x2048xf32, #tpu.memory_space<vmem>>
        %parallel_loop3A_443 = arith.index_cast %parallel_loop3A_438 : i32 to index
        %parallel_loop3A_444 = arith.index_cast %parallel_loop3A_437 : i32 to index
        %parallel_loop3A_445 = tpu.vector_load %parallel_loop3A_442[%parallel_loop3A_443, %parallel_loop3A_444] {strides = array<i32>} : memref<8x2048xf32, #tpu.memory_space<vmem>>, vector<1x16xf32>,
        %parallel_loop3A_446 = vector.shape_cast %parallel_loop3A_445 : vector<1x16xf32> to vector<16xf32>
        %parallel_loop3A_447 = arith.cmpf ogt, %parallel_loop3A_446, %mul3A_37 : vector<16xf32>
        %parallel_loop3A_448 = arith.cmpf ogt, %parallel_loop3A_446, %mul3A_41 : vector<16xf32>
        %parallel_loop3A_449 = arith.select %parallel_loop3A_448, %max3A_27, %max3A_29 : vector<16xi1>, vector<16xf32>
        %parallel_loop3A_450 = arith.cmpf ogt, %parallel_loop3A_446, %mul3A_33 : vector<16xf32>
        %parallel_loop3A_451 = arith.select %parallel_loop3A_450, %min3A_28, %min3A_24 : vector<16xi1>, vector<16xf32>
        %parallel_loop3A_452 = arith.select %parallel_loop3A_447, %parallel_loop3A_449, %parallel_loop3A_451 : vector<16xi1>, vector<16xf32>
        %parallel_loop3A_453 = arith.constant 1 : i32
        %parallel_loop3A_454 = arith.constant 0 : i32
        %parallel_loop3A_455 = arith.constant 0 : i32
        %parallel_loop3A_456 = tpu.memref_slice %arg6[%parallel_loop3A_322, %parallel_loop3A_454, %parallel_loop3A_455] : memref<4x8x2048xf32, #tpu.memory_space<vmem>> -> memref<1x8x2048xf32, #tpu.memory_space<vmem>>
        %parallel_loop3A_457 = tpu.memref_squeeze %parallel_loop3A_456 : memref<1x8x2048xf32, #tpu.memory_space<vmem>> -> memref<8x2048xf32, #tpu.memory_space<vmem>>
        %parallel_loop3A_458 = arith.index_cast %parallel_loop3A_453 : i32 to index
        %parallel_loop3A_459 = arith.index_cast %parallel_loop3A_437 : i32 to index
        %parallel_loop3A_460 = tpu.vector_load %parallel_loop3A_457[%parallel_loop3A_458, %parallel_loop3A_459] {strides = array<i32>} : memref<8x2048xf32, #tpu.memory_space<vmem>>, vector<1x16xf32>,
        %parallel_loop3A_461 = vector.shape_cast %parallel_loop3A_460 : vector<1x16xf32> to vector<16xf32>
        %parallel_loop3A_462 = vector.shape_cast %parallel_loop3A_452 : vector<16xf32> to vector<1x16xf32>
        tpu.vector_store %parallel_loop3A_457[%parallel_loop3A_458, %parallel_loop3A_459], %parallel_loop3A_462 {strides = array<i32>} : memref<8x2048xf32, #tpu.memory_space<vmem>>, vector<1x16xf32>,
      } {sc.loop_unroll_factor = 8 : i64, sc.parallel_access}
      %parallel_loop3A_323 = arith.constant 0 : i32
      %parallel_loop3A_324 = arith.constant 2048 : i32
      %parallel_loop3A_325 = arith.constant 16 : i32
      %parallel_loop3A_326 = arith.constant 2 : i32
      scf.for %parallel_loop3A_437 = %parallel_loop3A_323 to %parallel_loop3A_324 step %parallel_loop3A_325  : i32 {
        %parallel_loop3A_438 = arith.constant 2 : i32
        %parallel_loop3A_439 = arith.constant 0 : i32
        %parallel_loop3A_440 = arith.constant 0 : i32
        %parallel_loop3A_441 = tpu.memref_slice %arg6[%parallel_loop3A_326, %parallel_loop3A_439, %parallel_loop3A_440] : memref<4x8x2048xf32, #tpu.memory_space<vmem>> -> memref<1x8x2048xf32, #tpu.memory_space<vmem>>
        %parallel_loop3A_442 = tpu.memref_squeeze %parallel_loop3A_441 : memref<1x8x2048xf32, #tpu.memory_space<vmem>> -> memref<8x2048xf32, #tpu.memory_space<vmem>>
        %parallel_loop3A_443 = arith.index_cast %parallel_loop3A_438 : i32 to index
        %parallel_loop3A_444 = arith.index_cast %parallel_loop3A_437 : i32 to index
        %parallel_loop3A_445 = tpu.vector_load %parallel_loop3A_442[%parallel_loop3A_443, %parallel_loop3A_444] {strides = array<i32>} : memref<8x2048xf32, #tpu.memory_space<vmem>>, vector<1x16xf32>,
        %parallel_loop3A_446 = vector.shape_cast %parallel_loop3A_445 : vector<1x16xf32> to vector<16xf32>
        %parallel_loop3A_447 = arith.cmpf ogt, %parallel_loop3A_446, %mul3A_37 : vector<16xf32>
        %parallel_loop3A_448 = arith.cmpf ogt, %parallel_loop3A_446, %mul3A_41 : vector<16xf32>
        %parallel_loop3A_449 = arith.select %parallel_loop3A_448, %max3A_27, %max3A_29 : vector<16xi1>, vector<16xf32>
        %parallel_loop3A_450 = arith.cmpf ogt, %parallel_loop3A_446, %mul3A_33 : vector<16xf32>
        %parallel_loop3A_451 = arith.select %parallel_loop3A_450, %min3A_28, %min3A_24 : vector<16xi1>, vector<16xf32>
        %parallel_loop3A_452 = arith.select %parallel_loop3A_447, %parallel_loop3A_449, %parallel_loop3A_451 : vector<16xi1>, vector<16xf32>
        %parallel_loop3A_453 = arith.constant 2 : i32
        %parallel_loop3A_454 = arith.constant 0 : i32
        %parallel_loop3A_455 = arith.constant 0 : i32
        %parallel_loop3A_456 = tpu.memref_slice %arg6[%parallel_loop3A_326, %parallel_loop3A_454, %parallel_loop3A_455] : memref<4x8x2048xf32, #tpu.memory_space<vmem>> -> memref<1x8x2048xf32, #tpu.memory_space<vmem>>
        %parallel_loop3A_457 = tpu.memref_squeeze %parallel_loop3A_456 : memref<1x8x2048xf32, #tpu.memory_space<vmem>> -> memref<8x2048xf32, #tpu.memory_space<vmem>>
        %parallel_loop3A_458 = arith.index_cast %parallel_loop3A_453 : i32 to index
        %parallel_loop3A_459 = arith.index_cast %parallel_loop3A_437 : i32 to index
        %parallel_loop3A_460 = tpu.vector_load %parallel_loop3A_457[%parallel_loop3A_458, %parallel_loop3A_459] {strides = array<i32>} : memref<8x2048xf32, #tpu.memory_space<vmem>>, vector<1x16xf32>,
        %parallel_loop3A_461 = vector.shape_cast %parallel_loop3A_460 : vector<1x16xf32> to vector<16xf32>
        %parallel_loop3A_462 = vector.shape_cast %parallel_loop3A_452 : vector<16xf32> to vector<1x16xf32>
        tpu.vector_store %parallel_loop3A_457[%parallel_loop3A_458, %parallel_loop3A_459], %parallel_loop3A_462 {strides = array<i32>} : memref<8x2048xf32, #tpu.memory_space<vmem>>, vector<1x16xf32>,
      } {sc.loop_unroll_factor = 8 : i64, sc.parallel_access}
      %parallel_loop3A_327 = arith.constant 0 : i32
      %parallel_loop3A_328 = arith.constant 2048 : i32
      %parallel_loop3A_329 = arith.constant 16 : i32
      %parallel_loop3A_330 = arith.constant 2 : i32
      scf.for %parallel_loop3A_437 = %parallel_loop3A_327 to %parallel_loop3A_328 step %parallel_loop3A_329  : i32 {
        %parallel_loop3A_438 = arith.constant 3 : i32
        %parallel_loop3A_439 = arith.constant 0 : i32
        %parallel_loop3A_440 = arith.constant 0 : i32
        %parallel_loop3A_441 = tpu.memref_slice %arg6[%parallel_loop3A_330, %parallel_loop3A_439, %parallel_loop3A_440] : memref<4x8x2048xf32, #tpu.memory_space<vmem>> -> memref<1x8x2048xf32, #tpu.memory_space<vmem>>
        %parallel_loop3A_442 = tpu.memref_squeeze %parallel_loop3A_441 : memref<1x8x2048xf32, #tpu.memory_space<vmem>> -> memref<8x2048xf32, #tpu.memory_space<vmem>>
        %parallel_loop3A_443 = arith.index_cast %parallel_loop3A_438 : i32 to index
        %parallel_loop3A_444 = arith.index_cast %parallel_loop3A_437 : i32 to index
        %parallel_loop3A_445 = tpu.vector_load %parallel_loop3A_442[%parallel_loop3A_443, %parallel_loop3A_444] {strides = array<i32>} : memref<8x2048xf32, #tpu.memory_space<vmem>>, vector<1x16xf32>,
        %parallel_loop3A_446 = vector.shape_cast %parallel_loop3A_445 : vector<1x16xf32> to vector<16xf32>
        %parallel_loop3A_447 = arith.cmpf ogt, %parallel_loop3A_446, %mul3A_37 : vector<16xf32>
        %parallel_loop3A_448 = arith.cmpf ogt, %parallel_loop3A_446, %mul3A_41 : vector<16xf32>
        %parallel_loop3A_449 = arith.select %parallel_loop3A_448, %max3A_27, %max3A_29 : vector<16xi1>, vector<16xf32>
        %parallel_loop3A_450 = arith.cmpf ogt, %parallel_loop3A_446, %mul3A_33 : vector<16xf32>
        %parallel_loop3A_451 = arith.select %parallel_loop3A_450, %min3A_28, %min3A_24 : vector<16xi1>, vector<16xf32>
        %parallel_loop3A_452 = arith.select %parallel_loop3A_447, %parallel_loop3A_449, %parallel_loop3A_451 : vector<16xi1>, vector<16xf32>
        %parallel_loop3A_453 = arith.constant 3 : i32
        %parallel_loop3A_454 = arith.constant 0 : i32
        %parallel_loop3A_455 = arith.constant 0 : i32
        %parallel_loop3A_456 = tpu.memref_slice %arg6[%parallel_loop3A_330, %parallel_loop3A_454, %parallel_loop3A_455] : memref<4x8x2048xf32, #tpu.memory_space<vmem>> -> memref<1x8x2048xf32, #tpu.memory_space<vmem>>
        %parallel_loop3A_457 = tpu.memref_squeeze %parallel_loop3A_456 : memref<1x8x2048xf32, #tpu.memory_space<vmem>> -> memref<8x2048xf32, #tpu.memory_space<vmem>>
        %parallel_loop3A_458 = arith.index_cast %parallel_loop3A_453 : i32 to index
        %parallel_loop3A_459 = arith.index_cast %parallel_loop3A_437 : i32 to index
        %parallel_loop3A_460 = tpu.vector_load %parallel_loop3A_457[%parallel_loop3A_458, %parallel_loop3A_459] {strides = array<i32>} : memref<8x2048xf32, #tpu.memory_space<vmem>>, vector<1x16xf32>,
        %parallel_loop3A_461 = vector.shape_cast %parallel_loop3A_460 : vector<1x16xf32> to vector<16xf32>
        %parallel_loop3A_462 = vector.shape_cast %parallel_loop3A_452 : vector<16xf32> to vector<1x16xf32>
        tpu.vector_store %parallel_loop3A_457[%parallel_loop3A_458, %parallel_loop3A_459], %parallel_loop3A_462 {strides = array<i32>} : memref<8x2048xf32, #tpu.memory_space<vmem>>, vector<1x16xf32>,
      } {sc.loop_unroll_factor = 8 : i64, sc.parallel_access}
      %parallel_loop3A_331 = arith.constant 0 : i32
      %parallel_loop3A_332 = arith.constant 2048 : i32
      %parallel_loop3A_333 = arith.constant 16 : i32
      %parallel_loop3A_334 = arith.constant 2 : i32
      scf.for %parallel_loop3A_437 = %parallel_loop3A_331 to %parallel_loop3A_332 step %parallel_loop3A_333  : i32 {
        %parallel_loop3A_438 = arith.constant 4 : i32
        %parallel_loop3A_439 = arith.constant 0 : i32
        %parallel_loop3A_440 = arith.constant 0 : i32
        %parallel_loop3A_441 = tpu.memref_slice %arg6[%parallel_loop3A_334, %parallel_loop3A_439, %parallel_loop3A_440] : memref<4x8x2048xf32, #tpu.memory_space<vmem>> -> memref<1x8x2048xf32, #tpu.memory_space<vmem>>
        %parallel_loop3A_442 = tpu.memref_squeeze %parallel_loop3A_441 : memref<1x8x2048xf32, #tpu.memory_space<vmem>> -> memref<8x2048xf32, #tpu.memory_space<vmem>>
        %parallel_loop3A_443 = arith.index_cast %parallel_loop3A_438 : i32 to index
        %parallel_loop3A_444 = arith.index_cast %parallel_loop3A_437 : i32 to index
        %parallel_loop3A_445 = tpu.vector_load %parallel_loop3A_442[%parallel_loop3A_443, %parallel_loop3A_444] {strides = array<i32>} : memref<8x2048xf32, #tpu.memory_space<vmem>>, vector<1x16xf32>,
        %parallel_loop3A_446 = vector.shape_cast %parallel_loop3A_445 : vector<1x16xf32> to vector<16xf32>
        %parallel_loop3A_447 = arith.cmpf ogt, %parallel_loop3A_446, %mul3A_37 : vector<16xf32>
        %parallel_loop3A_448 = arith.cmpf ogt, %parallel_loop3A_446, %mul3A_41 : vector<16xf32>
        %parallel_loop3A_449 = arith.select %parallel_loop3A_448, %max3A_27, %max3A_29 : vector<16xi1>, vector<16xf32>
        %parallel_loop3A_450 = arith.cmpf ogt, %parallel_loop3A_446, %mul3A_33 : vector<16xf32>
        %parallel_loop3A_451 = arith.select %parallel_loop3A_450, %min3A_28, %min3A_24 : vector<16xi1>, vector<16xf32>
        %parallel_loop3A_452 = arith.select %parallel_loop3A_447, %parallel_loop3A_449, %parallel_loop3A_451 : vector<16xi1>, vector<16xf32>
        %parallel_loop3A_453 = arith.constant 4 : i32
        %parallel_loop3A_454 = arith.constant 0 : i32
        %parallel_loop3A_455 = arith.constant 0 : i32
        %parallel_loop3A_456 = tpu.memref_slice %arg6[%parallel_loop3A_334, %parallel_loop3A_454, %parallel_loop3A_455] : memref<4x8x2048xf32, #tpu.memory_space<vmem>> -> memref<1x8x2048xf32, #tpu.memory_space<vmem>>
        %parallel_loop3A_457 = tpu.memref_squeeze %parallel_loop3A_456 : memref<1x8x2048xf32, #tpu.memory_space<vmem>> -> memref<8x2048xf32, #tpu.memory_space<vmem>>
        %parallel_loop3A_458 = arith.index_cast %parallel_loop3A_453 : i32 to index
        %parallel_loop3A_459 = arith.index_cast %parallel_loop3A_437 : i32 to index
        %parallel_loop3A_460 = tpu.vector_load %parallel_loop3A_457[%parallel_loop3A_458, %parallel_loop3A_459] {strides = array<i32>} : memref<8x2048xf32, #tpu.memory_space<vmem>>, vector<1x16xf32>,
        %parallel_loop3A_461 = vector.shape_cast %parallel_loop3A_460 : vector<1x16xf32> to vector<16xf32>
        %parallel_loop3A_462 = vector.shape_cast %parallel_loop3A_452 : vector<16xf32> to vector<1x16xf32>
        tpu.vector_store %parallel_loop3A_457[%parallel_loop3A_458, %parallel_loop3A_459], %parallel_loop3A_462 {strides = array<i32>} : memref<8x2048xf32, #tpu.memory_space<vmem>>, vector<1x16xf32>,
      } {sc.loop_unroll_factor = 8 : i64, sc.parallel_access}
      %parallel_loop3A_335 = arith.constant 0 : i32
      %parallel_loop3A_336 = arith.constant 2048 : i32
      %parallel_loop3A_337 = arith.constant 16 : i32
      %parallel_loop3A_338 = arith.constant 2 : i32
      scf.for %parallel_loop3A_437 = %parallel_loop3A_335 to %parallel_loop3A_336 step %parallel_loop3A_337  : i32 {
        %parallel_loop3A_438 = arith.constant 5 : i32
        %parallel_loop3A_439 = arith.constant 0 : i32
        %parallel_loop3A_440 = arith.constant 0 : i32
        %parallel_loop3A_441 = tpu.memref_slice %arg6[%parallel_loop3A_338, %parallel_loop3A_439, %parallel_loop3A_440] : memref<4x8x2048xf32, #tpu.memory_space<vmem>> -> memref<1x8x2048xf32, #tpu.memory_space<vmem>>
        %parallel_loop3A_442 = tpu.memref_squeeze %parallel_loop3A_441 : memref<1x8x2048xf32, #tpu.memory_space<vmem>> -> memref<8x2048xf32, #tpu.memory_space<vmem>>
        %parallel_loop3A_443 = arith.index_cast %parallel_loop3A_438 : i32 to index
        %parallel_loop3A_444 = arith.index_cast %parallel_loop3A_437 : i32 to index
        %parallel_loop3A_445 = tpu.vector_load %parallel_loop3A_442[%parallel_loop3A_443, %parallel_loop3A_444] {strides = array<i32>} : memref<8x2048xf32, #tpu.memory_space<vmem>>, vector<1x16xf32>,
        %parallel_loop3A_446 = vector.shape_cast %parallel_loop3A_445 : vector<1x16xf32> to vector<16xf32>
        %parallel_loop3A_447 = arith.cmpf ogt, %parallel_loop3A_446, %mul3A_37 : vector<16xf32>
        %parallel_loop3A_448 = arith.cmpf ogt, %parallel_loop3A_446, %mul3A_41 : vector<16xf32>
        %parallel_loop3A_449 = arith.select %parallel_loop3A_448, %max3A_27, %max3A_29 : vector<16xi1>, vector<16xf32>
        %parallel_loop3A_450 = arith.cmpf ogt, %parallel_loop3A_446, %mul3A_33 : vector<16xf32>
        %parallel_loop3A_451 = arith.select %parallel_loop3A_450, %min3A_28, %min3A_24 : vector<16xi1>, vector<16xf32>
        %parallel_loop3A_452 = arith.select %parallel_loop3A_447, %parallel_loop3A_449, %parallel_loop3A_451 : vector<16xi1>, vector<16xf32>
        %parallel_loop3A_453 = arith.constant 5 : i32
        %parallel_loop3A_454 = arith.constant 0 : i32
        %parallel_loop3A_455 = arith.constant 0 : i32
        %parallel_loop3A_456 = tpu.memref_slice %arg6[%parallel_loop3A_338, %parallel_loop3A_454, %parallel_loop3A_455] : memref<4x8x2048xf32, #tpu.memory_space<vmem>> -> memref<1x8x2048xf32, #tpu.memory_space<vmem>>
        %parallel_loop3A_457 = tpu.memref_squeeze %parallel_loop3A_456 : memref<1x8x2048xf32, #tpu.memory_space<vmem>> -> memref<8x2048xf32, #tpu.memory_space<vmem>>
        %parallel_loop3A_458 = arith.index_cast %parallel_loop3A_453 : i32 to index
        %parallel_loop3A_459 = arith.index_cast %parallel_loop3A_437 : i32 to index
        %parallel_loop3A_460 = tpu.vector_load %parallel_loop3A_457[%parallel_loop3A_458, %parallel_loop3A_459] {strides = array<i32>} : memref<8x2048xf32, #tpu.memory_space<vmem>>, vector<1x16xf32>,
        %parallel_loop3A_461 = vector.shape_cast %parallel_loop3A_460 : vector<1x16xf32> to vector<16xf32>
        %parallel_loop3A_462 = vector.shape_cast %parallel_loop3A_452 : vector<16xf32> to vector<1x16xf32>
        tpu.vector_store %parallel_loop3A_457[%parallel_loop3A_458, %parallel_loop3A_459], %parallel_loop3A_462 {strides = array<i32>} : memref<8x2048xf32, #tpu.memory_space<vmem>>, vector<1x16xf32>,
      } {sc.loop_unroll_factor = 8 : i64, sc.parallel_access}
      %parallel_loop3A_339 = arith.constant 0 : i32
      %parallel_loop3A_340 = arith.constant 2048 : i32
      %parallel_loop3A_341 = arith.constant 16 : i32
      %parallel_loop3A_342 = arith.constant 2 : i32
      scf.for %parallel_loop3A_437 = %parallel_loop3A_339 to %parallel_loop3A_340 step %parallel_loop3A_341  : i32 {
        %parallel_loop3A_438 = arith.constant 6 : i32
        %parallel_loop3A_439 = arith.constant 0 : i32
        %parallel_loop3A_440 = arith.constant 0 : i32
        %parallel_loop3A_441 = tpu.memref_slice %arg6[%parallel_loop3A_342, %parallel_loop3A_439, %parallel_loop3A_440] : memref<4x8x2048xf32, #tpu.memory_space<vmem>> -> memref<1x8x2048xf32, #tpu.memory_space<vmem>>
        %parallel_loop3A_442 = tpu.memref_squeeze %parallel_loop3A_441 : memref<1x8x2048xf32, #tpu.memory_space<vmem>> -> memref<8x2048xf32, #tpu.memory_space<vmem>>
        %parallel_loop3A_443 = arith.index_cast %parallel_loop3A_438 : i32 to index
        %parallel_loop3A_444 = arith.index_cast %parallel_loop3A_437 : i32 to index
        %parallel_loop3A_445 = tpu.vector_load %parallel_loop3A_442[%parallel_loop3A_443, %parallel_loop3A_444] {strides = array<i32>} : memref<8x2048xf32, #tpu.memory_space<vmem>>, vector<1x16xf32>,
        %parallel_loop3A_446 = vector.shape_cast %parallel_loop3A_445 : vector<1x16xf32> to vector<16xf32>
        %parallel_loop3A_447 = arith.cmpf ogt, %parallel_loop3A_446, %mul3A_37 : vector<16xf32>
        %parallel_loop3A_448 = arith.cmpf ogt, %parallel_loop3A_446, %mul3A_41 : vector<16xf32>
        %parallel_loop3A_449 = arith.select %parallel_loop3A_448, %max3A_27, %max3A_29 : vector<16xi1>, vector<16xf32>
        %parallel_loop3A_450 = arith.cmpf ogt, %parallel_loop3A_446, %mul3A_33 : vector<16xf32>
        %parallel_loop3A_451 = arith.select %parallel_loop3A_450, %min3A_28, %min3A_24 : vector<16xi1>, vector<16xf32>
        %parallel_loop3A_452 = arith.select %parallel_loop3A_447, %parallel_loop3A_449, %parallel_loop3A_451 : vector<16xi1>, vector<16xf32>
        %parallel_loop3A_453 = arith.constant 6 : i32
        %parallel_loop3A_454 = arith.constant 0 : i32
        %parallel_loop3A_455 = arith.constant 0 : i32
        %parallel_loop3A_456 = tpu.memref_slice %arg6[%parallel_loop3A_342, %parallel_loop3A_454, %parallel_loop3A_455] : memref<4x8x2048xf32, #tpu.memory_space<vmem>> -> memref<1x8x2048xf32, #tpu.memory_space<vmem>>
        %parallel_loop3A_457 = tpu.memref_squeeze %parallel_loop3A_456 : memref<1x8x2048xf32, #tpu.memory_space<vmem>> -> memref<8x2048xf32, #tpu.memory_space<vmem>>
        %parallel_loop3A_458 = arith.index_cast %parallel_loop3A_453 : i32 to index
        %parallel_loop3A_459 = arith.index_cast %parallel_loop3A_437 : i32 to index
        %parallel_loop3A_460 = tpu.vector_load %parallel_loop3A_457[%parallel_loop3A_458, %parallel_loop3A_459] {strides = array<i32>} : memref<8x2048xf32, #tpu.memory_space<vmem>>, vector<1x16xf32>,
        %parallel_loop3A_461 = vector.shape_cast %parallel_loop3A_460 : vector<1x16xf32> to vector<16xf32>
        %parallel_loop3A_462 = vector.shape_cast %parallel_loop3A_452 : vector<16xf32> to vector<1x16xf32>
        tpu.vector_store %parallel_loop3A_457[%parallel_loop3A_458, %parallel_loop3A_459], %parallel_loop3A_462 {strides = array<i32>} : memref<8x2048xf32, #tpu.memory_space<vmem>>, vector<1x16xf32>,
      } {sc.loop_unroll_factor = 8 : i64, sc.parallel_access}
      %parallel_loop3A_343 = arith.constant 0 : i32
      %parallel_loop3A_344 = arith.constant 2048 : i32
      %parallel_loop3A_345 = arith.constant 16 : i32
      %parallel_loop3A_346 = arith.constant 2 : i32
      scf.for %parallel_loop3A_437 = %parallel_loop3A_343 to %parallel_loop3A_344 step %parallel_loop3A_345  : i32 {
        %parallel_loop3A_438 = arith.constant 7 : i32
        %parallel_loop3A_439 = arith.constant 0 : i32
        %parallel_loop3A_440 = arith.constant 0 : i32
        %parallel_loop3A_441 = tpu.memref_slice %arg6[%parallel_loop3A_346, %parallel_loop3A_439, %parallel_loop3A_440] : memref<4x8x2048xf32, #tpu.memory_space<vmem>> -> memref<1x8x2048xf32, #tpu.memory_space<vmem>>
        %parallel_loop3A_442 = tpu.memref_squeeze %parallel_loop3A_441 : memref<1x8x2048xf32, #tpu.memory_space<vmem>> -> memref<8x2048xf32, #tpu.memory_space<vmem>>
        %parallel_loop3A_443 = arith.index_cast %parallel_loop3A_438 : i32 to index
        %parallel_loop3A_444 = arith.index_cast %parallel_loop3A_437 : i32 to index
        %parallel_loop3A_445 = tpu.vector_load %parallel_loop3A_442[%parallel_loop3A_443, %parallel_loop3A_444] {strides = array<i32>} : memref<8x2048xf32, #tpu.memory_space<vmem>>, vector<1x16xf32>,
        %parallel_loop3A_446 = vector.shape_cast %parallel_loop3A_445 : vector<1x16xf32> to vector<16xf32>
        %parallel_loop3A_447 = arith.cmpf ogt, %parallel_loop3A_446, %mul3A_37 : vector<16xf32>
        %parallel_loop3A_448 = arith.cmpf ogt, %parallel_loop3A_446, %mul3A_41 : vector<16xf32>
        %parallel_loop3A_449 = arith.select %parallel_loop3A_448, %max3A_27, %max3A_29 : vector<16xi1>, vector<16xf32>
        %parallel_loop3A_450 = arith.cmpf ogt, %parallel_loop3A_446, %mul3A_33 : vector<16xf32>
        %parallel_loop3A_451 = arith.select %parallel_loop3A_450, %min3A_28, %min3A_24 : vector<16xi1>, vector<16xf32>
        %parallel_loop3A_452 = arith.select %parallel_loop3A_447, %parallel_loop3A_449, %parallel_loop3A_451 : vector<16xi1>, vector<16xf32>
        %parallel_loop3A_453 = arith.constant 7 : i32
        %parallel_loop3A_454 = arith.constant 0 : i32
        %parallel_loop3A_455 = arith.constant 0 : i32
        %parallel_loop3A_456 = tpu.memref_slice %arg6[%parallel_loop3A_346, %parallel_loop3A_454, %parallel_loop3A_455] : memref<4x8x2048xf32, #tpu.memory_space<vmem>> -> memref<1x8x2048xf32, #tpu.memory_space<vmem>>
        %parallel_loop3A_457 = tpu.memref_squeeze %parallel_loop3A_456 : memref<1x8x2048xf32, #tpu.memory_space<vmem>> -> memref<8x2048xf32, #tpu.memory_space<vmem>>
        %parallel_loop3A_458 = arith.index_cast %parallel_loop3A_453 : i32 to index
        %parallel_loop3A_459 = arith.index_cast %parallel_loop3A_437 : i32 to index
        %parallel_loop3A_460 = tpu.vector_load %parallel_loop3A_457[%parallel_loop3A_458, %parallel_loop3A_459] {strides = array<i32>} : memref<8x2048xf32, #tpu.memory_space<vmem>>, vector<1x16xf32>,
        %parallel_loop3A_461 = vector.shape_cast %parallel_loop3A_460 : vector<1x16xf32> to vector<16xf32>
        %parallel_loop3A_462 = vector.shape_cast %parallel_loop3A_452 : vector<16xf32> to vector<1x16xf32>
        tpu.vector_store %parallel_loop3A_457[%parallel_loop3A_458, %parallel_loop3A_459], %parallel_loop3A_462 {strides = array<i32>} : memref<8x2048xf32, #tpu.memory_space<vmem>>, vector<1x16xf32>,
      } {sc.loop_unroll_factor = 8 : i64, sc.parallel_access}
      %mul3A_347 = arith.constant 8 : i32
      %mul3A_348 = arith.muli %add3A_291, %mul3A_347 : i32
      %add3A_349 = arith.addi %mul3A_2, %mul3A_348 : i32
      %dma_start3A_350 = arith.constant 2 : i32
      %dma_start3A_351 = arith.constant 0 : i32
      %dma_start3A_352 = arith.constant 0 : i32
      %dma_start3A_353 = tpu.memref_slice %arg6[%dma_start3A_350, %dma_start3A_351, %dma_start3A_352] : memref<4x8x2048xf32, #tpu.memory_space<vmem>> -> memref<1x8x2048xf32, #tpu.memory_space<vmem>>
      %dma_start3A_354 = tpu.memref_squeeze %dma_start3A_353 : memref<1x8x2048xf32, #tpu.memory_space<vmem>> -> memref<8x2048xf32, #tpu.memory_space<vmem>>
      %dma_start3A_355 = arith.constant 0 : i32
      %dma_start3A_356 = tpu.memref_slice %arg4[%add3A_349, %dma_start3A_355] : memref<16384x2048xf32, #tpu.memory_space<hbm>> -> memref<8x2048xf32, #tpu.memory_space<hbm>>
      %dma_start3A_357 = arith.constant 0 : i32
      %dma_start3A_358 = tpu.memref_slice %arg4[%add3A_349, %dma_start3A_357] : memref<16384x2048xf32, #tpu.memory_space<hbm>> -> memref<8x2048xf32, #tpu.memory_space<hbm>>
      %dma_start3A_359 = arith.constant 0 : i32
      %dma_start3A_360 = arith.constant 0 : i32
      %dma_start3A_361 = tpu.memref_slice %arg6[%dma_start3A_350, %dma_start3A_359, %dma_start3A_360] : memref<4x8x2048xf32, #tpu.memory_space<vmem>> -> memref<1x8x2048xf32, #tpu.memory_space<vmem>>
      %dma_start3A_362 = tpu.memref_squeeze %dma_start3A_361 : memref<1x8x2048xf32, #tpu.memory_space<vmem>> -> memref<8x2048xf32, #tpu.memory_space<vmem>>
      tpu.enqueue_dma source(%dma_start3A_362 : memref<8x2048xf32, #tpu.memory_space<vmem>>) target(%dma_start3A_358 : memref<8x2048xf32, #tpu.memory_space<hbm>>) target_semaphore(%arg13 : memref<!tpu.dma_semaphore, #tpu.memory_space<semaphore_mem>>)
      %add3A_363 = arith.constant 3 : i32
      %add3A_364 = arith.addi %mul3A_147, %add3A_363 : i32
      %ge3A_365 = arith.constant 2 : i32
      %ge3A_366 = arith.cmpi sge, %add3A_364, %ge3A_365 : i32
      %convert_element_type3A_367 = arith.extui %ge3A_366 : i1 to i32
      %cond3A_368 = arith.constant 0 : i32
      %cond3A_369 = arith.cmpi ne, %convert_element_type3A_367, %cond3A_368 : i32
      scf.if %cond3A_369 {
        %sub3A = arith.constant 2 : i32
        %sub3A_437 = arith.subi %add3A_364, %sub3A : i32
        %mul3A_438 = arith.constant 8 : i32
        %mul3A_439 = arith.muli %sub3A_437, %mul3A_438 : i32
        %add3A_440 = arith.addi %mul3A_2, %mul3A_439 : i32
        %dma_wait3A_441 = arith.constant 1 : i32
        %dma_wait3A_442 = arith.constant 0 : i32
        %dma_wait3A_443 = arith.constant 0 : i32
        %dma_wait3A_444 = tpu.memref_slice %arg6[%dma_wait3A_441, %dma_wait3A_442, %dma_wait3A_443] : memref<4x8x2048xf32, #tpu.memory_space<vmem>> -> memref<1x8x2048xf32, #tpu.memory_space<vmem>>
        %dma_wait3A_445 = tpu.memref_squeeze %dma_wait3A_444 : memref<1x8x2048xf32, #tpu.memory_space<vmem>> -> memref<8x2048xf32, #tpu.memory_space<vmem>>
        %dma_wait3A_446 = arith.constant 0 : i32
        %dma_wait3A_447 = tpu.memref_slice %arg4[%add3A_440, %dma_wait3A_446] : memref<16384x2048xf32, #tpu.memory_space<hbm>> -> memref<8x2048xf32, #tpu.memory_space<hbm>>
        %dma_wait3A_448 = arith.constant 0 : i32
        %dma_wait3A_449 = tpu.memref_slice %arg4[%add3A_440, %dma_wait3A_448] : memref<16384x2048xf32, #tpu.memory_space<hbm>> -> memref<8x2048xf32, #tpu.memory_space<hbm>>
        %dma_wait3A_450 = arith.constant 0 : i32
        %dma_wait3A_451 = arith.constant 0 : i32
        %dma_wait3A_452 = tpu.memref_slice %arg6[%dma_wait3A_441, %dma_wait3A_450, %dma_wait3A_451] : memref<4x8x2048xf32, #tpu.memory_space<vmem>> -> memref<1x8x2048xf32, #tpu.memory_space<vmem>>
        %dma_wait3A_453 = tpu.memref_squeeze %dma_wait3A_452 : memref<1x8x2048xf32, #tpu.memory_space<vmem>> -> memref<8x2048xf32, #tpu.memory_space<vmem>>
        tpu.wait_dma2 semaphore(%arg12 : memref<!tpu.dma_semaphore, #tpu.memory_space<semaphore_mem>>) src(%dma_wait3A_453 : memref<8x2048xf32, #tpu.memory_space<vmem>>) dst(%dma_wait3A_449 : memref<8x2048xf32, #tpu.memory_space<hbm>>)
        %add3A_454 = arith.constant 2 : i32
        %add3A_455 = arith.addi %add3A_364, %add3A_454 : i32
        %lt3A = arith.constant 64 : i32
        %lt3A_456 = arith.cmpi slt, %add3A_455, %lt3A : i32
        %convert_element_type3A_457 = arith.extui %lt3A_456 : i1 to i32
        %cond3A_458 = arith.constant 0 : i32
        %cond3A_459 = arith.cmpi ne, %convert_element_type3A_457, %cond3A_458 : i32
        scf.if %cond3A_459 {
          %add3A_460 = arith.constant 2 : i32
          %add3A_461 = arith.addi %add3A_364, %add3A_460 : i32
          %add3A_462 = arith.constant 0 : i32
          %add3A_463 = arith.addi %add3A_462, %mul3A_2 : i32
          %mul3A_464 = arith.constant 8 : i32
          %mul3A_465 = arith.muli %add3A_461, %mul3A_464 : i32
          %add3A_466 = arith.addi %add3A_463, %mul3A_465 : i32
          %dma_start3A_467 = arith.constant 1 : i32
          %dma_start3A_468 = arith.constant 0 : i32
          %dma_start3A_469 = arith.constant 0 : i32
          %dma_start3A_470 = tpu.memref_slice %arg6[%dma_start3A_467, %dma_start3A_468, %dma_start3A_469] : memref<4x8x2048xf32, #tpu.memory_space<vmem>> -> memref<1x8x2048xf32, #tpu.memory_space<vmem>>
          %dma_start3A_471 = tpu.memref_squeeze %dma_start3A_470 : memref<1x8x2048xf32, #tpu.memory_space<vmem>> -> memref<8x2048xf32, #tpu.memory_space<vmem>>
          %dma_start3A_472 = arith.constant 0 : i32
          %dma_start3A_473 = tpu.memref_slice %arg3[%add3A_466, %dma_start3A_472] : memref<16384x2048xf32, #tpu.memory_space<hbm>> -> memref<8x2048xf32, #tpu.memory_space<hbm>>
          %dma_start3A_474 = arith.constant 0 : i32
          %dma_start3A_475 = arith.constant 0 : i32
          %dma_start3A_476 = tpu.memref_slice %arg6[%dma_start3A_467, %dma_start3A_474, %dma_start3A_475] : memref<4x8x2048xf32, #tpu.memory_space<vmem>> -> memref<1x8x2048xf32, #tpu.memory_space<vmem>>
          %dma_start3A_477 = tpu.memref_squeeze %dma_start3A_476 : memref<1x8x2048xf32, #tpu.memory_space<vmem>> -> memref<8x2048xf32, #tpu.memory_space<vmem>>
          %dma_start3A_478 = arith.constant 0 : i32
          %dma_start3A_479 = tpu.memref_slice %arg3[%add3A_466, %dma_start3A_478] : memref<16384x2048xf32, #tpu.memory_space<hbm>> -> memref<8x2048xf32, #tpu.memory_space<hbm>>
          tpu.enqueue_dma source(%dma_start3A_479 : memref<8x2048xf32, #tpu.memory_space<hbm>>) target(%dma_start3A_477 : memref<8x2048xf32, #tpu.memory_space<vmem>>) target_semaphore(%arg8 : memref<!tpu.dma_semaphore, #tpu.memory_space<semaphore_mem>>)
        } else {
        }
      } else {
      }
      %add3A_370 = arith.constant 0 : i32
      %add3A_371 = arith.addi %add3A_370, %mul3A_2 : i32
      %mul3A_372 = arith.constant 8 : i32
      %mul3A_373 = arith.muli %add3A_364, %mul3A_372 : i32
      %add3A_374 = arith.addi %add3A_371, %mul3A_373 : i32
      %dma_wait3A_375 = arith.constant 3 : i32
      %dma_wait3A_376 = arith.constant 0 : i32
      %dma_wait3A_377 = arith.constant 0 : i32
      %dma_wait3A_378 = tpu.memref_slice %arg6[%dma_wait3A_375, %dma_wait3A_376, %dma_wait3A_377] : memref<4x8x2048xf32, #tpu.memory_space<vmem>> -> memref<1x8x2048xf32, #tpu.memory_space<vmem>>
      %dma_wait3A_379 = tpu.memref_squeeze %dma_wait3A_378 : memref<1x8x2048xf32, #tpu.memory_space<vmem>> -> memref<8x2048xf32, #tpu.memory_space<vmem>>
      %dma_wait3A_380 = arith.constant 0 : i32
      %dma_wait3A_381 = tpu.memref_slice %arg3[%add3A_374, %dma_wait3A_380] : memref<16384x2048xf32, #tpu.memory_space<hbm>> -> memref<8x2048xf32, #tpu.memory_space<hbm>>
      %dma_wait3A_382 = arith.constant 0 : i32
      %dma_wait3A_383 = arith.constant 0 : i32
      %dma_wait3A_384 = tpu.memref_slice %arg6[%dma_wait3A_375, %dma_wait3A_382, %dma_wait3A_383] : memref<4x8x2048xf32, #tpu.memory_space<vmem>> -> memref<1x8x2048xf32, #tpu.memory_space<vmem>>
      %dma_wait3A_385 = tpu.memref_squeeze %dma_wait3A_384 : memref<1x8x2048xf32, #tpu.memory_space<vmem>> -> memref<8x2048xf32, #tpu.memory_space<vmem>>
      %dma_wait3A_386 = arith.constant 0 : i32
      %dma_wait3A_387 = tpu.memref_slice %arg3[%add3A_374, %dma_wait3A_386] : memref<16384x2048xf32, #tpu.memory_space<hbm>> -> memref<8x2048xf32, #tpu.memory_space<hbm>>
      tpu.wait_dma2 semaphore(%arg10 : memref<!tpu.dma_semaphore, #tpu.memory_space<semaphore_mem>>) src(%dma_wait3A_387 : memref<8x2048xf32, #tpu.memory_space<hbm>>) dst(%dma_wait3A_385 : memref<8x2048xf32, #tpu.memory_space<vmem>>)
      %parallel_loop3A_388 = arith.constant 0 : i32
      %parallel_loop3A_389 = arith.constant 2048 : i32
      %parallel_loop3A_390 = arith.constant 16 : i32
      %parallel_loop3A_391 = arith.constant 3 : i32
      scf.for %parallel_loop3A_437 = %parallel_loop3A_388 to %parallel_loop3A_389 step %parallel_loop3A_390  : i32 {
        %parallel_loop3A_438 = arith.constant 0 : i32
        %parallel_loop3A_439 = arith.constant 0 : i32
        %parallel_loop3A_440 = arith.constant 0 : i32
        %parallel_loop3A_441 = tpu.memref_slice %arg6[%parallel_loop3A_391, %parallel_loop3A_439, %parallel_loop3A_440] : memref<4x8x2048xf32, #tpu.memory_space<vmem>> -> memref<1x8x2048xf32, #tpu.memory_space<vmem>>
        %parallel_loop3A_442 = tpu.memref_squeeze %parallel_loop3A_441 : memref<1x8x2048xf32, #tpu.memory_space<vmem>> -> memref<8x2048xf32, #tpu.memory_space<vmem>>
        %parallel_loop3A_443 = arith.index_cast %parallel_loop3A_438 : i32 to index
        %parallel_loop3A_444 = arith.index_cast %parallel_loop3A_437 : i32 to index
        %parallel_loop3A_445 = tpu.vector_load %parallel_loop3A_442[%parallel_loop3A_443, %parallel_loop3A_444] {strides = array<i32>} : memref<8x2048xf32, #tpu.memory_space<vmem>>, vector<1x16xf32>,
        %parallel_loop3A_446 = vector.shape_cast %parallel_loop3A_445 : vector<1x16xf32> to vector<16xf32>
        %parallel_loop3A_447 = arith.cmpf ogt, %parallel_loop3A_446, %mul3A_37 : vector<16xf32>
        %parallel_loop3A_448 = arith.cmpf ogt, %parallel_loop3A_446, %mul3A_41 : vector<16xf32>
        %parallel_loop3A_449 = arith.select %parallel_loop3A_448, %max3A_27, %max3A_29 : vector<16xi1>, vector<16xf32>
        %parallel_loop3A_450 = arith.cmpf ogt, %parallel_loop3A_446, %mul3A_33 : vector<16xf32>
        %parallel_loop3A_451 = arith.select %parallel_loop3A_450, %min3A_28, %min3A_24 : vector<16xi1>, vector<16xf32>
        %parallel_loop3A_452 = arith.select %parallel_loop3A_447, %parallel_loop3A_449, %parallel_loop3A_451 : vector<16xi1>, vector<16xf32>
        %parallel_loop3A_453 = arith.constant 0 : i32
        %parallel_loop3A_454 = arith.constant 0 : i32
        %parallel_loop3A_455 = arith.constant 0 : i32
        %parallel_loop3A_456 = tpu.memref_slice %arg6[%parallel_loop3A_391, %parallel_loop3A_454, %parallel_loop3A_455] : memref<4x8x2048xf32, #tpu.memory_space<vmem>> -> memref<1x8x2048xf32, #tpu.memory_space<vmem>>
        %parallel_loop3A_457 = tpu.memref_squeeze %parallel_loop3A_456 : memref<1x8x2048xf32, #tpu.memory_space<vmem>> -> memref<8x2048xf32, #tpu.memory_space<vmem>>
        %parallel_loop3A_458 = arith.index_cast %parallel_loop3A_453 : i32 to index
        %parallel_loop3A_459 = arith.index_cast %parallel_loop3A_437 : i32 to index
        %parallel_loop3A_460 = tpu.vector_load %parallel_loop3A_457[%parallel_loop3A_458, %parallel_loop3A_459] {strides = array<i32>} : memref<8x2048xf32, #tpu.memory_space<vmem>>, vector<1x16xf32>,
        %parallel_loop3A_461 = vector.shape_cast %parallel_loop3A_460 : vector<1x16xf32> to vector<16xf32>
        %parallel_loop3A_462 = vector.shape_cast %parallel_loop3A_452 : vector<16xf32> to vector<1x16xf32>
        tpu.vector_store %parallel_loop3A_457[%parallel_loop3A_458, %parallel_loop3A_459], %parallel_loop3A_462 {strides = array<i32>} : memref<8x2048xf32, #tpu.memory_space<vmem>>, vector<1x16xf32>,
      } {sc.loop_unroll_factor = 8 : i64, sc.parallel_access}
      %parallel_loop3A_392 = arith.constant 0 : i32
      %parallel_loop3A_393 = arith.constant 2048 : i32
      %parallel_loop3A_394 = arith.constant 16 : i32
      %parallel_loop3A_395 = arith.constant 3 : i32
      scf.for %parallel_loop3A_437 = %parallel_loop3A_392 to %parallel_loop3A_393 step %parallel_loop3A_394  : i32 {
        %parallel_loop3A_438 = arith.constant 1 : i32
        %parallel_loop3A_439 = arith.constant 0 : i32
        %parallel_loop3A_440 = arith.constant 0 : i32
        %parallel_loop3A_441 = tpu.memref_slice %arg6[%parallel_loop3A_395, %parallel_loop3A_439, %parallel_loop3A_440] : memref<4x8x2048xf32, #tpu.memory_space<vmem>> -> memref<1x8x2048xf32, #tpu.memory_space<vmem>>
        %parallel_loop3A_442 = tpu.memref_squeeze %parallel_loop3A_441 : memref<1x8x2048xf32, #tpu.memory_space<vmem>> -> memref<8x2048xf32, #tpu.memory_space<vmem>>
        %parallel_loop3A_443 = arith.index_cast %parallel_loop3A_438 : i32 to index
        %parallel_loop3A_444 = arith.index_cast %parallel_loop3A_437 : i32 to index
        %parallel_loop3A_445 = tpu.vector_load %parallel_loop3A_442[%parallel_loop3A_443, %parallel_loop3A_444] {strides = array<i32>} : memref<8x2048xf32, #tpu.memory_space<vmem>>, vector<1x16xf32>,
        %parallel_loop3A_446 = vector.shape_cast %parallel_loop3A_445 : vector<1x16xf32> to vector<16xf32>
        %parallel_loop3A_447 = arith.cmpf ogt, %parallel_loop3A_446, %mul3A_37 : vector<16xf32>
        %parallel_loop3A_448 = arith.cmpf ogt, %parallel_loop3A_446, %mul3A_41 : vector<16xf32>
        %parallel_loop3A_449 = arith.select %parallel_loop3A_448, %max3A_27, %max3A_29 : vector<16xi1>, vector<16xf32>
        %parallel_loop3A_450 = arith.cmpf ogt, %parallel_loop3A_446, %mul3A_33 : vector<16xf32>
        %parallel_loop3A_451 = arith.select %parallel_loop3A_450, %min3A_28, %min3A_24 : vector<16xi1>, vector<16xf32>
        %parallel_loop3A_452 = arith.select %parallel_loop3A_447, %parallel_loop3A_449, %parallel_loop3A_451 : vector<16xi1>, vector<16xf32>
        %parallel_loop3A_453 = arith.constant 1 : i32
        %parallel_loop3A_454 = arith.constant 0 : i32
        %parallel_loop3A_455 = arith.constant 0 : i32
        %parallel_loop3A_456 = tpu.memref_slice %arg6[%parallel_loop3A_395, %parallel_loop3A_454, %parallel_loop3A_455] : memref<4x8x2048xf32, #tpu.memory_space<vmem>> -> memref<1x8x2048xf32, #tpu.memory_space<vmem>>
        %parallel_loop3A_457 = tpu.memref_squeeze %parallel_loop3A_456 : memref<1x8x2048xf32, #tpu.memory_space<vmem>> -> memref<8x2048xf32, #tpu.memory_space<vmem>>
        %parallel_loop3A_458 = arith.index_cast %parallel_loop3A_453 : i32 to index
        %parallel_loop3A_459 = arith.index_cast %parallel_loop3A_437 : i32 to index
        %parallel_loop3A_460 = tpu.vector_load %parallel_loop3A_457[%parallel_loop3A_458, %parallel_loop3A_459] {strides = array<i32>} : memref<8x2048xf32, #tpu.memory_space<vmem>>, vector<1x16xf32>,
        %parallel_loop3A_461 = vector.shape_cast %parallel_loop3A_460 : vector<1x16xf32> to vector<16xf32>
        %parallel_loop3A_462 = vector.shape_cast %parallel_loop3A_452 : vector<16xf32> to vector<1x16xf32>
        tpu.vector_store %parallel_loop3A_457[%parallel_loop3A_458, %parallel_loop3A_459], %parallel_loop3A_462 {strides = array<i32>} : memref<8x2048xf32, #tpu.memory_space<vmem>>, vector<1x16xf32>,
      } {sc.loop_unroll_factor = 8 : i64, sc.parallel_access}
      %parallel_loop3A_396 = arith.constant 0 : i32
      %parallel_loop3A_397 = arith.constant 2048 : i32
      %parallel_loop3A_398 = arith.constant 16 : i32
      %parallel_loop3A_399 = arith.constant 3 : i32
      scf.for %parallel_loop3A_437 = %parallel_loop3A_396 to %parallel_loop3A_397 step %parallel_loop3A_398  : i32 {
        %parallel_loop3A_438 = arith.constant 2 : i32
        %parallel_loop3A_439 = arith.constant 0 : i32
        %parallel_loop3A_440 = arith.constant 0 : i32
        %parallel_loop3A_441 = tpu.memref_slice %arg6[%parallel_loop3A_399, %parallel_loop3A_439, %parallel_loop3A_440] : memref<4x8x2048xf32, #tpu.memory_space<vmem>> -> memref<1x8x2048xf32, #tpu.memory_space<vmem>>
        %parallel_loop3A_442 = tpu.memref_squeeze %parallel_loop3A_441 : memref<1x8x2048xf32, #tpu.memory_space<vmem>> -> memref<8x2048xf32, #tpu.memory_space<vmem>>
        %parallel_loop3A_443 = arith.index_cast %parallel_loop3A_438 : i32 to index
        %parallel_loop3A_444 = arith.index_cast %parallel_loop3A_437 : i32 to index
        %parallel_loop3A_445 = tpu.vector_load %parallel_loop3A_442[%parallel_loop3A_443, %parallel_loop3A_444] {strides = array<i32>} : memref<8x2048xf32, #tpu.memory_space<vmem>>, vector<1x16xf32>,
        %parallel_loop3A_446 = vector.shape_cast %parallel_loop3A_445 : vector<1x16xf32> to vector<16xf32>
        %parallel_loop3A_447 = arith.cmpf ogt, %parallel_loop3A_446, %mul3A_37 : vector<16xf32>
        %parallel_loop3A_448 = arith.cmpf ogt, %parallel_loop3A_446, %mul3A_41 : vector<16xf32>
        %parallel_loop3A_449 = arith.select %parallel_loop3A_448, %max3A_27, %max3A_29 : vector<16xi1>, vector<16xf32>
        %parallel_loop3A_450 = arith.cmpf ogt, %parallel_loop3A_446, %mul3A_33 : vector<16xf32>
        %parallel_loop3A_451 = arith.select %parallel_loop3A_450, %min3A_28, %min3A_24 : vector<16xi1>, vector<16xf32>
        %parallel_loop3A_452 = arith.select %parallel_loop3A_447, %parallel_loop3A_449, %parallel_loop3A_451 : vector<16xi1>, vector<16xf32>
        %parallel_loop3A_453 = arith.constant 2 : i32
        %parallel_loop3A_454 = arith.constant 0 : i32
        %parallel_loop3A_455 = arith.constant 0 : i32
        %parallel_loop3A_456 = tpu.memref_slice %arg6[%parallel_loop3A_399, %parallel_loop3A_454, %parallel_loop3A_455] : memref<4x8x2048xf32, #tpu.memory_space<vmem>> -> memref<1x8x2048xf32, #tpu.memory_space<vmem>>
        %parallel_loop3A_457 = tpu.memref_squeeze %parallel_loop3A_456 : memref<1x8x2048xf32, #tpu.memory_space<vmem>> -> memref<8x2048xf32, #tpu.memory_space<vmem>>
        %parallel_loop3A_458 = arith.index_cast %parallel_loop3A_453 : i32 to index
        %parallel_loop3A_459 = arith.index_cast %parallel_loop3A_437 : i32 to index
        %parallel_loop3A_460 = tpu.vector_load %parallel_loop3A_457[%parallel_loop3A_458, %parallel_loop3A_459] {strides = array<i32>} : memref<8x2048xf32, #tpu.memory_space<vmem>>, vector<1x16xf32>,
        %parallel_loop3A_461 = vector.shape_cast %parallel_loop3A_460 : vector<1x16xf32> to vector<16xf32>
        %parallel_loop3A_462 = vector.shape_cast %parallel_loop3A_452 : vector<16xf32> to vector<1x16xf32>
        tpu.vector_store %parallel_loop3A_457[%parallel_loop3A_458, %parallel_loop3A_459], %parallel_loop3A_462 {strides = array<i32>} : memref<8x2048xf32, #tpu.memory_space<vmem>>, vector<1x16xf32>,
      } {sc.loop_unroll_factor = 8 : i64, sc.parallel_access}
      %parallel_loop3A_400 = arith.constant 0 : i32
      %parallel_loop3A_401 = arith.constant 2048 : i32
      %parallel_loop3A_402 = arith.constant 16 : i32
      %parallel_loop3A_403 = arith.constant 3 : i32
      scf.for %parallel_loop3A_437 = %parallel_loop3A_400 to %parallel_loop3A_401 step %parallel_loop3A_402  : i32 {
        %parallel_loop3A_438 = arith.constant 3 : i32
        %parallel_loop3A_439 = arith.constant 0 : i32
        %parallel_loop3A_440 = arith.constant 0 : i32
        %parallel_loop3A_441 = tpu.memref_slice %arg6[%parallel_loop3A_403, %parallel_loop3A_439, %parallel_loop3A_440] : memref<4x8x2048xf32, #tpu.memory_space<vmem>> -> memref<1x8x2048xf32, #tpu.memory_space<vmem>>
        %parallel_loop3A_442 = tpu.memref_squeeze %parallel_loop3A_441 : memref<1x8x2048xf32, #tpu.memory_space<vmem>> -> memref<8x2048xf32, #tpu.memory_space<vmem>>
        %parallel_loop3A_443 = arith.index_cast %parallel_loop3A_438 : i32 to index
        %parallel_loop3A_444 = arith.index_cast %parallel_loop3A_437 : i32 to index
        %parallel_loop3A_445 = tpu.vector_load %parallel_loop3A_442[%parallel_loop3A_443, %parallel_loop3A_444] {strides = array<i32>} : memref<8x2048xf32, #tpu.memory_space<vmem>>, vector<1x16xf32>,
        %parallel_loop3A_446 = vector.shape_cast %parallel_loop3A_445 : vector<1x16xf32> to vector<16xf32>
        %parallel_loop3A_447 = arith.cmpf ogt, %parallel_loop3A_446, %mul3A_37 : vector<16xf32>
        %parallel_loop3A_448 = arith.cmpf ogt, %parallel_loop3A_446, %mul3A_41 : vector<16xf32>
        %parallel_loop3A_449 = arith.select %parallel_loop3A_448, %max3A_27, %max3A_29 : vector<16xi1>, vector<16xf32>
        %parallel_loop3A_450 = arith.cmpf ogt, %parallel_loop3A_446, %mul3A_33 : vector<16xf32>
        %parallel_loop3A_451 = arith.select %parallel_loop3A_450, %min3A_28, %min3A_24 : vector<16xi1>, vector<16xf32>
        %parallel_loop3A_452 = arith.select %parallel_loop3A_447, %parallel_loop3A_449, %parallel_loop3A_451 : vector<16xi1>, vector<16xf32>
        %parallel_loop3A_453 = arith.constant 3 : i32
        %parallel_loop3A_454 = arith.constant 0 : i32
        %parallel_loop3A_455 = arith.constant 0 : i32
        %parallel_loop3A_456 = tpu.memref_slice %arg6[%parallel_loop3A_403, %parallel_loop3A_454, %parallel_loop3A_455] : memref<4x8x2048xf32, #tpu.memory_space<vmem>> -> memref<1x8x2048xf32, #tpu.memory_space<vmem>>
        %parallel_loop3A_457 = tpu.memref_squeeze %parallel_loop3A_456 : memref<1x8x2048xf32, #tpu.memory_space<vmem>> -> memref<8x2048xf32, #tpu.memory_space<vmem>>
        %parallel_loop3A_458 = arith.index_cast %parallel_loop3A_453 : i32 to index
        %parallel_loop3A_459 = arith.index_cast %parallel_loop3A_437 : i32 to index
        %parallel_loop3A_460 = tpu.vector_load %parallel_loop3A_457[%parallel_loop3A_458, %parallel_loop3A_459] {strides = array<i32>} : memref<8x2048xf32, #tpu.memory_space<vmem>>, vector<1x16xf32>,
        %parallel_loop3A_461 = vector.shape_cast %parallel_loop3A_460 : vector<1x16xf32> to vector<16xf32>
        %parallel_loop3A_462 = vector.shape_cast %parallel_loop3A_452 : vector<16xf32> to vector<1x16xf32>
        tpu.vector_store %parallel_loop3A_457[%parallel_loop3A_458, %parallel_loop3A_459], %parallel_loop3A_462 {strides = array<i32>} : memref<8x2048xf32, #tpu.memory_space<vmem>>, vector<1x16xf32>,
      } {sc.loop_unroll_factor = 8 : i64, sc.parallel_access}
      %parallel_loop3A_404 = arith.constant 0 : i32
      %parallel_loop3A_405 = arith.constant 2048 : i32
      %parallel_loop3A_406 = arith.constant 16 : i32
      %parallel_loop3A_407 = arith.constant 3 : i32
      scf.for %parallel_loop3A_437 = %parallel_loop3A_404 to %parallel_loop3A_405 step %parallel_loop3A_406  : i32 {
        %parallel_loop3A_438 = arith.constant 4 : i32
        %parallel_loop3A_439 = arith.constant 0 : i32
        %parallel_loop3A_440 = arith.constant 0 : i32
        %parallel_loop3A_441 = tpu.memref_slice %arg6[%parallel_loop3A_407, %parallel_loop3A_439, %parallel_loop3A_440] : memref<4x8x2048xf32, #tpu.memory_space<vmem>> -> memref<1x8x2048xf32, #tpu.memory_space<vmem>>
        %parallel_loop3A_442 = tpu.memref_squeeze %parallel_loop3A_441 : memref<1x8x2048xf32, #tpu.memory_space<vmem>> -> memref<8x2048xf32, #tpu.memory_space<vmem>>
        %parallel_loop3A_443 = arith.index_cast %parallel_loop3A_438 : i32 to index
        %parallel_loop3A_444 = arith.index_cast %parallel_loop3A_437 : i32 to index
        %parallel_loop3A_445 = tpu.vector_load %parallel_loop3A_442[%parallel_loop3A_443, %parallel_loop3A_444] {strides = array<i32>} : memref<8x2048xf32, #tpu.memory_space<vmem>>, vector<1x16xf32>,
        %parallel_loop3A_446 = vector.shape_cast %parallel_loop3A_445 : vector<1x16xf32> to vector<16xf32>
        %parallel_loop3A_447 = arith.cmpf ogt, %parallel_loop3A_446, %mul3A_37 : vector<16xf32>
        %parallel_loop3A_448 = arith.cmpf ogt, %parallel_loop3A_446, %mul3A_41 : vector<16xf32>
        %parallel_loop3A_449 = arith.select %parallel_loop3A_448, %max3A_27, %max3A_29 : vector<16xi1>, vector<16xf32>
        %parallel_loop3A_450 = arith.cmpf ogt, %parallel_loop3A_446, %mul3A_33 : vector<16xf32>
        %parallel_loop3A_451 = arith.select %parallel_loop3A_450, %min3A_28, %min3A_24 : vector<16xi1>, vector<16xf32>
        %parallel_loop3A_452 = arith.select %parallel_loop3A_447, %parallel_loop3A_449, %parallel_loop3A_451 : vector<16xi1>, vector<16xf32>
        %parallel_loop3A_453 = arith.constant 4 : i32
        %parallel_loop3A_454 = arith.constant 0 : i32
        %parallel_loop3A_455 = arith.constant 0 : i32
        %parallel_loop3A_456 = tpu.memref_slice %arg6[%parallel_loop3A_407, %parallel_loop3A_454, %parallel_loop3A_455] : memref<4x8x2048xf32, #tpu.memory_space<vmem>> -> memref<1x8x2048xf32, #tpu.memory_space<vmem>>
        %parallel_loop3A_457 = tpu.memref_squeeze %parallel_loop3A_456 : memref<1x8x2048xf32, #tpu.memory_space<vmem>> -> memref<8x2048xf32, #tpu.memory_space<vmem>>
        %parallel_loop3A_458 = arith.index_cast %parallel_loop3A_453 : i32 to index
        %parallel_loop3A_459 = arith.index_cast %parallel_loop3A_437 : i32 to index
        %parallel_loop3A_460 = tpu.vector_load %parallel_loop3A_457[%parallel_loop3A_458, %parallel_loop3A_459] {strides = array<i32>} : memref<8x2048xf32, #tpu.memory_space<vmem>>, vector<1x16xf32>,
        %parallel_loop3A_461 = vector.shape_cast %parallel_loop3A_460 : vector<1x16xf32> to vector<16xf32>
        %parallel_loop3A_462 = vector.shape_cast %parallel_loop3A_452 : vector<16xf32> to vector<1x16xf32>
        tpu.vector_store %parallel_loop3A_457[%parallel_loop3A_458, %parallel_loop3A_459], %parallel_loop3A_462 {strides = array<i32>} : memref<8x2048xf32, #tpu.memory_space<vmem>>, vector<1x16xf32>,
      } {sc.loop_unroll_factor = 8 : i64, sc.parallel_access}
      %parallel_loop3A_408 = arith.constant 0 : i32
      %parallel_loop3A_409 = arith.constant 2048 : i32
      %parallel_loop3A_410 = arith.constant 16 : i32
      %parallel_loop3A_411 = arith.constant 3 : i32
      scf.for %parallel_loop3A_437 = %parallel_loop3A_408 to %parallel_loop3A_409 step %parallel_loop3A_410  : i32 {
        %parallel_loop3A_438 = arith.constant 5 : i32
        %parallel_loop3A_439 = arith.constant 0 : i32
        %parallel_loop3A_440 = arith.constant 0 : i32
        %parallel_loop3A_441 = tpu.memref_slice %arg6[%parallel_loop3A_411, %parallel_loop3A_439, %parallel_loop3A_440] : memref<4x8x2048xf32, #tpu.memory_space<vmem>> -> memref<1x8x2048xf32, #tpu.memory_space<vmem>>
        %parallel_loop3A_442 = tpu.memref_squeeze %parallel_loop3A_441 : memref<1x8x2048xf32, #tpu.memory_space<vmem>> -> memref<8x2048xf32, #tpu.memory_space<vmem>>
        %parallel_loop3A_443 = arith.index_cast %parallel_loop3A_438 : i32 to index
        %parallel_loop3A_444 = arith.index_cast %parallel_loop3A_437 : i32 to index
        %parallel_loop3A_445 = tpu.vector_load %parallel_loop3A_442[%parallel_loop3A_443, %parallel_loop3A_444] {strides = array<i32>} : memref<8x2048xf32, #tpu.memory_space<vmem>>, vector<1x16xf32>,
        %parallel_loop3A_446 = vector.shape_cast %parallel_loop3A_445 : vector<1x16xf32> to vector<16xf32>
        %parallel_loop3A_447 = arith.cmpf ogt, %parallel_loop3A_446, %mul3A_37 : vector<16xf32>
        %parallel_loop3A_448 = arith.cmpf ogt, %parallel_loop3A_446, %mul3A_41 : vector<16xf32>
        %parallel_loop3A_449 = arith.select %parallel_loop3A_448, %max3A_27, %max3A_29 : vector<16xi1>, vector<16xf32>
        %parallel_loop3A_450 = arith.cmpf ogt, %parallel_loop3A_446, %mul3A_33 : vector<16xf32>
        %parallel_loop3A_451 = arith.select %parallel_loop3A_450, %min3A_28, %min3A_24 : vector<16xi1>, vector<16xf32>
        %parallel_loop3A_452 = arith.select %parallel_loop3A_447, %parallel_loop3A_449, %parallel_loop3A_451 : vector<16xi1>, vector<16xf32>
        %parallel_loop3A_453 = arith.constant 5 : i32
        %parallel_loop3A_454 = arith.constant 0 : i32
        %parallel_loop3A_455 = arith.constant 0 : i32
        %parallel_loop3A_456 = tpu.memref_slice %arg6[%parallel_loop3A_411, %parallel_loop3A_454, %parallel_loop3A_455] : memref<4x8x2048xf32, #tpu.memory_space<vmem>> -> memref<1x8x2048xf32, #tpu.memory_space<vmem>>
        %parallel_loop3A_457 = tpu.memref_squeeze %parallel_loop3A_456 : memref<1x8x2048xf32, #tpu.memory_space<vmem>> -> memref<8x2048xf32, #tpu.memory_space<vmem>>
        %parallel_loop3A_458 = arith.index_cast %parallel_loop3A_453 : i32 to index
        %parallel_loop3A_459 = arith.index_cast %parallel_loop3A_437 : i32 to index
        %parallel_loop3A_460 = tpu.vector_load %parallel_loop3A_457[%parallel_loop3A_458, %parallel_loop3A_459] {strides = array<i32>} : memref<8x2048xf32, #tpu.memory_space<vmem>>, vector<1x16xf32>,
        %parallel_loop3A_461 = vector.shape_cast %parallel_loop3A_460 : vector<1x16xf32> to vector<16xf32>
        %parallel_loop3A_462 = vector.shape_cast %parallel_loop3A_452 : vector<16xf32> to vector<1x16xf32>
        tpu.vector_store %parallel_loop3A_457[%parallel_loop3A_458, %parallel_loop3A_459], %parallel_loop3A_462 {strides = array<i32>} : memref<8x2048xf32, #tpu.memory_space<vmem>>, vector<1x16xf32>,
      } {sc.loop_unroll_factor = 8 : i64, sc.parallel_access}
      %parallel_loop3A_412 = arith.constant 0 : i32
      %parallel_loop3A_413 = arith.constant 2048 : i32
      %parallel_loop3A_414 = arith.constant 16 : i32
      %parallel_loop3A_415 = arith.constant 3 : i32
      scf.for %parallel_loop3A_437 = %parallel_loop3A_412 to %parallel_loop3A_413 step %parallel_loop3A_414  : i32 {
        %parallel_loop3A_438 = arith.constant 6 : i32
        %parallel_loop3A_439 = arith.constant 0 : i32
        %parallel_loop3A_440 = arith.constant 0 : i32
        %parallel_loop3A_441 = tpu.memref_slice %arg6[%parallel_loop3A_415, %parallel_loop3A_439, %parallel_loop3A_440] : memref<4x8x2048xf32, #tpu.memory_space<vmem>> -> memref<1x8x2048xf32, #tpu.memory_space<vmem>>
        %parallel_loop3A_442 = tpu.memref_squeeze %parallel_loop3A_441 : memref<1x8x2048xf32, #tpu.memory_space<vmem>> -> memref<8x2048xf32, #tpu.memory_space<vmem>>
        %parallel_loop3A_443 = arith.index_cast %parallel_loop3A_438 : i32 to index
        %parallel_loop3A_444 = arith.index_cast %parallel_loop3A_437 : i32 to index
        %parallel_loop3A_445 = tpu.vector_load %parallel_loop3A_442[%parallel_loop3A_443, %parallel_loop3A_444] {strides = array<i32>} : memref<8x2048xf32, #tpu.memory_space<vmem>>, vector<1x16xf32>,
        %parallel_loop3A_446 = vector.shape_cast %parallel_loop3A_445 : vector<1x16xf32> to vector<16xf32>
        %parallel_loop3A_447 = arith.cmpf ogt, %parallel_loop3A_446, %mul3A_37 : vector<16xf32>
        %parallel_loop3A_448 = arith.cmpf ogt, %parallel_loop3A_446, %mul3A_41 : vector<16xf32>
        %parallel_loop3A_449 = arith.select %parallel_loop3A_448, %max3A_27, %max3A_29 : vector<16xi1>, vector<16xf32>
        %parallel_loop3A_450 = arith.cmpf ogt, %parallel_loop3A_446, %mul3A_33 : vector<16xf32>
        %parallel_loop3A_451 = arith.select %parallel_loop3A_450, %min3A_28, %min3A_24 : vector<16xi1>, vector<16xf32>
        %parallel_loop3A_452 = arith.select %parallel_loop3A_447, %parallel_loop3A_449, %parallel_loop3A_451 : vector<16xi1>, vector<16xf32>
        %parallel_loop3A_453 = arith.constant 6 : i32
        %parallel_loop3A_454 = arith.constant 0 : i32
        %parallel_loop3A_455 = arith.constant 0 : i32
        %parallel_loop3A_456 = tpu.memref_slice %arg6[%parallel_loop3A_415, %parallel_loop3A_454, %parallel_loop3A_455] : memref<4x8x2048xf32, #tpu.memory_space<vmem>> -> memref<1x8x2048xf32, #tpu.memory_space<vmem>>
        %parallel_loop3A_457 = tpu.memref_squeeze %parallel_loop3A_456 : memref<1x8x2048xf32, #tpu.memory_space<vmem>> -> memref<8x2048xf32, #tpu.memory_space<vmem>>
        %parallel_loop3A_458 = arith.index_cast %parallel_loop3A_453 : i32 to index
        %parallel_loop3A_459 = arith.index_cast %parallel_loop3A_437 : i32 to index
        %parallel_loop3A_460 = tpu.vector_load %parallel_loop3A_457[%parallel_loop3A_458, %parallel_loop3A_459] {strides = array<i32>} : memref<8x2048xf32, #tpu.memory_space<vmem>>, vector<1x16xf32>,
        %parallel_loop3A_461 = vector.shape_cast %parallel_loop3A_460 : vector<1x16xf32> to vector<16xf32>
        %parallel_loop3A_462 = vector.shape_cast %parallel_loop3A_452 : vector<16xf32> to vector<1x16xf32>
        tpu.vector_store %parallel_loop3A_457[%parallel_loop3A_458, %parallel_loop3A_459], %parallel_loop3A_462 {strides = array<i32>} : memref<8x2048xf32, #tpu.memory_space<vmem>>, vector<1x16xf32>,
      } {sc.loop_unroll_factor = 8 : i64, sc.parallel_access}
      %parallel_loop3A_416 = arith.constant 0 : i32
      %parallel_loop3A_417 = arith.constant 2048 : i32
      %parallel_loop3A_418 = arith.constant 16 : i32
      %parallel_loop3A_419 = arith.constant 3 : i32
      scf.for %parallel_loop3A_437 = %parallel_loop3A_416 to %parallel_loop3A_417 step %parallel_loop3A_418  : i32 {
        %parallel_loop3A_438 = arith.constant 7 : i32
        %parallel_loop3A_439 = arith.constant 0 : i32
        %parallel_loop3A_440 = arith.constant 0 : i32
        %parallel_loop3A_441 = tpu.memref_slice %arg6[%parallel_loop3A_419, %parallel_loop3A_439, %parallel_loop3A_440] : memref<4x8x2048xf32, #tpu.memory_space<vmem>> -> memref<1x8x2048xf32, #tpu.memory_space<vmem>>
        %parallel_loop3A_442 = tpu.memref_squeeze %parallel_loop3A_441 : memref<1x8x2048xf32, #tpu.memory_space<vmem>> -> memref<8x2048xf32, #tpu.memory_space<vmem>>
        %parallel_loop3A_443 = arith.index_cast %parallel_loop3A_438 : i32 to index
        %parallel_loop3A_444 = arith.index_cast %parallel_loop3A_437 : i32 to index
        %parallel_loop3A_445 = tpu.vector_load %parallel_loop3A_442[%parallel_loop3A_443, %parallel_loop3A_444] {strides = array<i32>} : memref<8x2048xf32, #tpu.memory_space<vmem>>, vector<1x16xf32>,
        %parallel_loop3A_446 = vector.shape_cast %parallel_loop3A_445 : vector<1x16xf32> to vector<16xf32>
        %parallel_loop3A_447 = arith.cmpf ogt, %parallel_loop3A_446, %mul3A_37 : vector<16xf32>
        %parallel_loop3A_448 = arith.cmpf ogt, %parallel_loop3A_446, %mul3A_41 : vector<16xf32>
        %parallel_loop3A_449 = arith.select %parallel_loop3A_448, %max3A_27, %max3A_29 : vector<16xi1>, vector<16xf32>
        %parallel_loop3A_450 = arith.cmpf ogt, %parallel_loop3A_446, %mul3A_33 : vector<16xf32>
        %parallel_loop3A_451 = arith.select %parallel_loop3A_450, %min3A_28, %min3A_24 : vector<16xi1>, vector<16xf32>
        %parallel_loop3A_452 = arith.select %parallel_loop3A_447, %parallel_loop3A_449, %parallel_loop3A_451 : vector<16xi1>, vector<16xf32>
        %parallel_loop3A_453 = arith.constant 7 : i32
        %parallel_loop3A_454 = arith.constant 0 : i32
        %parallel_loop3A_455 = arith.constant 0 : i32
        %parallel_loop3A_456 = tpu.memref_slice %arg6[%parallel_loop3A_419, %parallel_loop3A_454, %parallel_loop3A_455] : memref<4x8x2048xf32, #tpu.memory_space<vmem>> -> memref<1x8x2048xf32, #tpu.memory_space<vmem>>
        %parallel_loop3A_457 = tpu.memref_squeeze %parallel_loop3A_456 : memref<1x8x2048xf32, #tpu.memory_space<vmem>> -> memref<8x2048xf32, #tpu.memory_space<vmem>>
        %parallel_loop3A_458 = arith.index_cast %parallel_loop3A_453 : i32 to index
        %parallel_loop3A_459 = arith.index_cast %parallel_loop3A_437 : i32 to index
        %parallel_loop3A_460 = tpu.vector_load %parallel_loop3A_457[%parallel_loop3A_458, %parallel_loop3A_459] {strides = array<i32>} : memref<8x2048xf32, #tpu.memory_space<vmem>>, vector<1x16xf32>,
        %parallel_loop3A_461 = vector.shape_cast %parallel_loop3A_460 : vector<1x16xf32> to vector<16xf32>
        %parallel_loop3A_462 = vector.shape_cast %parallel_loop3A_452 : vector<16xf32> to vector<1x16xf32>
        tpu.vector_store %parallel_loop3A_457[%parallel_loop3A_458, %parallel_loop3A_459], %parallel_loop3A_462 {strides = array<i32>} : memref<8x2048xf32, #tpu.memory_space<vmem>>, vector<1x16xf32>,
      } {sc.loop_unroll_factor = 8 : i64, sc.parallel_access}
      %mul3A_420 = arith.constant 8 : i32
      %mul3A_421 = arith.muli %add3A_364, %mul3A_420 : i32
      %add3A_422 = arith.addi %mul3A_2, %mul3A_421 : i32
      %dma_start3A_423 = arith.constant 3 : i32
      %dma_start3A_424 = arith.constant 0 : i32
      %dma_start3A_425 = arith.constant 0 : i32
      %dma_start3A_426 = tpu.memref_slice %arg6[%dma_start3A_423, %dma_start3A_424, %dma_start3A_425] : memref<4x8x2048xf32, #tpu.memory_space<vmem>> -> memref<1x8x2048xf32, #tpu.memory_space<vmem>>
      %dma_start3A_427 = tpu.memref_squeeze %dma_start3A_426 : memref<1x8x2048xf32, #tpu.memory_space<vmem>> -> memref<8x2048xf32, #tpu.memory_space<vmem>>
      %dma_start3A_428 = arith.constant 0 : i32
      %dma_start3A_429 = tpu.memref_slice %arg4[%add3A_422, %dma_start3A_428] : memref<16384x2048xf32, #tpu.memory_space<hbm>> -> memref<8x2048xf32, #tpu.memory_space<hbm>>
      %dma_start3A_430 = arith.constant 0 : i32
      %dma_start3A_431 = tpu.memref_slice %arg4[%add3A_422, %dma_start3A_430] : memref<16384x2048xf32, #tpu.memory_space<hbm>> -> memref<8x2048xf32, #tpu.memory_space<hbm>>
      %dma_start3A_432 = arith.constant 0 : i32
      %dma_start3A_433 = arith.constant 0 : i32
      %dma_start3A_434 = tpu.memref_slice %arg6[%dma_start3A_423, %dma_start3A_432, %dma_start3A_433] : memref<4x8x2048xf32, #tpu.memory_space<vmem>> -> memref<1x8x2048xf32, #tpu.memory_space<vmem>>
      %dma_start3A_435 = tpu.memref_squeeze %dma_start3A_434 : memref<1x8x2048xf32, #tpu.memory_space<vmem>> -> memref<8x2048xf32, #tpu.memory_space<vmem>>
      tpu.enqueue_dma source(%dma_start3A_435 : memref<8x2048xf32, #tpu.memory_space<vmem>>) target(%dma_start3A_431 : memref<8x2048xf32, #tpu.memory_space<hbm>>) target_semaphore(%arg14 : memref<!tpu.dma_semaphore, #tpu.memory_space<semaphore_mem>>)
      %scan3A_436 = arith.constant 0 : i32
      scf.yield %scan3A_436 : i32
    }
    %scan3A_114 = arith.constant 16 : i32
    %add3A_115 = arith.constant 496 : i32
    %add3A_116 = arith.addi %mul3A_2, %add3A_115 : i32
    %dma_wait3A = arith.constant 2 : i32
    %dma_wait3A_117 = arith.constant 0 : i32
    %dma_wait3A_118 = arith.constant 0 : i32
    %dma_wait3A_119 = tpu.memref_slice %arg6[%dma_wait3A, %dma_wait3A_117, %dma_wait3A_118] : memref<4x8x2048xf32, #tpu.memory_space<vmem>> -> memref<1x8x2048xf32, #tpu.memory_space<vmem>>
    %dma_wait3A_120 = tpu.memref_squeeze %dma_wait3A_119 : memref<1x8x2048xf32, #tpu.memory_space<vmem>> -> memref<8x2048xf32, #tpu.memory_space<vmem>>
    %dma_wait3A_121 = arith.constant 0 : i32
    %dma_wait3A_122 = tpu.memref_slice %arg4[%add3A_116, %dma_wait3A_121] : memref<16384x2048xf32, #tpu.memory_space<hbm>> -> memref<8x2048xf32, #tpu.memory_space<hbm>>
    %dma_wait3A_123 = arith.constant 0 : i32
    %dma_wait3A_124 = tpu.memref_slice %arg4[%add3A_116, %dma_wait3A_123] : memref<16384x2048xf32, #tpu.memory_space<hbm>> -> memref<8x2048xf32, #tpu.memory_space<hbm>>
    %dma_wait3A_125 = arith.constant 0 : i32
    %dma_wait3A_126 = arith.constant 0 : i32
    %dma_wait3A_127 = tpu.memref_slice %arg6[%dma_wait3A, %dma_wait3A_125, %dma_wait3A_126] : memref<4x8x2048xf32, #tpu.memory_space<vmem>> -> memref<1x8x2048xf32, #tpu.memory_space<vmem>>
    %dma_wait3A_128 = tpu.memref_squeeze %dma_wait3A_127 : memref<1x8x2048xf32, #tpu.memory_space<vmem>> -> memref<8x2048xf32, #tpu.memory_space<vmem>>
    tpu.wait_dma2 semaphore(%arg13 : memref<!tpu.dma_semaphore, #tpu.memory_space<semaphore_mem>>) src(%dma_wait3A_128 : memref<8x2048xf32, #tpu.memory_space<vmem>>) dst(%dma_wait3A_124 : memref<8x2048xf32, #tpu.memory_space<hbm>>)
    %add3A_129 = arith.constant 504 : i32
    %add3A_130 = arith.addi %mul3A_2, %add3A_129 : i32
    %dma_wait3A_131 = arith.constant 3 : i32
    %dma_wait3A_132 = arith.constant 0 : i32
    %dma_wait3A_133 = arith.constant 0 : i32
    %dma_wait3A_134 = tpu.memref_slice %arg6[%dma_wait3A_131, %dma_wait3A_132, %dma_wait3A_133] : memref<4x8x2048xf32, #tpu.memory_space<vmem>> -> memref<1x8x2048xf32, #tpu.memory_space<vmem>>
    %dma_wait3A_135 = tpu.memref_squeeze %dma_wait3A_134 : memref<1x8x2048xf32, #tpu.memory_space<vmem>> -> memref<8x2048xf32, #tpu.memory_space<vmem>>
    %dma_wait3A_136 = arith.constant 0 : i32
    %dma_wait3A_137 = tpu.memref_slice %arg4[%add3A_130, %dma_wait3A_136] : memref<16384x2048xf32, #tpu.memory_space<hbm>> -> memref<8x2048xf32, #tpu.memory_space<hbm>>
    %dma_wait3A_138 = arith.constant 0 : i32
    %dma_wait3A_139 = tpu.memref_slice %arg4[%add3A_130, %dma_wait3A_138] : memref<16384x2048xf32, #tpu.memory_space<hbm>> -> memref<8x2048xf32, #tpu.memory_space<hbm>>
    %dma_wait3A_140 = arith.constant 0 : i32
    %dma_wait3A_141 = arith.constant 0 : i32
    %dma_wait3A_142 = tpu.memref_slice %arg6[%dma_wait3A_131, %dma_wait3A_140, %dma_wait3A_141] : memref<4x8x2048xf32, #tpu.memory_space<vmem>> -> memref<1x8x2048xf32, #tpu.memory_space<vmem>>
    %dma_wait3A_143 = tpu.memref_squeeze %dma_wait3A_142 : memref<1x8x2048xf32, #tpu.memory_space<vmem>> -> memref<8x2048xf32, #tpu.memory_space<vmem>>
    tpu.wait_dma2 semaphore(%arg14 : memref<!tpu.dma_semaphore, #tpu.memory_space<semaphore_mem>>) src(%dma_wait3A_143 : memref<8x2048xf32, #tpu.memory_space<vmem>>) dst(%dma_wait3A_139 : memref<8x2048xf32, #tpu.memory_space<hbm>>)
    return
  }
}

</mosaic_0001>

<sc_bundles>
// kernel: kernel.3.cloned.1.call-start
scs
__scs_entry_jumppad:
0x0: {  	(pc) =	sbr.rel $0x88, $3  }
0x1: {  	(tag) =	ssettag $0x0;
	lr =	simm.s32 $0x1  }
0x2: {  	[smem:$0x3F9F] =	sst lr;
	_ =	strace $0xD0000000  }
0x3: {  	_ = 	snop  }
0x4: {  	_ = 	snop  }
0x5: {  	_ = 	snop  }
0x6: {  	_ = 	snop  }
0x7: {  	_ = 	snop  }
__scs_overlays_trampoline_lowered:
0x8: {  	[smem:$0x3FAE] =	sst s0  }
0x9: {  	[smem:$0x3FAF] =	sst s1  }
0xa: {  	[smem:$0x3FB0] =	sst s2  }
0xb: {  	[smem:$0x3FB1] =	sst s3  }
0xc: {  	[smem:$0x3FB2] =	sst s4  }
0xd: {  	[smem:$0x3FB3] =	sst s5  }
0xe: {  	[smem:$0x3FB4] =	sst s6  }
0xf: {  	[smem:$0x3FB5] =	sst s7  }
0x10: {  	[smem:$0x3FB6] =	sst s8  }
0x11: {  	[smem:$0x3FB7] =	sst s9;
	s0 =	simm.s32 @!p0 $0x0  }
0x12: {  	s1 =	sld [smem:$0x3F9D];
	s0 =	simm.s32 @p0 $0x1  }
0x13: {  	[smem:$0x3FB8] =	sst s0;
	s0 =	simm.s32 @!p1 $0x0  }
0x14: {  	s2 =	sld [smem:$0x3F9C];
	s0 =	simm.s32 @p1 $0x1  }
0x15: {  	[smem:$0x3FB9] =	sst s0;
	s0 =	simm.s32 @!p2 $0x0  }
0x16: {  	s3 =	sld [smem:$0x3FDB];
	s0 =	simm.s32 @p2 $0x1  }
0x17: {  	s4 =	simm.s32 $0x1BF5;
	[smem:$0x3FBB] =	sst s0  }
0x18: {  	s0 =	sld [smem:$0x3F9E];
	_ =	swait.ge [sflag:s4], $0x0  }
0x19: {  	s7 =	sld [smem:$0x3F9F]  }
0x1a: {  	s8 =	sadd.s32 $0xFFFFE003, lr  }
0x1b: {  	s9 =	sadd.s32 $0xFFFFFEF7, lr;
	s5 =	simm.s32 $0xFFFFFFFF;
	p2 =	slt.u32 s8, $0xFFFFF086  }
0x1c: {  	p1 =	slt.u32 s9, $0xF7A;
	s5 =	simm.s32 @!p2 $0x0  }
0x1d: {  	s5 =	simm.s32 @p1 $0x1;
	p0 =	seq.s32 s7, s2  }
0x1e: {  	s7 =	smul.u32 @!p0 $0xF7A, s2;
	p2 =	seq.s32 @!p0 s5, $0x0  }
0x1f: {  	s9 =	smul.u32 $0xF7A, s1;
	s8 =	simm.s32 @!p0 $0x1BF5;
	p2 =	por !p2, p0  }
0x20: {  	[sflag:s8] =	ssyncset.s32 @!p0 $0xFFFFF086;
	s6 =	sadd.s32 @!p0 s3, s7;
	s7 =	simm.s32 @!p0 $0x108  }
0x21: {  	s3 =	sadd.s32 s3, s9;
	s6 =	sadd.s32 @!p0 $0x88, s6;
	s7 =	simm.s32 @p2 $0x1082  }
0x22: {  	[simem:s7], [sflag:s8] =	dma.local @!p0 [hbm:s6], $0xF7A  }
0x23: {  	s9 =	sor.u32 $0xD0000000, s2;
	s6 =	simm.s32 $0x108;
	_ =	swait.ge @!p0 [sflag:s8], $0x0  }
0x24: {  	s3 =	sadd.s32 $0x88, s3;
	s6 =	simm.s32 @!p1 $0x1082;
	[sflag:s4] =	ssyncset.s32 $0xFFFFF086  }
0x25: {  	[simem:s6], [sflag:s4] =	dma.local [hbm:s3], $0xF7A  }
0x26: {  	[smem:$0x3F9F] =	sst s1;
	(tag) =	ssettag s2;
	_ =	strace s9  }
0x27: {  	s1 =	sld [smem:$0x3FAF]  }
0x28: {  	s2 =	sld [smem:$0x3FB0]  }
0x29: {  	s4 =	sld [smem:$0x3FB2]  }
0x2a: {  	p0 =	seq.s32 s5, $0x0;
	s5 =	sld [smem:$0x3FB3]  }
0x2b: {  	s6 =	sld [smem:$0x3FB4]  }
0x2c: {  	s7 =	sld [smem:$0x3FB5]  }
0x2d: {  	s3 =	simm.s32 $0x108;
	s8 =	sld [smem:$0x3FB6]  }
0x2e: {  	s3 =	simm.s32 @!p0 $0x1082;
	s9 =	sld [smem:$0x3FB7]  }
0x2f: {  	lr =	sadd.s32 s0, s3;
	s0 =	sld [smem:$0x3FAE]  }
0x30: {  	s3 =	sld [smem:$0x3FB1]  }
0x31: {  	[smem:$0x3FBA] =	sst s10  }
0x32: {  	s10 =	sld [smem:$0x3FB8];
	_ =	sdelay $0x3  }
0x33: {  	p0 =	seq.s32 s10, $0x1;
	s10 =	sld [smem:$0x3FBA];
	_ =	sdelay $0x3  }
0x34: {  	[smem:$0x3FBA] =	sst s10  }
0x35: {  	s10 =	sld [smem:$0x3FB9];
	_ =	sdelay $0x3  }
0x36: {  	p1 =	seq.s32 s10, $0x1;
	s10 =	sld [smem:$0x3FBA];
	_ =	sdelay $0x3  }
0x37: {  	[smem:$0x3FBA] =	sst s10  }
0x38: {  	s10 =	sld [smem:$0x3FBB]  }
0x39: {  	_ = 	snop;
	(pc) =	sbr.ind lr, $3  }
0x3a: {  	_ = 	snop  }
0x3b: {  	_ = 	snop  }
0x3c: {  	p2 =	seq.s32 s10, $0x1;
	s10 =	sld [smem:$0x3FBA]  }
0x3d: {  	_ =	shalt  }
0x3e: {  	_ =	shalt  }
0x3f: {  	_ =	shalt  }
0x40: {  	_ =	shalt  }
0x41: {  	_ =	shalt  }
0x42: {  	_ =	shalt  }
0x43: {  	_ =	shalt  }
0x44: {  	_ =	shalt  }
0x45: {  	_ =	shalt  }
0x46: {  	_ =	shalt  }
0x47: {  	_ =	shalt  }
0x48: {  	_ =	shalt  }
0x49: {  	_ =	shalt  }
0x4a: {  	_ =	shalt  }
0x4b: {  	_ =	shalt  }
0x4c: {  	_ =	shalt  }
0x4d: {  	_ =	shalt  }
0x4e: {  	_ =	shalt  }
0x4f: {  	_ =	shalt  }
0x50: {  	_ =	shalt  }
0x51: {  	_ =	shalt  }
0x52: {  	_ =	shalt  }
0x53: {  	_ =	shalt  }
0x54: {  	_ =	shalt  }
0x55: {  	_ =	shalt  }
0x56: {  	_ =	shalt  }
0x57: {  	_ =	shalt  }
0x58: {  	_ =	shalt  }
0x59: {  	_ =	shalt  }
0x5a: {  	_ =	shalt  }
0x5b: {  	_ =	shalt  }
0x5c: {  	_ =	shalt  }
0x5d: {  	_ =	shalt  }
0x5e: {  	_ =	shalt  }
0x5f: {  	_ =	shalt  }
0x60: {  	_ =	shalt  }
0x61: {  	_ =	shalt  }
0x62: {  	_ =	shalt  }
0x63: {  	_ =	shalt  }
0x64: {  	_ =	shalt  }
0x65: {  	_ =	shalt  }
0x66: {  	_ =	shalt  }
0x67: {  	_ =	shalt  }
0x68: {  	_ =	shalt  }
0x69: {  	_ =	shalt  }
0x6a: {  	_ =	shalt  }
0x6b: {  	_ =	shalt  }
0x6c: {  	_ =	shalt  }
0x6d: {  	_ =	shalt  }
0x6e: {  	_ =	shalt  }
0x6f: {  	_ =	shalt  }
0x70: {  	_ =	shalt  }
0x71: {  	_ =	shalt  }
0x72: {  	_ =	shalt  }
0x73: {  	_ =	shalt  }
0x74: {  	_ =	shalt  }
0x75: {  	_ =	shalt  }
0x76: {  	_ =	shalt  }
0x77: {  	_ =	shalt  }
0x78: {  	_ =	shalt  }
0x79: {  	_ =	shalt  }
0x7a: {  	_ =	shalt  }
0x7b: {  	_ =	shalt  }
0x7c: {  	_ =	shalt  }
0x7d: {  	_ =	shalt  }
0x7e: {  	_ =	shalt  }
0x7f: {  	_ =	shalt  }
0x80: {  	_ =	shalt  }
0x81: {  	_ =	shalt  }
0x82: {  	_ =	shalt  }
0x83: {  	_ =	shalt  }
0x84: {  	_ =	shalt  }
0x85: {  	_ =	shalt  }
0x86: {  	_ =	shalt  }
0x87: {  	_ =	shalt  }
.Lfunc_end0:
.L_simem_size_0:
called_computation_lowered:
.L_overlay_start_0:
0x88: {  	s2 =	sld [smem:$0x3FD9]  }
0x89: {  	s3 =	sld [smem:$0x3FFE];
	_ =	sdelay $0x1  }
0x8a: {  	s1 =	srdreg.scid  }
0x8b: {  	s0 =	sand.u32 $0x1, s1  }
0x8c: {  	s17 =	sshll.u32 s0, $0xA;
	s2 =	sadd.s32 s3, s2  }
0x8d: {  	s2 =	sadd.s32 s2, s17  }
0x8e: {  	[smem:$0x3FC6] =	sst s2  }
0x8f: {  	_ = 	snop  }
0x90: {  	s2 =	sld [smem:$0x3FC9]  }
0x91: {  	s18 =	sld [smem:$0x3FD0];
	(tm) =	ssettm $0x1  }
0x92: {  	s4 =	sld [smem:$0x3FFB];
	_ =	sdelay $0x3  }
0x93: {  	_ =	strace s4  }
0x94: {  	s4 =	sld [smem:$0x3FFC];
	_ =	sdelay $0x3  }
0x95: {  	_ =	strace s4  }
0x96: {  	s4 =	sld [smem:$0x3FFD];
	_ =	sdelay $0x3  }
0x97: {  	_ =	strace s4  }
0x98: {  	_ =	strace $0x8FFFFFFF  }
0x99: {  	s19 =	sld [smem:$0x3FDB];
	_ =	sdelay $0x1  }
0x9a: {  	s5 =	simm.s32 $_scs_section_size  }
0x9b: {  	s6 =	simm.s32 $_size__tile_overlayer_lowered;
	s7 =	simm.s32 $_tile_overlayer_lowered  }
0x9c: {  	s22 =	simm.s32 $0x1BFF;
	s21 =	sshll.u32 s7, $0x1;
	s4 =	sadd.s32 s5, s19  }
0x9d: {  	s8 =	simm.s32 $0x0;
	s20 =	sshll.u32 s6, $0x1;
	s6 =	sadd.s32 s21, s4  }
0x9e: {  	[timem:s8], [sflag:s22] =	dma.local [hbm:s6], s20  }
0x9f: {  	_ =	swait.ge [sflag:s22], s20  }
0xa0: {  	s5 =	ssub.s32 $0x0, s20;
	[sflag:s22] =	ssyncset.done $0x0  }
0xa1: {  	[sflag:s22] =	ssyncadd.s32 s5;
	_ =	sdelay $0x1  }
0xa2: {  	s23 =	simm.s32 $0x1B8B  }
0xa3: {  	_ =	swait.ge [sflag:s23], $0x1  }
0xa4: {  	[sflag:s23] =	ssyncset.done $0x0  }
0xa5: {  	s25 =	simm.s32 $0x1B8E;
	s24 =	sld [smem:$0x3FFE];
	[sflag:s23] =	ssyncadd.s32 $0xFFFFFFFF  }
0xa6: {  	s26 =	simm.s32 $execute0_lowered;
	[smem:$0x3FD2] =	sst s25  }
0xa7: {  	s6 =	sshll.u32 s26, $0x1;
	_ =	strace $0x80000046;
	[dreg:$0x1] =	wrdreg $0xFFFFFFFF  }
0xa8: {  	s28 =	simm.s32 $_size_execute0_lowered;
	s4 =	sadd.s32 s4, s6;
	[dreg:$0x0] =	wrdreg $0x0  }
0xa9: {  	s6 =	sshll.u32 s28, $0x1;
	[dreg:$0x2] =	wrdreg s4  }
0xaa: {  	[dreg:$0x3] =	wrdreg s6  }
0xab: {  	[dreg:$0x4] =	wrdreg $0xC0  }
0xac: {  	_ =	task [dreg:s8], $0x5FFFF  }
0xad: {  	[dreg:$0x1] =	wrdreg $0xFFFFFFFF  }
0xae: {  	[dreg:$0x0] =	wrdreg $0x60  }
0xaf: {  	[dreg:$0x2] =	wrdreg s24  }
0xb0: {  	[dreg:$0x3] =	wrdreg s2  }
0xb1: {  	[dreg:$0x4] =	wrdreg s18  }
0xb2: {  	[dreg:$0x5] =	wrdreg $0x9  }
0xb3: {  	_ =	task.clear_ibuf [dreg:s8], $0x6FFFF;
	_ =	strace $0x90000046  }
0xb4: {  	s29 =	simm.s32 $0x9;
	_ =	strace $0x80000048  }
0xb5: {  	_ =	swait.ge [sflag:s29], $0x1  }
0xb6: {  	[sflag:s29] =	ssyncadd.s32 $0xFFFFFFFF  }
0xb7: {  	_ =	strace $0x90000048  }
0xb8: {  	_ =	sfence  }
0xb9: {  	s30 =	sld [smem:$0x0];
	_ =	sdelay $0x2  }
0xba: {  	s31 =	sshll.u32 s1, $0xD;
	s1 =	sshrl.u32 s1, $0x2  }
0xbb: {  	s3 =	sand.u32 $0x4000, s31;
	s1 =	sadd.s32 s1, s30  }
0xbc: {  	s0 =	sor.u32 s3, s0;
	s1 =	sshll.u32 s1, $0x11  }
0xbd: {  	s0 =	sor.u32 s1, s0  }
0xbe: {  	s0 =	sadd.s32 $0x8F2B, s0  }
0xbf: {  	[sflag:s0] =	ssyncadd.remote.s32 $0x1  }
0xc0: {  	_ =	sfence.sel $0xFFFF  }
0xc1: {  	[dreg:$0x0] =	wrdreg $0xFFFFFFFF;
	(pc) =	sbr.abs _section_cstart, $3  }
0xc2: {  	[dreg:$0x1] =	wrdreg $0xFFFFFFFF  }
0xc3: {  	_ =	task.clear_ibuf [dreg:s8], $0x2FFFF;
	_ =	strace $0x9FFFFFFF  }
0xc4: {  	(tm) =	ssettm $0x7FFFFFFF  }
0xc5: {  	_ =	shalt  }
tec
execute0_lowered:
.L_overlay_start_1:
0x0: {  	(tag) =	ssettag $0x1  }
0x1: {  	s0 =	rddreg [dreg:$0x0]  }
0x2: {  	s1 =	srdreg.scid;
	s2 =	rddreg [dreg:$0x1]  }
0x3: {  	s4 =	stileid.u32;
	s3 =	rddreg [dreg:$0x2]  }
0x4: {  	s16 =	simm.s32 $0x9;
	s17 =	simm.s32 $0x200;
	s18 =	simm.s32 $0x4200  }
0x5: {  	s19 =	simm.s32 $0x8200;
	s20 =	simm.s32 $0xC200;
	s21 =	simm.s32 $0x1  }
0x6: {  	s22 =	simm.s32 $0x2;
	s23 =	simm.s32 $0x5;
	s28 =	simm.s32 $0x7  }
0x7: {  	s29 =	simm.s32 $0x8;
	s30 =	simm.s32 $0x0;
	s1 =	sand.u32 $0x1, s1  }
0x8: {  	s6 =	sshll.u32 s4, $0x9;
	s4 =	simm.s32 $0x0;
	s0 =	sadd.s32 $0x400, s0  }
0x9: {  	s5 =	sshll.u32 s1, $0xD;
	[smem:$0x7FF] =	sst s4;
	s1 =	ssub.s32 $0x2, s1  }
0xa: {  	s5 =	sor.u32 s6, s5;
	_ =	strace $0x80000047;
	s8 =	sshrl.u32 s1, $0x1  }
0xb: {  	[dreg:$0x4] =	wrdreg s0;
	s7 =	sshll.u32 s5, $0x8;
	s24 =	ssub.s32 s1, s8  }
0xc: {  	s11 =	sshrl.u32 s5, $0x3;
	s6 =	sadd.s32 s2, s7;
	s12 =	sadd.s32 s3, s7  }
0xd: {  	s13 =	sor.u32 $0x4, s11;
	s14 =	sor.u32 $0x5, s11;
	s25 =	sadd.s32 $0x800, s6  }
0xe: {  	s15 =	smax.u32 s24, $0x1;
	s26 =	sadd.s32 $0x1000, s6;
	[dreg:$0x5] =	wrdreg s25  }
0xf: {  	s24 =	simm.s32 $0x3;
	s31 =	sadd.s32 $0x1800, s6;
	[dreg:$0x6] =	wrdreg s26  }
0x10: {  	[dreg:$0x7] =	wrdreg s31;
	s25 =	simm.s32 $0x6;
	s26 =	simm.s32 $0x4  }
.LBB2_1:
0x11: {  	s0 =	rddreg [dreg:$0x4]  }
0x12: {  	[tilespmem:s4], [sflag:$0x9] =	stream.linear.gather [hbm4b:s0+s4], $0x200, $0x38;
	[tilespmem:$0x10200] =	vst v63  }
0x13: {  	_ =	swait.ge [sflag:s16], $0x200  }
0x14: {  	[sflag:s16] =	ssyncset.done $0x0  }
0x15: {  	[sflag:s16] =	ssyncadd.s32 $0xFFFFFE00  }
0x16: {  	v0 =	vld [tilespmem:$0x0]  }
0x17: {  	v1 =	vld [tilespmem:$0x80]  }
0x18: {  	v2 =	vld [tilespmem:$0x100]  }
0x19: {  	v3 =	vld [tilespmem:$0x180];
	_ =	sdelay $0x4  }
0x1a: {  	[tilespmem:s17], [sflag:$0x1] =	stream.linear.gather [hbm4b:s6+s4], $0x4000, $0x38;
	v4 =	vmin.f32 v0, v1;
	v5 =	vmax.f32 v0, v1;
	v0 =	vmin.f32 v2, v3;
	[tilespmem:$0x10200] =	vst v63  }
0x1b: {  	s8 =	rddreg [dreg:$0x5];
	v2 =	vmax.f32 v2, v3;
	v6 =	vmax.f32 v4, v0  }
0x1c: {  	[tilespmem:s18], [sflag:$0x2] =	stream.linear.gather [hbm4b:s8+s4], $0x4000, $0x38;
	v7 =	vmin.f32 v5, v2;
	v0 =	vmin.f32 v4, v0;
	v2 =	vmax.f32 v5, v2;
	[tilespmem:$0x10200] =	vst v63  }
0x1d: {  	s9 =	rddreg [dreg:$0x6];
	v1 =	vmin.f32 v7, v6;
	v3 =	vmax.f32 v7, v6;
	v5 =	vadd.f32 v6, v7  }
0x1e: {  	[tilespmem:s19], [sflag:$0x3] =	stream.linear.gather [hbm4b:s9+s4], $0x4000, $0x38;
	v4 =	vadd.f32 v1, v0;
	v6 =	vadd.f32 v3, v2;
	[tilespmem:$0x10200] =	vst v63  }
0x1f: {  	s31 =	simm.s32 $0x0;
	s10 =	rddreg [dreg:$0x7];
	v5 =	vmul.f32 $5.000000000e-01, v5  }
0x20: {  	[tilespmem:s20], [sflag:$0x4] =	stream.linear.gather [hbm4b:s10+s4], $0x4000, $0x38;
	v4 =	vmul.f32 $5.000000000e-01, v4;
	v6 =	vmul.f32 $5.000000000e-01, v6;
	[tilespmem:$0x10200] =	vst v63  }
.LBB2_2:
0x21: {  	s1 =	sshll.u32 s31, $0x2;
	p0 =	seq.s32 s31, $0x0  }
0x22: {  	s7 =	simm.s32 @!p0 $0x7;
	s0 =	sadd.s32 @!p0 s1, s11  }
0x23: {  	_ =	swait.ge @!p0 [sflag:s7], $0x4000;
	s0 =	sshll.u32 @!p0 s0, $0xB  }
0x24: {  	[sflag:s7] =	ssyncset.done @!p0 $0x0;
	s8 =	sadd.s32 @!p0 $0x1000, s0  }
0x25: {  	[sflag:s7] =	ssyncadd.s32 @!p0 $0xFFFFC000;
	s7 =	sand.u32 @!p0 $0x1FFFF000, s8  }
0x26: {  	s9 =	simm.s32 @!p0 $0x8200;
	s8 =	simm.s32 @!p0 $0x0;
	s7 =	sadd.s32 @!p0 s2, s7  }
0x27: {  	[tilespmem:s9], [sflag:$0x3] =	stream.linear.gather @!p0 [hbm4b:s7+s8], $0x4000, $0x38;
	[tilespmem:$0x10200] =	vst v63  }
0x28: {  	_ =	swait.ge [sflag:s21], $0x4000  }
0x29: {  	[sflag:s21] =	ssyncset.done $0x0  }
0x2a: {  	s8 =	simm.s32 $0x240;
	[sflag:s21] =	ssyncadd.s32 $0xFFFFC000  }
0x2b: {  	v13 =	vld [tilespmem:s8+$0x30]  }
0x2c: {  	v8 =	vld [tilespmem:s8+$0xFFFFFFE0]  }
0x2d: {  	v9 =	vld [tilespmem:s8+$0xFFFFFFF0]  }
0x2e: {  	v10 =	vld [tilespmem:s8+$0x0]  }
0x2f: {  	v11 =	vld [tilespmem:s8+$0x10]  }
0x30: {  	v7 =	vld [tilespmem:s8+$0xFFFFFFD0]  }
0x31: {  	vm0 =	vgt.f32 v13, v6;
	vm1 =	vgt.f32 v13, v4  }
0x32: {  	vm2 =	vgt.f32 v13, v5;
	vm3 =	vgt.f32 v8, v4;
	vm4 =	vgt.f32 v9, v6  }
0x33: {  	vm5 =	vgt.f32 v9, v4;
	vm6 =	vgt.f32 v10, v6;
	vm7 =	vgt.f32 v10, v4  }
0x34: {  	v12 =	vld [tilespmem:s8+$0x20];
	vm8 =	vgt.f32 v11, v6;
	vm9 =	vgt.f32 v11, v4;
	v14 =	vsel vm0, v2, v3  }
0x35: {  	v13 =	vld [tilespmem:s8+$0xFFFFFFC0];
	v15 =	vsel vm1, v1, v0;
	vm0 =	vgt.f32 v7, v6;
	vm1 =	vgt.f32 v7, v4  }
0x36: {  	v21 =	vsel vm3, v1, v0;
	v18 =	vsel vm4, v2, v3;
	v19 =	vsel vm5, v1, v0  }
0x37: {  	v17 =	vsel vm6, v2, v3;
	v23 =	vsel vm7, v1, v0;
	v22 =	vsel vm9, v1, v0  }
0x38: {  	v20 =	vsel vm2, v14, v15;
	vm2 =	vgt.f32 v8, v6;
	v14 =	vsel vm0, v2, v3  }
0x39: {  	v15 =	vsel vm1, v1, v0;
	vm1 =	vgt.f32 v12, v6;
	vm0 =	vgt.f32 v12, v4  }
0x3a: {  	v16 =	vsel vm2, v2, v3;
	vm10 =	vgt.f32 v13, v6;
	vm11 =	vgt.f32 v13, v4  }
0x3b: {  	s10 =	simm.s32 $0x640;
	s9 =	simm.s32 $0x0;
	s7 =	simm.s32 $0x2F0;
	[tilespmem:s8+$0x30] =	vst v20;
	v20 =	vsel vm8, v2, v3;
	v24 =	vsel vm10, v2, v3;
	v25 =	vsel vm11, v1, v0  }
.LBB2_3:
0x3c: {  	v26 =	vld [tilespmem:s10+$0x30];
	s9 =	sadd.s32 $0x80, s9;
	vm2 =	vgt.f32 v13, v5;
	v13 =	vsel vm1, v2, v3;
	v27 =	vsel vm0, v1, v0  }
0x3d: {  	vm0 =	vgt.f32 v7, v5;
	vm1 =	vgt.f32 v8, v5;
	vm3 =	vgt.f32 v9, v5;
	p1 =	slt.u32 s9, $0x780;
	v7 =	vld [tilespmem:s10+$0xFFFFFFD0]  }
0x3e: {  	vm4 =	vgt.f32 v10, v5;
	vm5 =	vgt.f32 v11, v5;
	vm6 =	vgt.f32 v12, v5;
	v8 =	vld [tilespmem:s10+$0xFFFFFFE0]  }
0x3f: {  	v11 =	vsel vm2, v24, v25;
	v12 =	vsel vm0, v14, v15;
	v14 =	vsel vm1, v16, v21;
	v9 =	vld [tilespmem:s10+$0xFFFFFFF0]  }
0x40: {  	v15 =	vsel vm3, v18, v19;
	v16 =	vsel vm4, v17, v23;
	v17 =	vsel vm5, v20, v22;
	v10 =	vld [tilespmem:s10+$0x0];
	[tilespmem:s8+$0xFFFFFFC0] =	vst v11  }
0x41: {  	v18 =	vsel vm6, v13, v27;
	v11 =	vld [tilespmem:s10+$0x10];
	vm0 =	vgt.f32 v26, v6;
	vm1 =	vgt.f32 v26, v4;
	[tilespmem:s8+$0xFFFFFFD0] =	vst v12  }
0x42: {  	vm2 =	vgt.f32 v26, v5;
	v12 =	vld [tilespmem:s10+$0x20];
	v19 =	vsel vm0, v2, v3;
	v20 =	vsel vm1, v1, v0;
	[tilespmem:s8+$0xFFFFFFE0] =	vst v14  }
0x43: {  	vm0 =	vgt.f32 v7, v6;
	vm1 =	vgt.f32 v7, v4;
	v13 =	vld [tilespmem:s10+$0xFFFFFFC0];
	v14 =	vsel vm2, v19, v20;
	[tilespmem:s8+$0xFFFFFFF0] =	vst v15  }
0x44: {  	vm2 =	vgt.f32 v8, v6;
	vm3 =	vgt.f32 v8, v4;
	vm4 =	vgt.f32 v9, v6;
	[tilespmem:s10+$0x30] =	vst v14  }
0x45: {  	vm5 =	vgt.f32 v9, v4;
	vm6 =	vgt.f32 v10, v6;
	vm7 =	vgt.f32 v10, v4;
	[tilespmem:s8+$0x0] =	vst v16  }
0x46: {  	v14 =	vsel vm0, v2, v3;
	vm8 =	vgt.f32 v11, v6;
	vm9 =	vgt.f32 v11, v4;
	[tilespmem:s8+$0x10] =	vst v17  }
.Ltmp0:
0x47: {  	v15 =	vsel vm1, v1, v0;
	vm1 =	vgt.f32 v12, v6;
	vm0 =	vgt.f32 v12, v4;
	[tilespmem:s8+$0x20] =	vst v18;
	s8 =	smov.u32 s10;
	(pc) =	sbr.rel @p1 .LBB2_3-.Ltmp0, $4  }
0x48: {  	v16 =	vsel vm2, v2, v3;
	vm10 =	vgt.f32 v13, v6;
	vm11 =	vgt.f32 v13, v4  }
0x49: {  	v21 =	vsel vm3, v1, v0;
	v24 =	vsel vm10, v2, v3;
	v25 =	vsel vm11, v1, v0  }
0x4a: {  	v19 =	vsel vm5, v1, v0;
	v17 =	vsel vm6, v2, v3;
	v18 =	vsel vm4, v2, v3  }
0x4b: {  	v23 =	vsel vm7, v1, v0;
	v20 =	vsel vm8, v2, v3;
	v22 =	vsel vm9, v1, v0;
	s10 =	sadd.s32 $0x400, s10  }
0x4c: {  	vm2 =	vgt.f32 v13, v5  }
0x4d: {  	vm3 =	vgt.f32 v7, v5;
	v7 =	vsel vm2, v24, v25  }
0x4e: {  	vm2 =	vgt.f32 v8, v5;
	v8 =	vsel vm3, v14, v15;
	[tilespmem:s8+$0xFFFFFFC0] =	vst v7  }
0x4f: {  	vm3 =	vgt.f32 v9, v5;
	v7 =	vsel vm2, v16, v21;
	[tilespmem:s8+$0xFFFFFFD0] =	vst v8  }
0x50: {  	vm2 =	vgt.f32 v10, v5;
	v8 =	vsel vm3, v18, v19;
	[tilespmem:s8+$0xFFFFFFE0] =	vst v7  }
0x51: {  	v7 =	vsel vm1, v2, v3;
	vm1 =	vgt.f32 v11, v5;
	v9 =	vsel vm2, v17, v23;
	[tilespmem:s8+$0xFFFFFFF0] =	vst v8  }
0x52: {  	v8 =	vsel vm0, v1, v0;
	vm0 =	vgt.f32 v12, v5;
	v10 =	vsel vm1, v20, v22;
	[tilespmem:s8+$0x0] =	vst v9  }
0x53: {  	v7 =	vsel vm0, v7, v8;
	[tilespmem:s8+$0x10] =	vst v10  }
0x54: {  	[tilespmem:s8+$0x20] =	vst v7  }
0x55: {  	v13 =	vld [tilespmem:s7+$0x0]  }
0x56: {  	v8 =	vld [tilespmem:s7+$0xFFFFFFB0]  }
0x57: {  	v9 =	vld [tilespmem:s7+$0xFFFFFFC0]  }
0x58: {  	v10 =	vld [tilespmem:s7+$0xFFFFFFD0]  }
0x59: {  	v11 =	vld [tilespmem:s7+$0xFFFFFFE0]  }
0x5a: {  	v7 =	vld [tilespmem:s7+$0xFFFFFFA0]  }
0x5b: {  	vm0 =	vgt.f32 v13, v6;
	vm1 =	vgt.f32 v13, v4  }
0x5c: {  	vm2 =	vgt.f32 v13, v5;
	vm3 =	vgt.f32 v8, v4;
	vm4 =	vgt.f32 v9, v6  }
0x5d: {  	vm5 =	vgt.f32 v9, v4;
	vm6 =	vgt.f32 v10, v6;
	vm7 =	vgt.f32 v10, v4  }
0x5e: {  	v12 =	vld [tilespmem:s7+$0xFFFFFFF0];
	vm8 =	vgt.f32 v11, v6;
	vm9 =	vgt.f32 v11, v4;
	v14 =	vsel vm0, v2, v3  }
0x5f: {  	v13 =	vld [tilespmem:s7+$0xFFFFFF90];
	v15 =	vsel vm1, v1, v0;
	vm0 =	vgt.f32 v7, v6;
	vm1 =	vgt.f32 v7, v4  }
0x60: {  	v21 =	vsel vm3, v1, v0;
	v18 =	vsel vm4, v2, v3;
	v19 =	vsel vm5, v1, v0  }
0x61: {  	v17 =	vsel vm6, v2, v3;
	v23 =	vsel vm7, v1, v0;
	v22 =	vsel vm9, v1, v0  }
0x62: {  	v20 =	vsel vm2, v14, v15;
	vm2 =	vgt.f32 v8, v6;
	v14 =	vsel vm0, v2, v3  }
0x63: {  	v15 =	vsel vm1, v1, v0;
	vm1 =	vgt.f32 v12, v6;
	vm0 =	vgt.f32 v12, v4  }
0x64: {  	v16 =	vsel vm2, v2, v3;
	vm10 =	vgt.f32 v13, v6;
	vm11 =	vgt.f32 v13, v4  }
0x65: {  	s9 =	simm.s32 $0x0;
	s10 =	simm.s32 $0x6F0;
	s8 =	simm.s32 $0x370;
	[tilespmem:s7+$0x0] =	vst v20;
	v20 =	vsel vm8, v2, v3;
	v24 =	vsel vm10, v2, v3;
	v25 =	vsel vm11, v1, v0  }
.LBB2_5:
0x66: {  	v26 =	vld [tilespmem:s10+$0x0];
	s9 =	sadd.s32 $0x80, s9;
	vm2 =	vgt.f32 v13, v5;
	v13 =	vsel vm1, v2, v3;
	v27 =	vsel vm0, v1, v0  }
0x67: {  	vm0 =	vgt.f32 v7, v5;
	vm1 =	vgt.f32 v8, v5;
	vm3 =	vgt.f32 v9, v5;
	p1 =	slt.u32 s9, $0x780;
	v7 =	vld [tilespmem:s10+$0xFFFFFFA0]  }
0x68: {  	vm4 =	vgt.f32 v10, v5;
	vm5 =	vgt.f32 v11, v5;
	vm6 =	vgt.f32 v12, v5;
	v8 =	vld [tilespmem:s10+$0xFFFFFFB0]  }
0x69: {  	v11 =	vsel vm2, v24, v25;
	v12 =	vsel vm0, v14, v15;
	v14 =	vsel vm1, v16, v21;
	v9 =	vld [tilespmem:s10+$0xFFFFFFC0]  }
0x6a: {  	v15 =	vsel vm3, v18, v19;
	v16 =	vsel vm4, v17, v23;
	v17 =	vsel vm5, v20, v22;
	v10 =	vld [tilespmem:s10+$0xFFFFFFD0];
	[tilespmem:s7+$0xFFFFFF90] =	vst v11  }
0x6b: {  	v18 =	vsel vm6, v13, v27;
	v11 =	vld [tilespmem:s10+$0xFFFFFFE0];
	vm0 =	vgt.f32 v26, v6;
	vm1 =	vgt.f32 v26, v4;
	[tilespmem:s7+$0xFFFFFFA0] =	vst v12  }
0x6c: {  	vm2 =	vgt.f32 v26, v5;
	v12 =	vld [tilespmem:s10+$0xFFFFFFF0];
	v19 =	vsel vm0, v2, v3;
	v20 =	vsel vm1, v1, v0;
	[tilespmem:s7+$0xFFFFFFB0] =	vst v14  }
0x6d: {  	vm0 =	vgt.f32 v7, v6;
	vm1 =	vgt.f32 v7, v4;
	v13 =	vld [tilespmem:s10+$0xFFFFFF90];
	v14 =	vsel vm2, v19, v20;
	[tilespmem:s7+$0xFFFFFFC0] =	vst v15  }
0x6e: {  	vm2 =	vgt.f32 v8, v6;
	vm3 =	vgt.f32 v8, v4;
	vm4 =	vgt.f32 v9, v6;
	[tilespmem:s10+$0x0] =	vst v14  }
0x6f: {  	vm5 =	vgt.f32 v9, v4;
	vm6 =	vgt.f32 v10, v6;
	vm7 =	vgt.f32 v10, v4;
	[tilespmem:s7+$0xFFFFFFD0] =	vst v16  }
0x70: {  	v14 =	vsel vm0, v2, v3;
	vm8 =	vgt.f32 v11, v6;
	vm9 =	vgt.f32 v11, v4;
	[tilespmem:s7+$0xFFFFFFE0] =	vst v17  }
.Ltmp1:
0x71: {  	v15 =	vsel vm1, v1, v0;
	vm1 =	vgt.f32 v12, v6;
	vm0 =	vgt.f32 v12, v4;
	[tilespmem:s7+$0xFFFFFFF0] =	vst v18;
	s7 =	smov.u32 s10;
	(pc) =	sbr.rel @p1 .LBB2_5-.Ltmp1, $4  }
0x72: {  	v16 =	vsel vm2, v2, v3;
	vm10 =	vgt.f32 v13, v6;
	vm11 =	vgt.f32 v13, v4  }
0x73: {  	v21 =	vsel vm3, v1, v0;
	v24 =	vsel vm10, v2, v3;
	v25 =	vsel vm11, v1, v0  }
0x74: {  	v19 =	vsel vm5, v1, v0;
	v17 =	vsel vm6, v2, v3;
	v18 =	vsel vm4, v2, v3  }
0x75: {  	v23 =	vsel vm7, v1, v0;
	v20 =	vsel vm8, v2, v3;
	v22 =	vsel vm9, v1, v0;
	s10 =	sadd.s32 $0x400, s10  }
0x76: {  	vm2 =	vgt.f32 v13, v5  }
0x77: {  	vm3 =	vgt.f32 v7, v5;
	v7 =	vsel vm2, v24, v25  }
0x78: {  	vm2 =	vgt.f32 v8, v5;
	v8 =	vsel vm3, v14, v15;
	[tilespmem:s7+$0xFFFFFF90] =	vst v7  }
0x79: {  	vm3 =	vgt.f32 v9, v5;
	v7 =	vsel vm2, v16, v21;
	[tilespmem:s7+$0xFFFFFFA0] =	vst v8  }
0x7a: {  	vm2 =	vgt.f32 v10, v5;
	v8 =	vsel vm3, v18, v19;
	[tilespmem:s7+$0xFFFFFFB0] =	vst v7  }
0x7b: {  	v7 =	vsel vm1, v2, v3;
	vm1 =	vgt.f32 v11, v5;
	v9 =	vsel vm2, v17, v23;
	[tilespmem:s7+$0xFFFFFFC0] =	vst v8  }
0x7c: {  	v8 =	vsel vm0, v1, v0;
	vm0 =	vgt.f32 v12, v5;
	v10 =	vsel vm1, v20, v22;
	[tilespmem:s7+$0xFFFFFFD0] =	vst v9  }
0x7d: {  	v7 =	vsel vm0, v7, v8;
	[tilespmem:s7+$0xFFFFFFE0] =	vst v10  }
0x7e: {  	[tilespmem:s7+$0xFFFFFFF0] =	vst v7  }
0x7f: {  	v13 =	vld [tilespmem:s8+$0x0]  }
0x80: {  	v8 =	vld [tilespmem:s8+$0xFFFFFFB0]  }
0x81: {  	v9 =	vld [tilespmem:s8+$0xFFFFFFC0]  }
0x82: {  	v10 =	vld [tilespmem:s8+$0xFFFFFFD0]  }
0x83: {  	v11 =	vld [tilespmem:s8+$0xFFFFFFE0]  }
0x84: {  	v7 =	vld [tilespmem:s8+$0xFFFFFFA0]  }
0x85: {  	vm0 =	vgt.f32 v13, v6;
	vm1 =	vgt.f32 v13, v4  }
0x86: {  	vm2 =	vgt.f32 v13, v5;
	vm3 =	vgt.f32 v8, v4;
	vm4 =	vgt.f32 v9, v6  }
0x87: {  	vm5 =	vgt.f32 v9, v4;
	vm6 =	vgt.f32 v10, v6;
	vm7 =	vgt.f32 v10, v4  }
0x88: {  	v12 =	vld [tilespmem:s8+$0xFFFFFFF0];
	vm8 =	vgt.f32 v11, v6;
	vm9 =	vgt.f32 v11, v4;
	v14 =	vsel vm0, v2, v3  }
0x89: {  	v13 =	vld [tilespmem:s8+$0xFFFFFF90];
	v15 =	vsel vm1, v1, v0;
	vm0 =	vgt.f32 v7, v6;
	vm1 =	vgt.f32 v7, v4  }
0x8a: {  	v21 =	vsel vm3, v1, v0;
	v18 =	vsel vm4, v2, v3;
	v19 =	vsel vm5, v1, v0  }
0x8b: {  	v17 =	vsel vm6, v2, v3;
	v23 =	vsel vm7, v1, v0;
	v22 =	vsel vm9, v1, v0  }
0x8c: {  	v20 =	vsel vm2, v14, v15;
	vm2 =	vgt.f32 v8, v6;
	v14 =	vsel vm0, v2, v3  }
0x8d: {  	v15 =	vsel vm1, v1, v0;
	vm1 =	vgt.f32 v12, v6;
	vm0 =	vgt.f32 v12, v4  }
0x8e: {  	v16 =	vsel vm2, v2, v3;
	vm10 =	vgt.f32 v13, v6;
	vm11 =	vgt.f32 v13, v4  }
0x8f: {  	s9 =	simm.s32 $0x0;
	s10 =	simm.s32 $0x770;
	s7 =	simm.s32 $0x3F0;
	[tilespmem:s8+$0x0] =	vst v20;
	v20 =	vsel vm8, v2, v3;
	v24 =	vsel vm10, v2, v3;
	v25 =	vsel vm11, v1, v0  }
.LBB2_7:
0x90: {  	v26 =	vld [tilespmem:s10+$0x0];
	s9 =	sadd.s32 $0x80, s9;
	vm2 =	vgt.f32 v13, v5;
	v13 =	vsel vm1, v2, v3;
	v27 =	vsel vm0, v1, v0  }
0x91: {  	vm0 =	vgt.f32 v7, v5;
	vm1 =	vgt.f32 v8, v5;
	vm3 =	vgt.f32 v9, v5;
	p1 =	slt.u32 s9, $0x780;
	v7 =	vld [tilespmem:s10+$0xFFFFFFA0]  }
0x92: {  	vm4 =	vgt.f32 v10, v5;
	vm5 =	vgt.f32 v11, v5;
	vm6 =	vgt.f32 v12, v5;
	v8 =	vld [tilespmem:s10+$0xFFFFFFB0]  }
0x93: {  	v11 =	vsel vm2, v24, v25;
	v12 =	vsel vm0, v14, v15;
	v14 =	vsel vm1, v16, v21;
	v9 =	vld [tilespmem:s10+$0xFFFFFFC0]  }
0x94: {  	v15 =	vsel vm3, v18, v19;
	v16 =	vsel vm4, v17, v23;
	v17 =	vsel vm5, v20, v22;
	v10 =	vld [tilespmem:s10+$0xFFFFFFD0];
	[tilespmem:s8+$0xFFFFFF90] =	vst v11  }
0x95: {  	v18 =	vsel vm6, v13, v27;
	v11 =	vld [tilespmem:s10+$0xFFFFFFE0];
	vm0 =	vgt.f32 v26, v6;
	vm1 =	vgt.f32 v26, v4;
	[tilespmem:s8+$0xFFFFFFA0] =	vst v12  }
0x96: {  	vm2 =	vgt.f32 v26, v5;
	v12 =	vld [tilespmem:s10+$0xFFFFFFF0];
	v19 =	vsel vm0, v2, v3;
	v20 =	vsel vm1, v1, v0;
	[tilespmem:s8+$0xFFFFFFB0] =	vst v14  }
0x97: {  	vm0 =	vgt.f32 v7, v6;
	vm1 =	vgt.f32 v7, v4;
	v13 =	vld [tilespmem:s10+$0xFFFFFF90];
	v14 =	vsel vm2, v19, v20;
	[tilespmem:s8+$0xFFFFFFC0] =	vst v15  }
0x98: {  	vm2 =	vgt.f32 v8, v6;
	vm3 =	vgt.f32 v8, v4;
	vm4 =	vgt.f32 v9, v6;
	[tilespmem:s10+$0x0] =	vst v14  }
0x99: {  	vm5 =	vgt.f32 v9, v4;
	vm6 =	vgt.f32 v10, v6;
	vm7 =	vgt.f32 v10, v4;
	[tilespmem:s8+$0xFFFFFFD0] =	vst v16  }
0x9a: {  	v14 =	vsel vm0, v2, v3;
	vm8 =	vgt.f32 v11, v6;
	vm9 =	vgt.f32 v11, v4;
	[tilespmem:s8+$0xFFFFFFE0] =	vst v17  }
.Ltmp2:
0x9b: {  	v15 =	vsel vm1, v1, v0;
	vm1 =	vgt.f32 v12, v6;
	vm0 =	vgt.f32 v12, v4;
	[tilespmem:s8+$0xFFFFFFF0] =	vst v18;
	s8 =	smov.u32 s10;
	(pc) =	sbr.rel @p1 .LBB2_7-.Ltmp2, $4  }
0x9c: {  	v16 =	vsel vm2, v2, v3;
	vm10 =	vgt.f32 v13, v6;
	vm11 =	vgt.f32 v13, v4  }
0x9d: {  	v21 =	vsel vm3, v1, v0;
	v24 =	vsel vm10, v2, v3;
	v25 =	vsel vm11, v1, v0  }
0x9e: {  	v19 =	vsel vm5, v1, v0;
	v17 =	vsel vm6, v2, v3;
	v18 =	vsel vm4, v2, v3  }
0x9f: {  	v23 =	vsel vm7, v1, v0;
	v20 =	vsel vm8, v2, v3;
	v22 =	vsel vm9, v1, v0;
	s10 =	sadd.s32 $0x400, s10  }
0xa0: {  	vm2 =	vgt.f32 v13, v5  }
0xa1: {  	vm3 =	vgt.f32 v7, v5;
	v7 =	vsel vm2, v24, v25  }
0xa2: {  	vm2 =	vgt.f32 v8, v5;
	v8 =	vsel vm3, v14, v15;
	[tilespmem:s8+$0xFFFFFF90] =	vst v7  }
0xa3: {  	vm3 =	vgt.f32 v9, v5;
	v7 =	vsel vm2, v16, v21;
	[tilespmem:s8+$0xFFFFFFA0] =	vst v8  }
0xa4: {  	vm2 =	vgt.f32 v10, v5;
	v8 =	vsel vm3, v18, v19;
	[tilespmem:s8+$0xFFFFFFB0] =	vst v7  }
0xa5: {  	v7 =	vsel vm1, v2, v3;
	vm1 =	vgt.f32 v11, v5;
	v9 =	vsel vm2, v17, v23;
	[tilespmem:s8+$0xFFFFFFC0] =	vst v8  }
0xa6: {  	v8 =	vsel vm0, v1, v0;
	vm0 =	vgt.f32 v12, v5;
	v10 =	vsel vm1, v20, v22;
	[tilespmem:s8+$0xFFFFFFD0] =	vst v9  }
0xa7: {  	v7 =	vsel vm0, v7, v8;
	[tilespmem:s8+$0xFFFFFFE0] =	vst v10  }
0xa8: {  	[tilespmem:s8+$0xFFFFFFF0] =	vst v7  }
0xa9: {  	v13 =	vld [tilespmem:s7+$0x0]  }
0xaa: {  	v8 =	vld [tilespmem:s7+$0xFFFFFFB0]  }
0xab: {  	v9 =	vld [tilespmem:s7+$0xFFFFFFC0]  }
0xac: {  	v10 =	vld [tilespmem:s7+$0xFFFFFFD0]  }
0xad: {  	v11 =	vld [tilespmem:s7+$0xFFFFFFE0]  }
0xae: {  	v7 =	vld [tilespmem:s7+$0xFFFFFFA0]  }
0xaf: {  	vm0 =	vgt.f32 v13, v6;
	vm1 =	vgt.f32 v13, v4  }
0xb0: {  	vm2 =	vgt.f32 v13, v5;
	vm3 =	vgt.f32 v8, v4;
	vm4 =	vgt.f32 v9, v6  }
0xb1: {  	vm5 =	vgt.f32 v9, v4;
	vm6 =	vgt.f32 v10, v6;
	vm7 =	vgt.f32 v10, v4  }
0xb2: {  	v12 =	vld [tilespmem:s7+$0xFFFFFFF0];
	vm8 =	vgt.f32 v11, v6;
	vm9 =	vgt.f32 v11, v4;
	v14 =	vsel vm0, v2, v3  }
0xb3: {  	v13 =	vld [tilespmem:s7+$0xFFFFFF90];
	v15 =	vsel vm1, v1, v0;
	vm0 =	vgt.f32 v7, v6;
	vm1 =	vgt.f32 v7, v4  }
0xb4: {  	v21 =	vsel vm3, v1, v0;
	v18 =	vsel vm4, v2, v3;
	v19 =	vsel vm5, v1, v0  }
0xb5: {  	v17 =	vsel vm6, v2, v3;
	v23 =	vsel vm7, v1, v0;
	v22 =	vsel vm9, v1, v0  }
0xb6: {  	v20 =	vsel vm2, v14, v15;
	vm2 =	vgt.f32 v8, v6;
	v14 =	vsel vm0, v2, v3  }
0xb7: {  	v15 =	vsel vm1, v1, v0;
	vm1 =	vgt.f32 v12, v6;
	vm0 =	vgt.f32 v12, v4  }
0xb8: {  	v16 =	vsel vm2, v2, v3;
	vm10 =	vgt.f32 v13, v6;
	vm11 =	vgt.f32 v13, v4  }
0xb9: {  	s9 =	simm.s32 $0x0;
	s10 =	simm.s32 $0x7F0;
	s8 =	simm.s32 $0x470;
	[tilespmem:s7+$0x0] =	vst v20;
	v20 =	vsel vm8, v2, v3;
	v24 =	vsel vm10, v2, v3;
	v25 =	vsel vm11, v1, v0  }
.LBB2_9:
0xba: {  	v26 =	vld [tilespmem:s10+$0x0];
	s9 =	sadd.s32 $0x80, s9;
	vm2 =	vgt.f32 v13, v5;
	v13 =	vsel vm1, v2, v3;
	v27 =	vsel vm0, v1, v0  }
0xbb: {  	vm0 =	vgt.f32 v7, v5;
	vm1 =	vgt.f32 v8, v5;
	vm3 =	vgt.f32 v9, v5;
	p1 =	slt.u32 s9, $0x780;
	v7 =	vld [tilespmem:s10+$0xFFFFFFA0]  }
0xbc: {  	vm4 =	vgt.f32 v10, v5;
	vm5 =	vgt.f32 v11, v5;
	vm6 =	vgt.f32 v12, v5;
	v8 =	vld [tilespmem:s10+$0xFFFFFFB0]  }
0xbd: {  	v11 =	vsel vm2, v24, v25;
	v12 =	vsel vm0, v14, v15;
	v14 =	vsel vm1, v16, v21;
	v9 =	vld [tilespmem:s10+$0xFFFFFFC0]  }
0xbe: {  	v15 =	vsel vm3, v18, v19;
	v16 =	vsel vm4, v17, v23;
	v17 =	vsel vm5, v20, v22;
	v10 =	vld [tilespmem:s10+$0xFFFFFFD0];
	[tilespmem:s7+$0xFFFFFF90] =	vst v11  }
0xbf: {  	v18 =	vsel vm6, v13, v27;
	v11 =	vld [tilespmem:s10+$0xFFFFFFE0];
	vm0 =	vgt.f32 v26, v6;
	vm1 =	vgt.f32 v26, v4;
	[tilespmem:s7+$0xFFFFFFA0] =	vst v12  }
0xc0: {  	vm2 =	vgt.f32 v26, v5;
	v12 =	vld [tilespmem:s10+$0xFFFFFFF0];
	v19 =	vsel vm0, v2, v3;
	v20 =	vsel vm1, v1, v0;
	[tilespmem:s7+$0xFFFFFFB0] =	vst v14  }
0xc1: {  	vm0 =	vgt.f32 v7, v6;
	vm1 =	vgt.f32 v7, v4;
	v13 =	vld [tilespmem:s10+$0xFFFFFF90];
	v14 =	vsel vm2, v19, v20;
	[tilespmem:s7+$0xFFFFFFC0] =	vst v15  }
0xc2: {  	vm2 =	vgt.f32 v8, v6;
	vm3 =	vgt.f32 v8, v4;
	vm4 =	vgt.f32 v9, v6;
	[tilespmem:s10+$0x0] =	vst v14  }
0xc3: {  	vm5 =	vgt.f32 v9, v4;
	vm6 =	vgt.f32 v10, v6;
	vm7 =	vgt.f32 v10, v4;
	[tilespmem:s7+$0xFFFFFFD0] =	vst v16  }
0xc4: {  	v14 =	vsel vm0, v2, v3;
	vm8 =	vgt.f32 v11, v6;
	vm9 =	vgt.f32 v11, v4;
	[tilespmem:s7+$0xFFFFFFE0] =	vst v17  }
.Ltmp3:
0xc5: {  	v15 =	vsel vm1, v1, v0;
	vm1 =	vgt.f32 v12, v6;
	vm0 =	vgt.f32 v12, v4;
	[tilespmem:s7+$0xFFFFFFF0] =	vst v18;
	s7 =	smov.u32 s10;
	(pc) =	sbr.rel @p1 .LBB2_9-.Ltmp3, $4  }
0xc6: {  	v16 =	vsel vm2, v2, v3;
	vm10 =	vgt.f32 v13, v6;
	vm11 =	vgt.f32 v13, v4  }
0xc7: {  	v21 =	vsel vm3, v1, v0;
	v24 =	vsel vm10, v2, v3;
	v25 =	vsel vm11, v1, v0  }
0xc8: {  	v19 =	vsel vm5, v1, v0;
	v17 =	vsel vm6, v2, v3;
	v18 =	vsel vm4, v2, v3  }
0xc9: {  	v23 =	vsel vm7, v1, v0;
	v20 =	vsel vm8, v2, v3;
	v22 =	vsel vm9, v1, v0;
	s10 =	sadd.s32 $0x400, s10  }
0xca: {  	vm2 =	vgt.f32 v13, v5  }
0xcb: {  	vm3 =	vgt.f32 v7, v5;
	v7 =	vsel vm2, v24, v25  }
0xcc: {  	vm2 =	vgt.f32 v8, v5;
	v8 =	vsel vm3, v14, v15;
	[tilespmem:s7+$0xFFFFFF90] =	vst v7  }
0xcd: {  	vm3 =	vgt.f32 v9, v5;
	v7 =	vsel vm2, v16, v21;
	[tilespmem:s7+$0xFFFFFFA0] =	vst v8  }
0xce: {  	vm2 =	vgt.f32 v10, v5;
	v8 =	vsel vm3, v18, v19;
	[tilespmem:s7+$0xFFFFFFB0] =	vst v7  }
0xcf: {  	v7 =	vsel vm1, v2, v3;
	vm1 =	vgt.f32 v11, v5;
	v9 =	vsel vm2, v17, v23;
	[tilespmem:s7+$0xFFFFFFC0] =	vst v8  }
0xd0: {  	v8 =	vsel vm0, v1, v0;
	vm0 =	vgt.f32 v12, v5;
	v10 =	vsel vm1, v20, v22;
	[tilespmem:s7+$0xFFFFFFD0] =	vst v9  }
0xd1: {  	v7 =	vsel vm0, v7, v8;
	[tilespmem:s7+$0xFFFFFFE0] =	vst v10  }
0xd2: {  	[tilespmem:s7+$0xFFFFFFF0] =	vst v7  }
0xd3: {  	v13 =	vld [tilespmem:s8+$0x0]  }
0xd4: {  	v8 =	vld [tilespmem:s8+$0xFFFFFFB0]  }
0xd5: {  	v9 =	vld [tilespmem:s8+$0xFFFFFFC0]  }
0xd6: {  	v10 =	vld [tilespmem:s8+$0xFFFFFFD0]  }
0xd7: {  	v11 =	vld [tilespmem:s8+$0xFFFFFFE0]  }
0xd8: {  	v7 =	vld [tilespmem:s8+$0xFFFFFFA0]  }
0xd9: {  	vm0 =	vgt.f32 v13, v6;
	vm1 =	vgt.f32 v13, v4  }
0xda: {  	vm2 =	vgt.f32 v13, v5;
	vm3 =	vgt.f32 v8, v4;
	vm4 =	vgt.f32 v9, v6  }
0xdb: {  	vm5 =	vgt.f32 v9, v4;
	vm6 =	vgt.f32 v10, v6;
	vm7 =	vgt.f32 v10, v4  }
0xdc: {  	v12 =	vld [tilespmem:s8+$0xFFFFFFF0];
	vm8 =	vgt.f32 v11, v6;
	vm9 =	vgt.f32 v11, v4;
	v14 =	vsel vm0, v2, v3  }
0xdd: {  	v13 =	vld [tilespmem:s8+$0xFFFFFF90];
	v15 =	vsel vm1, v1, v0;
	vm0 =	vgt.f32 v7, v6;
	vm1 =	vgt.f32 v7, v4  }
0xde: {  	v21 =	vsel vm3, v1, v0;
	v18 =	vsel vm4, v2, v3;
	v19 =	vsel vm5, v1, v0  }
0xdf: {  	v17 =	vsel vm6, v2, v3;
	v23 =	vsel vm7, v1, v0;
	v22 =	vsel vm9, v1, v0  }
0xe0: {  	v20 =	vsel vm2, v14, v15;
	vm2 =	vgt.f32 v8, v6;
	v14 =	vsel vm0, v2, v3  }
0xe1: {  	v15 =	vsel vm1, v1, v0;
	vm1 =	vgt.f32 v12, v6;
	vm0 =	vgt.f32 v12, v4  }
0xe2: {  	v16 =	vsel vm2, v2, v3;
	vm10 =	vgt.f32 v13, v6;
	vm11 =	vgt.f32 v13, v4  }
0xe3: {  	s9 =	simm.s32 $0x0;
	s10 =	simm.s32 $0x870;
	s7 =	simm.s32 $0x4F0;
	[tilespmem:s8+$0x0] =	vst v20;
	v20 =	vsel vm8, v2, v3;
	v24 =	vsel vm10, v2, v3;
	v25 =	vsel vm11, v1, v0  }
.LBB2_11:
0xe4: {  	v26 =	vld [tilespmem:s10+$0x0];
	s9 =	sadd.s32 $0x80, s9;
	vm2 =	vgt.f32 v13, v5;
	v13 =	vsel vm1, v2, v3;
	v27 =	vsel vm0, v1, v0  }
0xe5: {  	vm0 =	vgt.f32 v7, v5;
	vm1 =	vgt.f32 v8, v5;
	vm3 =	vgt.f32 v9, v5;
	p1 =	slt.u32 s9, $0x780;
	v7 =	vld [tilespmem:s10+$0xFFFFFFA0]  }
0xe6: {  	vm4 =	vgt.f32 v10, v5;
	vm5 =	vgt.f32 v11, v5;
	vm6 =	vgt.f32 v12, v5;
	v8 =	vld [tilespmem:s10+$0xFFFFFFB0]  }
0xe7: {  	v11 =	vsel vm2, v24, v25;
	v12 =	vsel vm0, v14, v15;
	v14 =	vsel vm1, v16, v21;
	v9 =	vld [tilespmem:s10+$0xFFFFFFC0]  }
0xe8: {  	v15 =	vsel vm3, v18, v19;
	v16 =	vsel vm4, v17, v23;
	v17 =	vsel vm5, v20, v22;
	v10 =	vld [tilespmem:s10+$0xFFFFFFD0];
	[tilespmem:s8+$0xFFFFFF90] =	vst v11  }
0xe9: {  	v18 =	vsel vm6, v13, v27;
	v11 =	vld [tilespmem:s10+$0xFFFFFFE0];
	vm0 =	vgt.f32 v26, v6;
	vm1 =	vgt.f32 v26, v4;
	[tilespmem:s8+$0xFFFFFFA0] =	vst v12  }
0xea: {  	vm2 =	vgt.f32 v26, v5;
	v12 =	vld [tilespmem:s10+$0xFFFFFFF0];
	v19 =	vsel vm0, v2, v3;
	v20 =	vsel vm1, v1, v0;
	[tilespmem:s8+$0xFFFFFFB0] =	vst v14  }
0xeb: {  	vm0 =	vgt.f32 v7, v6;
	vm1 =	vgt.f32 v7, v4;
	v13 =	vld [tilespmem:s10+$0xFFFFFF90];
	v14 =	vsel vm2, v19, v20;
	[tilespmem:s8+$0xFFFFFFC0] =	vst v15  }
0xec: {  	vm2 =	vgt.f32 v8, v6;
	vm3 =	vgt.f32 v8, v4;
	vm4 =	vgt.f32 v9, v6;
	[tilespmem:s10+$0x0] =	vst v14  }
0xed: {  	vm5 =	vgt.f32 v9, v4;
	vm6 =	vgt.f32 v10, v6;
	vm7 =	vgt.f32 v10, v4;
	[tilespmem:s8+$0xFFFFFFD0] =	vst v16  }
0xee: {  	v14 =	vsel vm0, v2, v3;
	vm8 =	vgt.f32 v11, v6;
	vm9 =	vgt.f32 v11, v4;
	[tilespmem:s8+$0xFFFFFFE0] =	vst v17  }
.Ltmp4:
0xef: {  	v15 =	vsel vm1, v1, v0;
	vm1 =	vgt.f32 v12, v6;
	vm0 =	vgt.f32 v12, v4;
	[tilespmem:s8+$0xFFFFFFF0] =	vst v18;
	s8 =	smov.u32 s10;
	(pc) =	sbr.rel @p1 .LBB2_11-.Ltmp4, $4  }
0xf0: {  	v16 =	vsel vm2, v2, v3;
	vm10 =	vgt.f32 v13, v6;
	vm11 =	vgt.f32 v13, v4  }
0xf1: {  	v21 =	vsel vm3, v1, v0;
	v24 =	vsel vm10, v2, v3;
	v25 =	vsel vm11, v1, v0  }
0xf2: {  	v19 =	vsel vm5, v1, v0;
	v17 =	vsel vm6, v2, v3;
	v18 =	vsel vm4, v2, v3  }
0xf3: {  	v23 =	vsel vm7, v1, v0;
	v20 =	vsel vm8, v2, v3;
	v22 =	vsel vm9, v1, v0;
	s10 =	sadd.s32 $0x400, s10  }
0xf4: {  	vm2 =	vgt.f32 v13, v5  }
0xf5: {  	vm3 =	vgt.f32 v7, v5;
	v7 =	vsel vm2, v24, v25  }
0xf6: {  	vm2 =	vgt.f32 v8, v5;
	v8 =	vsel vm3, v14, v15;
	[tilespmem:s8+$0xFFFFFF90] =	vst v7  }
0xf7: {  	vm3 =	vgt.f32 v9, v5;
	v7 =	vsel vm2, v16, v21;
	[tilespmem:s8+$0xFFFFFFA0] =	vst v8  }
0xf8: {  	vm2 =	vgt.f32 v10, v5;
	v8 =	vsel vm3, v18, v19;
	[tilespmem:s8+$0xFFFFFFB0] =	vst v7  }
0xf9: {  	v7 =	vsel vm1, v2, v3;
	vm1 =	vgt.f32 v11, v5;
	v9 =	vsel vm2, v17, v23;
	[tilespmem:s8+$0xFFFFFFC0] =	vst v8  }
0xfa: {  	v8 =	vsel vm0, v1, v0;
	vm0 =	vgt.f32 v12, v5;
	v10 =	vsel vm1, v20, v22;
	[tilespmem:s8+$0xFFFFFFD0] =	vst v9  }
0xfb: {  	v7 =	vsel vm0, v7, v8;
	[tilespmem:s8+$0xFFFFFFE0] =	vst v10  }
0xfc: {  	[tilespmem:s8+$0xFFFFFFF0] =	vst v7  }
0xfd: {  	v13 =	vld [tilespmem:s7+$0x0]  }
0xfe: {  	v8 =	vld [tilespmem:s7+$0xFFFFFFB0]  }
0xff: {  	v9 =	vld [tilespmem:s7+$0xFFFFFFC0]  }
0x100: {  	v10 =	vld [tilespmem:s7+$0xFFFFFFD0]  }
0x101: {  	v11 =	vld [tilespmem:s7+$0xFFFFFFE0]  }
0x102: {  	v7 =	vld [tilespmem:s7+$0xFFFFFFA0]  }
0x103: {  	vm0 =	vgt.f32 v13, v6;
	vm1 =	vgt.f32 v13, v4  }
0x104: {  	vm2 =	vgt.f32 v13, v5;
	vm3 =	vgt.f32 v8, v4;
	vm4 =	vgt.f32 v9, v6  }
0x105: {  	vm5 =	vgt.f32 v9, v4;
	vm6 =	vgt.f32 v10, v6;
	vm7 =	vgt.f32 v10, v4  }
0x106: {  	v12 =	vld [tilespmem:s7+$0xFFFFFFF0];
	vm8 =	vgt.f32 v11, v6;
	vm9 =	vgt.f32 v11, v4;
	v14 =	vsel vm0, v2, v3  }
0x107: {  	v13 =	vld [tilespmem:s7+$0xFFFFFF90];
	v15 =	vsel vm1, v1, v0;
	vm0 =	vgt.f32 v7, v6;
	vm1 =	vgt.f32 v7, v4  }
0x108: {  	v21 =	vsel vm3, v1, v0;
	v18 =	vsel vm4, v2, v3;
	v19 =	vsel vm5, v1, v0  }
0x109: {  	v17 =	vsel vm6, v2, v3;
	v23 =	vsel vm7, v1, v0;
	v22 =	vsel vm9, v1, v0  }
0x10a: {  	v20 =	vsel vm2, v14, v15;
	vm2 =	vgt.f32 v8, v6;
	v14 =	vsel vm0, v2, v3  }
0x10b: {  	v15 =	vsel vm1, v1, v0;
	vm1 =	vgt.f32 v12, v6;
	vm0 =	vgt.f32 v12, v4  }
0x10c: {  	v16 =	vsel vm2, v2, v3;
	vm10 =	vgt.f32 v13, v6;
	vm11 =	vgt.f32 v13, v4  }
0x10d: {  	s9 =	simm.s32 $0x0;
	s10 =	simm.s32 $0x8F0;
	s8 =	simm.s32 $0x570;
	[tilespmem:s7+$0x0] =	vst v20;
	v20 =	vsel vm8, v2, v3;
	v24 =	vsel vm10, v2, v3;
	v25 =	vsel vm11, v1, v0  }
.LBB2_13:
0x10e: {  	v26 =	vld [tilespmem:s10+$0x0];
	s9 =	sadd.s32 $0x80, s9;
	vm2 =	vgt.f32 v13, v5;
	v13 =	vsel vm1, v2, v3;
	v27 =	vsel vm0, v1, v0  }
0x10f: {  	vm0 =	vgt.f32 v7, v5;
	vm1 =	vgt.f32 v8, v5;
	vm3 =	vgt.f32 v9, v5;
	p1 =	slt.u32 s9, $0x780;
	v7 =	vld [tilespmem:s10+$0xFFFFFFA0]  }
0x110: {  	vm4 =	vgt.f32 v10, v5;
	vm5 =	vgt.f32 v11, v5;
	vm6 =	vgt.f32 v12, v5;
	v8 =	vld [tilespmem:s10+$0xFFFFFFB0]  }
0x111: {  	v11 =	vsel vm2, v24, v25;
	v12 =	vsel vm0, v14, v15;
	v14 =	vsel vm1, v16, v21;
	v9 =	vld [tilespmem:s10+$0xFFFFFFC0]  }
0x112: {  	v15 =	vsel vm3, v18, v19;
	v16 =	vsel vm4, v17, v23;
	v17 =	vsel vm5, v20, v22;
	v10 =	vld [tilespmem:s10+$0xFFFFFFD0];
	[tilespmem:s7+$0xFFFFFF90] =	vst v11  }
0x113: {  	v18 =	vsel vm6, v13, v27;
	v11 =	vld [tilespmem:s10+$0xFFFFFFE0];
	vm0 =	vgt.f32 v26, v6;
	vm1 =	vgt.f32 v26, v4;
	[tilespmem:s7+$0xFFFFFFA0] =	vst v12  }
0x114: {  	vm2 =	vgt.f32 v26, v5;
	v12 =	vld [tilespmem:s10+$0xFFFFFFF0];
	v19 =	vsel vm0, v2, v3;
	v20 =	vsel vm1, v1, v0;
	[tilespmem:s7+$0xFFFFFFB0] =	vst v14  }
0x115: {  	vm0 =	vgt.f32 v7, v6;
	vm1 =	vgt.f32 v7, v4;
	v13 =	vld [tilespmem:s10+$0xFFFFFF90];
	v14 =	vsel vm2, v19, v20;
	[tilespmem:s7+$0xFFFFFFC0] =	vst v15  }
0x116: {  	vm2 =	vgt.f32 v8, v6;
	vm3 =	vgt.f32 v8, v4;
	vm4 =	vgt.f32 v9, v6;
	[tilespmem:s10+$0x0] =	vst v14  }
0x117: {  	vm5 =	vgt.f32 v9, v4;
	vm6 =	vgt.f32 v10, v6;
	vm7 =	vgt.f32 v10, v4;
	[tilespmem:s7+$0xFFFFFFD0] =	vst v16  }
0x118: {  	v14 =	vsel vm0, v2, v3;
	vm8 =	vgt.f32 v11, v6;
	vm9 =	vgt.f32 v11, v4;
	[tilespmem:s7+$0xFFFFFFE0] =	vst v17  }
.Ltmp5:
0x119: {  	v15 =	vsel vm1, v1, v0;
	vm1 =	vgt.f32 v12, v6;
	vm0 =	vgt.f32 v12, v4;
	[tilespmem:s7+$0xFFFFFFF0] =	vst v18;
	s7 =	smov.u32 s10;
	(pc) =	sbr.rel @p1 .LBB2_13-.Ltmp5, $4  }
0x11a: {  	v16 =	vsel vm2, v2, v3;
	vm10 =	vgt.f32 v13, v6;
	vm11 =	vgt.f32 v13, v4  }
0x11b: {  	v21 =	vsel vm3, v1, v0;
	v24 =	vsel vm10, v2, v3;
	v25 =	vsel vm11, v1, v0  }
0x11c: {  	v19 =	vsel vm5, v1, v0;
	v17 =	vsel vm6, v2, v3;
	v18 =	vsel vm4, v2, v3  }
0x11d: {  	v23 =	vsel vm7, v1, v0;
	v20 =	vsel vm8, v2, v3;
	v22 =	vsel vm9, v1, v0;
	s10 =	sadd.s32 $0x400, s10  }
0x11e: {  	vm2 =	vgt.f32 v13, v5  }
0x11f: {  	vm3 =	vgt.f32 v7, v5;
	v7 =	vsel vm2, v24, v25  }
0x120: {  	vm2 =	vgt.f32 v8, v5;
	v8 =	vsel vm3, v14, v15;
	[tilespmem:s7+$0xFFFFFF90] =	vst v7  }
0x121: {  	vm3 =	vgt.f32 v9, v5;
	v7 =	vsel vm2, v16, v21;
	[tilespmem:s7+$0xFFFFFFA0] =	vst v8  }
0x122: {  	vm2 =	vgt.f32 v10, v5;
	v8 =	vsel vm3, v18, v19;
	[tilespmem:s7+$0xFFFFFFB0] =	vst v7  }
0x123: {  	v7 =	vsel vm1, v2, v3;
	vm1 =	vgt.f32 v11, v5;
	v9 =	vsel vm2, v17, v23;
	[tilespmem:s7+$0xFFFFFFC0] =	vst v8  }
0x124: {  	v8 =	vsel vm0, v1, v0;
	vm0 =	vgt.f32 v12, v5;
	v10 =	vsel vm1, v20, v22;
	[tilespmem:s7+$0xFFFFFFD0] =	vst v9  }
0x125: {  	v7 =	vsel vm0, v7, v8;
	[tilespmem:s7+$0xFFFFFFE0] =	vst v10  }
0x126: {  	[tilespmem:s7+$0xFFFFFFF0] =	vst v7  }
0x127: {  	v13 =	vld [tilespmem:s8+$0x0]  }
0x128: {  	v8 =	vld [tilespmem:s8+$0xFFFFFFB0]  }
0x129: {  	v9 =	vld [tilespmem:s8+$0xFFFFFFC0]  }
0x12a: {  	v10 =	vld [tilespmem:s8+$0xFFFFFFD0]  }
0x12b: {  	v11 =	vld [tilespmem:s8+$0xFFFFFFE0]  }
0x12c: {  	v7 =	vld [tilespmem:s8+$0xFFFFFFA0]  }
0x12d: {  	vm0 =	vgt.f32 v13, v6;
	vm1 =	vgt.f32 v13, v4  }
0x12e: {  	vm2 =	vgt.f32 v13, v5;
	vm3 =	vgt.f32 v8, v4;
	vm4 =	vgt.f32 v9, v6  }
0x12f: {  	vm5 =	vgt.f32 v9, v4;
	vm6 =	vgt.f32 v10, v6;
	vm7 =	vgt.f32 v10, v4  }
0x130: {  	v12 =	vld [tilespmem:s8+$0xFFFFFFF0];
	vm8 =	vgt.f32 v11, v6;
	vm9 =	vgt.f32 v11, v4;
	v14 =	vsel vm0, v2, v3  }
0x131: {  	v13 =	vld [tilespmem:s8+$0xFFFFFF90];
	v15 =	vsel vm1, v1, v0;
	vm0 =	vgt.f32 v7, v6;
	vm1 =	vgt.f32 v7, v4  }
0x132: {  	v21 =	vsel vm3, v1, v0;
	v18 =	vsel vm4, v2, v3;
	v19 =	vsel vm5, v1, v0  }
0x133: {  	v17 =	vsel vm6, v2, v3;
	v23 =	vsel vm7, v1, v0;
	v22 =	vsel vm9, v1, v0  }
0x134: {  	v20 =	vsel vm2, v14, v15;
	vm2 =	vgt.f32 v8, v6;
	v14 =	vsel vm0, v2, v3  }
0x135: {  	v15 =	vsel vm1, v1, v0;
	vm1 =	vgt.f32 v12, v6;
	vm0 =	vgt.f32 v12, v4  }
0x136: {  	v16 =	vsel vm2, v2, v3;
	vm10 =	vgt.f32 v13, v6;
	vm11 =	vgt.f32 v13, v4  }
0x137: {  	s9 =	simm.s32 $0x0;
	s10 =	simm.s32 $0x970;
	s7 =	simm.s32 $0x5F0;
	[tilespmem:s8+$0x0] =	vst v20;
	v20 =	vsel vm8, v2, v3;
	v24 =	vsel vm10, v2, v3;
	v25 =	vsel vm11, v1, v0  }
.LBB2_15:
0x138: {  	v26 =	vld [tilespmem:s10+$0x0];
	s9 =	sadd.s32 $0x80, s9;
	vm2 =	vgt.f32 v13, v5;
	v13 =	vsel vm1, v2, v3;
	v27 =	vsel vm0, v1, v0  }
0x139: {  	vm0 =	vgt.f32 v7, v5;
	vm1 =	vgt.f32 v8, v5;
	vm3 =	vgt.f32 v9, v5;
	p1 =	slt.u32 s9, $0x780;
	v7 =	vld [tilespmem:s10+$0xFFFFFFA0]  }
0x13a: {  	vm4 =	vgt.f32 v10, v5;
	vm5 =	vgt.f32 v11, v5;
	vm6 =	vgt.f32 v12, v5;
	v8 =	vld [tilespmem:s10+$0xFFFFFFB0]  }
0x13b: {  	v11 =	vsel vm2, v24, v25;
	v12 =	vsel vm0, v14, v15;
	v14 =	vsel vm1, v16, v21;
	v9 =	vld [tilespmem:s10+$0xFFFFFFC0]  }
0x13c: {  	v15 =	vsel vm3, v18, v19;
	v16 =	vsel vm4, v17, v23;
	v17 =	vsel vm5, v20, v22;
	v10 =	vld [tilespmem:s10+$0xFFFFFFD0];
	[tilespmem:s8+$0xFFFFFF90] =	vst v11  }
0x13d: {  	v18 =	vsel vm6, v13, v27;
	v11 =	vld [tilespmem:s10+$0xFFFFFFE0];
	vm0 =	vgt.f32 v26, v6;
	vm1 =	vgt.f32 v26, v4;
	[tilespmem:s8+$0xFFFFFFA0] =	vst v12  }
0x13e: {  	vm2 =	vgt.f32 v26, v5;
	v12 =	vld [tilespmem:s10+$0xFFFFFFF0];
	v19 =	vsel vm0, v2, v3;
	v20 =	vsel vm1, v1, v0;
	[tilespmem:s8+$0xFFFFFFB0] =	vst v14  }
0x13f: {  	vm0 =	vgt.f32 v7, v6;
	vm1 =	vgt.f32 v7, v4;
	v13 =	vld [tilespmem:s10+$0xFFFFFF90];
	v14 =	vsel vm2, v19, v20;
	[tilespmem:s8+$0xFFFFFFC0] =	vst v15  }
0x140: {  	vm2 =	vgt.f32 v8, v6;
	vm3 =	vgt.f32 v8, v4;
	vm4 =	vgt.f32 v9, v6;
	[tilespmem:s10+$0x0] =	vst v14  }
0x141: {  	vm5 =	vgt.f32 v9, v4;
	vm6 =	vgt.f32 v10, v6;
	vm7 =	vgt.f32 v10, v4;
	[tilespmem:s8+$0xFFFFFFD0] =	vst v16  }
0x142: {  	v14 =	vsel vm0, v2, v3;
	vm8 =	vgt.f32 v11, v6;
	vm9 =	vgt.f32 v11, v4;
	[tilespmem:s8+$0xFFFFFFE0] =	vst v17  }
.Ltmp6:
0x143: {  	v15 =	vsel vm1, v1, v0;
	vm1 =	vgt.f32 v12, v6;
	vm0 =	vgt.f32 v12, v4;
	[tilespmem:s8+$0xFFFFFFF0] =	vst v18;
	s8 =	smov.u32 s10;
	(pc) =	sbr.rel @p1 .LBB2_15-.Ltmp6, $4  }
0x144: {  	v16 =	vsel vm2, v2, v3;
	vm10 =	vgt.f32 v13, v6;
	vm11 =	vgt.f32 v13, v4  }
0x145: {  	v21 =	vsel vm3, v1, v0;
	v24 =	vsel vm10, v2, v3;
	v25 =	vsel vm11, v1, v0  }
0x146: {  	v19 =	vsel vm5, v1, v0;
	v17 =	vsel vm6, v2, v3;
	v18 =	vsel vm4, v2, v3  }
0x147: {  	v23 =	vsel vm7, v1, v0;
	v20 =	vsel vm8, v2, v3;
	v22 =	vsel vm9, v1, v0;
	s10 =	sadd.s32 $0x400, s10  }
0x148: {  	vm2 =	vgt.f32 v13, v5  }
0x149: {  	vm3 =	vgt.f32 v7, v5;
	v7 =	vsel vm2, v24, v25  }
0x14a: {  	vm2 =	vgt.f32 v8, v5;
	v8 =	vsel vm3, v14, v15;
	[tilespmem:s8+$0xFFFFFF90] =	vst v7  }
0x14b: {  	vm3 =	vgt.f32 v9, v5;
	v7 =	vsel vm2, v16, v21;
	[tilespmem:s8+$0xFFFFFFA0] =	vst v8  }
0x14c: {  	vm2 =	vgt.f32 v10, v5;
	v8 =	vsel vm3, v18, v19;
	[tilespmem:s8+$0xFFFFFFB0] =	vst v7  }
0x14d: {  	v7 =	vsel vm1, v2, v3;
	vm1 =	vgt.f32 v11, v5;
	v9 =	vsel vm2, v17, v23;
	[tilespmem:s8+$0xFFFFFFC0] =	vst v8  }
0x14e: {  	v8 =	vsel vm0, v1, v0;
	vm0 =	vgt.f32 v12, v5;
	v10 =	vsel vm1, v20, v22;
	[tilespmem:s8+$0xFFFFFFD0] =	vst v9  }
0x14f: {  	v7 =	vsel vm0, v7, v8;
	[tilespmem:s8+$0xFFFFFFE0] =	vst v10  }
0x150: {  	[tilespmem:s8+$0xFFFFFFF0] =	vst v7  }
0x151: {  	v13 =	vld [tilespmem:s7+$0x0]  }
0x152: {  	v8 =	vld [tilespmem:s7+$0xFFFFFFB0]  }
0x153: {  	v9 =	vld [tilespmem:s7+$0xFFFFFFC0]  }
0x154: {  	v10 =	vld [tilespmem:s7+$0xFFFFFFD0]  }
0x155: {  	v11 =	vld [tilespmem:s7+$0xFFFFFFE0]  }
0x156: {  	v7 =	vld [tilespmem:s7+$0xFFFFFFA0]  }
0x157: {  	vm0 =	vgt.f32 v13, v6;
	vm1 =	vgt.f32 v13, v4  }
0x158: {  	vm2 =	vgt.f32 v13, v5;
	vm3 =	vgt.f32 v8, v4;
	vm4 =	vgt.f32 v9, v6  }
0x159: {  	vm5 =	vgt.f32 v9, v4;
	vm6 =	vgt.f32 v10, v6;
	vm7 =	vgt.f32 v10, v4  }
0x15a: {  	v12 =	vld [tilespmem:s7+$0xFFFFFFF0];
	vm8 =	vgt.f32 v11, v6;
	vm9 =	vgt.f32 v11, v4;
	v14 =	vsel vm0, v2, v3  }
0x15b: {  	v13 =	vld [tilespmem:s7+$0xFFFFFF90];
	v15 =	vsel vm1, v1, v0;
	vm0 =	vgt.f32 v7, v6;
	vm1 =	vgt.f32 v7, v4  }
0x15c: {  	v22 =	vsel vm3, v1, v0;
	v18 =	vsel vm4, v2, v3;
	v20 =	vsel vm5, v1, v0  }
0x15d: {  	v17 =	vsel vm6, v2, v3;
	v23 =	vsel vm7, v1, v0;
	v21 =	vsel vm9, v1, v0  }
0x15e: {  	v19 =	vsel vm2, v14, v15;
	vm2 =	vgt.f32 v8, v6;
	v14 =	vsel vm0, v2, v3  }
0x15f: {  	v15 =	vsel vm1, v1, v0;
	vm1 =	vgt.f32 v12, v6;
	vm0 =	vgt.f32 v12, v4  }
0x160: {  	v16 =	vsel vm2, v2, v3;
	vm10 =	vgt.f32 v13, v6;
	vm11 =	vgt.f32 v13, v4  }
0x161: {  	s9 =	simm.s32 $0x9F0;
	s8 =	simm.s32 $0x0;
	[tilespmem:s7+$0x0] =	vst v19;
	v19 =	vsel vm8, v2, v3;
	v24 =	vsel vm10, v2, v3;
	v25 =	vsel vm11, v1, v0  }
.LBB2_17:
0x162: {  	v26 =	vld [tilespmem:s9+$0x0];
	s8 =	sadd.s32 $0x80, s8;
	vm2 =	vgt.f32 v13, v5;
	v13 =	vsel vm1, v2, v3;
	v27 =	vsel vm0, v1, v0  }
0x163: {  	vm0 =	vgt.f32 v7, v5;
	vm1 =	vgt.f32 v8, v5;
	vm3 =	vgt.f32 v9, v5;
	p1 =	slt.u32 s8, $0x780;
	v7 =	vld [tilespmem:s9+$0xFFFFFFA0]  }
0x164: {  	vm4 =	vgt.f32 v10, v5;
	vm5 =	vgt.f32 v11, v5;
	vm6 =	vgt.f32 v12, v5;
	v8 =	vld [tilespmem:s9+$0xFFFFFFB0]  }
0x165: {  	v11 =	vsel vm2, v24, v25;
	v12 =	vsel vm0, v14, v15;
	v14 =	vsel vm1, v16, v22;
	v9 =	vld [tilespmem:s9+$0xFFFFFFC0]  }
0x166: {  	v15 =	vsel vm3, v18, v20;
	v16 =	vsel vm4, v17, v23;
	v17 =	vsel vm5, v19, v21;
	v10 =	vld [tilespmem:s9+$0xFFFFFFD0];
	[tilespmem:s7+$0xFFFFFF90] =	vst v11  }
0x167: {  	v18 =	vsel vm6, v13, v27;
	v11 =	vld [tilespmem:s9+$0xFFFFFFE0];
	vm0 =	vgt.f32 v26, v6;
	vm1 =	vgt.f32 v26, v4;
	[tilespmem:s7+$0xFFFFFFA0] =	vst v12  }
0x168: {  	vm2 =	vgt.f32 v26, v5;
	v12 =	vld [tilespmem:s9+$0xFFFFFFF0];
	v19 =	vsel vm0, v2, v3;
	v20 =	vsel vm1, v1, v0;
	[tilespmem:s7+$0xFFFFFFB0] =	vst v14  }
0x169: {  	vm0 =	vgt.f32 v7, v6;
	vm1 =	vgt.f32 v7, v4;
	v13 =	vld [tilespmem:s9+$0xFFFFFF90];
	v14 =	vsel vm2, v19, v20;
	[tilespmem:s7+$0xFFFFFFC0] =	vst v15  }
0x16a: {  	vm2 =	vgt.f32 v8, v6;
	vm3 =	vgt.f32 v8, v4;
	vm4 =	vgt.f32 v9, v6;
	[tilespmem:s9+$0x0] =	vst v14  }
0x16b: {  	vm5 =	vgt.f32 v9, v4;
	vm6 =	vgt.f32 v10, v6;
	vm7 =	vgt.f32 v10, v4;
	[tilespmem:s7+$0xFFFFFFD0] =	vst v16  }
0x16c: {  	v14 =	vsel vm0, v2, v3;
	vm8 =	vgt.f32 v11, v6;
	vm9 =	vgt.f32 v11, v4;
	[tilespmem:s7+$0xFFFFFFE0] =	vst v17  }
.Ltmp7:
0x16d: {  	v15 =	vsel vm1, v1, v0;
	vm1 =	vgt.f32 v12, v6;
	vm0 =	vgt.f32 v12, v4;
	[tilespmem:s7+$0xFFFFFFF0] =	vst v18;
	s7 =	smov.u32 s9;
	(pc) =	sbr.rel @p1 .LBB2_17-.Ltmp7, $4  }
0x16e: {  	v16 =	vsel vm2, v2, v3;
	vm10 =	vgt.f32 v13, v6;
	vm11 =	vgt.f32 v13, v4  }
0x16f: {  	v22 =	vsel vm3, v1, v0;
	v24 =	vsel vm10, v2, v3;
	v25 =	vsel vm11, v1, v0  }
0x170: {  	v20 =	vsel vm5, v1, v0;
	v17 =	vsel vm6, v2, v3;
	v18 =	vsel vm4, v2, v3  }
0x171: {  	v23 =	vsel vm7, v1, v0;
	v19 =	vsel vm8, v2, v3;
	v21 =	vsel vm9, v1, v0;
	s9 =	sadd.s32 $0x400, s9  }
0x172: {  	vm2 =	vgt.f32 v13, v5  }
0x173: {  	vm3 =	vgt.f32 v7, v5;
	v7 =	vsel vm2, v24, v25  }
0x174: {  	vm2 =	vgt.f32 v8, v5;
	v8 =	vsel vm3, v14, v15;
	[tilespmem:s7+$0xFFFFFF90] =	vst v7  }
0x175: {  	vm3 =	vgt.f32 v9, v5;
	v7 =	vsel vm2, v16, v22;
	[tilespmem:s7+$0xFFFFFFA0] =	vst v8  }
0x176: {  	vm2 =	vgt.f32 v10, v5;
	v8 =	vsel vm3, v18, v20;
	[tilespmem:s7+$0xFFFFFFB0] =	vst v7  }
0x177: {  	v7 =	vsel vm1, v2, v3;
	vm1 =	vgt.f32 v11, v5;
	v9 =	vsel vm2, v17, v23;
	[tilespmem:s7+$0xFFFFFFC0] =	vst v8  }
0x178: {  	v8 =	vsel vm0, v1, v0;
	vm0 =	vgt.f32 v12, v5;
	v10 =	vsel vm1, v19, v21;
	[tilespmem:s7+$0xFFFFFFD0] =	vst v9  }
0x179: {  	s8 =	sshll.u32 s31, $0xD;
	v7 =	vsel vm0, v7, v8;
	[tilespmem:s7+$0xFFFFFFE0] =	vst v10  }
0x17a: {  	s10 =	sadd.s32 s8, s12;
	[tilespmem:s7+$0xFFFFFFF0] =	vst v7;
	s7 =	simm.s32 @!p0 $0x8  }
0x17b: {  	[hbm4b:s10+s4] =	stream.linear.scatter [tilespmem:s17], [sflag:$0x5], $0x4000, $0x38;
	[tilespmem:$0x10200] =	vst v63  }
0x17c: {  	s0 =	sadd.s32 @!p0 s2, s0;
	_ =	swait.ge @!p0 [sflag:s7], $0x4000  }
0x17d: {  	s0 =	sadd.s32 @!p0 $0x1800, s0;
	[sflag:s7] =	ssyncset.done @!p0 $0x0  }
0x17e: {  	s8 =	simm.s32 @!p0 $0xC200;
	[sflag:s7] =	ssyncadd.s32 @!p0 $0xFFFFC000;
	s7 =	simm.s32 @!p0 $0x0  }
0x17f: {  	[tilespmem:s8], [sflag:$0x4] =	stream.linear.gather @!p0 [hbm4b:s0+s7], $0x4000, $0x38;
	[tilespmem:$0x10200] =	vst v63  }
0x180: {  	_ =	swait.ge [sflag:s22], $0x4000  }
0x181: {  	[sflag:s22] =	ssyncset.done $0x0  }
0x182: {  	s7 =	simm.s32 $0x4270;
	[sflag:s22] =	ssyncadd.s32 $0xFFFFC000  }
0x183: {  	v13 =	vld [tilespmem:s7+$0x0]  }
0x184: {  	v8 =	vld [tilespmem:s7+$0xFFFFFFB0]  }
0x185: {  	v9 =	vld [tilespmem:s7+$0xFFFFFFC0]  }
0x186: {  	v10 =	vld [tilespmem:s7+$0xFFFFFFD0]  }
0x187: {  	v11 =	vld [tilespmem:s7+$0xFFFFFFE0]  }
0x188: {  	v7 =	vld [tilespmem:s7+$0xFFFFFFA0]  }
0x189: {  	vm0 =	vgt.f32 v13, v6;
	vm1 =	vgt.f32 v13, v4  }
0x18a: {  	vm2 =	vgt.f32 v13, v5;
	vm3 =	vgt.f32 v8, v4;
	vm4 =	vgt.f32 v9, v6  }
0x18b: {  	vm5 =	vgt.f32 v9, v4;
	vm6 =	vgt.f32 v10, v6;
	vm7 =	vgt.f32 v10, v4  }
0x18c: {  	v12 =	vld [tilespmem:s7+$0xFFFFFFF0];
	vm8 =	vgt.f32 v11, v6;
	vm9 =	vgt.f32 v11, v4;
	v14 =	vsel vm0, v2, v3  }
0x18d: {  	v13 =	vld [tilespmem:s7+$0xFFFFFF90];
	v15 =	vsel vm1, v1, v0;
	vm0 =	vgt.f32 v7, v6;
	vm1 =	vgt.f32 v7, v4  }
0x18e: {  	v21 =	vsel vm3, v1, v0;
	v18 =	vsel vm4, v2, v3;
	v19 =	vsel vm5, v1, v0  }
0x18f: {  	v17 =	vsel vm6, v2, v3;
	v23 =	vsel vm7, v1, v0;
	v22 =	vsel vm9, v1, v0  }
0x190: {  	v20 =	vsel vm2, v14, v15;
	vm2 =	vgt.f32 v8, v6;
	v14 =	vsel vm0, v2, v3  }
0x191: {  	v15 =	vsel vm1, v1, v0;
	vm1 =	vgt.f32 v12, v6;
	vm0 =	vgt.f32 v12, v4  }
0x192: {  	v16 =	vsel vm2, v2, v3;
	vm10 =	vgt.f32 v13, v6;
	vm11 =	vgt.f32 v13, v4  }
0x193: {  	s9 =	simm.s32 $0x4670;
	s8 =	simm.s32 $0x0;
	s0 =	simm.s32 $0x42F0;
	[tilespmem:s7+$0x0] =	vst v20;
	v20 =	vsel vm8, v2, v3;
	v24 =	vsel vm10, v2, v3;
	v25 =	vsel vm11, v1, v0  }
.LBB2_19:
0x194: {  	v26 =	vld [tilespmem:s9+$0x0];
	s8 =	sadd.s32 $0x80, s8;
	vm2 =	vgt.f32 v13, v5;
	v13 =	vsel vm1, v2, v3;
	v27 =	vsel vm0, v1, v0  }
0x195: {  	vm0 =	vgt.f32 v7, v5;
	vm1 =	vgt.f32 v8, v5;
	vm3 =	vgt.f32 v9, v5;
	p0 =	slt.u32 s8, $0x780;
	v7 =	vld [tilespmem:s9+$0xFFFFFFA0]  }
0x196: {  	vm4 =	vgt.f32 v10, v5;
	vm5 =	vgt.f32 v11, v5;
	vm6 =	vgt.f32 v12, v5;
	v8 =	vld [tilespmem:s9+$0xFFFFFFB0]  }
0x197: {  	v11 =	vsel vm2, v24, v25;
	v12 =	vsel vm0, v14, v15;
	v14 =	vsel vm1, v16, v21;
	v9 =	vld [tilespmem:s9+$0xFFFFFFC0]  }
0x198: {  	v15 =	vsel vm3, v18, v19;
	v16 =	vsel vm4, v17, v23;
	v17 =	vsel vm5, v20, v22;
	v10 =	vld [tilespmem:s9+$0xFFFFFFD0];
	[tilespmem:s7+$0xFFFFFF90] =	vst v11  }
0x199: {  	v18 =	vsel vm6, v13, v27;
	v11 =	vld [tilespmem:s9+$0xFFFFFFE0];
	vm0 =	vgt.f32 v26, v6;
	vm1 =	vgt.f32 v26, v4;
	[tilespmem:s7+$0xFFFFFFA0] =	vst v12  }
0x19a: {  	vm2 =	vgt.f32 v26, v5;
	v12 =	vld [tilespmem:s9+$0xFFFFFFF0];
	v19 =	vsel vm0, v2, v3;
	v20 =	vsel vm1, v1, v0;
	[tilespmem:s7+$0xFFFFFFB0] =	vst v14  }
0x19b: {  	vm0 =	vgt.f32 v7, v6;
	vm1 =	vgt.f32 v7, v4;
	v13 =	vld [tilespmem:s9+$0xFFFFFF90];
	v14 =	vsel vm2, v19, v20;
	[tilespmem:s7+$0xFFFFFFC0] =	vst v15  }
0x19c: {  	vm2 =	vgt.f32 v8, v6;
	vm3 =	vgt.f32 v8, v4;
	vm4 =	vgt.f32 v9, v6;
	[tilespmem:s9+$0x0] =	vst v14  }
0x19d: {  	vm5 =	vgt.f32 v9, v4;
	vm6 =	vgt.f32 v10, v6;
	vm7 =	vgt.f32 v10, v4;
	[tilespmem:s7+$0xFFFFFFD0] =	vst v16  }
0x19e: {  	v14 =	vsel vm0, v2, v3;
	vm8 =	vgt.f32 v11, v6;
	vm9 =	vgt.f32 v11, v4;
	[tilespmem:s7+$0xFFFFFFE0] =	vst v17  }
.Ltmp8:
0x19f: {  	v15 =	vsel vm1, v1, v0;
	vm1 =	vgt.f32 v12, v6;
	vm0 =	vgt.f32 v12, v4;
	[tilespmem:s7+$0xFFFFFFF0] =	vst v18;
	s7 =	smov.u32 s9;
	(pc) =	sbr.rel @p0 .LBB2_19-.Ltmp8, $4  }
0x1a0: {  	v16 =	vsel vm2, v2, v3;
	vm10 =	vgt.f32 v13, v6;
	vm11 =	vgt.f32 v13, v4  }
0x1a1: {  	v21 =	vsel vm3, v1, v0;
	v24 =	vsel vm10, v2, v3;
	v25 =	vsel vm11, v1, v0  }
0x1a2: {  	v19 =	vsel vm5, v1, v0;
	v17 =	vsel vm6, v2, v3;
	v18 =	vsel vm4, v2, v3  }
0x1a3: {  	v23 =	vsel vm7, v1, v0;
	v20 =	vsel vm8, v2, v3;
	v22 =	vsel vm9, v1, v0;
	s9 =	sadd.s32 $0x400, s9  }
0x1a4: {  	vm2 =	vgt.f32 v13, v5  }
0x1a5: {  	vm3 =	vgt.f32 v7, v5;
	v7 =	vsel vm2, v24, v25  }
0x1a6: {  	vm2 =	vgt.f32 v8, v5;
	v8 =	vsel vm3, v14, v15;
	[tilespmem:s7+$0xFFFFFF90] =	vst v7  }
0x1a7: {  	vm3 =	vgt.f32 v9, v5;
	v7 =	vsel vm2, v16, v21;
	[tilespmem:s7+$0xFFFFFFA0] =	vst v8  }
0x1a8: {  	vm2 =	vgt.f32 v10, v5;
	v8 =	vsel vm3, v18, v19;
	[tilespmem:s7+$0xFFFFFFB0] =	vst v7  }
0x1a9: {  	v7 =	vsel vm1, v2, v3;
	vm1 =	vgt.f32 v11, v5;
	v9 =	vsel vm2, v17, v23;
	[tilespmem:s7+$0xFFFFFFC0] =	vst v8  }
0x1aa: {  	v8 =	vsel vm0, v1, v0;
	vm0 =	vgt.f32 v12, v5;
	v10 =	vsel vm1, v20, v22;
	[tilespmem:s7+$0xFFFFFFD0] =	vst v9  }
0x1ab: {  	v7 =	vsel vm0, v7, v8;
	[tilespmem:s7+$0xFFFFFFE0] =	vst v10  }
0x1ac: {  	[tilespmem:s7+$0xFFFFFFF0] =	vst v7  }
0x1ad: {  	v13 =	vld [tilespmem:s0+$0x0]  }
0x1ae: {  	v8 =	vld [tilespmem:s0+$0xFFFFFFB0]  }
0x1af: {  	v9 =	vld [tilespmem:s0+$0xFFFFFFC0]  }
0x1b0: {  	v10 =	vld [tilespmem:s0+$0xFFFFFFD0]  }
0x1b1: {  	v11 =	vld [tilespmem:s0+$0xFFFFFFE0]  }
0x1b2: {  	v7 =	vld [tilespmem:s0+$0xFFFFFFA0]  }
0x1b3: {  	vm0 =	vgt.f32 v13, v6;
	vm1 =	vgt.f32 v13, v4  }
0x1b4: {  	vm2 =	vgt.f32 v13, v5;
	vm3 =	vgt.f32 v8, v4;
	vm4 =	vgt.f32 v9, v6  }
0x1b5: {  	vm5 =	vgt.f32 v9, v4;
	vm6 =	vgt.f32 v10, v6;
	vm7 =	vgt.f32 v10, v4  }
0x1b6: {  	v12 =	vld [tilespmem:s0+$0xFFFFFFF0];
	vm8 =	vgt.f32 v11, v6;
	vm9 =	vgt.f32 v11, v4;
	v14 =	vsel vm0, v2, v3  }
0x1b7: {  	v13 =	vld [tilespmem:s0+$0xFFFFFF90];
	v15 =	vsel vm1, v1, v0;
	vm0 =	vgt.f32 v7, v6;
	vm1 =	vgt.f32 v7, v4  }
0x1b8: {  	v21 =	vsel vm3, v1, v0;
	v18 =	vsel vm4, v2, v3;
	v19 =	vsel vm5, v1, v0  }
0x1b9: {  	v17 =	vsel vm6, v2, v3;
	v23 =	vsel vm7, v1, v0;
	v22 =	vsel vm9, v1, v0  }
0x1ba: {  	v20 =	vsel vm2, v14, v15;
	vm2 =	vgt.f32 v8, v6;
	v14 =	vsel vm0, v2, v3  }
0x1bb: {  	v15 =	vsel vm1, v1, v0;
	vm1 =	vgt.f32 v12, v6;
	vm0 =	vgt.f32 v12, v4  }
0x1bc: {  	v16 =	vsel vm2, v2, v3;
	vm10 =	vgt.f32 v13, v6;
	vm11 =	vgt.f32 v13, v4  }
0x1bd: {  	s8 =	simm.s32 $0x0;
	s9 =	simm.s32 $0x46F0;
	s7 =	simm.s32 $0x4370;
	[tilespmem:s0+$0x0] =	vst v20;
	v20 =	vsel vm8, v2, v3;
	v24 =	vsel vm10, v2, v3;
	v25 =	vsel vm11, v1, v0  }
.LBB2_21:
0x1be: {  	v26 =	vld [tilespmem:s9+$0x0];
	s8 =	sadd.s32 $0x80, s8;
	vm2 =	vgt.f32 v13, v5;
	v13 =	vsel vm1, v2, v3;
	v27 =	vsel vm0, v1, v0  }
0x1bf: {  	vm0 =	vgt.f32 v7, v5;
	vm1 =	vgt.f32 v8, v5;
	vm3 =	vgt.f32 v9, v5;
	p0 =	slt.u32 s8, $0x780;
	v7 =	vld [tilespmem:s9+$0xFFFFFFA0]  }
0x1c0: {  	vm4 =	vgt.f32 v10, v5;
	vm5 =	vgt.f32 v11, v5;
	vm6 =	vgt.f32 v12, v5;
	v8 =	vld [tilespmem:s9+$0xFFFFFFB0]  }
0x1c1: {  	v11 =	vsel vm2, v24, v25;
	v12 =	vsel vm0, v14, v15;
	v14 =	vsel vm1, v16, v21;
	v9 =	vld [tilespmem:s9+$0xFFFFFFC0]  }
0x1c2: {  	v15 =	vsel vm3, v18, v19;
	v16 =	vsel vm4, v17, v23;
	v17 =	vsel vm5, v20, v22;
	v10 =	vld [tilespmem:s9+$0xFFFFFFD0];
	[tilespmem:s0+$0xFFFFFF90] =	vst v11  }
0x1c3: {  	v18 =	vsel vm6, v13, v27;
	v11 =	vld [tilespmem:s9+$0xFFFFFFE0];
	vm0 =	vgt.f32 v26, v6;
	vm1 =	vgt.f32 v26, v4;
	[tilespmem:s0+$0xFFFFFFA0] =	vst v12  }
0x1c4: {  	vm2 =	vgt.f32 v26, v5;
	v12 =	vld [tilespmem:s9+$0xFFFFFFF0];
	v19 =	vsel vm0, v2, v3;
	v20 =	vsel vm1, v1, v0;
	[tilespmem:s0+$0xFFFFFFB0] =	vst v14  }
0x1c5: {  	vm0 =	vgt.f32 v7, v6;
	vm1 =	vgt.f32 v7, v4;
	v13 =	vld [tilespmem:s9+$0xFFFFFF90];
	v14 =	vsel vm2, v19, v20;
	[tilespmem:s0+$0xFFFFFFC0] =	vst v15  }
0x1c6: {  	vm2 =	vgt.f32 v8, v6;
	vm3 =	vgt.f32 v8, v4;
	vm4 =	vgt.f32 v9, v6;
	[tilespmem:s9+$0x0] =	vst v14  }
0x1c7: {  	vm5 =	vgt.f32 v9, v4;
	vm6 =	vgt.f32 v10, v6;
	vm7 =	vgt.f32 v10, v4;
	[tilespmem:s0+$0xFFFFFFD0] =	vst v16  }
0x1c8: {  	v14 =	vsel vm0, v2, v3;
	vm8 =	vgt.f32 v11, v6;
	vm9 =	vgt.f32 v11, v4;
	[tilespmem:s0+$0xFFFFFFE0] =	vst v17  }
.Ltmp9:
0x1c9: {  	v15 =	vsel vm1, v1, v0;
	vm1 =	vgt.f32 v12, v6;
	vm0 =	vgt.f32 v12, v4;
	[tilespmem:s0+$0xFFFFFFF0] =	vst v18;
	s0 =	smov.u32 s9;
	(pc) =	sbr.rel @p0 .LBB2_21-.Ltmp9, $4  }
0x1ca: {  	v16 =	vsel vm2, v2, v3;
	vm10 =	vgt.f32 v13, v6;
	vm11 =	vgt.f32 v13, v4  }
0x1cb: {  	v21 =	vsel vm3, v1, v0;
	v24 =	vsel vm10, v2, v3;
	v25 =	vsel vm11, v1, v0  }
0x1cc: {  	v19 =	vsel vm5, v1, v0;
	v17 =	vsel vm6, v2, v3;
	v18 =	vsel vm4, v2, v3  }
0x1cd: {  	v23 =	vsel vm7, v1, v0;
	v20 =	vsel vm8, v2, v3;
	v22 =	vsel vm9, v1, v0;
	s9 =	sadd.s32 $0x400, s9  }
0x1ce: {  	vm2 =	vgt.f32 v13, v5  }
0x1cf: {  	vm3 =	vgt.f32 v7, v5;
	v7 =	vsel vm2, v24, v25  }
0x1d0: {  	vm2 =	vgt.f32 v8, v5;
	v8 =	vsel vm3, v14, v15;
	[tilespmem:s0+$0xFFFFFF90] =	vst v7  }
0x1d1: {  	vm3 =	vgt.f32 v9, v5;
	v7 =	vsel vm2, v16, v21;
	[tilespmem:s0+$0xFFFFFFA0] =	vst v8  }
0x1d2: {  	vm2 =	vgt.f32 v10, v5;
	v8 =	vsel vm3, v18, v19;
	[tilespmem:s0+$0xFFFFFFB0] =	vst v7  }
0x1d3: {  	v7 =	vsel vm1, v2, v3;
	vm1 =	vgt.f32 v11, v5;
	v9 =	vsel vm2, v17, v23;
	[tilespmem:s0+$0xFFFFFFC0] =	vst v8  }
0x1d4: {  	v8 =	vsel vm0, v1, v0;
	vm0 =	vgt.f32 v12, v5;
	v10 =	vsel vm1, v20, v22;
	[tilespmem:s0+$0xFFFFFFD0] =	vst v9  }
0x1d5: {  	v7 =	vsel vm0, v7, v8;
	[tilespmem:s0+$0xFFFFFFE0] =	vst v10  }
0x1d6: {  	[tilespmem:s0+$0xFFFFFFF0] =	vst v7  }
0x1d7: {  	v13 =	vld [tilespmem:s7+$0x0]  }
0x1d8: {  	v8 =	vld [tilespmem:s7+$0xFFFFFFB0]  }
0x1d9: {  	v9 =	vld [tilespmem:s7+$0xFFFFFFC0]  }
0x1da: {  	v10 =	vld [tilespmem:s7+$0xFFFFFFD0]  }
0x1db: {  	v11 =	vld [tilespmem:s7+$0xFFFFFFE0]  }
0x1dc: {  	v7 =	vld [tilespmem:s7+$0xFFFFFFA0]  }
0x1dd: {  	vm0 =	vgt.f32 v13, v6;
	vm1 =	vgt.f32 v13, v4  }
0x1de: {  	vm2 =	vgt.f32 v13, v5;
	vm3 =	vgt.f32 v8, v4;
	vm4 =	vgt.f32 v9, v6  }
0x1df: {  	vm5 =	vgt.f32 v9, v4;
	vm6 =	vgt.f32 v10, v6;
	vm7 =	vgt.f32 v10, v4  }
0x1e0: {  	v12 =	vld [tilespmem:s7+$0xFFFFFFF0];
	vm8 =	vgt.f32 v11, v6;
	vm9 =	vgt.f32 v11, v4;
	v14 =	vsel vm0, v2, v3  }
0x1e1: {  	v13 =	vld [tilespmem:s7+$0xFFFFFF90];
	v15 =	vsel vm1, v1, v0;
	vm0 =	vgt.f32 v7, v6;
	vm1 =	vgt.f32 v7, v4  }
0x1e2: {  	v21 =	vsel vm3, v1, v0;
	v18 =	vsel vm4, v2, v3;
	v19 =	vsel vm5, v1, v0  }
0x1e3: {  	v17 =	vsel vm6, v2, v3;
	v23 =	vsel vm7, v1, v0;
	v22 =	vsel vm9, v1, v0  }
0x1e4: {  	v20 =	vsel vm2, v14, v15;
	vm2 =	vgt.f32 v8, v6;
	v14 =	vsel vm0, v2, v3  }
0x1e5: {  	v15 =	vsel vm1, v1, v0;
	vm1 =	vgt.f32 v12, v6;
	vm0 =	vgt.f32 v12, v4  }
0x1e6: {  	v16 =	vsel vm2, v2, v3;
	vm10 =	vgt.f32 v13, v6;
	vm11 =	vgt.f32 v13, v4  }
0x1e7: {  	s8 =	simm.s32 $0x0;
	s9 =	simm.s32 $0x4770;
	s0 =	simm.s32 $0x43F0;
	[tilespmem:s7+$0x0] =	vst v20;
	v20 =	vsel vm8, v2, v3;
	v24 =	vsel vm10, v2, v3;
	v25 =	vsel vm11, v1, v0  }
.LBB2_23:
0x1e8: {  	v26 =	vld [tilespmem:s9+$0x0];
	s8 =	sadd.s32 $0x80, s8;
	vm2 =	vgt.f32 v13, v5;
	v13 =	vsel vm1, v2, v3;
	v27 =	vsel vm0, v1, v0  }
0x1e9: {  	vm0 =	vgt.f32 v7, v5;
	vm1 =	vgt.f32 v8, v5;
	vm3 =	vgt.f32 v9, v5;
	p0 =	slt.u32 s8, $0x780;
	v7 =	vld [tilespmem:s9+$0xFFFFFFA0]  }
0x1ea: {  	vm4 =	vgt.f32 v10, v5;
	vm5 =	vgt.f32 v11, v5;
	vm6 =	vgt.f32 v12, v5;
	v8 =	vld [tilespmem:s9+$0xFFFFFFB0]  }
0x1eb: {  	v11 =	vsel vm2, v24, v25;
	v12 =	vsel vm0, v14, v15;
	v14 =	vsel vm1, v16, v21;
	v9 =	vld [tilespmem:s9+$0xFFFFFFC0]  }
0x1ec: {  	v15 =	vsel vm3, v18, v19;
	v16 =	vsel vm4, v17, v23;
	v17 =	vsel vm5, v20, v22;
	v10 =	vld [tilespmem:s9+$0xFFFFFFD0];
	[tilespmem:s7+$0xFFFFFF90] =	vst v11  }
0x1ed: {  	v18 =	vsel vm6, v13, v27;
	v11 =	vld [tilespmem:s9+$0xFFFFFFE0];
	vm0 =	vgt.f32 v26, v6;
	vm1 =	vgt.f32 v26, v4;
	[tilespmem:s7+$0xFFFFFFA0] =	vst v12  }
0x1ee: {  	vm2 =	vgt.f32 v26, v5;
	v12 =	vld [tilespmem:s9+$0xFFFFFFF0];
	v19 =	vsel vm0, v2, v3;
	v20 =	vsel vm1, v1, v0;
	[tilespmem:s7+$0xFFFFFFB0] =	vst v14  }
0x1ef: {  	vm0 =	vgt.f32 v7, v6;
	vm1 =	vgt.f32 v7, v4;
	v13 =	vld [tilespmem:s9+$0xFFFFFF90];
	v14 =	vsel vm2, v19, v20;
	[tilespmem:s7+$0xFFFFFFC0] =	vst v15  }
0x1f0: {  	vm2 =	vgt.f32 v8, v6;
	vm3 =	vgt.f32 v8, v4;
	vm4 =	vgt.f32 v9, v6;
	[tilespmem:s9+$0x0] =	vst v14  }
0x1f1: {  	vm5 =	vgt.f32 v9, v4;
	vm6 =	vgt.f32 v10, v6;
	vm7 =	vgt.f32 v10, v4;
	[tilespmem:s7+$0xFFFFFFD0] =	vst v16  }
0x1f2: {  	v14 =	vsel vm0, v2, v3;
	vm8 =	vgt.f32 v11, v6;
	vm9 =	vgt.f32 v11, v4;
	[tilespmem:s7+$0xFFFFFFE0] =	vst v17  }
.Ltmp10:
0x1f3: {  	v15 =	vsel vm1, v1, v0;
	vm1 =	vgt.f32 v12, v6;
	vm0 =	vgt.f32 v12, v4;
	[tilespmem:s7+$0xFFFFFFF0] =	vst v18;
	s7 =	smov.u32 s9;
	(pc) =	sbr.rel @p0 .LBB2_23-.Ltmp10, $4  }
0x1f4: {  	v16 =	vsel vm2, v2, v3;
	vm10 =	vgt.f32 v13, v6;
	vm11 =	vgt.f32 v13, v4  }
0x1f5: {  	v21 =	vsel vm3, v1, v0;
	v24 =	vsel vm10, v2, v3;
	v25 =	vsel vm11, v1, v0  }
0x1f6: {  	v19 =	vsel vm5, v1, v0;
	v17 =	vsel vm6, v2, v3;
	v18 =	vsel vm4, v2, v3  }
0x1f7: {  	v23 =	vsel vm7, v1, v0;
	v20 =	vsel vm8, v2, v3;
	v22 =	vsel vm9, v1, v0;
	s9 =	sadd.s32 $0x400, s9  }
0x1f8: {  	vm2 =	vgt.f32 v13, v5  }
0x1f9: {  	vm3 =	vgt.f32 v7, v5;
	v7 =	vsel vm2, v24, v25  }
0x1fa: {  	vm2 =	vgt.f32 v8, v5;
	v8 =	vsel vm3, v14, v15;
	[tilespmem:s7+$0xFFFFFF90] =	vst v7  }
0x1fb: {  	vm3 =	vgt.f32 v9, v5;
	v7 =	vsel vm2, v16, v21;
	[tilespmem:s7+$0xFFFFFFA0] =	vst v8  }
0x1fc: {  	vm2 =	vgt.f32 v10, v5;
	v8 =	vsel vm3, v18, v19;
	[tilespmem:s7+$0xFFFFFFB0] =	vst v7  }
0x1fd: {  	v7 =	vsel vm1, v2, v3;
	vm1 =	vgt.f32 v11, v5;
	v9 =	vsel vm2, v17, v23;
	[tilespmem:s7+$0xFFFFFFC0] =	vst v8  }
0x1fe: {  	v8 =	vsel vm0, v1, v0;
	vm0 =	vgt.f32 v12, v5;
	v10 =	vsel vm1, v20, v22;
	[tilespmem:s7+$0xFFFFFFD0] =	vst v9  }
0x1ff: {  	v7 =	vsel vm0, v7, v8;
	[tilespmem:s7+$0xFFFFFFE0] =	vst v10  }
0x200: {  	[tilespmem:s7+$0xFFFFFFF0] =	vst v7  }
0x201: {  	v13 =	vld [tilespmem:s0+$0x0]  }
0x202: {  	v8 =	vld [tilespmem:s0+$0xFFFFFFB0]  }
0x203: {  	v9 =	vld [tilespmem:s0+$0xFFFFFFC0]  }
0x204: {  	v10 =	vld [tilespmem:s0+$0xFFFFFFD0]  }
0x205: {  	v11 =	vld [tilespmem:s0+$0xFFFFFFE0]  }
0x206: {  	v7 =	vld [tilespmem:s0+$0xFFFFFFA0]  }
0x207: {  	vm0 =	vgt.f32 v13, v6;
	vm1 =	vgt.f32 v13, v4  }
0x208: {  	vm2 =	vgt.f32 v13, v5;
	vm3 =	vgt.f32 v8, v4;
	vm4 =	vgt.f32 v9, v6  }
0x209: {  	vm5 =	vgt.f32 v9, v4;
	vm6 =	vgt.f32 v10, v6;
	vm7 =	vgt.f32 v10, v4  }
0x20a: {  	v12 =	vld [tilespmem:s0+$0xFFFFFFF0];
	vm8 =	vgt.f32 v11, v6;
	vm9 =	vgt.f32 v11, v4;
	v14 =	vsel vm0, v2, v3  }
0x20b: {  	v13 =	vld [tilespmem:s0+$0xFFFFFF90];
	v15 =	vsel vm1, v1, v0;
	vm0 =	vgt.f32 v7, v6;
	vm1 =	vgt.f32 v7, v4  }
0x20c: {  	v21 =	vsel vm3, v1, v0;
	v18 =	vsel vm4, v2, v3;
	v19 =	vsel vm5, v1, v0  }
0x20d: {  	v17 =	vsel vm6, v2, v3;
	v23 =	vsel vm7, v1, v0;
	v22 =	vsel vm9, v1, v0  }
0x20e: {  	v20 =	vsel vm2, v14, v15;
	vm2 =	vgt.f32 v8, v6;
	v14 =	vsel vm0, v2, v3  }
0x20f: {  	v15 =	vsel vm1, v1, v0;
	vm1 =	vgt.f32 v12, v6;
	vm0 =	vgt.f32 v12, v4  }
0x210: {  	v16 =	vsel vm2, v2, v3;
	vm10 =	vgt.f32 v13, v6;
	vm11 =	vgt.f32 v13, v4  }
0x211: {  	s8 =	simm.s32 $0x0;
	s9 =	simm.s32 $0x47F0;
	s7 =	simm.s32 $0x4470;
	[tilespmem:s0+$0x0] =	vst v20;
	v20 =	vsel vm8, v2, v3;
	v24 =	vsel vm10, v2, v3;
	v25 =	vsel vm11, v1, v0  }
.LBB2_25:
0x212: {  	v26 =	vld [tilespmem:s9+$0x0];
	s8 =	sadd.s32 $0x80, s8;
	vm2 =	vgt.f32 v13, v5;
	v13 =	vsel vm1, v2, v3;
	v27 =	vsel vm0, v1, v0  }
0x213: {  	vm0 =	vgt.f32 v7, v5;
	vm1 =	vgt.f32 v8, v5;
	vm3 =	vgt.f32 v9, v5;
	p0 =	slt.u32 s8, $0x780;
	v7 =	vld [tilespmem:s9+$0xFFFFFFA0]  }
0x214: {  	vm4 =	vgt.f32 v10, v5;
	vm5 =	vgt.f32 v11, v5;
	vm6 =	vgt.f32 v12, v5;
	v8 =	vld [tilespmem:s9+$0xFFFFFFB0]  }
0x215: {  	v11 =	vsel vm2, v24, v25;
	v12 =	vsel vm0, v14, v15;
	v14 =	vsel vm1, v16, v21;
	v9 =	vld [tilespmem:s9+$0xFFFFFFC0]  }
0x216: {  	v15 =	vsel vm3, v18, v19;
	v16 =	vsel vm4, v17, v23;
	v17 =	vsel vm5, v20, v22;
	v10 =	vld [tilespmem:s9+$0xFFFFFFD0];
	[tilespmem:s0+$0xFFFFFF90] =	vst v11  }
0x217: {  	v18 =	vsel vm6, v13, v27;
	v11 =	vld [tilespmem:s9+$0xFFFFFFE0];
	vm0 =	vgt.f32 v26, v6;
	vm1 =	vgt.f32 v26, v4;
	[tilespmem:s0+$0xFFFFFFA0] =	vst v12  }
0x218: {  	vm2 =	vgt.f32 v26, v5;
	v12 =	vld [tilespmem:s9+$0xFFFFFFF0];
	v19 =	vsel vm0, v2, v3;
	v20 =	vsel vm1, v1, v0;
	[tilespmem:s0+$0xFFFFFFB0] =	vst v14  }
0x219: {  	vm0 =	vgt.f32 v7, v6;
	vm1 =	vgt.f32 v7, v4;
	v13 =	vld [tilespmem:s9+$0xFFFFFF90];
	v14 =	vsel vm2, v19, v20;
	[tilespmem:s0+$0xFFFFFFC0] =	vst v15  }
0x21a: {  	vm2 =	vgt.f32 v8, v6;
	vm3 =	vgt.f32 v8, v4;
	vm4 =	vgt.f32 v9, v6;
	[tilespmem:s9+$0x0] =	vst v14  }
0x21b: {  	vm5 =	vgt.f32 v9, v4;
	vm6 =	vgt.f32 v10, v6;
	vm7 =	vgt.f32 v10, v4;
	[tilespmem:s0+$0xFFFFFFD0] =	vst v16  }
0x21c: {  	v14 =	vsel vm0, v2, v3;
	vm8 =	vgt.f32 v11, v6;
	vm9 =	vgt.f32 v11, v4;
	[tilespmem:s0+$0xFFFFFFE0] =	vst v17  }
.Ltmp11:
0x21d: {  	v15 =	vsel vm1, v1, v0;
	vm1 =	vgt.f32 v12, v6;
	vm0 =	vgt.f32 v12, v4;
	[tilespmem:s0+$0xFFFFFFF0] =	vst v18;
	s0 =	smov.u32 s9;
	(pc) =	sbr.rel @p0 .LBB2_25-.Ltmp11, $4  }
0x21e: {  	v16 =	vsel vm2, v2, v3;
	vm10 =	vgt.f32 v13, v6;
	vm11 =	vgt.f32 v13, v4  }
0x21f: {  	v21 =	vsel vm3, v1, v0;
	v24 =	vsel vm10, v2, v3;
	v25 =	vsel vm11, v1, v0  }
0x220: {  	v19 =	vsel vm5, v1, v0;
	v17 =	vsel vm6, v2, v3;
	v18 =	vsel vm4, v2, v3  }
0x221: {  	v23 =	vsel vm7, v1, v0;
	v20 =	vsel vm8, v2, v3;
	v22 =	vsel vm9, v1, v0;
	s9 =	sadd.s32 $0x400, s9  }
0x222: {  	vm2 =	vgt.f32 v13, v5  }
0x223: {  	vm3 =	vgt.f32 v7, v5;
	v7 =	vsel vm2, v24, v25  }
0x224: {  	vm2 =	vgt.f32 v8, v5;
	v8 =	vsel vm3, v14, v15;
	[tilespmem:s0+$0xFFFFFF90] =	vst v7  }
0x225: {  	vm3 =	vgt.f32 v9, v5;
	v7 =	vsel vm2, v16, v21;
	[tilespmem:s0+$0xFFFFFFA0] =	vst v8  }
0x226: {  	vm2 =	vgt.f32 v10, v5;
	v8 =	vsel vm3, v18, v19;
	[tilespmem:s0+$0xFFFFFFB0] =	vst v7  }
0x227: {  	v7 =	vsel vm1, v2, v3;
	vm1 =	vgt.f32 v11, v5;
	v9 =	vsel vm2, v17, v23;
	[tilespmem:s0+$0xFFFFFFC0] =	vst v8  }
0x228: {  	v8 =	vsel vm0, v1, v0;
	vm0 =	vgt.f32 v12, v5;
	v10 =	vsel vm1, v20, v22;
	[tilespmem:s0+$0xFFFFFFD0] =	vst v9  }
0x229: {  	v7 =	vsel vm0, v7, v8;
	[tilespmem:s0+$0xFFFFFFE0] =	vst v10  }
0x22a: {  	[tilespmem:s0+$0xFFFFFFF0] =	vst v7  }
0x22b: {  	v13 =	vld [tilespmem:s7+$0x0]  }
0x22c: {  	v8 =	vld [tilespmem:s7+$0xFFFFFFB0]  }
0x22d: {  	v9 =	vld [tilespmem:s7+$0xFFFFFFC0]  }
0x22e: {  	v10 =	vld [tilespmem:s7+$0xFFFFFFD0]  }
0x22f: {  	v11 =	vld [tilespmem:s7+$0xFFFFFFE0]  }
0x230: {  	v7 =	vld [tilespmem:s7+$0xFFFFFFA0]  }
0x231: {  	vm0 =	vgt.f32 v13, v6;
	vm1 =	vgt.f32 v13, v4  }
0x232: {  	vm2 =	vgt.f32 v13, v5;
	vm3 =	vgt.f32 v8, v4;
	vm4 =	vgt.f32 v9, v6  }
0x233: {  	vm5 =	vgt.f32 v9, v4;
	vm6 =	vgt.f32 v10, v6;
	vm7 =	vgt.f32 v10, v4  }
0x234: {  	v12 =	vld [tilespmem:s7+$0xFFFFFFF0];
	vm8 =	vgt.f32 v11, v6;
	vm9 =	vgt.f32 v11, v4;
	v14 =	vsel vm0, v2, v3  }
0x235: {  	v13 =	vld [tilespmem:s7+$0xFFFFFF90];
	v15 =	vsel vm1, v1, v0;
	vm0 =	vgt.f32 v7, v6;
	vm1 =	vgt.f32 v7, v4  }
0x236: {  	v21 =	vsel vm3, v1, v0;
	v18 =	vsel vm4, v2, v3;
	v19 =	vsel vm5, v1, v0  }
0x237: {  	v17 =	vsel vm6, v2, v3;
	v23 =	vsel vm7, v1, v0;
	v22 =	vsel vm9, v1, v0  }
0x238: {  	v20 =	vsel vm2, v14, v15;
	vm2 =	vgt.f32 v8, v6;
	v14 =	vsel vm0, v2, v3  }
0x239: {  	v15 =	vsel vm1, v1, v0;
	vm1 =	vgt.f32 v12, v6;
	vm0 =	vgt.f32 v12, v4  }
0x23a: {  	v16 =	vsel vm2, v2, v3;
	vm10 =	vgt.f32 v13, v6;
	vm11 =	vgt.f32 v13, v4  }
0x23b: {  	s8 =	simm.s32 $0x0;
	s9 =	simm.s32 $0x4870;
	s0 =	simm.s32 $0x44F0;
	[tilespmem:s7+$0x0] =	vst v20;
	v20 =	vsel vm8, v2, v3;
	v24 =	vsel vm10, v2, v3;
	v25 =	vsel vm11, v1, v0  }
.LBB2_27:
0x23c: {  	v26 =	vld [tilespmem:s9+$0x0];
	s8 =	sadd.s32 $0x80, s8;
	vm2 =	vgt.f32 v13, v5;
	v13 =	vsel vm1, v2, v3;
	v27 =	vsel vm0, v1, v0  }
0x23d: {  	vm0 =	vgt.f32 v7, v5;
	vm1 =	vgt.f32 v8, v5;
	vm3 =	vgt.f32 v9, v5;
	p0 =	slt.u32 s8, $0x780;
	v7 =	vld [tilespmem:s9+$0xFFFFFFA0]  }
0x23e: {  	vm4 =	vgt.f32 v10, v5;
	vm5 =	vgt.f32 v11, v5;
	vm6 =	vgt.f32 v12, v5;
	v8 =	vld [tilespmem:s9+$0xFFFFFFB0]  }
0x23f: {  	v11 =	vsel vm2, v24, v25;
	v12 =	vsel vm0, v14, v15;
	v14 =	vsel vm1, v16, v21;
	v9 =	vld [tilespmem:s9+$0xFFFFFFC0]  }
0x240: {  	v15 =	vsel vm3, v18, v19;
	v16 =	vsel vm4, v17, v23;
	v17 =	vsel vm5, v20, v22;
	v10 =	vld [tilespmem:s9+$0xFFFFFFD0];
	[tilespmem:s7+$0xFFFFFF90] =	vst v11  }
0x241: {  	v18 =	vsel vm6, v13, v27;
	v11 =	vld [tilespmem:s9+$0xFFFFFFE0];
	vm0 =	vgt.f32 v26, v6;
	vm1 =	vgt.f32 v26, v4;
	[tilespmem:s7+$0xFFFFFFA0] =	vst v12  }
0x242: {  	vm2 =	vgt.f32 v26, v5;
	v12 =	vld [tilespmem:s9+$0xFFFFFFF0];
	v19 =	vsel vm0, v2, v3;
	v20 =	vsel vm1, v1, v0;
	[tilespmem:s7+$0xFFFFFFB0] =	vst v14  }
0x243: {  	vm0 =	vgt.f32 v7, v6;
	vm1 =	vgt.f32 v7, v4;
	v13 =	vld [tilespmem:s9+$0xFFFFFF90];
	v14 =	vsel vm2, v19, v20;
	[tilespmem:s7+$0xFFFFFFC0] =	vst v15  }
0x244: {  	vm2 =	vgt.f32 v8, v6;
	vm3 =	vgt.f32 v8, v4;
	vm4 =	vgt.f32 v9, v6;
	[tilespmem:s9+$0x0] =	vst v14  }
0x245: {  	vm5 =	vgt.f32 v9, v4;
	vm6 =	vgt.f32 v10, v6;
	vm7 =	vgt.f32 v10, v4;
	[tilespmem:s7+$0xFFFFFFD0] =	vst v16  }
0x246: {  	v14 =	vsel vm0, v2, v3;
	vm8 =	vgt.f32 v11, v6;
	vm9 =	vgt.f32 v11, v4;
	[tilespmem:s7+$0xFFFFFFE0] =	vst v17  }
.Ltmp12:
0x247: {  	v15 =	vsel vm1, v1, v0;
	vm1 =	vgt.f32 v12, v6;
	vm0 =	vgt.f32 v12, v4;
	[tilespmem:s7+$0xFFFFFFF0] =	vst v18;
	s7 =	smov.u32 s9;
	(pc) =	sbr.rel @p0 .LBB2_27-.Ltmp12, $4  }
0x248: {  	v16 =	vsel vm2, v2, v3;
	vm10 =	vgt.f32 v13, v6;
	vm11 =	vgt.f32 v13, v4  }
0x249: {  	v21 =	vsel vm3, v1, v0;
	v24 =	vsel vm10, v2, v3;
	v25 =	vsel vm11, v1, v0  }
0x24a: {  	v19 =	vsel vm5, v1, v0;
	v17 =	vsel vm6, v2, v3;
	v18 =	vsel vm4, v2, v3  }
0x24b: {  	v23 =	vsel vm7, v1, v0;
	v20 =	vsel vm8, v2, v3;
	v22 =	vsel vm9, v1, v0;
	s9 =	sadd.s32 $0x400, s9  }
0x24c: {  	vm2 =	vgt.f32 v13, v5  }
0x24d: {  	vm3 =	vgt.f32 v7, v5;
	v7 =	vsel vm2, v24, v25  }
0x24e: {  	vm2 =	vgt.f32 v8, v5;
	v8 =	vsel vm3, v14, v15;
	[tilespmem:s7+$0xFFFFFF90] =	vst v7  }
0x24f: {  	vm3 =	vgt.f32 v9, v5;
	v7 =	vsel vm2, v16, v21;
	[tilespmem:s7+$0xFFFFFFA0] =	vst v8  }
0x250: {  	vm2 =	vgt.f32 v10, v5;
	v8 =	vsel vm3, v18, v19;
	[tilespmem:s7+$0xFFFFFFB0] =	vst v7  }
0x251: {  	v7 =	vsel vm1, v2, v3;
	vm1 =	vgt.f32 v11, v5;
	v9 =	vsel vm2, v17, v23;
	[tilespmem:s7+$0xFFFFFFC0] =	vst v8  }
0x252: {  	v8 =	vsel vm0, v1, v0;
	vm0 =	vgt.f32 v12, v5;
	v10 =	vsel vm1, v20, v22;
	[tilespmem:s7+$0xFFFFFFD0] =	vst v9  }
0x253: {  	v7 =	vsel vm0, v7, v8;
	[tilespmem:s7+$0xFFFFFFE0] =	vst v10  }
0x254: {  	[tilespmem:s7+$0xFFFFFFF0] =	vst v7  }
0x255: {  	v13 =	vld [tilespmem:s0+$0x0]  }
0x256: {  	v8 =	vld [tilespmem:s0+$0xFFFFFFB0]  }
0x257: {  	v9 =	vld [tilespmem:s0+$0xFFFFFFC0]  }
0x258: {  	v10 =	vld [tilespmem:s0+$0xFFFFFFD0]  }
0x259: {  	v11 =	vld [tilespmem:s0+$0xFFFFFFE0]  }
0x25a: {  	v7 =	vld [tilespmem:s0+$0xFFFFFFA0]  }
0x25b: {  	vm0 =	vgt.f32 v13, v6;
	vm1 =	vgt.f32 v13, v4  }
0x25c: {  	vm2 =	vgt.f32 v13, v5;
	vm3 =	vgt.f32 v8, v4;
	vm4 =	vgt.f32 v9, v6  }
0x25d: {  	vm5 =	vgt.f32 v9, v4;
	vm6 =	vgt.f32 v10, v6;
	vm7 =	vgt.f32 v10, v4  }
0x25e: {  	v12 =	vld [tilespmem:s0+$0xFFFFFFF0];
	vm8 =	vgt.f32 v11, v6;
	vm9 =	vgt.f32 v11, v4;
	v14 =	vsel vm0, v2, v3  }
0x25f: {  	v13 =	vld [tilespmem:s0+$0xFFFFFF90];
	v15 =	vsel vm1, v1, v0;
	vm0 =	vgt.f32 v7, v6;
	vm1 =	vgt.f32 v7, v4  }
0x260: {  	v21 =	vsel vm3, v1, v0;
	v18 =	vsel vm4, v2, v3;
	v19 =	vsel vm5, v1, v0  }
0x261: {  	v17 =	vsel vm6, v2, v3;
	v23 =	vsel vm7, v1, v0;
	v22 =	vsel vm9, v1, v0  }
0x262: {  	v20 =	vsel vm2, v14, v15;
	vm2 =	vgt.f32 v8, v6;
	v14 =	vsel vm0, v2, v3  }
0x263: {  	v15 =	vsel vm1, v1, v0;
	vm1 =	vgt.f32 v12, v6;
	vm0 =	vgt.f32 v12, v4  }
0x264: {  	v16 =	vsel vm2, v2, v3;
	vm10 =	vgt.f32 v13, v6;
	vm11 =	vgt.f32 v13, v4  }
0x265: {  	s8 =	simm.s32 $0x4570;
	s9 =	simm.s32 $0x48F0;
	s7 =	simm.s32 $0x0;
	[tilespmem:s0+$0x0] =	vst v20;
	v20 =	vsel vm8, v2, v3;
	v24 =	vsel vm10, v2, v3;
	v25 =	vsel vm11, v1, v0  }
.LBB2_29:
0x266: {  	v26 =	vld [tilespmem:s9+$0x0];
	s7 =	sadd.s32 $0x80, s7;
	vm2 =	vgt.f32 v13, v5;
	v13 =	vsel vm1, v2, v3;
	v27 =	vsel vm0, v1, v0  }
0x267: {  	vm0 =	vgt.f32 v7, v5;
	vm1 =	vgt.f32 v8, v5;
	vm3 =	vgt.f32 v9, v5;
	p0 =	slt.u32 s7, $0x780;
	v7 =	vld [tilespmem:s9+$0xFFFFFFA0]  }
0x268: {  	vm4 =	vgt.f32 v10, v5;
	vm5 =	vgt.f32 v11, v5;
	vm6 =	vgt.f32 v12, v5;
	v8 =	vld [tilespmem:s9+$0xFFFFFFB0]  }
0x269: {  	v11 =	vsel vm2, v24, v25;
	v12 =	vsel vm0, v14, v15;
	v14 =	vsel vm1, v16, v21;
	v9 =	vld [tilespmem:s9+$0xFFFFFFC0]  }
0x26a: {  	v15 =	vsel vm3, v18, v19;
	v16 =	vsel vm4, v17, v23;
	v17 =	vsel vm5, v20, v22;
	v10 =	vld [tilespmem:s9+$0xFFFFFFD0];
	[tilespmem:s0+$0xFFFFFF90] =	vst v11  }
0x26b: {  	v18 =	vsel vm6, v13, v27;
	v11 =	vld [tilespmem:s9+$0xFFFFFFE0];
	vm0 =	vgt.f32 v26, v6;
	vm1 =	vgt.f32 v26, v4;
	[tilespmem:s0+$0xFFFFFFA0] =	vst v12  }
0x26c: {  	vm2 =	vgt.f32 v26, v5;
	v12 =	vld [tilespmem:s9+$0xFFFFFFF0];
	v19 =	vsel vm0, v2, v3;
	v20 =	vsel vm1, v1, v0;
	[tilespmem:s0+$0xFFFFFFB0] =	vst v14  }
0x26d: {  	vm0 =	vgt.f32 v7, v6;
	vm1 =	vgt.f32 v7, v4;
	v13 =	vld [tilespmem:s9+$0xFFFFFF90];
	v14 =	vsel vm2, v19, v20;
	[tilespmem:s0+$0xFFFFFFC0] =	vst v15  }
0x26e: {  	vm2 =	vgt.f32 v8, v6;
	vm3 =	vgt.f32 v8, v4;
	vm4 =	vgt.f32 v9, v6;
	[tilespmem:s9+$0x0] =	vst v14  }
0x26f: {  	vm5 =	vgt.f32 v9, v4;
	vm6 =	vgt.f32 v10, v6;
	vm7 =	vgt.f32 v10, v4;
	[tilespmem:s0+$0xFFFFFFD0] =	vst v16  }
0x270: {  	v14 =	vsel vm0, v2, v3;
	vm8 =	vgt.f32 v11, v6;
	vm9 =	vgt.f32 v11, v4;
	[tilespmem:s0+$0xFFFFFFE0] =	vst v17  }
.Ltmp13:
0x271: {  	v15 =	vsel vm1, v1, v0;
	vm1 =	vgt.f32 v12, v6;
	vm0 =	vgt.f32 v12, v4;
	[tilespmem:s0+$0xFFFFFFF0] =	vst v18;
	s0 =	smov.u32 s9;
	(pc) =	sbr.rel @p0 .LBB2_29-.Ltmp13, $4  }
0x272: {  	v16 =	vsel vm2, v2, v3;
	vm10 =	vgt.f32 v13, v6;
	vm11 =	vgt.f32 v13, v4  }
0x273: {  	v21 =	vsel vm3, v1, v0;
	v24 =	vsel vm10, v2, v3;
	v25 =	vsel vm11, v1, v0  }
0x274: {  	v19 =	vsel vm5, v1, v0;
	v17 =	vsel vm6, v2, v3;
	v18 =	vsel vm4, v2, v3  }
0x275: {  	v23 =	vsel vm7, v1, v0;
	v20 =	vsel vm8, v2, v3;
	v22 =	vsel vm9, v1, v0;
	s9 =	sadd.s32 $0x400, s9  }
0x276: {  	vm2 =	vgt.f32 v13, v5  }
0x277: {  	vm3 =	vgt.f32 v7, v5;
	v7 =	vsel vm2, v24, v25  }
0x278: {  	vm2 =	vgt.f32 v8, v5;
	v8 =	vsel vm3, v14, v15;
	[tilespmem:s0+$0xFFFFFF90] =	vst v7  }
0x279: {  	vm3 =	vgt.f32 v9, v5;
	v7 =	vsel vm2, v16, v21;
	[tilespmem:s0+$0xFFFFFFA0] =	vst v8  }
0x27a: {  	vm2 =	vgt.f32 v10, v5;
	v8 =	vsel vm3, v18, v19;
	[tilespmem:s0+$0xFFFFFFB0] =	vst v7  }
0x27b: {  	v7 =	vsel vm1, v2, v3;
	vm1 =	vgt.f32 v11, v5;
	v9 =	vsel vm2, v17, v23;
	[tilespmem:s0+$0xFFFFFFC0] =	vst v8  }
0x27c: {  	v8 =	vsel vm0, v1, v0;
	vm0 =	vgt.f32 v12, v5;
	v10 =	vsel vm1, v20, v22;
	[tilespmem:s0+$0xFFFFFFD0] =	vst v9  }
0x27d: {  	v7 =	vsel vm0, v7, v8;
	[tilespmem:s0+$0xFFFFFFE0] =	vst v10  }
0x27e: {  	[tilespmem:s0+$0xFFFFFFF0] =	vst v7  }
0x27f: {  	v13 =	vld [tilespmem:s8+$0x0]  }
0x280: {  	v8 =	vld [tilespmem:s8+$0xFFFFFFB0]  }
0x281: {  	v9 =	vld [tilespmem:s8+$0xFFFFFFC0]  }
0x282: {  	v10 =	vld [tilespmem:s8+$0xFFFFFFD0]  }
0x283: {  	v11 =	vld [tilespmem:s8+$0xFFFFFFE0]  }
0x284: {  	v7 =	vld [tilespmem:s8+$0xFFFFFFA0]  }
0x285: {  	vm0 =	vgt.f32 v13, v6;
	vm1 =	vgt.f32 v13, v4  }
0x286: {  	vm2 =	vgt.f32 v13, v5;
	vm3 =	vgt.f32 v8, v4;
	vm4 =	vgt.f32 v9, v6  }
0x287: {  	vm5 =	vgt.f32 v9, v4;
	vm6 =	vgt.f32 v10, v6;
	vm7 =	vgt.f32 v10, v4  }
0x288: {  	v12 =	vld [tilespmem:s8+$0xFFFFFFF0];
	vm8 =	vgt.f32 v11, v6;
	vm9 =	vgt.f32 v11, v4;
	v14 =	vsel vm0, v2, v3  }
0x289: {  	v13 =	vld [tilespmem:s8+$0xFFFFFF90];
	v15 =	vsel vm1, v1, v0;
	vm0 =	vgt.f32 v7, v6;
	vm1 =	vgt.f32 v7, v4  }
0x28a: {  	v21 =	vsel vm3, v1, v0;
	v18 =	vsel vm4, v2, v3;
	v19 =	vsel vm5, v1, v0  }
0x28b: {  	v17 =	vsel vm6, v2, v3;
	v23 =	vsel vm7, v1, v0;
	v22 =	vsel vm9, v1, v0  }
0x28c: {  	v20 =	vsel vm2, v14, v15;
	vm2 =	vgt.f32 v8, v6;
	v14 =	vsel vm0, v2, v3  }
0x28d: {  	v15 =	vsel vm1, v1, v0;
	vm1 =	vgt.f32 v12, v6;
	vm0 =	vgt.f32 v12, v4  }
0x28e: {  	v16 =	vsel vm2, v2, v3;
	vm10 =	vgt.f32 v13, v6;
	vm11 =	vgt.f32 v13, v4  }
0x28f: {  	s7 =	simm.s32 $0x45F0;
	s9 =	simm.s32 $0x4970;
	s0 =	simm.s32 $0x0;
	[tilespmem:s8+$0x0] =	vst v20;
	v20 =	vsel vm8, v2, v3;
	v24 =	vsel vm10, v2, v3;
	v25 =	vsel vm11, v1, v0  }
.LBB2_31:
0x290: {  	v26 =	vld [tilespmem:s9+$0x0];
	s0 =	sadd.s32 $0x80, s0;
	vm2 =	vgt.f32 v13, v5;
	v13 =	vsel vm1, v2, v3;
	v27 =	vsel vm0, v1, v0  }
0x291: {  	vm0 =	vgt.f32 v7, v5;
	vm1 =	vgt.f32 v8, v5;
	vm3 =	vgt.f32 v9, v5;
	p0 =	slt.u32 s0, $0x780;
	v7 =	vld [tilespmem:s9+$0xFFFFFFA0]  }
0x292: {  	vm4 =	vgt.f32 v10, v5;
	vm5 =	vgt.f32 v11, v5;
	vm6 =	vgt.f32 v12, v5;
	v8 =	vld [tilespmem:s9+$0xFFFFFFB0]  }
0x293: {  	v11 =	vsel vm2, v24, v25;
	v12 =	vsel vm0, v14, v15;
	v14 =	vsel vm1, v16, v21;
	v9 =	vld [tilespmem:s9+$0xFFFFFFC0]  }
0x294: {  	v15 =	vsel vm3, v18, v19;
	v16 =	vsel vm4, v17, v23;
	v17 =	vsel vm5, v20, v22;
	v10 =	vld [tilespmem:s9+$0xFFFFFFD0];
	[tilespmem:s8+$0xFFFFFF90] =	vst v11  }
0x295: {  	v18 =	vsel vm6, v13, v27;
	v11 =	vld [tilespmem:s9+$0xFFFFFFE0];
	vm0 =	vgt.f32 v26, v6;
	vm1 =	vgt.f32 v26, v4;
	[tilespmem:s8+$0xFFFFFFA0] =	vst v12  }
0x296: {  	vm2 =	vgt.f32 v26, v5;
	v12 =	vld [tilespmem:s9+$0xFFFFFFF0];
	v19 =	vsel vm0, v2, v3;
	v20 =	vsel vm1, v1, v0;
	[tilespmem:s8+$0xFFFFFFB0] =	vst v14  }
0x297: {  	vm0 =	vgt.f32 v7, v6;
	vm1 =	vgt.f32 v7, v4;
	v13 =	vld [tilespmem:s9+$0xFFFFFF90];
	v14 =	vsel vm2, v19, v20;
	[tilespmem:s8+$0xFFFFFFC0] =	vst v15  }
0x298: {  	vm2 =	vgt.f32 v8, v6;
	vm3 =	vgt.f32 v8, v4;
	vm4 =	vgt.f32 v9, v6;
	[tilespmem:s9+$0x0] =	vst v14  }
0x299: {  	vm5 =	vgt.f32 v9, v4;
	vm6 =	vgt.f32 v10, v6;
	vm7 =	vgt.f32 v10, v4;
	[tilespmem:s8+$0xFFFFFFD0] =	vst v16  }
0x29a: {  	v14 =	vsel vm0, v2, v3;
	vm8 =	vgt.f32 v11, v6;
	vm9 =	vgt.f32 v11, v4;
	[tilespmem:s8+$0xFFFFFFE0] =	vst v17  }
.Ltmp14:
0x29b: {  	v15 =	vsel vm1, v1, v0;
	vm1 =	vgt.f32 v12, v6;
	vm0 =	vgt.f32 v12, v4;
	[tilespmem:s8+$0xFFFFFFF0] =	vst v18;
	s8 =	smov.u32 s9;
	(pc) =	sbr.rel @p0 .LBB2_31-.Ltmp14, $4  }
0x29c: {  	v16 =	vsel vm2, v2, v3;
	vm10 =	vgt.f32 v13, v6;
	vm11 =	vgt.f32 v13, v4  }
0x29d: {  	v21 =	vsel vm3, v1, v0;
	v24 =	vsel vm10, v2, v3;
	v25 =	vsel vm11, v1, v0  }
0x29e: {  	v19 =	vsel vm5, v1, v0;
	v17 =	vsel vm6, v2, v3;
	v18 =	vsel vm4, v2, v3  }
0x29f: {  	v23 =	vsel vm7, v1, v0;
	v20 =	vsel vm8, v2, v3;
	v22 =	vsel vm9, v1, v0;
	s9 =	sadd.s32 $0x400, s9  }
0x2a0: {  	vm2 =	vgt.f32 v13, v5  }
0x2a1: {  	vm3 =	vgt.f32 v7, v5;
	v7 =	vsel vm2, v24, v25  }
0x2a2: {  	vm2 =	vgt.f32 v8, v5;
	v8 =	vsel vm3, v14, v15;
	[tilespmem:s8+$0xFFFFFF90] =	vst v7  }
0x2a3: {  	vm3 =	vgt.f32 v9, v5;
	v7 =	vsel vm2, v16, v21;
	[tilespmem:s8+$0xFFFFFFA0] =	vst v8  }
0x2a4: {  	vm2 =	vgt.f32 v10, v5;
	v8 =	vsel vm3, v18, v19;
	[tilespmem:s8+$0xFFFFFFB0] =	vst v7  }
0x2a5: {  	v7 =	vsel vm1, v2, v3;
	vm1 =	vgt.f32 v11, v5;
	v9 =	vsel vm2, v17, v23;
	[tilespmem:s8+$0xFFFFFFC0] =	vst v8  }
0x2a6: {  	v8 =	vsel vm0, v1, v0;
	vm0 =	vgt.f32 v12, v5;
	v10 =	vsel vm1, v20, v22;
	[tilespmem:s8+$0xFFFFFFD0] =	vst v9  }
0x2a7: {  	v7 =	vsel vm0, v7, v8;
	[tilespmem:s8+$0xFFFFFFE0] =	vst v10  }
0x2a8: {  	[tilespmem:s8+$0xFFFFFFF0] =	vst v7  }
0x2a9: {  	v13 =	vld [tilespmem:s7+$0x0]  }
0x2aa: {  	v8 =	vld [tilespmem:s7+$0xFFFFFFB0]  }
0x2ab: {  	v9 =	vld [tilespmem:s7+$0xFFFFFFC0]  }
0x2ac: {  	v10 =	vld [tilespmem:s7+$0xFFFFFFD0]  }
0x2ad: {  	v11 =	vld [tilespmem:s7+$0xFFFFFFE0]  }
0x2ae: {  	v7 =	vld [tilespmem:s7+$0xFFFFFFA0]  }
0x2af: {  	vm0 =	vgt.f32 v13, v6;
	vm1 =	vgt.f32 v13, v4  }
0x2b0: {  	vm2 =	vgt.f32 v13, v5;
	vm3 =	vgt.f32 v8, v4;
	vm4 =	vgt.f32 v9, v6  }
0x2b1: {  	vm5 =	vgt.f32 v9, v4;
	vm6 =	vgt.f32 v10, v6;
	vm7 =	vgt.f32 v10, v4  }
0x2b2: {  	v12 =	vld [tilespmem:s7+$0xFFFFFFF0];
	vm8 =	vgt.f32 v11, v6;
	vm9 =	vgt.f32 v11, v4;
	v14 =	vsel vm0, v2, v3  }
0x2b3: {  	v13 =	vld [tilespmem:s7+$0xFFFFFF90];
	v15 =	vsel vm1, v1, v0;
	vm0 =	vgt.f32 v7, v6;
	vm1 =	vgt.f32 v7, v4  }
0x2b4: {  	v23 =	vsel vm3, v1, v0;
	v19 =	vsel vm4, v2, v3;
	v21 =	vsel vm5, v1, v0  }
0x2b5: {  	v17 =	vsel vm6, v2, v3;
	v22 =	vsel vm7, v1, v0;
	v20 =	vsel vm9, v1, v0  }
0x2b6: {  	v18 =	vsel vm2, v14, v15;
	vm2 =	vgt.f32 v8, v6;
	v14 =	vsel vm0, v2, v3  }
0x2b7: {  	v15 =	vsel vm1, v1, v0;
	vm1 =	vgt.f32 v12, v6;
	vm0 =	vgt.f32 v12, v4  }
0x2b8: {  	v16 =	vsel vm2, v2, v3;
	vm10 =	vgt.f32 v13, v6;
	vm11 =	vgt.f32 v13, v4  }
0x2b9: {  	s0 =	simm.s32 $0x0;
	s8 =	simm.s32 $0x49F0;
	[tilespmem:s7+$0x0] =	vst v18;
	v18 =	vsel vm8, v2, v3;
	v24 =	vsel vm10, v2, v3;
	v25 =	vsel vm11, v1, v0  }
.LBB2_33:
0x2ba: {  	v26 =	vld [tilespmem:s8+$0x0];
	s0 =	sadd.s32 $0x80, s0;
	vm2 =	vgt.f32 v13, v5;
	v13 =	vsel vm1, v2, v3;
	v27 =	vsel vm0, v1, v0  }
0x2bb: {  	vm0 =	vgt.f32 v7, v5;
	vm1 =	vgt.f32 v8, v5;
	vm3 =	vgt.f32 v9, v5;
	p0 =	slt.u32 s0, $0x780;
	v7 =	vld [tilespmem:s8+$0xFFFFFFA0]  }
0x2bc: {  	vm4 =	vgt.f32 v10, v5;
	vm5 =	vgt.f32 v11, v5;
	vm6 =	vgt.f32 v12, v5;
	v8 =	vld [tilespmem:s8+$0xFFFFFFB0]  }
0x2bd: {  	v11 =	vsel vm2, v24, v25;
	v12 =	vsel vm0, v14, v15;
	v14 =	vsel vm1, v16, v23;
	v9 =	vld [tilespmem:s8+$0xFFFFFFC0]  }
0x2be: {  	v15 =	vsel vm3, v19, v21;
	v16 =	vsel vm4, v17, v22;
	v17 =	vsel vm5, v18, v20;
	v10 =	vld [tilespmem:s8+$0xFFFFFFD0];
	[tilespmem:s7+$0xFFFFFF90] =	vst v11  }
0x2bf: {  	v18 =	vsel vm6, v13, v27;
	v11 =	vld [tilespmem:s8+$0xFFFFFFE0];
	vm0 =	vgt.f32 v26, v6;
	vm1 =	vgt.f32 v26, v4;
	[tilespmem:s7+$0xFFFFFFA0] =	vst v12  }
0x2c0: {  	vm2 =	vgt.f32 v26, v5;
	v12 =	vld [tilespmem:s8+$0xFFFFFFF0];
	v19 =	vsel vm0, v2, v3;
	v20 =	vsel vm1, v1, v0;
	[tilespmem:s7+$0xFFFFFFB0] =	vst v14  }
0x2c1: {  	vm0 =	vgt.f32 v7, v6;
	vm1 =	vgt.f32 v7, v4;
	v13 =	vld [tilespmem:s8+$0xFFFFFF90];
	v14 =	vsel vm2, v19, v20;
	[tilespmem:s7+$0xFFFFFFC0] =	vst v15  }
0x2c2: {  	vm2 =	vgt.f32 v8, v6;
	vm3 =	vgt.f32 v8, v4;
	vm4 =	vgt.f32 v9, v6;
	[tilespmem:s8+$0x0] =	vst v14  }
0x2c3: {  	vm5 =	vgt.f32 v9, v4;
	vm6 =	vgt.f32 v10, v6;
	vm7 =	vgt.f32 v10, v4;
	[tilespmem:s7+$0xFFFFFFD0] =	vst v16  }
0x2c4: {  	v14 =	vsel vm0, v2, v3;
	vm8 =	vgt.f32 v11, v6;
	vm9 =	vgt.f32 v11, v4;
	[tilespmem:s7+$0xFFFFFFE0] =	vst v17  }
.Ltmp15:
0x2c5: {  	v15 =	vsel vm1, v1, v0;
	vm1 =	vgt.f32 v12, v6;
	vm0 =	vgt.f32 v12, v4;
	[tilespmem:s7+$0xFFFFFFF0] =	vst v18;
	s7 =	smov.u32 s8;
	(pc) =	sbr.rel @p0 .LBB2_33-.Ltmp15, $4  }
0x2c6: {  	v16 =	vsel vm2, v2, v3;
	vm10 =	vgt.f32 v13, v6;
	vm11 =	vgt.f32 v13, v4  }
0x2c7: {  	v23 =	vsel vm3, v1, v0;
	v24 =	vsel vm10, v2, v3;
	v25 =	vsel vm11, v1, v0  }
0x2c8: {  	v19 =	vsel vm4, v2, v3;
	v21 =	vsel vm5, v1, v0;
	v17 =	vsel vm6, v2, v3  }
0x2c9: {  	v22 =	vsel vm7, v1, v0;
	v18 =	vsel vm8, v2, v3;
	v20 =	vsel vm9, v1, v0;
	s8 =	sadd.s32 $0x400, s8  }
0x2ca: {  	vm2 =	vgt.f32 v13, v5  }
0x2cb: {  	vm3 =	vgt.f32 v7, v5;
	v7 =	vsel vm2, v24, v25  }
0x2cc: {  	vm2 =	vgt.f32 v8, v5;
	v8 =	vsel vm3, v14, v15;
	[tilespmem:s7+$0xFFFFFF90] =	vst v7  }
0x2cd: {  	vm3 =	vgt.f32 v9, v5;
	v7 =	vsel vm2, v16, v23;
	[tilespmem:s7+$0xFFFFFFA0] =	vst v8  }
0x2ce: {  	s0 =	sshll.u32 s31, $0x5;
	vm2 =	vgt.f32 v10, v5;
	v8 =	vsel vm3, v19, v21;
	[tilespmem:s7+$0xFFFFFFB0] =	vst v7  }
0x2cf: {  	s0 =	sadd.s32 s0, s5;
	v7 =	vsel vm1, v2, v3;
	vm1 =	vgt.f32 v11, v5;
	v9 =	vsel vm2, v17, v22;
	[tilespmem:s7+$0xFFFFFFC0] =	vst v8  }
0x2d0: {  	s0 =	sshll.u32 s0, $0x8;
	v8 =	vsel vm0, v1, v0;
	vm0 =	vgt.f32 v12, v5;
	v10 =	vsel vm1, v18, v20;
	[tilespmem:s7+$0xFFFFFFD0] =	vst v9  }
0x2d1: {  	p0 =	seq.s32 s31, $0xF;
	s0 =	sadd.s32 s3, s0;
	v7 =	vsel vm0, v7, v8;
	[tilespmem:s7+$0xFFFFFFE0] =	vst v10  }
0x2d2: {  	s10 =	sadd.s32 $0x800, s0;
	[tilespmem:s7+$0xFFFFFFF0] =	vst v7;
	s7 =	sadd.s32 @!p0 s1, s13  }
0x2d3: {  	[hbm4b:s10+s4] =	stream.linear.scatter [tilespmem:s18], [sflag:$0x6], $0x4000, $0x38;
	[tilespmem:$0x10200] =	vst v63  }
0x2d4: {  	s7 =	sshll.u32 @!p0 s7, $0xB;
	_ =	swait.ge [sflag:s23], $0x4000  }
0x2d5: {  	s8 =	simm.s32 @!p0 $0x0;
	s7 =	sand.u32 @!p0 $0x1FFFE000, s7;
	[sflag:s23] =	ssyncset.done $0x0  }
0x2d6: {  	s9 =	simm.s32 @!p0 $0x200;
	s7 =	sadd.s32 @!p0 s2, s7;
	[sflag:s23] =	ssyncadd.s32 $0xFFFFC000  }
0x2d7: {  	[tilespmem:s9], [sflag:$0x1] =	stream.linear.gather @!p0 [hbm4b:s7+s8], $0x4000, $0x38;
	[tilespmem:$0x10200] =	vst v63  }
0x2d8: {  	_ =	swait.ge [sflag:s24], $0x4000  }
0x2d9: {  	[sflag:s24] =	ssyncset.done $0x0  }
0x2da: {  	s8 =	simm.s32 $0x8270;
	[sflag:s24] =	ssyncadd.s32 $0xFFFFC000  }
0x2db: {  	v13 =	vld [tilespmem:s8+$0x0]  }
0x2dc: {  	v8 =	vld [tilespmem:s8+$0xFFFFFFB0]  }
0x2dd: {  	v9 =	vld [tilespmem:s8+$0xFFFFFFC0]  }
0x2de: {  	v10 =	vld [tilespmem:s8+$0xFFFFFFD0]  }
0x2df: {  	v11 =	vld [tilespmem:s8+$0xFFFFFFE0]  }
0x2e0: {  	v7 =	vld [tilespmem:s8+$0xFFFFFFA0]  }
0x2e1: {  	vm0 =	vgt.f32 v13, v6;
	vm1 =	vgt.f32 v13, v4  }
0x2e2: {  	vm2 =	vgt.f32 v13, v5;
	vm3 =	vgt.f32 v8, v4;
	vm4 =	vgt.f32 v9, v6  }
0x2e3: {  	vm5 =	vgt.f32 v9, v4;
	vm6 =	vgt.f32 v10, v6;
	vm7 =	vgt.f32 v10, v4  }
0x2e4: {  	v12 =	vld [tilespmem:s8+$0xFFFFFFF0];
	vm8 =	vgt.f32 v11, v6;
	vm9 =	vgt.f32 v11, v4;
	v14 =	vsel vm0, v2, v3  }
0x2e5: {  	v13 =	vld [tilespmem:s8+$0xFFFFFF90];
	v15 =	vsel vm1, v1, v0;
	vm0 =	vgt.f32 v7, v6;
	vm1 =	vgt.f32 v7, v4  }
0x2e6: {  	v21 =	vsel vm3, v1, v0;
	v18 =	vsel vm4, v2, v3;
	v19 =	vsel vm5, v1, v0  }
0x2e7: {  	v17 =	vsel vm6, v2, v3;
	v23 =	vsel vm7, v1, v0;
	v22 =	vsel vm9, v1, v0  }
0x2e8: {  	v20 =	vsel vm2, v14, v15;
	vm2 =	vgt.f32 v8, v6;
	v14 =	vsel vm0, v2, v3  }
0x2e9: {  	v15 =	vsel vm1, v1, v0;
	vm1 =	vgt.f32 v12, v6;
	vm0 =	vgt.f32 v12, v4  }
0x2ea: {  	v16 =	vsel vm2, v2, v3;
	vm10 =	vgt.f32 v13, v6;
	vm11 =	vgt.f32 v13, v4  }
0x2eb: {  	s10 =	simm.s32 $0x8670;
	s9 =	simm.s32 $0x0;
	s7 =	simm.s32 $0x82F0;
	[tilespmem:s8+$0x0] =	vst v20;
	v20 =	vsel vm8, v2, v3;
	v24 =	vsel vm10, v2, v3;
	v25 =	vsel vm11, v1, v0  }
.LBB2_35:
0x2ec: {  	v26 =	vld [tilespmem:s10+$0x0];
	s9 =	sadd.s32 $0x80, s9;
	vm2 =	vgt.f32 v13, v5;
	v13 =	vsel vm1, v2, v3;
	v27 =	vsel vm0, v1, v0  }
0x2ed: {  	vm0 =	vgt.f32 v7, v5;
	vm1 =	vgt.f32 v8, v5;
	vm3 =	vgt.f32 v9, v5;
	p1 =	slt.u32 s9, $0x780;
	v7 =	vld [tilespmem:s10+$0xFFFFFFA0]  }
0x2ee: {  	vm4 =	vgt.f32 v10, v5;
	vm5 =	vgt.f32 v11, v5;
	vm6 =	vgt.f32 v12, v5;
	v8 =	vld [tilespmem:s10+$0xFFFFFFB0]  }
0x2ef: {  	v11 =	vsel vm2, v24, v25;
	v12 =	vsel vm0, v14, v15;
	v14 =	vsel vm1, v16, v21;
	v9 =	vld [tilespmem:s10+$0xFFFFFFC0]  }
0x2f0: {  	v15 =	vsel vm3, v18, v19;
	v16 =	vsel vm4, v17, v23;
	v17 =	vsel vm5, v20, v22;
	v10 =	vld [tilespmem:s10+$0xFFFFFFD0];
	[tilespmem:s8+$0xFFFFFF90] =	vst v11  }
0x2f1: {  	v18 =	vsel vm6, v13, v27;
	v11 =	vld [tilespmem:s10+$0xFFFFFFE0];
	vm0 =	vgt.f32 v26, v6;
	vm1 =	vgt.f32 v26, v4;
	[tilespmem:s8+$0xFFFFFFA0] =	vst v12  }
0x2f2: {  	vm2 =	vgt.f32 v26, v5;
	v12 =	vld [tilespmem:s10+$0xFFFFFFF0];
	v19 =	vsel vm0, v2, v3;
	v20 =	vsel vm1, v1, v0;
	[tilespmem:s8+$0xFFFFFFB0] =	vst v14  }
0x2f3: {  	vm0 =	vgt.f32 v7, v6;
	vm1 =	vgt.f32 v7, v4;
	v13 =	vld [tilespmem:s10+$0xFFFFFF90];
	v14 =	vsel vm2, v19, v20;
	[tilespmem:s8+$0xFFFFFFC0] =	vst v15  }
0x2f4: {  	vm2 =	vgt.f32 v8, v6;
	vm3 =	vgt.f32 v8, v4;
	vm4 =	vgt.f32 v9, v6;
	[tilespmem:s10+$0x0] =	vst v14  }
0x2f5: {  	vm5 =	vgt.f32 v9, v4;
	vm6 =	vgt.f32 v10, v6;
	vm7 =	vgt.f32 v10, v4;
	[tilespmem:s8+$0xFFFFFFD0] =	vst v16  }
0x2f6: {  	v14 =	vsel vm0, v2, v3;
	vm8 =	vgt.f32 v11, v6;
	vm9 =	vgt.f32 v11, v4;
	[tilespmem:s8+$0xFFFFFFE0] =	vst v17  }
.Ltmp16:
0x2f7: {  	v15 =	vsel vm1, v1, v0;
	vm1 =	vgt.f32 v12, v6;
	vm0 =	vgt.f32 v12, v4;
	[tilespmem:s8+$0xFFFFFFF0] =	vst v18;
	s8 =	smov.u32 s10;
	(pc) =	sbr.rel @p1 .LBB2_35-.Ltmp16, $4  }
0x2f8: {  	v16 =	vsel vm2, v2, v3;
	vm10 =	vgt.f32 v13, v6;
	vm11 =	vgt.f32 v13, v4  }
0x2f9: {  	v21 =	vsel vm3, v1, v0;
	v24 =	vsel vm10, v2, v3;
	v25 =	vsel vm11, v1, v0  }
0x2fa: {  	v19 =	vsel vm5, v1, v0;
	v17 =	vsel vm6, v2, v3;
	v18 =	vsel vm4, v2, v3  }
0x2fb: {  	v23 =	vsel vm7, v1, v0;
	v20 =	vsel vm8, v2, v3;
	v22 =	vsel vm9, v1, v0;
	s10 =	sadd.s32 $0x400, s10  }
0x2fc: {  	vm2 =	vgt.f32 v13, v5  }
0x2fd: {  	vm3 =	vgt.f32 v7, v5;
	v7 =	vsel vm2, v24, v25  }
0x2fe: {  	vm2 =	vgt.f32 v8, v5;
	v8 =	vsel vm3, v14, v15;
	[tilespmem:s8+$0xFFFFFF90] =	vst v7  }
0x2ff: {  	vm3 =	vgt.f32 v9, v5;
	v7 =	vsel vm2, v16, v21;
	[tilespmem:s8+$0xFFFFFFA0] =	vst v8  }
0x300: {  	vm2 =	vgt.f32 v10, v5;
	v8 =	vsel vm3, v18, v19;
	[tilespmem:s8+$0xFFFFFFB0] =	vst v7  }
0x301: {  	v7 =	vsel vm1, v2, v3;
	vm1 =	vgt.f32 v11, v5;
	v9 =	vsel vm2, v17, v23;
	[tilespmem:s8+$0xFFFFFFC0] =	vst v8  }
0x302: {  	v8 =	vsel vm0, v1, v0;
	vm0 =	vgt.f32 v12, v5;
	v10 =	vsel vm1, v20, v22;
	[tilespmem:s8+$0xFFFFFFD0] =	vst v9  }
0x303: {  	v7 =	vsel vm0, v7, v8;
	[tilespmem:s8+$0xFFFFFFE0] =	vst v10  }
0x304: {  	[tilespmem:s8+$0xFFFFFFF0] =	vst v7  }
0x305: {  	v13 =	vld [tilespmem:s7+$0x0]  }
0x306: {  	v8 =	vld [tilespmem:s7+$0xFFFFFFB0]  }
0x307: {  	v9 =	vld [tilespmem:s7+$0xFFFFFFC0]  }
0x308: {  	v10 =	vld [tilespmem:s7+$0xFFFFFFD0]  }
0x309: {  	v11 =	vld [tilespmem:s7+$0xFFFFFFE0]  }
0x30a: {  	v7 =	vld [tilespmem:s7+$0xFFFFFFA0]  }
0x30b: {  	vm0 =	vgt.f32 v13, v6;
	vm1 =	vgt.f32 v13, v4  }
0x30c: {  	vm2 =	vgt.f32 v13, v5;
	vm3 =	vgt.f32 v8, v4;
	vm4 =	vgt.f32 v9, v6  }
0x30d: {  	vm5 =	vgt.f32 v9, v4;
	vm6 =	vgt.f32 v10, v6;
	vm7 =	vgt.f32 v10, v4  }
0x30e: {  	v12 =	vld [tilespmem:s7+$0xFFFFFFF0];
	vm8 =	vgt.f32 v11, v6;
	vm9 =	vgt.f32 v11, v4;
	v14 =	vsel vm0, v2, v3  }
0x30f: {  	v13 =	vld [tilespmem:s7+$0xFFFFFF90];
	v15 =	vsel vm1, v1, v0;
	vm0 =	vgt.f32 v7, v6;
	vm1 =	vgt.f32 v7, v4  }
0x310: {  	v21 =	vsel vm3, v1, v0;
	v18 =	vsel vm4, v2, v3;
	v19 =	vsel vm5, v1, v0  }
0x311: {  	v17 =	vsel vm6, v2, v3;
	v23 =	vsel vm7, v1, v0;
	v22 =	vsel vm9, v1, v0  }
0x312: {  	v20 =	vsel vm2, v14, v15;
	vm2 =	vgt.f32 v8, v6;
	v14 =	vsel vm0, v2, v3  }
0x313: {  	v15 =	vsel vm1, v1, v0;
	vm1 =	vgt.f32 v12, v6;
	vm0 =	vgt.f32 v12, v4  }
0x314: {  	v16 =	vsel vm2, v2, v3;
	vm10 =	vgt.f32 v13, v6;
	vm11 =	vgt.f32 v13, v4  }
0x315: {  	s9 =	simm.s32 $0x0;
	s10 =	simm.s32 $0x86F0;
	s8 =	simm.s32 $0x8370;
	[tilespmem:s7+$0x0] =	vst v20;
	v20 =	vsel vm8, v2, v3;
	v24 =	vsel vm10, v2, v3;
	v25 =	vsel vm11, v1, v0  }
.LBB2_37:
0x316: {  	v26 =	vld [tilespmem:s10+$0x0];
	s9 =	sadd.s32 $0x80, s9;
	vm2 =	vgt.f32 v13, v5;
	v13 =	vsel vm1, v2, v3;
	v27 =	vsel vm0, v1, v0  }
0x317: {  	vm0 =	vgt.f32 v7, v5;
	vm1 =	vgt.f32 v8, v5;
	vm3 =	vgt.f32 v9, v5;
	p1 =	slt.u32 s9, $0x780;
	v7 =	vld [tilespmem:s10+$0xFFFFFFA0]  }
0x318: {  	vm4 =	vgt.f32 v10, v5;
	vm5 =	vgt.f32 v11, v5;
	vm6 =	vgt.f32 v12, v5;
	v8 =	vld [tilespmem:s10+$0xFFFFFFB0]  }
0x319: {  	v11 =	vsel vm2, v24, v25;
	v12 =	vsel vm0, v14, v15;
	v14 =	vsel vm1, v16, v21;
	v9 =	vld [tilespmem:s10+$0xFFFFFFC0]  }
0x31a: {  	v15 =	vsel vm3, v18, v19;
	v16 =	vsel vm4, v17, v23;
	v17 =	vsel vm5, v20, v22;
	v10 =	vld [tilespmem:s10+$0xFFFFFFD0];
	[tilespmem:s7+$0xFFFFFF90] =	vst v11  }
0x31b: {  	v18 =	vsel vm6, v13, v27;
	v11 =	vld [tilespmem:s10+$0xFFFFFFE0];
	vm0 =	vgt.f32 v26, v6;
	vm1 =	vgt.f32 v26, v4;
	[tilespmem:s7+$0xFFFFFFA0] =	vst v12  }
0x31c: {  	vm2 =	vgt.f32 v26, v5;
	v12 =	vld [tilespmem:s10+$0xFFFFFFF0];
	v19 =	vsel vm0, v2, v3;
	v20 =	vsel vm1, v1, v0;
	[tilespmem:s7+$0xFFFFFFB0] =	vst v14  }
0x31d: {  	vm0 =	vgt.f32 v7, v6;
	vm1 =	vgt.f32 v7, v4;
	v13 =	vld [tilespmem:s10+$0xFFFFFF90];
	v14 =	vsel vm2, v19, v20;
	[tilespmem:s7+$0xFFFFFFC0] =	vst v15  }
0x31e: {  	vm2 =	vgt.f32 v8, v6;
	vm3 =	vgt.f32 v8, v4;
	vm4 =	vgt.f32 v9, v6;
	[tilespmem:s10+$0x0] =	vst v14  }
0x31f: {  	vm5 =	vgt.f32 v9, v4;
	vm6 =	vgt.f32 v10, v6;
	vm7 =	vgt.f32 v10, v4;
	[tilespmem:s7+$0xFFFFFFD0] =	vst v16  }
0x320: {  	v14 =	vsel vm0, v2, v3;
	vm8 =	vgt.f32 v11, v6;
	vm9 =	vgt.f32 v11, v4;
	[tilespmem:s7+$0xFFFFFFE0] =	vst v17  }
.Ltmp17:
0x321: {  	v15 =	vsel vm1, v1, v0;
	vm1 =	vgt.f32 v12, v6;
	vm0 =	vgt.f32 v12, v4;
	[tilespmem:s7+$0xFFFFFFF0] =	vst v18;
	s7 =	smov.u32 s10;
	(pc) =	sbr.rel @p1 .LBB2_37-.Ltmp17, $4  }
0x322: {  	v16 =	vsel vm2, v2, v3;
	vm10 =	vgt.f32 v13, v6;
	vm11 =	vgt.f32 v13, v4  }
0x323: {  	v21 =	vsel vm3, v1, v0;
	v24 =	vsel vm10, v2, v3;
	v25 =	vsel vm11, v1, v0  }
0x324: {  	v19 =	vsel vm5, v1, v0;
	v17 =	vsel vm6, v2, v3;
	v18 =	vsel vm4, v2, v3  }
0x325: {  	v23 =	vsel vm7, v1, v0;
	v20 =	vsel vm8, v2, v3;
	v22 =	vsel vm9, v1, v0;
	s10 =	sadd.s32 $0x400, s10  }
0x326: {  	vm2 =	vgt.f32 v13, v5  }
0x327: {  	vm3 =	vgt.f32 v7, v5;
	v7 =	vsel vm2, v24, v25  }
0x328: {  	vm2 =	vgt.f32 v8, v5;
	v8 =	vsel vm3, v14, v15;
	[tilespmem:s7+$0xFFFFFF90] =	vst v7  }
0x329: {  	vm3 =	vgt.f32 v9, v5;
	v7 =	vsel vm2, v16, v21;
	[tilespmem:s7+$0xFFFFFFA0] =	vst v8  }
0x32a: {  	vm2 =	vgt.f32 v10, v5;
	v8 =	vsel vm3, v18, v19;
	[tilespmem:s7+$0xFFFFFFB0] =	vst v7  }
0x32b: {  	v7 =	vsel vm1, v2, v3;
	vm1 =	vgt.f32 v11, v5;
	v9 =	vsel vm2, v17, v23;
	[tilespmem:s7+$0xFFFFFFC0] =	vst v8  }
0x32c: {  	v8 =	vsel vm0, v1, v0;
	vm0 =	vgt.f32 v12, v5;
	v10 =	vsel vm1, v20, v22;
	[tilespmem:s7+$0xFFFFFFD0] =	vst v9  }
0x32d: {  	v7 =	vsel vm0, v7, v8;
	[tilespmem:s7+$0xFFFFFFE0] =	vst v10  }
0x32e: {  	[tilespmem:s7+$0xFFFFFFF0] =	vst v7  }
0x32f: {  	v13 =	vld [tilespmem:s8+$0x0]  }
0x330: {  	v8 =	vld [tilespmem:s8+$0xFFFFFFB0]  }
0x331: {  	v9 =	vld [tilespmem:s8+$0xFFFFFFC0]  }
0x332: {  	v10 =	vld [tilespmem:s8+$0xFFFFFFD0]  }
0x333: {  	v11 =	vld [tilespmem:s8+$0xFFFFFFE0]  }
0x334: {  	v7 =	vld [tilespmem:s8+$0xFFFFFFA0]  }
0x335: {  	vm0 =	vgt.f32 v13, v6;
	vm1 =	vgt.f32 v13, v4  }
0x336: {  	vm2 =	vgt.f32 v13, v5;
	vm3 =	vgt.f32 v8, v4;
	vm4 =	vgt.f32 v9, v6  }
0x337: {  	vm5 =	vgt.f32 v9, v4;
	vm6 =	vgt.f32 v10, v6;
	vm7 =	vgt.f32 v10, v4  }
0x338: {  	v12 =	vld [tilespmem:s8+$0xFFFFFFF0];
	vm8 =	vgt.f32 v11, v6;
	vm9 =	vgt.f32 v11, v4;
	v14 =	vsel vm0, v2, v3  }
0x339: {  	v13 =	vld [tilespmem:s8+$0xFFFFFF90];
	v15 =	vsel vm1, v1, v0;
	vm0 =	vgt.f32 v7, v6;
	vm1 =	vgt.f32 v7, v4  }
0x33a: {  	v21 =	vsel vm3, v1, v0;
	v18 =	vsel vm4, v2, v3;
	v19 =	vsel vm5, v1, v0  }
0x33b: {  	v17 =	vsel vm6, v2, v3;
	v23 =	vsel vm7, v1, v0;
	v22 =	vsel vm9, v1, v0  }
0x33c: {  	v20 =	vsel vm2, v14, v15;
	vm2 =	vgt.f32 v8, v6;
	v14 =	vsel vm0, v2, v3  }
0x33d: {  	v15 =	vsel vm1, v1, v0;
	vm1 =	vgt.f32 v12, v6;
	vm0 =	vgt.f32 v12, v4  }
0x33e: {  	v16 =	vsel vm2, v2, v3;
	vm10 =	vgt.f32 v13, v6;
	vm11 =	vgt.f32 v13, v4  }
0x33f: {  	s9 =	simm.s32 $0x0;
	s10 =	simm.s32 $0x8770;
	s7 =	simm.s32 $0x83F0;
	[tilespmem:s8+$0x0] =	vst v20;
	v20 =	vsel vm8, v2, v3;
	v24 =	vsel vm10, v2, v3;
	v25 =	vsel vm11, v1, v0  }
.LBB2_39:
0x340: {  	v26 =	vld [tilespmem:s10+$0x0];
	s9 =	sadd.s32 $0x80, s9;
	vm2 =	vgt.f32 v13, v5;
	v13 =	vsel vm1, v2, v3;
	v27 =	vsel vm0, v1, v0  }
0x341: {  	vm0 =	vgt.f32 v7, v5;
	vm1 =	vgt.f32 v8, v5;
	vm3 =	vgt.f32 v9, v5;
	p1 =	slt.u32 s9, $0x780;
	v7 =	vld [tilespmem:s10+$0xFFFFFFA0]  }
0x342: {  	vm4 =	vgt.f32 v10, v5;
	vm5 =	vgt.f32 v11, v5;
	vm6 =	vgt.f32 v12, v5;
	v8 =	vld [tilespmem:s10+$0xFFFFFFB0]  }
0x343: {  	v11 =	vsel vm2, v24, v25;
	v12 =	vsel vm0, v14, v15;
	v14 =	vsel vm1, v16, v21;
	v9 =	vld [tilespmem:s10+$0xFFFFFFC0]  }
0x344: {  	v15 =	vsel vm3, v18, v19;
	v16 =	vsel vm4, v17, v23;
	v17 =	vsel vm5, v20, v22;
	v10 =	vld [tilespmem:s10+$0xFFFFFFD0];
	[tilespmem:s8+$0xFFFFFF90] =	vst v11  }
0x345: {  	v18 =	vsel vm6, v13, v27;
	v11 =	vld [tilespmem:s10+$0xFFFFFFE0];
	vm0 =	vgt.f32 v26, v6;
	vm1 =	vgt.f32 v26, v4;
	[tilespmem:s8+$0xFFFFFFA0] =	vst v12  }
0x346: {  	vm2 =	vgt.f32 v26, v5;
	v12 =	vld [tilespmem:s10+$0xFFFFFFF0];
	v19 =	vsel vm0, v2, v3;
	v20 =	vsel vm1, v1, v0;
	[tilespmem:s8+$0xFFFFFFB0] =	vst v14  }
0x347: {  	vm0 =	vgt.f32 v7, v6;
	vm1 =	vgt.f32 v7, v4;
	v13 =	vld [tilespmem:s10+$0xFFFFFF90];
	v14 =	vsel vm2, v19, v20;
	[tilespmem:s8+$0xFFFFFFC0] =	vst v15  }
0x348: {  	vm2 =	vgt.f32 v8, v6;
	vm3 =	vgt.f32 v8, v4;
	vm4 =	vgt.f32 v9, v6;
	[tilespmem:s10+$0x0] =	vst v14  }
0x349: {  	vm5 =	vgt.f32 v9, v4;
	vm6 =	vgt.f32 v10, v6;
	vm7 =	vgt.f32 v10, v4;
	[tilespmem:s8+$0xFFFFFFD0] =	vst v16  }
0x34a: {  	v14 =	vsel vm0, v2, v3;
	vm8 =	vgt.f32 v11, v6;
	vm9 =	vgt.f32 v11, v4;
	[tilespmem:s8+$0xFFFFFFE0] =	vst v17  }
.Ltmp18:
0x34b: {  	v15 =	vsel vm1, v1, v0;
	vm1 =	vgt.f32 v12, v6;
	vm0 =	vgt.f32 v12, v4;
	[tilespmem:s8+$0xFFFFFFF0] =	vst v18;
	s8 =	smov.u32 s10;
	(pc) =	sbr.rel @p1 .LBB2_39-.Ltmp18, $4  }
0x34c: {  	v16 =	vsel vm2, v2, v3;
	vm10 =	vgt.f32 v13, v6;
	vm11 =	vgt.f32 v13, v4  }
0x34d: {  	v21 =	vsel vm3, v1, v0;
	v24 =	vsel vm10, v2, v3;
	v25 =	vsel vm11, v1, v0  }
0x34e: {  	v19 =	vsel vm5, v1, v0;
	v17 =	vsel vm6, v2, v3;
	v18 =	vsel vm4, v2, v3  }
0x34f: {  	v23 =	vsel vm7, v1, v0;
	v20 =	vsel vm8, v2, v3;
	v22 =	vsel vm9, v1, v0;
	s10 =	sadd.s32 $0x400, s10  }
0x350: {  	vm2 =	vgt.f32 v13, v5  }
0x351: {  	vm3 =	vgt.f32 v7, v5;
	v7 =	vsel vm2, v24, v25  }
0x352: {  	vm2 =	vgt.f32 v8, v5;
	v8 =	vsel vm3, v14, v15;
	[tilespmem:s8+$0xFFFFFF90] =	vst v7  }
0x353: {  	vm3 =	vgt.f32 v9, v5;
	v7 =	vsel vm2, v16, v21;
	[tilespmem:s8+$0xFFFFFFA0] =	vst v8  }
0x354: {  	vm2 =	vgt.f32 v10, v5;
	v8 =	vsel vm3, v18, v19;
	[tilespmem:s8+$0xFFFFFFB0] =	vst v7  }
0x355: {  	v7 =	vsel vm1, v2, v3;
	vm1 =	vgt.f32 v11, v5;
	v9 =	vsel vm2, v17, v23;
	[tilespmem:s8+$0xFFFFFFC0] =	vst v8  }
0x356: {  	v8 =	vsel vm0, v1, v0;
	vm0 =	vgt.f32 v12, v5;
	v10 =	vsel vm1, v20, v22;
	[tilespmem:s8+$0xFFFFFFD0] =	vst v9  }
0x357: {  	v7 =	vsel vm0, v7, v8;
	[tilespmem:s8+$0xFFFFFFE0] =	vst v10  }
0x358: {  	[tilespmem:s8+$0xFFFFFFF0] =	vst v7  }
0x359: {  	v13 =	vld [tilespmem:s7+$0x0]  }
0x35a: {  	v8 =	vld [tilespmem:s7+$0xFFFFFFB0]  }
0x35b: {  	v9 =	vld [tilespmem:s7+$0xFFFFFFC0]  }
0x35c: {  	v10 =	vld [tilespmem:s7+$0xFFFFFFD0]  }
0x35d: {  	v11 =	vld [tilespmem:s7+$0xFFFFFFE0]  }
0x35e: {  	v7 =	vld [tilespmem:s7+$0xFFFFFFA0]  }
0x35f: {  	vm0 =	vgt.f32 v13, v6;
	vm1 =	vgt.f32 v13, v4  }
0x360: {  	vm2 =	vgt.f32 v13, v5;
	vm3 =	vgt.f32 v8, v4;
	vm4 =	vgt.f32 v9, v6  }
0x361: {  	vm5 =	vgt.f32 v9, v4;
	vm6 =	vgt.f32 v10, v6;
	vm7 =	vgt.f32 v10, v4  }
0x362: {  	v12 =	vld [tilespmem:s7+$0xFFFFFFF0];
	vm8 =	vgt.f32 v11, v6;
	vm9 =	vgt.f32 v11, v4;
	v14 =	vsel vm0, v2, v3  }
0x363: {  	v13 =	vld [tilespmem:s7+$0xFFFFFF90];
	v15 =	vsel vm1, v1, v0;
	vm0 =	vgt.f32 v7, v6;
	vm1 =	vgt.f32 v7, v4  }
0x364: {  	v21 =	vsel vm3, v1, v0;
	v18 =	vsel vm4, v2, v3;
	v19 =	vsel vm5, v1, v0  }
0x365: {  	v17 =	vsel vm6, v2, v3;
	v23 =	vsel vm7, v1, v0;
	v22 =	vsel vm9, v1, v0  }
0x366: {  	v20 =	vsel vm2, v14, v15;
	vm2 =	vgt.f32 v8, v6;
	v14 =	vsel vm0, v2, v3  }
0x367: {  	v15 =	vsel vm1, v1, v0;
	vm1 =	vgt.f32 v12, v6;
	vm0 =	vgt.f32 v12, v4  }
0x368: {  	v16 =	vsel vm2, v2, v3;
	vm10 =	vgt.f32 v13, v6;
	vm11 =	vgt.f32 v13, v4  }
0x369: {  	s9 =	simm.s32 $0x0;
	s10 =	simm.s32 $0x87F0;
	s8 =	simm.s32 $0x8470;
	[tilespmem:s7+$0x0] =	vst v20;
	v20 =	vsel vm8, v2, v3;
	v24 =	vsel vm10, v2, v3;
	v25 =	vsel vm11, v1, v0  }
.LBB2_41:
0x36a: {  	v26 =	vld [tilespmem:s10+$0x0];
	s9 =	sadd.s32 $0x80, s9;
	vm2 =	vgt.f32 v13, v5;
	v13 =	vsel vm1, v2, v3;
	v27 =	vsel vm0, v1, v0  }
0x36b: {  	vm0 =	vgt.f32 v7, v5;
	vm1 =	vgt.f32 v8, v5;
	vm3 =	vgt.f32 v9, v5;
	p1 =	slt.u32 s9, $0x780;
	v7 =	vld [tilespmem:s10+$0xFFFFFFA0]  }
0x36c: {  	vm4 =	vgt.f32 v10, v5;
	vm5 =	vgt.f32 v11, v5;
	vm6 =	vgt.f32 v12, v5;
	v8 =	vld [tilespmem:s10+$0xFFFFFFB0]  }
0x36d: {  	v11 =	vsel vm2, v24, v25;
	v12 =	vsel vm0, v14, v15;
	v14 =	vsel vm1, v16, v21;
	v9 =	vld [tilespmem:s10+$0xFFFFFFC0]  }
0x36e: {  	v15 =	vsel vm3, v18, v19;
	v16 =	vsel vm4, v17, v23;
	v17 =	vsel vm5, v20, v22;
	v10 =	vld [tilespmem:s10+$0xFFFFFFD0];
	[tilespmem:s7+$0xFFFFFF90] =	vst v11  }
0x36f: {  	v18 =	vsel vm6, v13, v27;
	v11 =	vld [tilespmem:s10+$0xFFFFFFE0];
	vm0 =	vgt.f32 v26, v6;
	vm1 =	vgt.f32 v26, v4;
	[tilespmem:s7+$0xFFFFFFA0] =	vst v12  }
0x370: {  	vm2 =	vgt.f32 v26, v5;
	v12 =	vld [tilespmem:s10+$0xFFFFFFF0];
	v19 =	vsel vm0, v2, v3;
	v20 =	vsel vm1, v1, v0;
	[tilespmem:s7+$0xFFFFFFB0] =	vst v14  }
0x371: {  	vm0 =	vgt.f32 v7, v6;
	vm1 =	vgt.f32 v7, v4;
	v13 =	vld [tilespmem:s10+$0xFFFFFF90];
	v14 =	vsel vm2, v19, v20;
	[tilespmem:s7+$0xFFFFFFC0] =	vst v15  }
0x372: {  	vm2 =	vgt.f32 v8, v6;
	vm3 =	vgt.f32 v8, v4;
	vm4 =	vgt.f32 v9, v6;
	[tilespmem:s10+$0x0] =	vst v14  }
0x373: {  	vm5 =	vgt.f32 v9, v4;
	vm6 =	vgt.f32 v10, v6;
	vm7 =	vgt.f32 v10, v4;
	[tilespmem:s7+$0xFFFFFFD0] =	vst v16  }
0x374: {  	v14 =	vsel vm0, v2, v3;
	vm8 =	vgt.f32 v11, v6;
	vm9 =	vgt.f32 v11, v4;
	[tilespmem:s7+$0xFFFFFFE0] =	vst v17  }
.Ltmp19:
0x375: {  	v15 =	vsel vm1, v1, v0;
	vm1 =	vgt.f32 v12, v6;
	vm0 =	vgt.f32 v12, v4;
	[tilespmem:s7+$0xFFFFFFF0] =	vst v18;
	s7 =	smov.u32 s10;
	(pc) =	sbr.rel @p1 .LBB2_41-.Ltmp19, $4  }
0x376: {  	v16 =	vsel vm2, v2, v3;
	vm10 =	vgt.f32 v13, v6;
	vm11 =	vgt.f32 v13, v4  }
0x377: {  	v21 =	vsel vm3, v1, v0;
	v24 =	vsel vm10, v2, v3;
	v25 =	vsel vm11, v1, v0  }
0x378: {  	v19 =	vsel vm5, v1, v0;
	v17 =	vsel vm6, v2, v3;
	v18 =	vsel vm4, v2, v3  }
0x379: {  	v23 =	vsel vm7, v1, v0;
	v20 =	vsel vm8, v2, v3;
	v22 =	vsel vm9, v1, v0;
	s10 =	sadd.s32 $0x400, s10  }
0x37a: {  	vm2 =	vgt.f32 v13, v5  }
0x37b: {  	vm3 =	vgt.f32 v7, v5;
	v7 =	vsel vm2, v24, v25  }
0x37c: {  	vm2 =	vgt.f32 v8, v5;
	v8 =	vsel vm3, v14, v15;
	[tilespmem:s7+$0xFFFFFF90] =	vst v7  }
0x37d: {  	vm3 =	vgt.f32 v9, v5;
	v7 =	vsel vm2, v16, v21;
	[tilespmem:s7+$0xFFFFFFA0] =	vst v8  }
0x37e: {  	vm2 =	vgt.f32 v10, v5;
	v8 =	vsel vm3, v18, v19;
	[tilespmem:s7+$0xFFFFFFB0] =	vst v7  }
0x37f: {  	v7 =	vsel vm1, v2, v3;
	vm1 =	vgt.f32 v11, v5;
	v9 =	vsel vm2, v17, v23;
	[tilespmem:s7+$0xFFFFFFC0] =	vst v8  }
0x380: {  	v8 =	vsel vm0, v1, v0;
	vm0 =	vgt.f32 v12, v5;
	v10 =	vsel vm1, v20, v22;
	[tilespmem:s7+$0xFFFFFFD0] =	vst v9  }
0x381: {  	v7 =	vsel vm0, v7, v8;
	[tilespmem:s7+$0xFFFFFFE0] =	vst v10  }
0x382: {  	[tilespmem:s7+$0xFFFFFFF0] =	vst v7  }
0x383: {  	v13 =	vld [tilespmem:s8+$0x0]  }
0x384: {  	v8 =	vld [tilespmem:s8+$0xFFFFFFB0]  }
0x385: {  	v9 =	vld [tilespmem:s8+$0xFFFFFFC0]  }
0x386: {  	v10 =	vld [tilespmem:s8+$0xFFFFFFD0]  }
0x387: {  	v11 =	vld [tilespmem:s8+$0xFFFFFFE0]  }
0x388: {  	v7 =	vld [tilespmem:s8+$0xFFFFFFA0]  }
0x389: {  	vm0 =	vgt.f32 v13, v6;
	vm1 =	vgt.f32 v13, v4  }
0x38a: {  	vm2 =	vgt.f32 v13, v5;
	vm3 =	vgt.f32 v8, v4;
	vm4 =	vgt.f32 v9, v6  }
0x38b: {  	vm5 =	vgt.f32 v9, v4;
	vm6 =	vgt.f32 v10, v6;
	vm7 =	vgt.f32 v10, v4  }
0x38c: {  	v12 =	vld [tilespmem:s8+$0xFFFFFFF0];
	vm8 =	vgt.f32 v11, v6;
	vm9 =	vgt.f32 v11, v4;
	v14 =	vsel vm0, v2, v3  }
0x38d: {  	v13 =	vld [tilespmem:s8+$0xFFFFFF90];
	v15 =	vsel vm1, v1, v0;
	vm0 =	vgt.f32 v7, v6;
	vm1 =	vgt.f32 v7, v4  }
0x38e: {  	v21 =	vsel vm3, v1, v0;
	v18 =	vsel vm4, v2, v3;
	v19 =	vsel vm5, v1, v0  }
0x38f: {  	v17 =	vsel vm6, v2, v3;
	v23 =	vsel vm7, v1, v0;
	v22 =	vsel vm9, v1, v0  }
0x390: {  	v20 =	vsel vm2, v14, v15;
	vm2 =	vgt.f32 v8, v6;
	v14 =	vsel vm0, v2, v3  }
0x391: {  	v15 =	vsel vm1, v1, v0;
	vm1 =	vgt.f32 v12, v6;
	vm0 =	vgt.f32 v12, v4  }
0x392: {  	v16 =	vsel vm2, v2, v3;
	vm10 =	vgt.f32 v13, v6;
	vm11 =	vgt.f32 v13, v4  }
0x393: {  	s9 =	simm.s32 $0x0;
	s10 =	simm.s32 $0x8870;
	s7 =	simm.s32 $0x84F0;
	[tilespmem:s8+$0x0] =	vst v20;
	v20 =	vsel vm8, v2, v3;
	v24 =	vsel vm10, v2, v3;
	v25 =	vsel vm11, v1, v0  }
.LBB2_43:
0x394: {  	v26 =	vld [tilespmem:s10+$0x0];
	s9 =	sadd.s32 $0x80, s9;
	vm2 =	vgt.f32 v13, v5;
	v13 =	vsel vm1, v2, v3;
	v27 =	vsel vm0, v1, v0  }
0x395: {  	vm0 =	vgt.f32 v7, v5;
	vm1 =	vgt.f32 v8, v5;
	vm3 =	vgt.f32 v9, v5;
	p1 =	slt.u32 s9, $0x780;
	v7 =	vld [tilespmem:s10+$0xFFFFFFA0]  }
0x396: {  	vm4 =	vgt.f32 v10, v5;
	vm5 =	vgt.f32 v11, v5;
	vm6 =	vgt.f32 v12, v5;
	v8 =	vld [tilespmem:s10+$0xFFFFFFB0]  }
0x397: {  	v11 =	vsel vm2, v24, v25;
	v12 =	vsel vm0, v14, v15;
	v14 =	vsel vm1, v16, v21;
	v9 =	vld [tilespmem:s10+$0xFFFFFFC0]  }
0x398: {  	v15 =	vsel vm3, v18, v19;
	v16 =	vsel vm4, v17, v23;
	v17 =	vsel vm5, v20, v22;
	v10 =	vld [tilespmem:s10+$0xFFFFFFD0];
	[tilespmem:s8+$0xFFFFFF90] =	vst v11  }
0x399: {  	v18 =	vsel vm6, v13, v27;
	v11 =	vld [tilespmem:s10+$0xFFFFFFE0];
	vm0 =	vgt.f32 v26, v6;
	vm1 =	vgt.f32 v26, v4;
	[tilespmem:s8+$0xFFFFFFA0] =	vst v12  }
0x39a: {  	vm2 =	vgt.f32 v26, v5;
	v12 =	vld [tilespmem:s10+$0xFFFFFFF0];
	v19 =	vsel vm0, v2, v3;
	v20 =	vsel vm1, v1, v0;
	[tilespmem:s8+$0xFFFFFFB0] =	vst v14  }
0x39b: {  	vm0 =	vgt.f32 v7, v6;
	vm1 =	vgt.f32 v7, v4;
	v13 =	vld [tilespmem:s10+$0xFFFFFF90];
	v14 =	vsel vm2, v19, v20;
	[tilespmem:s8+$0xFFFFFFC0] =	vst v15  }
0x39c: {  	vm2 =	vgt.f32 v8, v6;
	vm3 =	vgt.f32 v8, v4;
	vm4 =	vgt.f32 v9, v6;
	[tilespmem:s10+$0x0] =	vst v14  }
0x39d: {  	vm5 =	vgt.f32 v9, v4;
	vm6 =	vgt.f32 v10, v6;
	vm7 =	vgt.f32 v10, v4;
	[tilespmem:s8+$0xFFFFFFD0] =	vst v16  }
0x39e: {  	v14 =	vsel vm0, v2, v3;
	vm8 =	vgt.f32 v11, v6;
	vm9 =	vgt.f32 v11, v4;
	[tilespmem:s8+$0xFFFFFFE0] =	vst v17  }
.Ltmp20:
0x39f: {  	v15 =	vsel vm1, v1, v0;
	vm1 =	vgt.f32 v12, v6;
	vm0 =	vgt.f32 v12, v4;
	[tilespmem:s8+$0xFFFFFFF0] =	vst v18;
	s8 =	smov.u32 s10;
	(pc) =	sbr.rel @p1 .LBB2_43-.Ltmp20, $4  }
0x3a0: {  	v16 =	vsel vm2, v2, v3;
	vm10 =	vgt.f32 v13, v6;
	vm11 =	vgt.f32 v13, v4  }
0x3a1: {  	v21 =	vsel vm3, v1, v0;
	v24 =	vsel vm10, v2, v3;
	v25 =	vsel vm11, v1, v0  }
0x3a2: {  	v19 =	vsel vm5, v1, v0;
	v17 =	vsel vm6, v2, v3;
	v18 =	vsel vm4, v2, v3  }
0x3a3: {  	v23 =	vsel vm7, v1, v0;
	v20 =	vsel vm8, v2, v3;
	v22 =	vsel vm9, v1, v0;
	s10 =	sadd.s32 $0x400, s10  }
0x3a4: {  	vm2 =	vgt.f32 v13, v5  }
0x3a5: {  	vm3 =	vgt.f32 v7, v5;
	v7 =	vsel vm2, v24, v25  }
0x3a6: {  	vm2 =	vgt.f32 v8, v5;
	v8 =	vsel vm3, v14, v15;
	[tilespmem:s8+$0xFFFFFF90] =	vst v7  }
0x3a7: {  	vm3 =	vgt.f32 v9, v5;
	v7 =	vsel vm2, v16, v21;
	[tilespmem:s8+$0xFFFFFFA0] =	vst v8  }
0x3a8: {  	vm2 =	vgt.f32 v10, v5;
	v8 =	vsel vm3, v18, v19;
	[tilespmem:s8+$0xFFFFFFB0] =	vst v7  }
0x3a9: {  	v7 =	vsel vm1, v2, v3;
	vm1 =	vgt.f32 v11, v5;
	v9 =	vsel vm2, v17, v23;
	[tilespmem:s8+$0xFFFFFFC0] =	vst v8  }
0x3aa: {  	v8 =	vsel vm0, v1, v0;
	vm0 =	vgt.f32 v12, v5;
	v10 =	vsel vm1, v20, v22;
	[tilespmem:s8+$0xFFFFFFD0] =	vst v9  }
0x3ab: {  	v7 =	vsel vm0, v7, v8;
	[tilespmem:s8+$0xFFFFFFE0] =	vst v10  }
0x3ac: {  	[tilespmem:s8+$0xFFFFFFF0] =	vst v7  }
0x3ad: {  	v13 =	vld [tilespmem:s7+$0x0]  }
0x3ae: {  	v8 =	vld [tilespmem:s7+$0xFFFFFFB0]  }
0x3af: {  	v9 =	vld [tilespmem:s7+$0xFFFFFFC0]  }
0x3b0: {  	v10 =	vld [tilespmem:s7+$0xFFFFFFD0]  }
0x3b1: {  	v11 =	vld [tilespmem:s7+$0xFFFFFFE0]  }
0x3b2: {  	v7 =	vld [tilespmem:s7+$0xFFFFFFA0]  }
0x3b3: {  	vm0 =	vgt.f32 v13, v6;
	vm1 =	vgt.f32 v13, v4  }
0x3b4: {  	vm2 =	vgt.f32 v13, v5;
	vm3 =	vgt.f32 v8, v4;
	vm4 =	vgt.f32 v9, v6  }
0x3b5: {  	vm5 =	vgt.f32 v9, v4;
	vm6 =	vgt.f32 v10, v6;
	vm7 =	vgt.f32 v10, v4  }
0x3b6: {  	v12 =	vld [tilespmem:s7+$0xFFFFFFF0];
	vm8 =	vgt.f32 v11, v6;
	vm9 =	vgt.f32 v11, v4;
	v14 =	vsel vm0, v2, v3  }
0x3b7: {  	v13 =	vld [tilespmem:s7+$0xFFFFFF90];
	v15 =	vsel vm1, v1, v0;
	vm0 =	vgt.f32 v7, v6;
	vm1 =	vgt.f32 v7, v4  }
0x3b8: {  	v21 =	vsel vm3, v1, v0;
	v18 =	vsel vm4, v2, v3;
	v19 =	vsel vm5, v1, v0  }
0x3b9: {  	v17 =	vsel vm6, v2, v3;
	v23 =	vsel vm7, v1, v0;
	v22 =	vsel vm9, v1, v0  }
0x3ba: {  	v20 =	vsel vm2, v14, v15;
	vm2 =	vgt.f32 v8, v6;
	v14 =	vsel vm0, v2, v3  }
0x3bb: {  	v15 =	vsel vm1, v1, v0;
	vm1 =	vgt.f32 v12, v6;
	vm0 =	vgt.f32 v12, v4  }
0x3bc: {  	v16 =	vsel vm2, v2, v3;
	vm10 =	vgt.f32 v13, v6;
	vm11 =	vgt.f32 v13, v4  }
0x3bd: {  	s9 =	simm.s32 $0x0;
	s10 =	simm.s32 $0x88F0;
	s8 =	simm.s32 $0x8570;
	[tilespmem:s7+$0x0] =	vst v20;
	v20 =	vsel vm8, v2, v3;
	v24 =	vsel vm10, v2, v3;
	v25 =	vsel vm11, v1, v0  }
.LBB2_45:
0x3be: {  	v26 =	vld [tilespmem:s10+$0x0];
	s9 =	sadd.s32 $0x80, s9;
	vm2 =	vgt.f32 v13, v5;
	v13 =	vsel vm1, v2, v3;
	v27 =	vsel vm0, v1, v0  }
0x3bf: {  	vm0 =	vgt.f32 v7, v5;
	vm1 =	vgt.f32 v8, v5;
	vm3 =	vgt.f32 v9, v5;
	p1 =	slt.u32 s9, $0x780;
	v7 =	vld [tilespmem:s10+$0xFFFFFFA0]  }
0x3c0: {  	vm4 =	vgt.f32 v10, v5;
	vm5 =	vgt.f32 v11, v5;
	vm6 =	vgt.f32 v12, v5;
	v8 =	vld [tilespmem:s10+$0xFFFFFFB0]  }
0x3c1: {  	v11 =	vsel vm2, v24, v25;
	v12 =	vsel vm0, v14, v15;
	v14 =	vsel vm1, v16, v21;
	v9 =	vld [tilespmem:s10+$0xFFFFFFC0]  }
0x3c2: {  	v15 =	vsel vm3, v18, v19;
	v16 =	vsel vm4, v17, v23;
	v17 =	vsel vm5, v20, v22;
	v10 =	vld [tilespmem:s10+$0xFFFFFFD0];
	[tilespmem:s7+$0xFFFFFF90] =	vst v11  }
0x3c3: {  	v18 =	vsel vm6, v13, v27;
	v11 =	vld [tilespmem:s10+$0xFFFFFFE0];
	vm0 =	vgt.f32 v26, v6;
	vm1 =	vgt.f32 v26, v4;
	[tilespmem:s7+$0xFFFFFFA0] =	vst v12  }
0x3c4: {  	vm2 =	vgt.f32 v26, v5;
	v12 =	vld [tilespmem:s10+$0xFFFFFFF0];
	v19 =	vsel vm0, v2, v3;
	v20 =	vsel vm1, v1, v0;
	[tilespmem:s7+$0xFFFFFFB0] =	vst v14  }
0x3c5: {  	vm0 =	vgt.f32 v7, v6;
	vm1 =	vgt.f32 v7, v4;
	v13 =	vld [tilespmem:s10+$0xFFFFFF90];
	v14 =	vsel vm2, v19, v20;
	[tilespmem:s7+$0xFFFFFFC0] =	vst v15  }
0x3c6: {  	vm2 =	vgt.f32 v8, v6;
	vm3 =	vgt.f32 v8, v4;
	vm4 =	vgt.f32 v9, v6;
	[tilespmem:s10+$0x0] =	vst v14  }
0x3c7: {  	vm5 =	vgt.f32 v9, v4;
	vm6 =	vgt.f32 v10, v6;
	vm7 =	vgt.f32 v10, v4;
	[tilespmem:s7+$0xFFFFFFD0] =	vst v16  }
0x3c8: {  	v14 =	vsel vm0, v2, v3;
	vm8 =	vgt.f32 v11, v6;
	vm9 =	vgt.f32 v11, v4;
	[tilespmem:s7+$0xFFFFFFE0] =	vst v17  }
.Ltmp21:
0x3c9: {  	v15 =	vsel vm1, v1, v0;
	vm1 =	vgt.f32 v12, v6;
	vm0 =	vgt.f32 v12, v4;
	[tilespmem:s7+$0xFFFFFFF0] =	vst v18;
	s7 =	smov.u32 s10;
	(pc) =	sbr.rel @p1 .LBB2_45-.Ltmp21, $4  }
0x3ca: {  	v16 =	vsel vm2, v2, v3;
	vm10 =	vgt.f32 v13, v6;
	vm11 =	vgt.f32 v13, v4  }
0x3cb: {  	v21 =	vsel vm3, v1, v0;
	v24 =	vsel vm10, v2, v3;
	v25 =	vsel vm11, v1, v0  }
0x3cc: {  	v19 =	vsel vm5, v1, v0;
	v17 =	vsel vm6, v2, v3;
	v18 =	vsel vm4, v2, v3  }
0x3cd: {  	v23 =	vsel vm7, v1, v0;
	v20 =	vsel vm8, v2, v3;
	v22 =	vsel vm9, v1, v0;
	s10 =	sadd.s32 $0x400, s10  }
0x3ce: {  	vm2 =	vgt.f32 v13, v5  }
0x3cf: {  	vm3 =	vgt.f32 v7, v5;
	v7 =	vsel vm2, v24, v25  }
0x3d0: {  	vm2 =	vgt.f32 v8, v5;
	v8 =	vsel vm3, v14, v15;
	[tilespmem:s7+$0xFFFFFF90] =	vst v7  }
0x3d1: {  	vm3 =	vgt.f32 v9, v5;
	v7 =	vsel vm2, v16, v21;
	[tilespmem:s7+$0xFFFFFFA0] =	vst v8  }
0x3d2: {  	vm2 =	vgt.f32 v10, v5;
	v8 =	vsel vm3, v18, v19;
	[tilespmem:s7+$0xFFFFFFB0] =	vst v7  }
0x3d3: {  	v7 =	vsel vm1, v2, v3;
	vm1 =	vgt.f32 v11, v5;
	v9 =	vsel vm2, v17, v23;
	[tilespmem:s7+$0xFFFFFFC0] =	vst v8  }
0x3d4: {  	v8 =	vsel vm0, v1, v0;
	vm0 =	vgt.f32 v12, v5;
	v10 =	vsel vm1, v20, v22;
	[tilespmem:s7+$0xFFFFFFD0] =	vst v9  }
0x3d5: {  	v7 =	vsel vm0, v7, v8;
	[tilespmem:s7+$0xFFFFFFE0] =	vst v10  }
0x3d6: {  	[tilespmem:s7+$0xFFFFFFF0] =	vst v7  }
0x3d7: {  	v13 =	vld [tilespmem:s8+$0x0]  }
0x3d8: {  	v8 =	vld [tilespmem:s8+$0xFFFFFFB0]  }
0x3d9: {  	v9 =	vld [tilespmem:s8+$0xFFFFFFC0]  }
0x3da: {  	v10 =	vld [tilespmem:s8+$0xFFFFFFD0]  }
0x3db: {  	v11 =	vld [tilespmem:s8+$0xFFFFFFE0]  }
0x3dc: {  	v7 =	vld [tilespmem:s8+$0xFFFFFFA0]  }
0x3dd: {  	vm0 =	vgt.f32 v13, v6;
	vm1 =	vgt.f32 v13, v4  }
0x3de: {  	vm2 =	vgt.f32 v13, v5;
	vm3 =	vgt.f32 v8, v4;
	vm4 =	vgt.f32 v9, v6  }
0x3df: {  	vm5 =	vgt.f32 v9, v4;
	vm6 =	vgt.f32 v10, v6;
	vm7 =	vgt.f32 v10, v4  }
0x3e0: {  	v12 =	vld [tilespmem:s8+$0xFFFFFFF0];
	vm8 =	vgt.f32 v11, v6;
	vm9 =	vgt.f32 v11, v4;
	v14 =	vsel vm0, v2, v3  }
0x3e1: {  	v13 =	vld [tilespmem:s8+$0xFFFFFF90];
	v15 =	vsel vm1, v1, v0;
	vm0 =	vgt.f32 v7, v6;
	vm1 =	vgt.f32 v7, v4  }
0x3e2: {  	v21 =	vsel vm3, v1, v0;
	v18 =	vsel vm4, v2, v3;
	v19 =	vsel vm5, v1, v0  }
0x3e3: {  	v17 =	vsel vm6, v2, v3;
	v23 =	vsel vm7, v1, v0;
	v22 =	vsel vm9, v1, v0  }
0x3e4: {  	v20 =	vsel vm2, v14, v15;
	vm2 =	vgt.f32 v8, v6;
	v14 =	vsel vm0, v2, v3  }
0x3e5: {  	v15 =	vsel vm1, v1, v0;
	vm1 =	vgt.f32 v12, v6;
	vm0 =	vgt.f32 v12, v4  }
0x3e6: {  	v16 =	vsel vm2, v2, v3;
	vm10 =	vgt.f32 v13, v6;
	vm11 =	vgt.f32 v13, v4  }
0x3e7: {  	s9 =	simm.s32 $0x0;
	s10 =	simm.s32 $0x8970;
	s7 =	simm.s32 $0x85F0;
	[tilespmem:s8+$0x0] =	vst v20;
	v20 =	vsel vm8, v2, v3;
	v24 =	vsel vm10, v2, v3;
	v25 =	vsel vm11, v1, v0  }
.LBB2_47:
0x3e8: {  	v26 =	vld [tilespmem:s10+$0x0];
	s9 =	sadd.s32 $0x80, s9;
	vm2 =	vgt.f32 v13, v5;
	v13 =	vsel vm1, v2, v3;
	v27 =	vsel vm0, v1, v0  }
0x3e9: {  	vm0 =	vgt.f32 v7, v5;
	vm1 =	vgt.f32 v8, v5;
	vm3 =	vgt.f32 v9, v5;
	p1 =	slt.u32 s9, $0x780;
	v7 =	vld [tilespmem:s10+$0xFFFFFFA0]  }
0x3ea: {  	vm4 =	vgt.f32 v10, v5;
	vm5 =	vgt.f32 v11, v5;
	vm6 =	vgt.f32 v12, v5;
	v8 =	vld [tilespmem:s10+$0xFFFFFFB0]  }
0x3eb: {  	v11 =	vsel vm2, v24, v25;
	v12 =	vsel vm0, v14, v15;
	v14 =	vsel vm1, v16, v21;
	v9 =	vld [tilespmem:s10+$0xFFFFFFC0]  }
0x3ec: {  	v15 =	vsel vm3, v18, v19;
	v16 =	vsel vm4, v17, v23;
	v17 =	vsel vm5, v20, v22;
	v10 =	vld [tilespmem:s10+$0xFFFFFFD0];
	[tilespmem:s8+$0xFFFFFF90] =	vst v11  }
0x3ed: {  	v18 =	vsel vm6, v13, v27;
	v11 =	vld [tilespmem:s10+$0xFFFFFFE0];
	vm0 =	vgt.f32 v26, v6;
	vm1 =	vgt.f32 v26, v4;
	[tilespmem:s8+$0xFFFFFFA0] =	vst v12  }
0x3ee: {  	vm2 =	vgt.f32 v26, v5;
	v12 =	vld [tilespmem:s10+$0xFFFFFFF0];
	v19 =	vsel vm0, v2, v3;
	v20 =	vsel vm1, v1, v0;
	[tilespmem:s8+$0xFFFFFFB0] =	vst v14  }
0x3ef: {  	vm0 =	vgt.f32 v7, v6;
	vm1 =	vgt.f32 v7, v4;
	v13 =	vld [tilespmem:s10+$0xFFFFFF90];
	v14 =	vsel vm2, v19, v20;
	[tilespmem:s8+$0xFFFFFFC0] =	vst v15  }
0x3f0: {  	vm2 =	vgt.f32 v8, v6;
	vm3 =	vgt.f32 v8, v4;
	vm4 =	vgt.f32 v9, v6;
	[tilespmem:s10+$0x0] =	vst v14  }
0x3f1: {  	vm5 =	vgt.f32 v9, v4;
	vm6 =	vgt.f32 v10, v6;
	vm7 =	vgt.f32 v10, v4;
	[tilespmem:s8+$0xFFFFFFD0] =	vst v16  }
0x3f2: {  	v14 =	vsel vm0, v2, v3;
	vm8 =	vgt.f32 v11, v6;
	vm9 =	vgt.f32 v11, v4;
	[tilespmem:s8+$0xFFFFFFE0] =	vst v17  }
.Ltmp22:
0x3f3: {  	v15 =	vsel vm1, v1, v0;
	vm1 =	vgt.f32 v12, v6;
	vm0 =	vgt.f32 v12, v4;
	[tilespmem:s8+$0xFFFFFFF0] =	vst v18;
	s8 =	smov.u32 s10;
	(pc) =	sbr.rel @p1 .LBB2_47-.Ltmp22, $4  }
0x3f4: {  	v16 =	vsel vm2, v2, v3;
	vm10 =	vgt.f32 v13, v6;
	vm11 =	vgt.f32 v13, v4  }
0x3f5: {  	v21 =	vsel vm3, v1, v0;
	v24 =	vsel vm10, v2, v3;
	v25 =	vsel vm11, v1, v0  }
0x3f6: {  	v19 =	vsel vm5, v1, v0;
	v17 =	vsel vm6, v2, v3;
	v18 =	vsel vm4, v2, v3  }
0x3f7: {  	v23 =	vsel vm7, v1, v0;
	v20 =	vsel vm8, v2, v3;
	v22 =	vsel vm9, v1, v0;
	s10 =	sadd.s32 $0x400, s10  }
0x3f8: {  	vm2 =	vgt.f32 v13, v5  }
0x3f9: {  	vm3 =	vgt.f32 v7, v5;
	v7 =	vsel vm2, v24, v25  }
0x3fa: {  	vm2 =	vgt.f32 v8, v5;
	v8 =	vsel vm3, v14, v15;
	[tilespmem:s8+$0xFFFFFF90] =	vst v7  }
0x3fb: {  	vm3 =	vgt.f32 v9, v5;
	v7 =	vsel vm2, v16, v21;
	[tilespmem:s8+$0xFFFFFFA0] =	vst v8  }
0x3fc: {  	vm2 =	vgt.f32 v10, v5;
	v8 =	vsel vm3, v18, v19;
	[tilespmem:s8+$0xFFFFFFB0] =	vst v7  }
0x3fd: {  	v7 =	vsel vm1, v2, v3;
	vm1 =	vgt.f32 v11, v5;
	v9 =	vsel vm2, v17, v23;
	[tilespmem:s8+$0xFFFFFFC0] =	vst v8  }
0x3fe: {  	v8 =	vsel vm0, v1, v0;
	vm0 =	vgt.f32 v12, v5;
	v10 =	vsel vm1, v20, v22;
	[tilespmem:s8+$0xFFFFFFD0] =	vst v9  }
0x3ff: {  	v7 =	vsel vm0, v7, v8;
	[tilespmem:s8+$0xFFFFFFE0] =	vst v10  }
0x400: {  	[tilespmem:s8+$0xFFFFFFF0] =	vst v7  }
0x401: {  	v13 =	vld [tilespmem:s7+$0x0]  }
0x402: {  	v8 =	vld [tilespmem:s7+$0xFFFFFFB0]  }
0x403: {  	v9 =	vld [tilespmem:s7+$0xFFFFFFC0]  }
0x404: {  	v10 =	vld [tilespmem:s7+$0xFFFFFFD0]  }
0x405: {  	v11 =	vld [tilespmem:s7+$0xFFFFFFE0]  }
0x406: {  	v7 =	vld [tilespmem:s7+$0xFFFFFFA0]  }
0x407: {  	vm0 =	vgt.f32 v13, v6;
	vm1 =	vgt.f32 v13, v4  }
0x408: {  	vm2 =	vgt.f32 v13, v5;
	vm3 =	vgt.f32 v8, v4;
	vm4 =	vgt.f32 v9, v6  }
0x409: {  	vm5 =	vgt.f32 v9, v4;
	vm6 =	vgt.f32 v10, v6;
	vm7 =	vgt.f32 v10, v4  }
0x40a: {  	v12 =	vld [tilespmem:s7+$0xFFFFFFF0];
	vm8 =	vgt.f32 v11, v6;
	vm9 =	vgt.f32 v11, v4;
	v14 =	vsel vm0, v2, v3  }
0x40b: {  	v13 =	vld [tilespmem:s7+$0xFFFFFF90];
	v15 =	vsel vm1, v1, v0;
	vm0 =	vgt.f32 v7, v6;
	vm1 =	vgt.f32 v7, v4  }
0x40c: {  	v22 =	vsel vm3, v1, v0;
	v18 =	vsel vm4, v2, v3;
	v20 =	vsel vm5, v1, v0  }
0x40d: {  	v17 =	vsel vm6, v2, v3;
	v23 =	vsel vm7, v1, v0;
	v21 =	vsel vm9, v1, v0  }
0x40e: {  	v19 =	vsel vm2, v14, v15;
	vm2 =	vgt.f32 v8, v6;
	v14 =	vsel vm0, v2, v3  }
0x40f: {  	v15 =	vsel vm1, v1, v0;
	vm1 =	vgt.f32 v12, v6;
	vm0 =	vgt.f32 v12, v4  }
0x410: {  	v16 =	vsel vm2, v2, v3;
	vm10 =	vgt.f32 v13, v6;
	vm11 =	vgt.f32 v13, v4  }
0x411: {  	s9 =	simm.s32 $0x89F0;
	s8 =	simm.s32 $0x0;
	[tilespmem:s7+$0x0] =	vst v19;
	v19 =	vsel vm8, v2, v3;
	v24 =	vsel vm10, v2, v3;
	v25 =	vsel vm11, v1, v0  }
.LBB2_49:
0x412: {  	v26 =	vld [tilespmem:s9+$0x0];
	s8 =	sadd.s32 $0x80, s8;
	vm2 =	vgt.f32 v13, v5;
	v13 =	vsel vm1, v2, v3;
	v27 =	vsel vm0, v1, v0  }
0x413: {  	vm0 =	vgt.f32 v7, v5;
	vm1 =	vgt.f32 v8, v5;
	vm3 =	vgt.f32 v9, v5;
	p1 =	slt.u32 s8, $0x780;
	v7 =	vld [tilespmem:s9+$0xFFFFFFA0]  }
0x414: {  	vm4 =	vgt.f32 v10, v5;
	vm5 =	vgt.f32 v11, v5;
	vm6 =	vgt.f32 v12, v5;
	v8 =	vld [tilespmem:s9+$0xFFFFFFB0]  }
0x415: {  	v11 =	vsel vm2, v24, v25;
	v12 =	vsel vm0, v14, v15;
	v14 =	vsel vm1, v16, v22;
	v9 =	vld [tilespmem:s9+$0xFFFFFFC0]  }
0x416: {  	v15 =	vsel vm3, v18, v20;
	v16 =	vsel vm4, v17, v23;
	v17 =	vsel vm5, v19, v21;
	v10 =	vld [tilespmem:s9+$0xFFFFFFD0];
	[tilespmem:s7+$0xFFFFFF90] =	vst v11  }
0x417: {  	v18 =	vsel vm6, v13, v27;
	v11 =	vld [tilespmem:s9+$0xFFFFFFE0];
	vm0 =	vgt.f32 v26, v6;
	vm1 =	vgt.f32 v26, v4;
	[tilespmem:s7+$0xFFFFFFA0] =	vst v12  }
0x418: {  	vm2 =	vgt.f32 v26, v5;
	v12 =	vld [tilespmem:s9+$0xFFFFFFF0];
	v19 =	vsel vm0, v2, v3;
	v20 =	vsel vm1, v1, v0;
	[tilespmem:s7+$0xFFFFFFB0] =	vst v14  }
0x419: {  	vm0 =	vgt.f32 v7, v6;
	vm1 =	vgt.f32 v7, v4;
	v13 =	vld [tilespmem:s9+$0xFFFFFF90];
	v14 =	vsel vm2, v19, v20;
	[tilespmem:s7+$0xFFFFFFC0] =	vst v15  }
0x41a: {  	vm2 =	vgt.f32 v8, v6;
	vm3 =	vgt.f32 v8, v4;
	vm4 =	vgt.f32 v9, v6;
	[tilespmem:s9+$0x0] =	vst v14  }
0x41b: {  	vm5 =	vgt.f32 v9, v4;
	vm6 =	vgt.f32 v10, v6;
	vm7 =	vgt.f32 v10, v4;
	[tilespmem:s7+$0xFFFFFFD0] =	vst v16  }
0x41c: {  	v14 =	vsel vm0, v2, v3;
	vm8 =	vgt.f32 v11, v6;
	vm9 =	vgt.f32 v11, v4;
	[tilespmem:s7+$0xFFFFFFE0] =	vst v17  }
.Ltmp23:
0x41d: {  	v15 =	vsel vm1, v1, v0;
	vm1 =	vgt.f32 v12, v6;
	vm0 =	vgt.f32 v12, v4;
	[tilespmem:s7+$0xFFFFFFF0] =	vst v18;
	s7 =	smov.u32 s9;
	(pc) =	sbr.rel @p1 .LBB2_49-.Ltmp23, $4  }
0x41e: {  	v16 =	vsel vm2, v2, v3;
	vm10 =	vgt.f32 v13, v6;
	vm11 =	vgt.f32 v13, v4  }
0x41f: {  	v22 =	vsel vm3, v1, v0;
	v24 =	vsel vm10, v2, v3;
	v25 =	vsel vm11, v1, v0  }
0x420: {  	v20 =	vsel vm5, v1, v0;
	v17 =	vsel vm6, v2, v3;
	v18 =	vsel vm4, v2, v3  }
0x421: {  	v23 =	vsel vm7, v1, v0;
	v19 =	vsel vm8, v2, v3;
	v21 =	vsel vm9, v1, v0;
	s9 =	sadd.s32 $0x400, s9  }
0x422: {  	vm2 =	vgt.f32 v13, v5  }
0x423: {  	vm3 =	vgt.f32 v7, v5;
	v7 =	vsel vm2, v24, v25  }
0x424: {  	vm2 =	vgt.f32 v8, v5;
	v8 =	vsel vm3, v14, v15;
	[tilespmem:s7+$0xFFFFFF90] =	vst v7  }
0x425: {  	vm3 =	vgt.f32 v9, v5;
	v7 =	vsel vm2, v16, v22;
	[tilespmem:s7+$0xFFFFFFA0] =	vst v8  }
0x426: {  	vm2 =	vgt.f32 v10, v5;
	v8 =	vsel vm3, v18, v20;
	[tilespmem:s7+$0xFFFFFFB0] =	vst v7  }
0x427: {  	v7 =	vsel vm1, v2, v3;
	vm1 =	vgt.f32 v11, v5;
	v9 =	vsel vm2, v17, v23;
	[tilespmem:s7+$0xFFFFFFC0] =	vst v8  }
0x428: {  	v8 =	vsel vm0, v1, v0;
	vm0 =	vgt.f32 v12, v5;
	v10 =	vsel vm1, v19, v21;
	[tilespmem:s7+$0xFFFFFFD0] =	vst v9  }
0x429: {  	v7 =	vsel vm0, v7, v8;
	[tilespmem:s7+$0xFFFFFFE0] =	vst v10  }
0x42a: {  	s10 =	sadd.s32 $0x1000, s0;
	[tilespmem:s7+$0xFFFFFFF0] =	vst v7  }
0x42b: {  	[hbm4b:s10+s4] =	stream.linear.scatter [tilespmem:s19], [sflag:$0x7], $0x4000, $0x38;
	[tilespmem:$0x10200] =	vst v63  }
0x42c: {  	s1 =	sadd.s32 @!p0 s1, s14;
	_ =	swait.ge [sflag:s25], $0x4000  }
0x42d: {  	s8 =	simm.s32 @!p0 $0x4200;
	s1 =	sshll.u32 @!p0 s1, $0xB;
	[sflag:s25] =	ssyncset.done $0x0  }
0x42e: {  	s1 =	sadd.s32 @!p0 s2, s1;
	s7 =	simm.s32 @!p0 $0x0;
	[sflag:s25] =	ssyncadd.s32 $0xFFFFC000  }
0x42f: {  	[tilespmem:s8], [sflag:$0x2] =	stream.linear.gather @!p0 [hbm4b:s1+s7], $0x4000, $0x38;
	[tilespmem:$0x10200] =	vst v63  }
0x430: {  	_ =	swait.ge [sflag:s26], $0x4000  }
0x431: {  	[sflag:s26] =	ssyncset.done $0x0  }
0x432: {  	s7 =	simm.s32 $0xC270;
	[sflag:s26] =	ssyncadd.s32 $0xFFFFC000  }
0x433: {  	v13 =	vld [tilespmem:s7+$0x0]  }
0x434: {  	v8 =	vld [tilespmem:s7+$0xFFFFFFB0]  }
0x435: {  	v9 =	vld [tilespmem:s7+$0xFFFFFFC0]  }
0x436: {  	v10 =	vld [tilespmem:s7+$0xFFFFFFD0]  }
0x437: {  	v11 =	vld [tilespmem:s7+$0xFFFFFFE0]  }
0x438: {  	v7 =	vld [tilespmem:s7+$0xFFFFFFA0]  }
0x439: {  	vm0 =	vgt.f32 v13, v6;
	vm1 =	vgt.f32 v13, v4  }
0x43a: {  	vm2 =	vgt.f32 v13, v5;
	vm3 =	vgt.f32 v8, v4;
	vm4 =	vgt.f32 v9, v6  }
0x43b: {  	vm5 =	vgt.f32 v9, v4;
	vm6 =	vgt.f32 v10, v6;
	vm7 =	vgt.f32 v10, v4  }
0x43c: {  	v12 =	vld [tilespmem:s7+$0xFFFFFFF0];
	vm8 =	vgt.f32 v11, v6;
	vm9 =	vgt.f32 v11, v4;
	v14 =	vsel vm0, v2, v3  }
0x43d: {  	v13 =	vld [tilespmem:s7+$0xFFFFFF90];
	v15 =	vsel vm1, v1, v0;
	vm0 =	vgt.f32 v7, v6;
	vm1 =	vgt.f32 v7, v4  }
0x43e: {  	v21 =	vsel vm3, v1, v0;
	v18 =	vsel vm4, v2, v3;
	v19 =	vsel vm5, v1, v0  }
0x43f: {  	v17 =	vsel vm6, v2, v3;
	v23 =	vsel vm7, v1, v0;
	v22 =	vsel vm9, v1, v0  }
0x440: {  	v20 =	vsel vm2, v14, v15;
	vm2 =	vgt.f32 v8, v6;
	v14 =	vsel vm0, v2, v3  }
0x441: {  	v15 =	vsel vm1, v1, v0;
	vm1 =	vgt.f32 v12, v6;
	vm0 =	vgt.f32 v12, v4  }
0x442: {  	v16 =	vsel vm2, v2, v3;
	vm10 =	vgt.f32 v13, v6;
	vm11 =	vgt.f32 v13, v4  }
0x443: {  	s9 =	simm.s32 $0xC670;
	s8 =	simm.s32 $0x0;
	s1 =	simm.s32 $0xC2F0;
	[tilespmem:s7+$0x0] =	vst v20;
	v20 =	vsel vm8, v2, v3;
	v24 =	vsel vm10, v2, v3;
	v25 =	vsel vm11, v1, v0  }
.LBB2_51:
0x444: {  	v26 =	vld [tilespmem:s9+$0x0];
	s8 =	sadd.s32 $0x80, s8;
	vm2 =	vgt.f32 v13, v5;
	v13 =	vsel vm1, v2, v3;
	v27 =	vsel vm0, v1, v0  }
0x445: {  	vm0 =	vgt.f32 v7, v5;
	vm1 =	vgt.f32 v8, v5;
	vm3 =	vgt.f32 v9, v5;
	p0 =	slt.u32 s8, $0x780;
	v7 =	vld [tilespmem:s9+$0xFFFFFFA0]  }
0x446: {  	vm4 =	vgt.f32 v10, v5;
	vm5 =	vgt.f32 v11, v5;
	vm6 =	vgt.f32 v12, v5;
	v8 =	vld [tilespmem:s9+$0xFFFFFFB0]  }
0x447: {  	v11 =	vsel vm2, v24, v25;
	v12 =	vsel vm0, v14, v15;
	v14 =	vsel vm1, v16, v21;
	v9 =	vld [tilespmem:s9+$0xFFFFFFC0]  }
0x448: {  	v15 =	vsel vm3, v18, v19;
	v16 =	vsel vm4, v17, v23;
	v17 =	vsel vm5, v20, v22;
	v10 =	vld [tilespmem:s9+$0xFFFFFFD0];
	[tilespmem:s7+$0xFFFFFF90] =	vst v11  }
0x449: {  	v18 =	vsel vm6, v13, v27;
	v11 =	vld [tilespmem:s9+$0xFFFFFFE0];
	vm0 =	vgt.f32 v26, v6;
	vm1 =	vgt.f32 v26, v4;
	[tilespmem:s7+$0xFFFFFFA0] =	vst v12  }
0x44a: {  	vm2 =	vgt.f32 v26, v5;
	v12 =	vld [tilespmem:s9+$0xFFFFFFF0];
	v19 =	vsel vm0, v2, v3;
	v20 =	vsel vm1, v1, v0;
	[tilespmem:s7+$0xFFFFFFB0] =	vst v14  }
0x44b: {  	vm0 =	vgt.f32 v7, v6;
	vm1 =	vgt.f32 v7, v4;
	v13 =	vld [tilespmem:s9+$0xFFFFFF90];
	v14 =	vsel vm2, v19, v20;
	[tilespmem:s7+$0xFFFFFFC0] =	vst v15  }
0x44c: {  	vm2 =	vgt.f32 v8, v6;
	vm3 =	vgt.f32 v8, v4;
	vm4 =	vgt.f32 v9, v6;
	[tilespmem:s9+$0x0] =	vst v14  }
0x44d: {  	vm5 =	vgt.f32 v9, v4;
	vm6 =	vgt.f32 v10, v6;
	vm7 =	vgt.f32 v10, v4;
	[tilespmem:s7+$0xFFFFFFD0] =	vst v16  }
0x44e: {  	v14 =	vsel vm0, v2, v3;
	vm8 =	vgt.f32 v11, v6;
	vm9 =	vgt.f32 v11, v4;
	[tilespmem:s7+$0xFFFFFFE0] =	vst v17  }
.Ltmp24:
0x44f: {  	v15 =	vsel vm1, v1, v0;
	vm1 =	vgt.f32 v12, v6;
	vm0 =	vgt.f32 v12, v4;
	[tilespmem:s7+$0xFFFFFFF0] =	vst v18;
	s7 =	smov.u32 s9;
	(pc) =	sbr.rel @p0 .LBB2_51-.Ltmp24, $4  }
0x450: {  	v16 =	vsel vm2, v2, v3;
	vm10 =	vgt.f32 v13, v6;
	vm11 =	vgt.f32 v13, v4  }
0x451: {  	v21 =	vsel vm3, v1, v0;
	v24 =	vsel vm10, v2, v3;
	v25 =	vsel vm11, v1, v0  }
0x452: {  	v19 =	vsel vm5, v1, v0;
	v17 =	vsel vm6, v2, v3;
	v18 =	vsel vm4, v2, v3  }
0x453: {  	v23 =	vsel vm7, v1, v0;
	v20 =	vsel vm8, v2, v3;
	v22 =	vsel vm9, v1, v0;
	s9 =	sadd.s32 $0x400, s9  }
0x454: {  	vm2 =	vgt.f32 v13, v5  }
0x455: {  	vm3 =	vgt.f32 v7, v5;
	v7 =	vsel vm2, v24, v25  }
0x456: {  	vm2 =	vgt.f32 v8, v5;
	v8 =	vsel vm3, v14, v15;
	[tilespmem:s7+$0xFFFFFF90] =	vst v7  }
0x457: {  	vm3 =	vgt.f32 v9, v5;
	v7 =	vsel vm2, v16, v21;
	[tilespmem:s7+$0xFFFFFFA0] =	vst v8  }
0x458: {  	vm2 =	vgt.f32 v10, v5;
	v8 =	vsel vm3, v18, v19;
	[tilespmem:s7+$0xFFFFFFB0] =	vst v7  }
0x459: {  	v7 =	vsel vm1, v2, v3;
	vm1 =	vgt.f32 v11, v5;
	v9 =	vsel vm2, v17, v23;
	[tilespmem:s7+$0xFFFFFFC0] =	vst v8  }
0x45a: {  	v8 =	vsel vm0, v1, v0;
	vm0 =	vgt.f32 v12, v5;
	v10 =	vsel vm1, v20, v22;
	[tilespmem:s7+$0xFFFFFFD0] =	vst v9  }
0x45b: {  	v7 =	vsel vm0, v7, v8;
	[tilespmem:s7+$0xFFFFFFE0] =	vst v10  }
0x45c: {  	[tilespmem:s7+$0xFFFFFFF0] =	vst v7  }
0x45d: {  	v13 =	vld [tilespmem:s1+$0x0]  }
0x45e: {  	v8 =	vld [tilespmem:s1+$0xFFFFFFB0]  }
0x45f: {  	v9 =	vld [tilespmem:s1+$0xFFFFFFC0]  }
0x460: {  	v10 =	vld [tilespmem:s1+$0xFFFFFFD0]  }
0x461: {  	v11 =	vld [tilespmem:s1+$0xFFFFFFE0]  }
0x462: {  	v7 =	vld [tilespmem:s1+$0xFFFFFFA0]  }
0x463: {  	vm0 =	vgt.f32 v13, v6;
	vm1 =	vgt.f32 v13, v4  }
0x464: {  	vm2 =	vgt.f32 v13, v5;
	vm3 =	vgt.f32 v8, v4;
	vm4 =	vgt.f32 v9, v6  }
0x465: {  	vm5 =	vgt.f32 v9, v4;
	vm6 =	vgt.f32 v10, v6;
	vm7 =	vgt.f32 v10, v4  }
0x466: {  	v12 =	vld [tilespmem:s1+$0xFFFFFFF0];
	vm8 =	vgt.f32 v11, v6;
	vm9 =	vgt.f32 v11, v4;
	v14 =	vsel vm0, v2, v3  }
0x467: {  	v13 =	vld [tilespmem:s1+$0xFFFFFF90];
	v15 =	vsel vm1, v1, v0;
	vm0 =	vgt.f32 v7, v6;
	vm1 =	vgt.f32 v7, v4  }
0x468: {  	v21 =	vsel vm3, v1, v0;
	v18 =	vsel vm4, v2, v3;
	v19 =	vsel vm5, v1, v0  }
0x469: {  	v17 =	vsel vm6, v2, v3;
	v23 =	vsel vm7, v1, v0;
	v22 =	vsel vm9, v1, v0  }
0x46a: {  	v20 =	vsel vm2, v14, v15;
	vm2 =	vgt.f32 v8, v6;
	v14 =	vsel vm0, v2, v3  }
0x46b: {  	v15 =	vsel vm1, v1, v0;
	vm1 =	vgt.f32 v12, v6;
	vm0 =	vgt.f32 v12, v4  }
0x46c: {  	v16 =	vsel vm2, v2, v3;
	vm10 =	vgt.f32 v13, v6;
	vm11 =	vgt.f32 v13, v4  }
0x46d: {  	s8 =	simm.s32 $0x0;
	s9 =	simm.s32 $0xC6F0;
	s7 =	simm.s32 $0xC370;
	[tilespmem:s1+$0x0] =	vst v20;
	v20 =	vsel vm8, v2, v3;
	v24 =	vsel vm10, v2, v3;
	v25 =	vsel vm11, v1, v0  }
.LBB2_53:
0x46e: {  	v26 =	vld [tilespmem:s9+$0x0];
	s8 =	sadd.s32 $0x80, s8;
	vm2 =	vgt.f32 v13, v5;
	v13 =	vsel vm1, v2, v3;
	v27 =	vsel vm0, v1, v0  }
0x46f: {  	vm0 =	vgt.f32 v7, v5;
	vm1 =	vgt.f32 v8, v5;
	vm3 =	vgt.f32 v9, v5;
	p0 =	slt.u32 s8, $0x780;
	v7 =	vld [tilespmem:s9+$0xFFFFFFA0]  }
0x470: {  	vm4 =	vgt.f32 v10, v5;
	vm5 =	vgt.f32 v11, v5;
	vm6 =	vgt.f32 v12, v5;
	v8 =	vld [tilespmem:s9+$0xFFFFFFB0]  }
0x471: {  	v11 =	vsel vm2, v24, v25;
	v12 =	vsel vm0, v14, v15;
	v14 =	vsel vm1, v16, v21;
	v9 =	vld [tilespmem:s9+$0xFFFFFFC0]  }
0x472: {  	v15 =	vsel vm3, v18, v19;
	v16 =	vsel vm4, v17, v23;
	v17 =	vsel vm5, v20, v22;
	v10 =	vld [tilespmem:s9+$0xFFFFFFD0];
	[tilespmem:s1+$0xFFFFFF90] =	vst v11  }
0x473: {  	v18 =	vsel vm6, v13, v27;
	v11 =	vld [tilespmem:s9+$0xFFFFFFE0];
	vm0 =	vgt.f32 v26, v6;
	vm1 =	vgt.f32 v26, v4;
	[tilespmem:s1+$0xFFFFFFA0] =	vst v12  }
0x474: {  	vm2 =	vgt.f32 v26, v5;
	v12 =	vld [tilespmem:s9+$0xFFFFFFF0];
	v19 =	vsel vm0, v2, v3;
	v20 =	vsel vm1, v1, v0;
	[tilespmem:s1+$0xFFFFFFB0] =	vst v14  }
0x475: {  	vm0 =	vgt.f32 v7, v6;
	vm1 =	vgt.f32 v7, v4;
	v13 =	vld [tilespmem:s9+$0xFFFFFF90];
	v14 =	vsel vm2, v19, v20;
	[tilespmem:s1+$0xFFFFFFC0] =	vst v15  }
0x476: {  	vm2 =	vgt.f32 v8, v6;
	vm3 =	vgt.f32 v8, v4;
	vm4 =	vgt.f32 v9, v6;
	[tilespmem:s9+$0x0] =	vst v14  }
0x477: {  	vm5 =	vgt.f32 v9, v4;
	vm6 =	vgt.f32 v10, v6;
	vm7 =	vgt.f32 v10, v4;
	[tilespmem:s1+$0xFFFFFFD0] =	vst v16  }
0x478: {  	v14 =	vsel vm0, v2, v3;
	vm8 =	vgt.f32 v11, v6;
	vm9 =	vgt.f32 v11, v4;
	[tilespmem:s1+$0xFFFFFFE0] =	vst v17  }
.Ltmp25:
0x479: {  	v15 =	vsel vm1, v1, v0;
	vm1 =	vgt.f32 v12, v6;
	vm0 =	vgt.f32 v12, v4;
	[tilespmem:s1+$0xFFFFFFF0] =	vst v18;
	s1 =	smov.u32 s9;
	(pc) =	sbr.rel @p0 .LBB2_53-.Ltmp25, $4  }
0x47a: {  	v16 =	vsel vm2, v2, v3;
	vm10 =	vgt.f32 v13, v6;
	vm11 =	vgt.f32 v13, v4  }
0x47b: {  	v21 =	vsel vm3, v1, v0;
	v24 =	vsel vm10, v2, v3;
	v25 =	vsel vm11, v1, v0  }
0x47c: {  	v19 =	vsel vm5, v1, v0;
	v17 =	vsel vm6, v2, v3;
	v18 =	vsel vm4, v2, v3  }
0x47d: {  	v23 =	vsel vm7, v1, v0;
	v20 =	vsel vm8, v2, v3;
	v22 =	vsel vm9, v1, v0;
	s9 =	sadd.s32 $0x400, s9  }
0x47e: {  	vm2 =	vgt.f32 v13, v5  }
0x47f: {  	vm3 =	vgt.f32 v7, v5;
	v7 =	vsel vm2, v24, v25  }
0x480: {  	vm2 =	vgt.f32 v8, v5;
	v8 =	vsel vm3, v14, v15;
	[tilespmem:s1+$0xFFFFFF90] =	vst v7  }
0x481: {  	vm3 =	vgt.f32 v9, v5;
	v7 =	vsel vm2, v16, v21;
	[tilespmem:s1+$0xFFFFFFA0] =	vst v8  }
0x482: {  	vm2 =	vgt.f32 v10, v5;
	v8 =	vsel vm3, v18, v19;
	[tilespmem:s1+$0xFFFFFFB0] =	vst v7  }
0x483: {  	v7 =	vsel vm1, v2, v3;
	vm1 =	vgt.f32 v11, v5;
	v9 =	vsel vm2, v17, v23;
	[tilespmem:s1+$0xFFFFFFC0] =	vst v8  }
0x484: {  	v8 =	vsel vm0, v1, v0;
	vm0 =	vgt.f32 v12, v5;
	v10 =	vsel vm1, v20, v22;
	[tilespmem:s1+$0xFFFFFFD0] =	vst v9  }
0x485: {  	v7 =	vsel vm0, v7, v8;
	[tilespmem:s1+$0xFFFFFFE0] =	vst v10  }
0x486: {  	[tilespmem:s1+$0xFFFFFFF0] =	vst v7  }
0x487: {  	v13 =	vld [tilespmem:s7+$0x0]  }
0x488: {  	v8 =	vld [tilespmem:s7+$0xFFFFFFB0]  }
0x489: {  	v9 =	vld [tilespmem:s7+$0xFFFFFFC0]  }
0x48a: {  	v10 =	vld [tilespmem:s7+$0xFFFFFFD0]  }
0x48b: {  	v11 =	vld [tilespmem:s7+$0xFFFFFFE0]  }
0x48c: {  	v7 =	vld [tilespmem:s7+$0xFFFFFFA0]  }
0x48d: {  	vm0 =	vgt.f32 v13, v6;
	vm1 =	vgt.f32 v13, v4  }
0x48e: {  	vm2 =	vgt.f32 v13, v5;
	vm3 =	vgt.f32 v8, v4;
	vm4 =	vgt.f32 v9, v6  }
0x48f: {  	vm5 =	vgt.f32 v9, v4;
	vm6 =	vgt.f32 v10, v6;
	vm7 =	vgt.f32 v10, v4  }
0x490: {  	v12 =	vld [tilespmem:s7+$0xFFFFFFF0];
	vm8 =	vgt.f32 v11, v6;
	vm9 =	vgt.f32 v11, v4;
	v14 =	vsel vm0, v2, v3  }
0x491: {  	v13 =	vld [tilespmem:s7+$0xFFFFFF90];
	v15 =	vsel vm1, v1, v0;
	vm0 =	vgt.f32 v7, v6;
	vm1 =	vgt.f32 v7, v4  }
0x492: {  	v21 =	vsel vm3, v1, v0;
	v18 =	vsel vm4, v2, v3;
	v19 =	vsel vm5, v1, v0  }
0x493: {  	v17 =	vsel vm6, v2, v3;
	v23 =	vsel vm7, v1, v0;
	v22 =	vsel vm9, v1, v0  }
0x494: {  	v20 =	vsel vm2, v14, v15;
	vm2 =	vgt.f32 v8, v6;
	v14 =	vsel vm0, v2, v3  }
0x495: {  	v15 =	vsel vm1, v1, v0;
	vm1 =	vgt.f32 v12, v6;
	vm0 =	vgt.f32 v12, v4  }
0x496: {  	v16 =	vsel vm2, v2, v3;
	vm10 =	vgt.f32 v13, v6;
	vm11 =	vgt.f32 v13, v4  }
0x497: {  	s8 =	simm.s32 $0x0;
	s9 =	simm.s32 $0xC770;
	s1 =	simm.s32 $0xC3F0;
	[tilespmem:s7+$0x0] =	vst v20;
	v20 =	vsel vm8, v2, v3;
	v24 =	vsel vm10, v2, v3;
	v25 =	vsel vm11, v1, v0  }
.LBB2_55:
0x498: {  	v26 =	vld [tilespmem:s9+$0x0];
	s8 =	sadd.s32 $0x80, s8;
	vm2 =	vgt.f32 v13, v5;
	v13 =	vsel vm1, v2, v3;
	v27 =	vsel vm0, v1, v0  }
0x499: {  	vm0 =	vgt.f32 v7, v5;
	vm1 =	vgt.f32 v8, v5;
	vm3 =	vgt.f32 v9, v5;
	p0 =	slt.u32 s8, $0x780;
	v7 =	vld [tilespmem:s9+$0xFFFFFFA0]  }
0x49a: {  	vm4 =	vgt.f32 v10, v5;
	vm5 =	vgt.f32 v11, v5;
	vm6 =	vgt.f32 v12, v5;
	v8 =	vld [tilespmem:s9+$0xFFFFFFB0]  }
0x49b: {  	v11 =	vsel vm2, v24, v25;
	v12 =	vsel vm0, v14, v15;
	v14 =	vsel vm1, v16, v21;
	v9 =	vld [tilespmem:s9+$0xFFFFFFC0]  }
0x49c: {  	v15 =	vsel vm3, v18, v19;
	v16 =	vsel vm4, v17, v23;
	v17 =	vsel vm5, v20, v22;
	v10 =	vld [tilespmem:s9+$0xFFFFFFD0];
	[tilespmem:s7+$0xFFFFFF90] =	vst v11  }
0x49d: {  	v18 =	vsel vm6, v13, v27;
	v11 =	vld [tilespmem:s9+$0xFFFFFFE0];
	vm0 =	vgt.f32 v26, v6;
	vm1 =	vgt.f32 v26, v4;
	[tilespmem:s7+$0xFFFFFFA0] =	vst v12  }
0x49e: {  	vm2 =	vgt.f32 v26, v5;
	v12 =	vld [tilespmem:s9+$0xFFFFFFF0];
	v19 =	vsel vm0, v2, v3;
	v20 =	vsel vm1, v1, v0;
	[tilespmem:s7+$0xFFFFFFB0] =	vst v14  }
0x49f: {  	vm0 =	vgt.f32 v7, v6;
	vm1 =	vgt.f32 v7, v4;
	v13 =	vld [tilespmem:s9+$0xFFFFFF90];
	v14 =	vsel vm2, v19, v20;
	[tilespmem:s7+$0xFFFFFFC0] =	vst v15  }
0x4a0: {  	vm2 =	vgt.f32 v8, v6;
	vm3 =	vgt.f32 v8, v4;
	vm4 =	vgt.f32 v9, v6;
	[tilespmem:s9+$0x0] =	vst v14  }
0x4a1: {  	vm5 =	vgt.f32 v9, v4;
	vm6 =	vgt.f32 v10, v6;
	vm7 =	vgt.f32 v10, v4;
	[tilespmem:s7+$0xFFFFFFD0] =	vst v16  }
0x4a2: {  	v14 =	vsel vm0, v2, v3;
	vm8 =	vgt.f32 v11, v6;
	vm9 =	vgt.f32 v11, v4;
	[tilespmem:s7+$0xFFFFFFE0] =	vst v17  }
.Ltmp26:
0x4a3: {  	v15 =	vsel vm1, v1, v0;
	vm1 =	vgt.f32 v12, v6;
	vm0 =	vgt.f32 v12, v4;
	[tilespmem:s7+$0xFFFFFFF0] =	vst v18;
	s7 =	smov.u32 s9;
	(pc) =	sbr.rel @p0 .LBB2_55-.Ltmp26, $4  }
0x4a4: {  	v16 =	vsel vm2, v2, v3;
	vm10 =	vgt.f32 v13, v6;
	vm11 =	vgt.f32 v13, v4  }
0x4a5: {  	v21 =	vsel vm3, v1, v0;
	v24 =	vsel vm10, v2, v3;
	v25 =	vsel vm11, v1, v0  }
0x4a6: {  	v19 =	vsel vm5, v1, v0;
	v17 =	vsel vm6, v2, v3;
	v18 =	vsel vm4, v2, v3  }
0x4a7: {  	v23 =	vsel vm7, v1, v0;
	v20 =	vsel vm8, v2, v3;
	v22 =	vsel vm9, v1, v0;
	s9 =	sadd.s32 $0x400, s9  }
0x4a8: {  	vm2 =	vgt.f32 v13, v5  }
0x4a9: {  	vm3 =	vgt.f32 v7, v5;
	v7 =	vsel vm2, v24, v25  }
0x4aa: {  	vm2 =	vgt.f32 v8, v5;
	v8 =	vsel vm3, v14, v15;
	[tilespmem:s7+$0xFFFFFF90] =	vst v7  }
0x4ab: {  	vm3 =	vgt.f32 v9, v5;
	v7 =	vsel vm2, v16, v21;
	[tilespmem:s7+$0xFFFFFFA0] =	vst v8  }
0x4ac: {  	vm2 =	vgt.f32 v10, v5;
	v8 =	vsel vm3, v18, v19;
	[tilespmem:s7+$0xFFFFFFB0] =	vst v7  }
0x4ad: {  	v7 =	vsel vm1, v2, v3;
	vm1 =	vgt.f32 v11, v5;
	v9 =	vsel vm2, v17, v23;
	[tilespmem:s7+$0xFFFFFFC0] =	vst v8  }
0x4ae: {  	v8 =	vsel vm0, v1, v0;
	vm0 =	vgt.f32 v12, v5;
	v10 =	vsel vm1, v20, v22;
	[tilespmem:s7+$0xFFFFFFD0] =	vst v9  }
0x4af: {  	v7 =	vsel vm0, v7, v8;
	[tilespmem:s7+$0xFFFFFFE0] =	vst v10  }
0x4b0: {  	[tilespmem:s7+$0xFFFFFFF0] =	vst v7  }
0x4b1: {  	v13 =	vld [tilespmem:s1+$0x0]  }
0x4b2: {  	v8 =	vld [tilespmem:s1+$0xFFFFFFB0]  }
0x4b3: {  	v9 =	vld [tilespmem:s1+$0xFFFFFFC0]  }
0x4b4: {  	v10 =	vld [tilespmem:s1+$0xFFFFFFD0]  }
0x4b5: {  	v11 =	vld [tilespmem:s1+$0xFFFFFFE0]  }
0x4b6: {  	v7 =	vld [tilespmem:s1+$0xFFFFFFA0]  }
0x4b7: {  	vm0 =	vgt.f32 v13, v6;
	vm1 =	vgt.f32 v13, v4  }
0x4b8: {  	vm2 =	vgt.f32 v13, v5;
	vm3 =	vgt.f32 v8, v4;
	vm4 =	vgt.f32 v9, v6  }
0x4b9: {  	vm5 =	vgt.f32 v9, v4;
	vm6 =	vgt.f32 v10, v6;
	vm7 =	vgt.f32 v10, v4  }
0x4ba: {  	v12 =	vld [tilespmem:s1+$0xFFFFFFF0];
	vm8 =	vgt.f32 v11, v6;
	vm9 =	vgt.f32 v11, v4;
	v14 =	vsel vm0, v2, v3  }
0x4bb: {  	v13 =	vld [tilespmem:s1+$0xFFFFFF90];
	v15 =	vsel vm1, v1, v0;
	vm0 =	vgt.f32 v7, v6;
	vm1 =	vgt.f32 v7, v4  }
0x4bc: {  	v21 =	vsel vm3, v1, v0;
	v18 =	vsel vm4, v2, v3;
	v19 =	vsel vm5, v1, v0  }
0x4bd: {  	v17 =	vsel vm6, v2, v3;
	v23 =	vsel vm7, v1, v0;
	v22 =	vsel vm9, v1, v0  }
0x4be: {  	v20 =	vsel vm2, v14, v15;
	vm2 =	vgt.f32 v8, v6;
	v14 =	vsel vm0, v2, v3  }
0x4bf: {  	v15 =	vsel vm1, v1, v0;
	vm1 =	vgt.f32 v12, v6;
	vm0 =	vgt.f32 v12, v4  }
0x4c0: {  	v16 =	vsel vm2, v2, v3;
	vm10 =	vgt.f32 v13, v6;
	vm11 =	vgt.f32 v13, v4  }
0x4c1: {  	s8 =	simm.s32 $0x0;
	s9 =	simm.s32 $0xC7F0;
	s7 =	simm.s32 $0xC470;
	[tilespmem:s1+$0x0] =	vst v20;
	v20 =	vsel vm8, v2, v3;
	v24 =	vsel vm10, v2, v3;
	v25 =	vsel vm11, v1, v0  }
.LBB2_57:
0x4c2: {  	v26 =	vld [tilespmem:s9+$0x0];
	s8 =	sadd.s32 $0x80, s8;
	vm2 =	vgt.f32 v13, v5;
	v13 =	vsel vm1, v2, v3;
	v27 =	vsel vm0, v1, v0  }
0x4c3: {  	vm0 =	vgt.f32 v7, v5;
	vm1 =	vgt.f32 v8, v5;
	vm3 =	vgt.f32 v9, v5;
	p0 =	slt.u32 s8, $0x780;
	v7 =	vld [tilespmem:s9+$0xFFFFFFA0]  }
0x4c4: {  	vm4 =	vgt.f32 v10, v5;
	vm5 =	vgt.f32 v11, v5;
	vm6 =	vgt.f32 v12, v5;
	v8 =	vld [tilespmem:s9+$0xFFFFFFB0]  }
0x4c5: {  	v11 =	vsel vm2, v24, v25;
	v12 =	vsel vm0, v14, v15;
	v14 =	vsel vm1, v16, v21;
	v9 =	vld [tilespmem:s9+$0xFFFFFFC0]  }
0x4c6: {  	v15 =	vsel vm3, v18, v19;
	v16 =	vsel vm4, v17, v23;
	v17 =	vsel vm5, v20, v22;
	v10 =	vld [tilespmem:s9+$0xFFFFFFD0];
	[tilespmem:s1+$0xFFFFFF90] =	vst v11  }
0x4c7: {  	v18 =	vsel vm6, v13, v27;
	v11 =	vld [tilespmem:s9+$0xFFFFFFE0];
	vm0 =	vgt.f32 v26, v6;
	vm1 =	vgt.f32 v26, v4;
	[tilespmem:s1+$0xFFFFFFA0] =	vst v12  }
0x4c8: {  	vm2 =	vgt.f32 v26, v5;
	v12 =	vld [tilespmem:s9+$0xFFFFFFF0];
	v19 =	vsel vm0, v2, v3;
	v20 =	vsel vm1, v1, v0;
	[tilespmem:s1+$0xFFFFFFB0] =	vst v14  }
0x4c9: {  	vm0 =	vgt.f32 v7, v6;
	vm1 =	vgt.f32 v7, v4;
	v13 =	vld [tilespmem:s9+$0xFFFFFF90];
	v14 =	vsel vm2, v19, v20;
	[tilespmem:s1+$0xFFFFFFC0] =	vst v15  }
0x4ca: {  	vm2 =	vgt.f32 v8, v6;
	vm3 =	vgt.f32 v8, v4;
	vm4 =	vgt.f32 v9, v6;
	[tilespmem:s9+$0x0] =	vst v14  }
0x4cb: {  	vm5 =	vgt.f32 v9, v4;
	vm6 =	vgt.f32 v10, v6;
	vm7 =	vgt.f32 v10, v4;
	[tilespmem:s1+$0xFFFFFFD0] =	vst v16  }
0x4cc: {  	v14 =	vsel vm0, v2, v3;
	vm8 =	vgt.f32 v11, v6;
	vm9 =	vgt.f32 v11, v4;
	[tilespmem:s1+$0xFFFFFFE0] =	vst v17  }
.Ltmp27:
0x4cd: {  	v15 =	vsel vm1, v1, v0;
	vm1 =	vgt.f32 v12, v6;
	vm0 =	vgt.f32 v12, v4;
	[tilespmem:s1+$0xFFFFFFF0] =	vst v18;
	s1 =	smov.u32 s9;
	(pc) =	sbr.rel @p0 .LBB2_57-.Ltmp27, $4  }
0x4ce: {  	v16 =	vsel vm2, v2, v3;
	vm10 =	vgt.f32 v13, v6;
	vm11 =	vgt.f32 v13, v4  }
0x4cf: {  	v21 =	vsel vm3, v1, v0;
	v24 =	vsel vm10, v2, v3;
	v25 =	vsel vm11, v1, v0  }
0x4d0: {  	v19 =	vsel vm5, v1, v0;
	v17 =	vsel vm6, v2, v3;
	v18 =	vsel vm4, v2, v3  }
0x4d1: {  	v23 =	vsel vm7, v1, v0;
	v20 =	vsel vm8, v2, v3;
	v22 =	vsel vm9, v1, v0;
	s9 =	sadd.s32 $0x400, s9  }
0x4d2: {  	vm2 =	vgt.f32 v13, v5  }
0x4d3: {  	vm3 =	vgt.f32 v7, v5;
	v7 =	vsel vm2, v24, v25  }
0x4d4: {  	vm2 =	vgt.f32 v8, v5;
	v8 =	vsel vm3, v14, v15;
	[tilespmem:s1+$0xFFFFFF90] =	vst v7  }
0x4d5: {  	vm3 =	vgt.f32 v9, v5;
	v7 =	vsel vm2, v16, v21;
	[tilespmem:s1+$0xFFFFFFA0] =	vst v8  }
0x4d6: {  	vm2 =	vgt.f32 v10, v5;
	v8 =	vsel vm3, v18, v19;
	[tilespmem:s1+$0xFFFFFFB0] =	vst v7  }
0x4d7: {  	v7 =	vsel vm1, v2, v3;
	vm1 =	vgt.f32 v11, v5;
	v9 =	vsel vm2, v17, v23;
	[tilespmem:s1+$0xFFFFFFC0] =	vst v8  }
0x4d8: {  	v8 =	vsel vm0, v1, v0;
	vm0 =	vgt.f32 v12, v5;
	v10 =	vsel vm1, v20, v22;
	[tilespmem:s1+$0xFFFFFFD0] =	vst v9  }
0x4d9: {  	v7 =	vsel vm0, v7, v8;
	[tilespmem:s1+$0xFFFFFFE0] =	vst v10  }
0x4da: {  	[tilespmem:s1+$0xFFFFFFF0] =	vst v7  }
0x4db: {  	v13 =	vld [tilespmem:s7+$0x0]  }
0x4dc: {  	v8 =	vld [tilespmem:s7+$0xFFFFFFB0]  }
0x4dd: {  	v9 =	vld [tilespmem:s7+$0xFFFFFFC0]  }
0x4de: {  	v10 =	vld [tilespmem:s7+$0xFFFFFFD0]  }
0x4df: {  	v11 =	vld [tilespmem:s7+$0xFFFFFFE0]  }
0x4e0: {  	v7 =	vld [tilespmem:s7+$0xFFFFFFA0]  }
0x4e1: {  	vm0 =	vgt.f32 v13, v6;
	vm1 =	vgt.f32 v13, v4  }
0x4e2: {  	vm2 =	vgt.f32 v13, v5;
	vm3 =	vgt.f32 v8, v4;
	vm4 =	vgt.f32 v9, v6  }
0x4e3: {  	vm5 =	vgt.f32 v9, v4;
	vm6 =	vgt.f32 v10, v6;
	vm7 =	vgt.f32 v10, v4  }
0x4e4: {  	v12 =	vld [tilespmem:s7+$0xFFFFFFF0];
	vm8 =	vgt.f32 v11, v6;
	vm9 =	vgt.f32 v11, v4;
	v14 =	vsel vm0, v2, v3  }
0x4e5: {  	v13 =	vld [tilespmem:s7+$0xFFFFFF90];
	v15 =	vsel vm1, v1, v0;
	vm0 =	vgt.f32 v7, v6;
	vm1 =	vgt.f32 v7, v4  }
0x4e6: {  	v21 =	vsel vm3, v1, v0;
	v18 =	vsel vm4, v2, v3;
	v19 =	vsel vm5, v1, v0  }
0x4e7: {  	v17 =	vsel vm6, v2, v3;
	v23 =	vsel vm7, v1, v0;
	v22 =	vsel vm9, v1, v0  }
0x4e8: {  	v20 =	vsel vm2, v14, v15;
	vm2 =	vgt.f32 v8, v6;
	v14 =	vsel vm0, v2, v3  }
0x4e9: {  	v15 =	vsel vm1, v1, v0;
	vm1 =	vgt.f32 v12, v6;
	vm0 =	vgt.f32 v12, v4  }
0x4ea: {  	v16 =	vsel vm2, v2, v3;
	vm10 =	vgt.f32 v13, v6;
	vm11 =	vgt.f32 v13, v4  }
0x4eb: {  	s8 =	simm.s32 $0x0;
	s9 =	simm.s32 $0xC870;
	s1 =	simm.s32 $0xC4F0;
	[tilespmem:s7+$0x0] =	vst v20;
	v20 =	vsel vm8, v2, v3;
	v24 =	vsel vm10, v2, v3;
	v25 =	vsel vm11, v1, v0  }
.LBB2_59:
0x4ec: {  	v26 =	vld [tilespmem:s9+$0x0];
	s8 =	sadd.s32 $0x80, s8;
	vm2 =	vgt.f32 v13, v5;
	v13 =	vsel vm1, v2, v3;
	v27 =	vsel vm0, v1, v0  }
0x4ed: {  	vm0 =	vgt.f32 v7, v5;
	vm1 =	vgt.f32 v8, v5;
	vm3 =	vgt.f32 v9, v5;
	p0 =	slt.u32 s8, $0x780;
	v7 =	vld [tilespmem:s9+$0xFFFFFFA0]  }
0x4ee: {  	vm4 =	vgt.f32 v10, v5;
	vm5 =	vgt.f32 v11, v5;
	vm6 =	vgt.f32 v12, v5;
	v8 =	vld [tilespmem:s9+$0xFFFFFFB0]  }
0x4ef: {  	v11 =	vsel vm2, v24, v25;
	v12 =	vsel vm0, v14, v15;
	v14 =	vsel vm1, v16, v21;
	v9 =	vld [tilespmem:s9+$0xFFFFFFC0]  }
0x4f0: {  	v15 =	vsel vm3, v18, v19;
	v16 =	vsel vm4, v17, v23;
	v17 =	vsel vm5, v20, v22;
	v10 =	vld [tilespmem:s9+$0xFFFFFFD0];
	[tilespmem:s7+$0xFFFFFF90] =	vst v11  }
0x4f1: {  	v18 =	vsel vm6, v13, v27;
	v11 =	vld [tilespmem:s9+$0xFFFFFFE0];
	vm0 =	vgt.f32 v26, v6;
	vm1 =	vgt.f32 v26, v4;
	[tilespmem:s7+$0xFFFFFFA0] =	vst v12  }
0x4f2: {  	vm2 =	vgt.f32 v26, v5;
	v12 =	vld [tilespmem:s9+$0xFFFFFFF0];
	v19 =	vsel vm0, v2, v3;
	v20 =	vsel vm1, v1, v0;
	[tilespmem:s7+$0xFFFFFFB0] =	vst v14  }
0x4f3: {  	vm0 =	vgt.f32 v7, v6;
	vm1 =	vgt.f32 v7, v4;
	v13 =	vld [tilespmem:s9+$0xFFFFFF90];
	v14 =	vsel vm2, v19, v20;
	[tilespmem:s7+$0xFFFFFFC0] =	vst v15  }
0x4f4: {  	vm2 =	vgt.f32 v8, v6;
	vm3 =	vgt.f32 v8, v4;
	vm4 =	vgt.f32 v9, v6;
	[tilespmem:s9+$0x0] =	vst v14  }
0x4f5: {  	vm5 =	vgt.f32 v9, v4;
	vm6 =	vgt.f32 v10, v6;
	vm7 =	vgt.f32 v10, v4;
	[tilespmem:s7+$0xFFFFFFD0] =	vst v16  }
0x4f6: {  	v14 =	vsel vm0, v2, v3;
	vm8 =	vgt.f32 v11, v6;
	vm9 =	vgt.f32 v11, v4;
	[tilespmem:s7+$0xFFFFFFE0] =	vst v17  }
.Ltmp28:
0x4f7: {  	v15 =	vsel vm1, v1, v0;
	vm1 =	vgt.f32 v12, v6;
	vm0 =	vgt.f32 v12, v4;
	[tilespmem:s7+$0xFFFFFFF0] =	vst v18;
	s7 =	smov.u32 s9;
	(pc) =	sbr.rel @p0 .LBB2_59-.Ltmp28, $4  }
0x4f8: {  	v16 =	vsel vm2, v2, v3;
	vm10 =	vgt.f32 v13, v6;
	vm11 =	vgt.f32 v13, v4  }
0x4f9: {  	v21 =	vsel vm3, v1, v0;
	v24 =	vsel vm10, v2, v3;
	v25 =	vsel vm11, v1, v0  }
0x4fa: {  	v19 =	vsel vm5, v1, v0;
	v17 =	vsel vm6, v2, v3;
	v18 =	vsel vm4, v2, v3  }
0x4fb: {  	v23 =	vsel vm7, v1, v0;
	v20 =	vsel vm8, v2, v3;
	v22 =	vsel vm9, v1, v0;
	s9 =	sadd.s32 $0x400, s9  }
0x4fc: {  	vm2 =	vgt.f32 v13, v5  }
0x4fd: {  	vm3 =	vgt.f32 v7, v5;
	v7 =	vsel vm2, v24, v25  }
0x4fe: {  	vm2 =	vgt.f32 v8, v5;
	v8 =	vsel vm3, v14, v15;
	[tilespmem:s7+$0xFFFFFF90] =	vst v7  }
0x4ff: {  	vm3 =	vgt.f32 v9, v5;
	v7 =	vsel vm2, v16, v21;
	[tilespmem:s7+$0xFFFFFFA0] =	vst v8  }
0x500: {  	vm2 =	vgt.f32 v10, v5;
	v8 =	vsel vm3, v18, v19;
	[tilespmem:s7+$0xFFFFFFB0] =	vst v7  }
0x501: {  	v7 =	vsel vm1, v2, v3;
	vm1 =	vgt.f32 v11, v5;
	v9 =	vsel vm2, v17, v23;
	[tilespmem:s7+$0xFFFFFFC0] =	vst v8  }
0x502: {  	v8 =	vsel vm0, v1, v0;
	vm0 =	vgt.f32 v12, v5;
	v10 =	vsel vm1, v20, v22;
	[tilespmem:s7+$0xFFFFFFD0] =	vst v9  }
0x503: {  	v7 =	vsel vm0, v7, v8;
	[tilespmem:s7+$0xFFFFFFE0] =	vst v10  }
0x504: {  	[tilespmem:s7+$0xFFFFFFF0] =	vst v7  }
0x505: {  	v13 =	vld [tilespmem:s1+$0x0]  }
0x506: {  	v8 =	vld [tilespmem:s1+$0xFFFFFFB0]  }
0x507: {  	v9 =	vld [tilespmem:s1+$0xFFFFFFC0]  }
0x508: {  	v10 =	vld [tilespmem:s1+$0xFFFFFFD0]  }
0x509: {  	v11 =	vld [tilespmem:s1+$0xFFFFFFE0]  }
0x50a: {  	v7 =	vld [tilespmem:s1+$0xFFFFFFA0]  }
0x50b: {  	vm0 =	vgt.f32 v13, v6;
	vm1 =	vgt.f32 v13, v4  }
0x50c: {  	vm2 =	vgt.f32 v13, v5;
	vm3 =	vgt.f32 v8, v4;
	vm4 =	vgt.f32 v9, v6  }
0x50d: {  	vm5 =	vgt.f32 v9, v4;
	vm6 =	vgt.f32 v10, v6;
	vm7 =	vgt.f32 v10, v4  }
0x50e: {  	v12 =	vld [tilespmem:s1+$0xFFFFFFF0];
	vm8 =	vgt.f32 v11, v6;
	vm9 =	vgt.f32 v11, v4;
	v14 =	vsel vm0, v2, v3  }
0x50f: {  	v13 =	vld [tilespmem:s1+$0xFFFFFF90];
	v15 =	vsel vm1, v1, v0;
	vm0 =	vgt.f32 v7, v6;
	vm1 =	vgt.f32 v7, v4  }
0x510: {  	v21 =	vsel vm3, v1, v0;
	v18 =	vsel vm4, v2, v3;
	v19 =	vsel vm5, v1, v0  }
0x511: {  	v17 =	vsel vm6, v2, v3;
	v23 =	vsel vm7, v1, v0;
	v22 =	vsel vm9, v1, v0  }
0x512: {  	v20 =	vsel vm2, v14, v15;
	vm2 =	vgt.f32 v8, v6;
	v14 =	vsel vm0, v2, v3  }
0x513: {  	v15 =	vsel vm1, v1, v0;
	vm1 =	vgt.f32 v12, v6;
	vm0 =	vgt.f32 v12, v4  }
0x514: {  	v16 =	vsel vm2, v2, v3;
	vm10 =	vgt.f32 v13, v6;
	vm11 =	vgt.f32 v13, v4  }
0x515: {  	s8 =	simm.s32 $0x0;
	s9 =	simm.s32 $0xC8F0;
	s7 =	simm.s32 $0xC570;
	[tilespmem:s1+$0x0] =	vst v20;
	v20 =	vsel vm8, v2, v3;
	v24 =	vsel vm10, v2, v3;
	v25 =	vsel vm11, v1, v0  }
.LBB2_61:
0x516: {  	v26 =	vld [tilespmem:s9+$0x0];
	s8 =	sadd.s32 $0x80, s8;
	vm2 =	vgt.f32 v13, v5;
	v13 =	vsel vm1, v2, v3;
	v27 =	vsel vm0, v1, v0  }
0x517: {  	vm0 =	vgt.f32 v7, v5;
	vm1 =	vgt.f32 v8, v5;
	vm3 =	vgt.f32 v9, v5;
	p0 =	slt.u32 s8, $0x780;
	v7 =	vld [tilespmem:s9+$0xFFFFFFA0]  }
0x518: {  	vm4 =	vgt.f32 v10, v5;
	vm5 =	vgt.f32 v11, v5;
	vm6 =	vgt.f32 v12, v5;
	v8 =	vld [tilespmem:s9+$0xFFFFFFB0]  }
0x519: {  	v11 =	vsel vm2, v24, v25;
	v12 =	vsel vm0, v14, v15;
	v14 =	vsel vm1, v16, v21;
	v9 =	vld [tilespmem:s9+$0xFFFFFFC0]  }
0x51a: {  	v15 =	vsel vm3, v18, v19;
	v16 =	vsel vm4, v17, v23;
	v17 =	vsel vm5, v20, v22;
	v10 =	vld [tilespmem:s9+$0xFFFFFFD0];
	[tilespmem:s1+$0xFFFFFF90] =	vst v11  }
0x51b: {  	v18 =	vsel vm6, v13, v27;
	v11 =	vld [tilespmem:s9+$0xFFFFFFE0];
	vm0 =	vgt.f32 v26, v6;
	vm1 =	vgt.f32 v26, v4;
	[tilespmem:s1+$0xFFFFFFA0] =	vst v12  }
0x51c: {  	vm2 =	vgt.f32 v26, v5;
	v12 =	vld [tilespmem:s9+$0xFFFFFFF0];
	v19 =	vsel vm0, v2, v3;
	v20 =	vsel vm1, v1, v0;
	[tilespmem:s1+$0xFFFFFFB0] =	vst v14  }
0x51d: {  	vm0 =	vgt.f32 v7, v6;
	vm1 =	vgt.f32 v7, v4;
	v13 =	vld [tilespmem:s9+$0xFFFFFF90];
	v14 =	vsel vm2, v19, v20;
	[tilespmem:s1+$0xFFFFFFC0] =	vst v15  }
0x51e: {  	vm2 =	vgt.f32 v8, v6;
	vm3 =	vgt.f32 v8, v4;
	vm4 =	vgt.f32 v9, v6;
	[tilespmem:s9+$0x0] =	vst v14  }
0x51f: {  	vm5 =	vgt.f32 v9, v4;
	vm6 =	vgt.f32 v10, v6;
	vm7 =	vgt.f32 v10, v4;
	[tilespmem:s1+$0xFFFFFFD0] =	vst v16  }
0x520: {  	v14 =	vsel vm0, v2, v3;
	vm8 =	vgt.f32 v11, v6;
	vm9 =	vgt.f32 v11, v4;
	[tilespmem:s1+$0xFFFFFFE0] =	vst v17  }
.Ltmp29:
0x521: {  	v15 =	vsel vm1, v1, v0;
	vm1 =	vgt.f32 v12, v6;
	vm0 =	vgt.f32 v12, v4;
	[tilespmem:s1+$0xFFFFFFF0] =	vst v18;
	s1 =	smov.u32 s9;
	(pc) =	sbr.rel @p0 .LBB2_61-.Ltmp29, $4  }
0x522: {  	v16 =	vsel vm2, v2, v3;
	vm10 =	vgt.f32 v13, v6;
	vm11 =	vgt.f32 v13, v4  }
0x523: {  	v21 =	vsel vm3, v1, v0;
	v24 =	vsel vm10, v2, v3;
	v25 =	vsel vm11, v1, v0  }
0x524: {  	v19 =	vsel vm5, v1, v0;
	v17 =	vsel vm6, v2, v3;
	v18 =	vsel vm4, v2, v3  }
0x525: {  	v23 =	vsel vm7, v1, v0;
	v20 =	vsel vm8, v2, v3;
	v22 =	vsel vm9, v1, v0;
	s9 =	sadd.s32 $0x400, s9  }
0x526: {  	vm2 =	vgt.f32 v13, v5  }
0x527: {  	vm3 =	vgt.f32 v7, v5;
	v7 =	vsel vm2, v24, v25  }
0x528: {  	vm2 =	vgt.f32 v8, v5;
	v8 =	vsel vm3, v14, v15;
	[tilespmem:s1+$0xFFFFFF90] =	vst v7  }
0x529: {  	vm3 =	vgt.f32 v9, v5;
	v7 =	vsel vm2, v16, v21;
	[tilespmem:s1+$0xFFFFFFA0] =	vst v8  }
0x52a: {  	vm2 =	vgt.f32 v10, v5;
	v8 =	vsel vm3, v18, v19;
	[tilespmem:s1+$0xFFFFFFB0] =	vst v7  }
0x52b: {  	v7 =	vsel vm1, v2, v3;
	vm1 =	vgt.f32 v11, v5;
	v9 =	vsel vm2, v17, v23;
	[tilespmem:s1+$0xFFFFFFC0] =	vst v8  }
0x52c: {  	v8 =	vsel vm0, v1, v0;
	vm0 =	vgt.f32 v12, v5;
	v10 =	vsel vm1, v20, v22;
	[tilespmem:s1+$0xFFFFFFD0] =	vst v9  }
0x52d: {  	v7 =	vsel vm0, v7, v8;
	[tilespmem:s1+$0xFFFFFFE0] =	vst v10  }
0x52e: {  	[tilespmem:s1+$0xFFFFFFF0] =	vst v7  }
0x52f: {  	v13 =	vld [tilespmem:s7+$0x0]  }
0x530: {  	v8 =	vld [tilespmem:s7+$0xFFFFFFB0]  }
0x531: {  	v9 =	vld [tilespmem:s7+$0xFFFFFFC0]  }
0x532: {  	v10 =	vld [tilespmem:s7+$0xFFFFFFD0]  }
0x533: {  	v11 =	vld [tilespmem:s7+$0xFFFFFFE0]  }
0x534: {  	v7 =	vld [tilespmem:s7+$0xFFFFFFA0]  }
0x535: {  	vm0 =	vgt.f32 v13, v6;
	vm1 =	vgt.f32 v13, v4  }
0x536: {  	vm2 =	vgt.f32 v13, v5;
	vm3 =	vgt.f32 v8, v4;
	vm4 =	vgt.f32 v9, v6  }
0x537: {  	vm5 =	vgt.f32 v9, v4;
	vm6 =	vgt.f32 v10, v6;
	vm7 =	vgt.f32 v10, v4  }
0x538: {  	v12 =	vld [tilespmem:s7+$0xFFFFFFF0];
	vm8 =	vgt.f32 v11, v6;
	vm9 =	vgt.f32 v11, v4;
	v14 =	vsel vm0, v2, v3  }
0x539: {  	v13 =	vld [tilespmem:s7+$0xFFFFFF90];
	v15 =	vsel vm1, v1, v0;
	vm0 =	vgt.f32 v7, v6;
	vm1 =	vgt.f32 v7, v4  }
0x53a: {  	v21 =	vsel vm3, v1, v0;
	v18 =	vsel vm4, v2, v3;
	v19 =	vsel vm5, v1, v0  }
0x53b: {  	v17 =	vsel vm6, v2, v3;
	v23 =	vsel vm7, v1, v0;
	v22 =	vsel vm9, v1, v0  }
0x53c: {  	v20 =	vsel vm2, v14, v15;
	vm2 =	vgt.f32 v8, v6;
	v14 =	vsel vm0, v2, v3  }
0x53d: {  	v15 =	vsel vm1, v1, v0;
	vm1 =	vgt.f32 v12, v6;
	vm0 =	vgt.f32 v12, v4  }
0x53e: {  	v16 =	vsel vm2, v2, v3;
	vm10 =	vgt.f32 v13, v6;
	vm11 =	vgt.f32 v13, v4  }
0x53f: {  	s8 =	simm.s32 $0x0;
	s9 =	simm.s32 $0xC970;
	s1 =	simm.s32 $0xC5F0;
	[tilespmem:s7+$0x0] =	vst v20;
	v20 =	vsel vm8, v2, v3;
	v24 =	vsel vm10, v2, v3;
	v25 =	vsel vm11, v1, v0  }
.LBB2_63:
0x540: {  	v26 =	vld [tilespmem:s9+$0x0];
	s8 =	sadd.s32 $0x80, s8;
	vm2 =	vgt.f32 v13, v5;
	v13 =	vsel vm1, v2, v3;
	v27 =	vsel vm0, v1, v0  }
0x541: {  	vm0 =	vgt.f32 v7, v5;
	vm1 =	vgt.f32 v8, v5;
	vm3 =	vgt.f32 v9, v5;
	p0 =	slt.u32 s8, $0x780;
	v7 =	vld [tilespmem:s9+$0xFFFFFFA0]  }
0x542: {  	vm4 =	vgt.f32 v10, v5;
	vm5 =	vgt.f32 v11, v5;
	vm6 =	vgt.f32 v12, v5;
	v8 =	vld [tilespmem:s9+$0xFFFFFFB0]  }
0x543: {  	v11 =	vsel vm2, v24, v25;
	v12 =	vsel vm0, v14, v15;
	v14 =	vsel vm1, v16, v21;
	v9 =	vld [tilespmem:s9+$0xFFFFFFC0]  }
0x544: {  	v15 =	vsel vm3, v18, v19;
	v16 =	vsel vm4, v17, v23;
	v17 =	vsel vm5, v20, v22;
	v10 =	vld [tilespmem:s9+$0xFFFFFFD0];
	[tilespmem:s7+$0xFFFFFF90] =	vst v11  }
0x545: {  	v18 =	vsel vm6, v13, v27;
	v11 =	vld [tilespmem:s9+$0xFFFFFFE0];
	vm0 =	vgt.f32 v26, v6;
	vm1 =	vgt.f32 v26, v4;
	[tilespmem:s7+$0xFFFFFFA0] =	vst v12  }
0x546: {  	vm2 =	vgt.f32 v26, v5;
	v12 =	vld [tilespmem:s9+$0xFFFFFFF0];
	v19 =	vsel vm0, v2, v3;
	v20 =	vsel vm1, v1, v0;
	[tilespmem:s7+$0xFFFFFFB0] =	vst v14  }
0x547: {  	vm0 =	vgt.f32 v7, v6;
	vm1 =	vgt.f32 v7, v4;
	v13 =	vld [tilespmem:s9+$0xFFFFFF90];
	v14 =	vsel vm2, v19, v20;
	[tilespmem:s7+$0xFFFFFFC0] =	vst v15  }
0x548: {  	vm2 =	vgt.f32 v8, v6;
	vm3 =	vgt.f32 v8, v4;
	vm4 =	vgt.f32 v9, v6;
	[tilespmem:s9+$0x0] =	vst v14  }
0x549: {  	vm5 =	vgt.f32 v9, v4;
	vm6 =	vgt.f32 v10, v6;
	vm7 =	vgt.f32 v10, v4;
	[tilespmem:s7+$0xFFFFFFD0] =	vst v16  }
0x54a: {  	v14 =	vsel vm0, v2, v3;
	vm8 =	vgt.f32 v11, v6;
	vm9 =	vgt.f32 v11, v4;
	[tilespmem:s7+$0xFFFFFFE0] =	vst v17  }
.Ltmp30:
0x54b: {  	v15 =	vsel vm1, v1, v0;
	vm1 =	vgt.f32 v12, v6;
	vm0 =	vgt.f32 v12, v4;
	[tilespmem:s7+$0xFFFFFFF0] =	vst v18;
	s7 =	smov.u32 s9;
	(pc) =	sbr.rel @p0 .LBB2_63-.Ltmp30, $4  }
0x54c: {  	v16 =	vsel vm2, v2, v3;
	vm10 =	vgt.f32 v13, v6;
	vm11 =	vgt.f32 v13, v4  }
0x54d: {  	v21 =	vsel vm3, v1, v0;
	v24 =	vsel vm10, v2, v3;
	v25 =	vsel vm11, v1, v0  }
0x54e: {  	v19 =	vsel vm5, v1, v0;
	v17 =	vsel vm6, v2, v3;
	v18 =	vsel vm4, v2, v3  }
0x54f: {  	v23 =	vsel vm7, v1, v0;
	v20 =	vsel vm8, v2, v3;
	v22 =	vsel vm9, v1, v0;
	s9 =	sadd.s32 $0x400, s9  }
0x550: {  	vm2 =	vgt.f32 v13, v5  }
0x551: {  	vm3 =	vgt.f32 v7, v5;
	v7 =	vsel vm2, v24, v25  }
0x552: {  	vm2 =	vgt.f32 v8, v5;
	v8 =	vsel vm3, v14, v15;
	[tilespmem:s7+$0xFFFFFF90] =	vst v7  }
0x553: {  	vm3 =	vgt.f32 v9, v5;
	v7 =	vsel vm2, v16, v21;
	[tilespmem:s7+$0xFFFFFFA0] =	vst v8  }
0x554: {  	vm2 =	vgt.f32 v10, v5;
	v8 =	vsel vm3, v18, v19;
	[tilespmem:s7+$0xFFFFFFB0] =	vst v7  }
0x555: {  	v7 =	vsel vm1, v2, v3;
	vm1 =	vgt.f32 v11, v5;
	v9 =	vsel vm2, v17, v23;
	[tilespmem:s7+$0xFFFFFFC0] =	vst v8  }
0x556: {  	v8 =	vsel vm0, v1, v0;
	vm0 =	vgt.f32 v12, v5;
	v10 =	vsel vm1, v20, v22;
	[tilespmem:s7+$0xFFFFFFD0] =	vst v9  }
0x557: {  	v7 =	vsel vm0, v7, v8;
	[tilespmem:s7+$0xFFFFFFE0] =	vst v10  }
0x558: {  	[tilespmem:s7+$0xFFFFFFF0] =	vst v7  }
0x559: {  	v13 =	vld [tilespmem:s1+$0x0]  }
0x55a: {  	v8 =	vld [tilespmem:s1+$0xFFFFFFB0]  }
0x55b: {  	v9 =	vld [tilespmem:s1+$0xFFFFFFC0]  }
0x55c: {  	v10 =	vld [tilespmem:s1+$0xFFFFFFD0]  }
0x55d: {  	v11 =	vld [tilespmem:s1+$0xFFFFFFE0]  }
0x55e: {  	v7 =	vld [tilespmem:s1+$0xFFFFFFA0]  }
0x55f: {  	vm0 =	vgt.f32 v13, v6;
	vm1 =	vgt.f32 v13, v4  }
0x560: {  	vm2 =	vgt.f32 v13, v5;
	vm3 =	vgt.f32 v8, v4;
	vm4 =	vgt.f32 v9, v6  }
0x561: {  	vm5 =	vgt.f32 v9, v4;
	vm6 =	vgt.f32 v10, v6;
	vm7 =	vgt.f32 v10, v4  }
0x562: {  	v12 =	vld [tilespmem:s1+$0xFFFFFFF0];
	vm8 =	vgt.f32 v11, v6;
	vm9 =	vgt.f32 v11, v4;
	v14 =	vsel vm0, v2, v3  }
0x563: {  	v13 =	vld [tilespmem:s1+$0xFFFFFF90];
	v15 =	vsel vm1, v1, v0;
	vm0 =	vgt.f32 v7, v6;
	vm1 =	vgt.f32 v7, v4  }
0x564: {  	v22 =	vsel vm3, v1, v0;
	v18 =	vsel vm4, v2, v3;
	v20 =	vsel vm5, v1, v0  }
0x565: {  	v17 =	vsel vm6, v2, v3;
	v23 =	vsel vm7, v1, v0;
	v21 =	vsel vm9, v1, v0  }
0x566: {  	v19 =	vsel vm2, v14, v15;
	vm2 =	vgt.f32 v8, v6;
	v14 =	vsel vm0, v2, v3  }
0x567: {  	v15 =	vsel vm1, v1, v0;
	vm1 =	vgt.f32 v12, v6;
	vm0 =	vgt.f32 v12, v4  }
0x568: {  	v16 =	vsel vm2, v2, v3;
	vm10 =	vgt.f32 v13, v6;
	vm11 =	vgt.f32 v13, v4  }
0x569: {  	s8 =	simm.s32 $0xC9F0;
	s7 =	simm.s32 $0x0;
	[tilespmem:s1+$0x0] =	vst v19;
	v19 =	vsel vm8, v2, v3;
	v24 =	vsel vm10, v2, v3;
	v25 =	vsel vm11, v1, v0  }
.LBB2_65:
0x56a: {  	v26 =	vld [tilespmem:s8+$0x0];
	s7 =	sadd.s32 $0x80, s7;
	vm2 =	vgt.f32 v13, v5;
	v13 =	vsel vm1, v2, v3;
	v27 =	vsel vm0, v1, v0  }
0x56b: {  	vm0 =	vgt.f32 v7, v5;
	vm1 =	vgt.f32 v8, v5;
	vm3 =	vgt.f32 v9, v5;
	p0 =	slt.u32 s7, $0x780;
	v7 =	vld [tilespmem:s8+$0xFFFFFFA0]  }
0x56c: {  	vm4 =	vgt.f32 v10, v5;
	vm5 =	vgt.f32 v11, v5;
	vm6 =	vgt.f32 v12, v5;
	v8 =	vld [tilespmem:s8+$0xFFFFFFB0]  }
0x56d: {  	v11 =	vsel vm2, v24, v25;
	v12 =	vsel vm0, v14, v15;
	v14 =	vsel vm1, v16, v22;
	v9 =	vld [tilespmem:s8+$0xFFFFFFC0]  }
0x56e: {  	v15 =	vsel vm3, v18, v20;
	v16 =	vsel vm4, v17, v23;
	v17 =	vsel vm5, v19, v21;
	v10 =	vld [tilespmem:s8+$0xFFFFFFD0];
	[tilespmem:s1+$0xFFFFFF90] =	vst v11  }
0x56f: {  	v18 =	vsel vm6, v13, v27;
	v11 =	vld [tilespmem:s8+$0xFFFFFFE0];
	vm0 =	vgt.f32 v26, v6;
	vm1 =	vgt.f32 v26, v4;
	[tilespmem:s1+$0xFFFFFFA0] =	vst v12  }
0x570: {  	vm2 =	vgt.f32 v26, v5;
	v12 =	vld [tilespmem:s8+$0xFFFFFFF0];
	v19 =	vsel vm0, v2, v3;
	v20 =	vsel vm1, v1, v0;
	[tilespmem:s1+$0xFFFFFFB0] =	vst v14  }
0x571: {  	vm0 =	vgt.f32 v7, v6;
	vm1 =	vgt.f32 v7, v4;
	v13 =	vld [tilespmem:s8+$0xFFFFFF90];
	v14 =	vsel vm2, v19, v20;
	[tilespmem:s1+$0xFFFFFFC0] =	vst v15  }
0x572: {  	vm2 =	vgt.f32 v8, v6;
	vm3 =	vgt.f32 v8, v4;
	vm4 =	vgt.f32 v9, v6;
	[tilespmem:s8+$0x0] =	vst v14  }
0x573: {  	vm5 =	vgt.f32 v9, v4;
	vm6 =	vgt.f32 v10, v6;
	vm7 =	vgt.f32 v10, v4;
	[tilespmem:s1+$0xFFFFFFD0] =	vst v16  }
0x574: {  	v14 =	vsel vm0, v2, v3;
	vm8 =	vgt.f32 v11, v6;
	vm9 =	vgt.f32 v11, v4;
	[tilespmem:s1+$0xFFFFFFE0] =	vst v17  }
.Ltmp31:
0x575: {  	v15 =	vsel vm1, v1, v0;
	vm1 =	vgt.f32 v12, v6;
	vm0 =	vgt.f32 v12, v4;
	[tilespmem:s1+$0xFFFFFFF0] =	vst v18;
	s1 =	smov.u32 s8;
	(pc) =	sbr.rel @p0 .LBB2_65-.Ltmp31, $4  }
0x576: {  	v16 =	vsel vm2, v2, v3;
	vm10 =	vgt.f32 v13, v6;
	vm11 =	vgt.f32 v13, v4  }
0x577: {  	v22 =	vsel vm3, v1, v0;
	v24 =	vsel vm10, v2, v3;
	v25 =	vsel vm11, v1, v0  }
0x578: {  	v20 =	vsel vm5, v1, v0;
	v17 =	vsel vm6, v2, v3;
	v18 =	vsel vm4, v2, v3  }
0x579: {  	v23 =	vsel vm7, v1, v0;
	v19 =	vsel vm8, v2, v3;
	v21 =	vsel vm9, v1, v0;
	s8 =	sadd.s32 $0x400, s8  }
0x57a: {  	vm2 =	vgt.f32 v13, v5  }
0x57b: {  	vm3 =	vgt.f32 v7, v5;
	v7 =	vsel vm2, v24, v25  }
0x57c: {  	vm11 =	vgt.f32 v8, v5;
	vm13 =	vgt.f32 v10, v5;
	v8 =	vsel vm3, v14, v15;
	[tilespmem:s1+$0xFFFFFF90] =	vst v7  }
0x57d: {  	s31 =	sadd.s32 $0x1, s31;
	v62 =	vsel vm13, v17, v23;
	[tilespmem:s1+$0xFFFFFFA0] =	vst v8  }
0x57e: {  	vm12 =	vgt.f32 v9, v5;
	p0 =	sne.s32 s31, $0x10;
	v7 =	vsel vm11, v16, v22;
	[tilespmem:s1+$0xFFFFFFD0] =	vst v62  }
.Ltmp32:
0x57f: {  	vm14 =	vgt.f32 v11, v5;
	vm15 =	vgt.f32 v12, v5;
	v8 =	vsel vm12, v18, v20;
	[tilespmem:s1+$0xFFFFFFB0] =	vst v7;
	(pc) =	sbr.rel @p0 .LBB2_2-.Ltmp32, $4  }
0x580: {  	v63 =	vsel vm14, v19, v21;
	v7 =	vsel vm1, v2, v3;
	[tilespmem:s1+$0xFFFFFFC0] =	vst v8;
	v8 =	vsel vm0, v1, v0  }
0x581: {  	[tilespmem:s1+$0xFFFFFFE0] =	vst v63;
	v7 =	vsel vm15, v7, v8  }
0x582: {  	s0 =	sadd.s32 $0x1800, s0;
	[tilespmem:s1+$0xFFFFFFF0] =	vst v7  }
0x583: {  	[hbm4b:s0+s4] =	stream.linear.scatter [tilespmem:s20], [sflag:$0x8], $0x4000, $0x38;
	[tilespmem:$0x10200] =	vst v63  }
0x584: {  	s30 =	sadd.s32 $0x1, s30  }
0x585: {  	_ =	swait.ge [sflag:s28], $0x4000;
	p0 =	sne.s32 s30, s15  }
.Ltmp33:
0x586: {  	[sflag:s28] =	ssyncset.done $0x0;
	(pc) =	sbr.rel @p0 .LBB2_1-.Ltmp33, $4  }
0x587: {  	[sflag:s28] =	ssyncadd.s32 $0xFFFFC000  }
0x588: {  	_ =	swait.ge [sflag:s29], $0x4000  }
0x589: {  	[sflag:s29] =	ssyncset.done $0x0  }
0x58a: {  	[sflag:s29] =	ssyncadd.s32 $0xFFFFC000  }
0x58b: {  	_ =	sfence.sel $0x180000  }
0x58c: {  	[bflag:$0x0] =	sbarrier.arrive $0xFFFF  }
0x58d: {  	_ =	strace $0x90000047  }
0x58e: {  	s0 =	stileid.u32;
	[bflag:$0x2] =	sbarrier.arrive $0xFFFF  }
0x58f: {  	p0 =	sne.s32 s0, $0x0;
	s0 =	rddreg [dreg:$0x3]  }
0x590: {  	s0 =	sadd.s32 @!p0 $0x100000, s0  }
0x591: {  	[sflag:s0] =	ssyncadd.tile.s32 @!p0 $0x1;
	_ =	shalt  }
.Lfunc_end2:
_tile_overlayer_lowered:
.L_overlay_start_2:
0x592: {  	(tag) =	ssettag $0x2  }
0x593: {  	s0 =	rddreg [dreg:$0x0];
	s2 =	stileid.u32  }
0x594: {  	s1 =	rddreg [dreg:$0x1];
	p0 =	sne.s32 s2, $0x0  }
0x595: {  	s3 =	rddreg [dreg:$0x2];
	[bflag:$0x3] =	sbarrier.arrive $0xFFFF;
	s2 =	simm.s32 @!p0 $0x1C09  }
0x596: {  	[timem:s3], [sflag:s2] =	dma.local @!p0 [hbm:s0], s1  }
0x597: {  	s0 =	simm.s32 @!p0 $0x9  }
0x598: {  	_ =	swait.ge @!p0 [sflag:s0], s1  }
0x599: {  	s1 =	ssub.s32 @!p0 $0x0, s1;
	[sflag:s0] =	ssyncset.done @!p0 $0x0  }
0x59a: {  	[sflag:s0] =	ssyncadd.s32 @!p0 s1  }
0x59b: {  	[bflag:$0x3] =	sbarrier.arrive $0xFFFF  }
0x59c: {  	_ =	shalt  }

</sc_bundles>
